<compile_context>
chip_gen: v7x
topology: tpu7x:2x2x1
jax: 0.10.2.dev20260603
libtpu: 0.0.44.dev20260713+nightly
codegen_flags: <defaults>
</compile_context>

<pallas_src>
import jax
import jax.numpy as jnp
from jax import lax
from jax.experimental import pallas as pl
from jax.experimental.pallas import tpu as pltpu, tpu_sc as plsc

LENGTH = 64
BATCH = 64
NC = 2
NS = 16
NW = NC * NS
BPW = BATCH // NW
ETS = 128
NEG = -3.0e38


def _sc_body(s_hbm, cons_hbm, out_hbm,
             chS0a, chS1a, chS0b, chS1b,
             sbufa0, sbufb0, sbufa1, sbufb1,
             cbufa, cbufb, ostage,
             sema0, semb0, sema1, semb1):
    wid = lax.axis_index("s") * NC + lax.axis_index("c")
    b0 = wid * BPW
    b1 = b0 + 1

    iota = lax.iota(jnp.int32, 16)
    zeros = jnp.zeros((16,), jnp.float32)
    izero16 = jnp.zeros((16,), jnp.int32)

    def zero_s(r, _):
        for ref in (chS0a, chS1a, chS0b, chS1b):
            ref[pl.ds(r * 16, 16)] = zeros
        return 0
    lax.fori_loop(0, 64 * 64 // 16, zero_s, 0)

    pltpu.sync_copy(cons_hbm.at[b0], cbufa)
    pltpu.sync_copy(cons_hbm.at[b1], cbufb)
    thousand = jnp.full((16,), 1000.0, jnp.float32)
    subs = []
    for cbuf, chS1 in ((cbufa, chS1a), (cbufb, chS1b)):
        row8 = iota & 7
        pv = plsc.load_gather(cbuf, [row8, jnp.zeros((16,), jnp.int32)])
        sz = plsc.load_gather(cbuf, [row8, jnp.full((16,), 1, jnp.int32)])
        lv = sz - 1
        valid = (lv > 0) & (iota < 8)
        lvc = jnp.where(valid, lv, 0)
        pvc = jnp.where(valid, pv, 0)
        plsc.store_scatter(chS1, [lvc * 64 + pvc], thousand, mask=valid)
        cnt = plsc.all_reduce_population_count(valid)
        subs.append(cnt.astype(jnp.float32) * 1000.0)

    def chunk(l, j, b, sb, sm):
        return pltpu.make_async_copy(s_hbm.at[l - 1, pl.ds(j * 8, 8), b, :],
                                     sb.at[pl.ds(j * 8, 8), :], sm)

    def compute_level(l, sba, sbb):
        Lp = 64 - l
        nblk = (Lp + 15) // 16

        def blk_body(blk, _):
            pos0 = blk * 16
            neg = jnp.full((16,), NEG, jnp.float32)

            def step(k, carry):
                a0a, a1a, a0b, a1b, lo, ro, nn = carry
                lk = lo + (64 * k)
                rk = ro - (63 * k)
                nk = nn + k
                svA = sba[nk, pl.ds(pos0, 16)]
                svB = sbb[nk, pl.ds(pos0, 16)]
                a0a = jnp.maximum(a0a, svA + chS0a[pl.ds(lk, 16)]
                                  + chS0a[pl.ds(rk, 16)])
                a1a = jnp.maximum(a1a, svA + chS1a[pl.ds(lk, 16)]
                                  + chS1a[pl.ds(rk, 16)])
                a0b = jnp.maximum(a0b, svB + chS0b[pl.ds(lk, 16)]
                                  + chS0b[pl.ds(rk, 16)])
                a1b = jnp.maximum(a1b, svB + chS1b[pl.ds(lk, 16)]
                                  + chS1b[pl.ds(rk, 16)])
                return a0a, a1a, a0b, a1b

            def n_body4(i, carry):
                for k in range(4):
                    out = step(k, carry)
                    carry = out + carry[4:]
                return out + (carry[4] + 256, carry[5] - 252, carry[6] + 4)

            def n_body1(n, carry):
                out = step(0, carry)
                return out + (carry[4] + 64, carry[5] - 63, carry[6] + 1)

            init = (neg, neg, neg, neg, pos0, (l - 1) * 64 + 1 + pos0, 0)
            carry = lax.fori_loop(0, l >> 2, n_body4, init)
            carry = lax.fori_loop(l & ~3, l, n_body1, carry)
            a0a, a1a, a0b, a1b = carry[:4]

            base = l * 64 + pos0
            chS0a[pl.ds(base, 16)] = a0a
            chS0b[pl.ds(base, 16)] = a0b
            chS1a[pl.ds(base, 16)] = a1a + chS1a[pl.ds(base, 16)]
            chS1b[pl.ds(base, 16)] = a1b + chS1b[pl.ds(base, 16)]
            return 0

        lax.fori_loop(0, nblk, blk_body, 0)

    def start(l, sba, sbb, sma, smb):
        def go(j, _):
            chunk(l, j, b0, sba, sma).start()
            chunk(l, j, b1, sbb, smb).start()
            return 0
        lax.fori_loop(0, (l + 7) >> 3, go, 0)

    def wait(l, sba, sbb, sma, smb):
        def go(j, _):
            chunk(l, j, b0, sba, sma).wait()
            chunk(l, j, b1, sbb, smb).wait()
            return 0
        lax.fori_loop(0, (l + 7) >> 3, go, 0)

    buf0 = (sbufa0, sbufb0, sema0, semb0)
    buf1 = (sbufa1, sbufb1, sema1, semb1)
    start(1, *buf0)

    def pair_body(i, _):
        l = 2 * i + 1
        wait(l, *buf0)
        start(l + 1, *buf1)
        compute_level(l, sbufa0, sbufb0)
        wait(l + 1, *buf1)
        start(l + 2, *buf0)
        compute_level(l + 1, sbufa1, sbufb1)
        return 0

    lax.fori_loop(0, 31, pair_body, 0)
    wait(63, *buf0)
    compute_level(63, sbufa0, sbufb0)

    root = jnp.full((16,), 63 * 64, jnp.int32)
    p0 = plsc.load_gather(chS0a, [root])
    p1 = plsc.load_gather(chS0b, [root])
    c0 = plsc.load_gather(chS1a, [root]) - subs[0]
    c1 = plsc.load_gather(chS1b, [root]) - subs[1]
    ov = jnp.where(iota == 0, p0, zeros)
    ov = jnp.where(iota == 1, p1, ov)
    ov = jnp.where(iota == 2, c0, ov)
    ov = jnp.where(iota == 3, c1, ov)
    ostage[...] = ov
    pltpu.sync_copy(ostage, out_hbm.at[wid])


def _loss_body(x_ref, o_ref):
    x = x_ref[...]
    p = x[:, 0:2]
    c = x[:, 2:4]
    diff = p - c
    mask = jnp.where(jnp.abs(diff) < 0.001, 0.0, 1.0)
    hinge = jnp.maximum(1.0 + diff, 0.0) * mask
    ms = jnp.sum(mask)
    hs = jnp.sum(hinge)
    o_ref[0, 0] = jnp.where(ms > 0.1, hs / jnp.maximum(ms, 1e-9), hs)


def kernel(score_components, constraints):
    sc4 = jnp.transpose(score_components[..., 0], (0, 3, 2, 1))
    cons = constraints.astype(jnp.int32)

    mesh = plsc.VectorSubcoreMesh(core_axis_name="c", subcore_axis_name="s")
    f32 = jnp.float32
    stats = pl.kernel(
        _sc_body,
        out_type=jax.ShapeDtypeStruct((NW, 16), f32),
        mesh=mesh,
        scratch_types=[
            pltpu.VMEM((64 * 64,), f32), pltpu.VMEM((64 * 64,), f32),
            pltpu.VMEM((64 * 64,), f32), pltpu.VMEM((64 * 64,), f32),
            pltpu.VMEM((64, 63), f32), pltpu.VMEM((64, 63), f32),
            pltpu.VMEM((64, 63), f32), pltpu.VMEM((64, 63), f32),
            pltpu.VMEM((8, 2), jnp.int32), pltpu.VMEM((8, 2), jnp.int32),
            pltpu.VMEM((16,), f32),
            pltpu.SemaphoreType.DMA, pltpu.SemaphoreType.DMA,
            pltpu.SemaphoreType.DMA, pltpu.SemaphoreType.DMA,
        ],
        compiler_params=pltpu.CompilerParams(needs_layout_passes=False),
    )(sc4, cons)

    loss = pl.pallas_call(
        _loss_body,
        out_shape=jax.ShapeDtypeStruct((1, 1), f32),
        out_specs=pl.BlockSpec(memory_space=pltpu.SMEM),
    )(stats)
    return loss[0, 0]

# --- scband reference (transcript-rebuilt; emitter-appended) ---
"""Pipeline reference for scband-constrained-loss-1185410974162 (READ-ONLY COPY).

The authoritative reference and input builder live on the scoring server;
editing this copy changes nothing except your own understanding.
"""

import jax, jax.numpy as jnp
import numpy as np

LENGTH = 64
BATCH = 64
MARGIN = 1.0
NCELLS = LENGTH * (LENGTH + 1) // 2


def _offsets(length):
    off = np.zeros(length, dtype=np.int64)
    for lvl in range(1, length):
        off[lvl] = off[lvl - 1] + (length - (lvl - 1))
    return off

OFF = _offsets(LENGTH)


def _child_indices(level):
    L = LENGTH - level
    N = level
    pos = np.arange(L)[:, None]
    n = np.arange(N)[None, :]
    left = OFF[n] + pos
    right = OFF[level - n - 1] + pos + n + 1
    return left.astype(np.int32), right.astype(np.int32)


def _initial_chart(constraints=None):
    chart = jnp.zeros((BATCH, NCELLS, 1), dtype=jnp.float32)
    subtract = jnp.zeros((BATCH, 1), dtype=jnp.float32)
    if constraints is None:
        return chart, subtract
    c = constraints
    p = c[:, :, 0]
    sz = c[:, :, 1]
    level = sz - 1
    valid = level > 0
    off_table = jnp.asarray(OFF.astype(np.int32))
    cell = off_table[jnp.clip(level, 0, LENGTH - 1)] + p.astype(jnp.int32)
    onehot = (cell[:, :, None] == jnp.arange(NCELLS, dtype=jnp.int32)[None, None, :]) & valid[:, :, None]
    mark = jnp.any(onehot, axis=1)
    chart = chart.at[:, :, 0].set(jnp.where(mark, 1000.0, 0.0))
    counts = jnp.sum(valid, axis=1).astype(jnp.float32)
    subtract = subtract + counts[:, None] * 1000.0
    return chart, subtract


def _batched_cky(s_pad, chart, subtract=None):
    for level in range(1, LENGTH):
        L = LENGTH - level
        N = level
        li, ri = _child_indices(level)
        ls = chart[:, li, 0]
        rs = chart[:, ri, 0]
        xs = jnp.transpose(s_pad[level - 1, :L, :, :N, 0], (1, 0, 2))
        ps = ls + rs + xs
        mx = jnp.max(ps, axis=2)
        off = int(OFF[level])
        chart = chart.at[:, off:off + L, 0].add(mx)
    tree_scores = chart[:, -1]
    if subtract is not None:
        tree_scores = tree_scores - subtract
    return tree_scores


def _forward(score_components, constraints):
    cchart, sub = _initial_chart(constraints)
    chart, _ = _initial_chart(None)
    constr_s = _batched_cky(score_components, cchart, sub)
    pred_s = _batched_cky(score_components, chart, None)
    mask = jnp.where(jnp.abs(pred_s - constr_s) < 0.001, 0.0, 1.0)
    hinge = jnp.maximum(MARGIN + pred_s - constr_s, 0.0) * mask
    ms = jnp.sum(mask)
    loss = jnp.where(ms > 0.1, jnp.sum(hinge) / jnp.maximum(ms, 1e-9), jnp.sum(hinge))
    return loss


def setup_inputs(seed: int = 0):
    key = jax.random.key(seed)
    sc = jax.random.normal(key, (LENGTH - 1, LENGTH - 1, BATCH, LENGTH - 1, 1), dtype=jnp.float32)
    rng = np.random.default_rng(0)
    sizes = rng.integers(2, 9, size=(BATCH, 8))
    poss = np.array([[rng.integers(0, LENGTH - sizes[b, i] + 1) for i in range(8)] for b in range(BATCH)])
    constraints = np.stack([poss, sizes], axis=-1).astype(np.int64)
    return {"score_components": sc, "constraints": jnp.asarray(constraints)}


def reference(score_components, constraints):
    return _forward(score_components, constraints)

if __name__ == "__main__":
    import jax
    _d = setup_inputs()
    print(jax.jit(kernel)(*tuple(_d.values())))

</pallas_src>

<mosaic_0001>
#map = affine_map<(d0, d1) -> (0, 0, 0, 0)>
#map1 = affine_map<(d0, d1) -> (0, 0, 0)>
#map2 = affine_map<(d0, d1) -> (0, 0)>
module attributes {stable_mosaic.version = 14 : i64} {
  func.func @_sc_body(%arg0: i32, %arg1: i32, %arg2: memref<63x63x64x63xf32, #tpu.memory_space<hbm>>, %arg3: memref<64x8x2xi32, #tpu.memory_space<hbm>>, %arg4: memref<32x16xf32, #tpu.memory_space<hbm>>, %arg5: memref<4096xf32, #tpu.memory_space<vmem>>, %arg6: memref<4096xf32, #tpu.memory_space<vmem>>, %arg7: memref<4096xf32, #tpu.memory_space<vmem>>, %arg8: memref<4096xf32, #tpu.memory_space<vmem>>, %arg9: memref<64x63xf32, #tpu.memory_space<vmem>>, %arg10: memref<64x63xf32, #tpu.memory_space<vmem>>, %arg11: memref<64x63xf32, #tpu.memory_space<vmem>>, %arg12: memref<64x63xf32, #tpu.memory_space<vmem>>, %arg13: memref<8x2xi32, #tpu.memory_space<vmem>>, %arg14: memref<8x2xi32, #tpu.memory_space<vmem>>, %arg15: memref<16xf32, #tpu.memory_space<vmem>>, %arg16: memref<!tpu.dma_semaphore, #tpu.memory_space<semaphore_mem>>, %arg17: memref<!tpu.dma_semaphore, #tpu.memory_space<semaphore_mem>>, %arg18: memref<!tpu.dma_semaphore, #tpu.memory_space<semaphore_mem>>, %arg19: memref<!tpu.dma_semaphore, #tpu.memory_space<semaphore_mem>>) attributes {dimension_semantics = [#tpu.dimension_semantics<core_parallel>, #tpu.dimension_semantics<subcore_parallel>], iteration_bounds = array<i64: 2, 16>, scalar_prefetch = 0 : i64, scratch_operands = 15 : i64, tpu.core_type = #tpu.core_type<sc_vector_subcore>, window_params = [{transform_indices = #map}, {transform_indices = #map1}, {transform_indices = #map2}]} {
    %mul3A = arith.constant 2 : i32
    %mul3A_0 = arith.muli %arg1, %mul3A : i32
    %add3A = arith.addi %mul3A_0, %arg0 : i32
    %mul3A_1 = arith.constant 2 : i32
    %mul3A_2 = arith.muli %add3A, %mul3A_1 : i32
    %add3A_3 = arith.constant 1 : i32
    %add3A_4 = arith.addi %mul3A_2, %add3A_3 : i32
    %iota3A = tpu.iota {dimensions = array<i32: 0>} : vector<16xi32>
    %broadcast_in_dim3A = arith.constant 0.000000e+00 : f32
    %broadcast_in_dim3A_5 = vector.broadcast %broadcast_in_dim3A : f32 to vector<16xf32>
    %broadcast_in_dim3A_6 = arith.constant 0 : i32
    %broadcast_in_dim3A_7 = vector.broadcast %broadcast_in_dim3A_6 : i32 to vector<16xi32>
    %scan3A = arith.constant 0 : i32
    %scan3A_8 = arith.constant 0 : i32
    %scan3A_9 = arith.constant 256 : i32
    %scan3A_10 = arith.addi %scan3A_8, %scan3A_9 : i32
    %scan3A_11 = arith.constant 1 : i32
    %scan3A_12 = scf.for %scan3A_184 = %scan3A_8 to %scan3A_10 step %scan3A_11 iter_args(%scan3A_185 = %scan3A) -> (i32)  : i32 {
      %mul3A_186 = arith.constant 16 : i32
      %mul3A_187 = arith.muli %scan3A_184, %mul3A_186 : i32
      %swap3A_188 = arith.index_cast %mul3A_187 : i32 to index
      %swap3A_189 = tpu.vector_load %arg5[%swap3A_188] {strides = array<i32>} : memref<4096xf32, #tpu.memory_space<vmem>>, vector<16xf32>,
      tpu.vector_store %arg5[%swap3A_188], %broadcast_in_dim3A_5 {strides = array<i32>} : memref<4096xf32, #tpu.memory_space<vmem>>, vector<16xf32>,
      %mul3A_190 = arith.constant 16 : i32
      %mul3A_191 = arith.muli %scan3A_184, %mul3A_190 : i32
      %swap3A_192 = arith.index_cast %mul3A_191 : i32 to index
      %swap3A_193 = tpu.vector_load %arg6[%swap3A_192] {strides = array<i32>} : memref<4096xf32, #tpu.memory_space<vmem>>, vector<16xf32>,
      tpu.vector_store %arg6[%swap3A_192], %broadcast_in_dim3A_5 {strides = array<i32>} : memref<4096xf32, #tpu.memory_space<vmem>>, vector<16xf32>,
      %mul3A_194 = arith.constant 16 : i32
      %mul3A_195 = arith.muli %scan3A_184, %mul3A_194 : i32
      %swap3A_196 = arith.index_cast %mul3A_195 : i32 to index
      %swap3A_197 = tpu.vector_load %arg7[%swap3A_196] {strides = array<i32>} : memref<4096xf32, #tpu.memory_space<vmem>>, vector<16xf32>,
      tpu.vector_store %arg7[%swap3A_196], %broadcast_in_dim3A_5 {strides = array<i32>} : memref<4096xf32, #tpu.memory_space<vmem>>, vector<16xf32>,
      %mul3A_198 = arith.constant 16 : i32
      %mul3A_199 = arith.muli %scan3A_184, %mul3A_198 : i32
      %swap3A_200 = arith.index_cast %mul3A_199 : i32 to index
      %swap3A_201 = tpu.vector_load %arg8[%swap3A_200] {strides = array<i32>} : memref<4096xf32, #tpu.memory_space<vmem>>, vector<16xf32>,
      tpu.vector_store %arg8[%swap3A_200], %broadcast_in_dim3A_5 {strides = array<i32>} : memref<4096xf32, #tpu.memory_space<vmem>>, vector<16xf32>,
      %scan3A_202 = arith.constant 0 : i32
      scf.yield %scan3A_202 : i32
    }
    %scan3A_13 = arith.constant 256 : i32
    "tpu.region"() ({
      %run_scoped3A = tpu.sem_alloc : memref<!tpu.dma_semaphore, #tpu.memory_space<semaphore_mem>>
      %dma_start3A_184 = arith.constant 0 : i32
      %dma_start3A_185 = arith.constant 0 : i32
      %dma_start3A_186 = tpu.memref_slice %arg3[%mul3A_2, %dma_start3A_184, %dma_start3A_185] : memref<64x8x2xi32, #tpu.memory_space<hbm>> -> memref<1x8x2xi32, #tpu.memory_space<hbm>>
      %dma_start3A_187 = tpu.memref_squeeze %dma_start3A_186 : memref<1x8x2xi32, #tpu.memory_space<hbm>> -> memref<8x2xi32, #tpu.memory_space<hbm>>
      %dma_start3A_188 = arith.constant 0 : i32
      %dma_start3A_189 = arith.constant 0 : i32
      %dma_start3A_190 = tpu.memref_slice %arg3[%mul3A_2, %dma_start3A_188, %dma_start3A_189] : memref<64x8x2xi32, #tpu.memory_space<hbm>> -> memref<1x8x2xi32, #tpu.memory_space<hbm>>
      %dma_start3A_191 = tpu.memref_squeeze %dma_start3A_190 : memref<1x8x2xi32, #tpu.memory_space<hbm>> -> memref<8x2xi32, #tpu.memory_space<hbm>>
      tpu.enqueue_dma source(%dma_start3A_191 : memref<8x2xi32, #tpu.memory_space<hbm>>) target(%arg13 : memref<8x2xi32, #tpu.memory_space<vmem>>) target_semaphore(%run_scoped3A : memref<!tpu.dma_semaphore, #tpu.memory_space<semaphore_mem>>)
      %dma_wait3A = arith.constant 0 : i32
      %dma_wait3A_192 = arith.constant 0 : i32
      %dma_wait3A_193 = tpu.memref_slice %arg3[%mul3A_2, %dma_wait3A, %dma_wait3A_192] : memref<64x8x2xi32, #tpu.memory_space<hbm>> -> memref<1x8x2xi32, #tpu.memory_space<hbm>>
      %dma_wait3A_194 = tpu.memref_squeeze %dma_wait3A_193 : memref<1x8x2xi32, #tpu.memory_space<hbm>> -> memref<8x2xi32, #tpu.memory_space<hbm>>
      %dma_wait3A_195 = arith.constant 0 : i32
      %dma_wait3A_196 = arith.constant 0 : i32
      %dma_wait3A_197 = tpu.memref_slice %arg3[%mul3A_2, %dma_wait3A_195, %dma_wait3A_196] : memref<64x8x2xi32, #tpu.memory_space<hbm>> -> memref<1x8x2xi32, #tpu.memory_space<hbm>>
      %dma_wait3A_198 = tpu.memref_squeeze %dma_wait3A_197 : memref<1x8x2xi32, #tpu.memory_space<hbm>> -> memref<8x2xi32, #tpu.memory_space<hbm>>
      tpu.wait_dma2 semaphore(%run_scoped3A : memref<!tpu.dma_semaphore, #tpu.memory_space<semaphore_mem>>) src(%dma_wait3A_198 : memref<8x2xi32, #tpu.memory_space<hbm>>) dst(%arg13 : memref<8x2xi32, #tpu.memory_space<vmem>>)
      tpu.yield
    }) : () -> ()
    "tpu.region"() ({
      %run_scoped3A = tpu.sem_alloc : memref<!tpu.dma_semaphore, #tpu.memory_space<semaphore_mem>>
      %dma_start3A_184 = arith.constant 0 : i32
      %dma_start3A_185 = arith.constant 0 : i32
      %dma_start3A_186 = tpu.memref_slice %arg3[%add3A_4, %dma_start3A_184, %dma_start3A_185] : memref<64x8x2xi32, #tpu.memory_space<hbm>> -> memref<1x8x2xi32, #tpu.memory_space<hbm>>
      %dma_start3A_187 = tpu.memref_squeeze %dma_start3A_186 : memref<1x8x2xi32, #tpu.memory_space<hbm>> -> memref<8x2xi32, #tpu.memory_space<hbm>>
      %dma_start3A_188 = arith.constant 0 : i32
      %dma_start3A_189 = arith.constant 0 : i32
      %dma_start3A_190 = tpu.memref_slice %arg3[%add3A_4, %dma_start3A_188, %dma_start3A_189] : memref<64x8x2xi32, #tpu.memory_space<hbm>> -> memref<1x8x2xi32, #tpu.memory_space<hbm>>
      %dma_start3A_191 = tpu.memref_squeeze %dma_start3A_190 : memref<1x8x2xi32, #tpu.memory_space<hbm>> -> memref<8x2xi32, #tpu.memory_space<hbm>>
      tpu.enqueue_dma source(%dma_start3A_191 : memref<8x2xi32, #tpu.memory_space<hbm>>) target(%arg14 : memref<8x2xi32, #tpu.memory_space<vmem>>) target_semaphore(%run_scoped3A : memref<!tpu.dma_semaphore, #tpu.memory_space<semaphore_mem>>)
      %dma_wait3A = arith.constant 0 : i32
      %dma_wait3A_192 = arith.constant 0 : i32
      %dma_wait3A_193 = tpu.memref_slice %arg3[%add3A_4, %dma_wait3A, %dma_wait3A_192] : memref<64x8x2xi32, #tpu.memory_space<hbm>> -> memref<1x8x2xi32, #tpu.memory_space<hbm>>
      %dma_wait3A_194 = tpu.memref_squeeze %dma_wait3A_193 : memref<1x8x2xi32, #tpu.memory_space<hbm>> -> memref<8x2xi32, #tpu.memory_space<hbm>>
      %dma_wait3A_195 = arith.constant 0 : i32
      %dma_wait3A_196 = arith.constant 0 : i32
      %dma_wait3A_197 = tpu.memref_slice %arg3[%add3A_4, %dma_wait3A_195, %dma_wait3A_196] : memref<64x8x2xi32, #tpu.memory_space<hbm>> -> memref<1x8x2xi32, #tpu.memory_space<hbm>>
      %dma_wait3A_198 = tpu.memref_squeeze %dma_wait3A_197 : memref<1x8x2xi32, #tpu.memory_space<hbm>> -> memref<8x2xi32, #tpu.memory_space<hbm>>
      tpu.wait_dma2 semaphore(%run_scoped3A : memref<!tpu.dma_semaphore, #tpu.memory_space<semaphore_mem>>) src(%dma_wait3A_198 : memref<8x2xi32, #tpu.memory_space<hbm>>) dst(%arg14 : memref<8x2xi32, #tpu.memory_space<vmem>>)
      tpu.yield
    }) : () -> ()
    %broadcast_in_dim3A_14 = arith.constant 1.000000e+03 : f32
    %broadcast_in_dim3A_15 = vector.broadcast %broadcast_in_dim3A_14 : f32 to vector<16xf32>
    %and3A = arith.constant 7 : i32
    %and3A_16 = vector.broadcast %and3A : i32 to vector<16xi32>
    %and3A_17 = arith.andi %iota3A, %and3A_16 : vector<16xi32>
    %broadcast_in_dim3A_18 = arith.constant 0 : i32
    %broadcast_in_dim3A_19 = vector.broadcast %broadcast_in_dim3A_18 : i32 to vector<16xi32>
    %gather3A = tpu.vector_load_idx %arg13[%and3A_17, %broadcast_in_dim3A_19] : memref<8x2xi32, #tpu.memory_space<vmem>>[vector<16xi32>, vector<16xi32>], vector<16xi32>,
    %broadcast_in_dim3A_20 = arith.constant 1 : i32
    %broadcast_in_dim3A_21 = vector.broadcast %broadcast_in_dim3A_20 : i32 to vector<16xi32>
    %gather3A_22 = tpu.vector_load_idx %arg13[%and3A_17, %broadcast_in_dim3A_21] : memref<8x2xi32, #tpu.memory_space<vmem>>[vector<16xi32>, vector<16xi32>], vector<16xi32>,
    %sub3A = arith.constant 1 : i32
    %sub3A_23 = vector.broadcast %sub3A : i32 to vector<16xi32>
    %sub3A_24 = arith.subi %gather3A_22, %sub3A_23 : vector<16xi32>
    %gt3A = arith.constant 0 : i32
    %gt3A_25 = vector.broadcast %gt3A : i32 to vector<16xi32>
    %gt3A_26 = arith.cmpi sgt, %sub3A_24, %gt3A_25 : vector<16xi32>
    %lt3A = arith.constant 8 : i32
    %lt3A_27 = vector.broadcast %lt3A : i32 to vector<16xi32>
    %lt3A_28 = arith.cmpi slt, %iota3A, %lt3A_27 : vector<16xi32>
    %and3A_29 = arith.andi %gt3A_26, %lt3A_28 : vector<16xi1>
    %jit3A = arith.constant 0 : i32
    %broadcast_in_dim3A_30 = vector.broadcast %jit3A : i32 to vector<16xi32>
    %select_n3A = arith.select %and3A_29, %sub3A_24, %broadcast_in_dim3A_30 : vector<16xi1>, vector<16xi32>
    %jit3A_31 = arith.constant 0 : i32
    %broadcast_in_dim3A_32 = vector.broadcast %jit3A_31 : i32 to vector<16xi32>
    %select_n3A_33 = arith.select %and3A_29, %gather3A, %broadcast_in_dim3A_32 : vector<16xi1>, vector<16xi32>
    %mul3A_34 = arith.constant 64 : i32
    %mul3A_35 = vector.broadcast %mul3A_34 : i32 to vector<16xi32>
    %mul3A_36 = arith.muli %select_n3A, %mul3A_35 : vector<16xi32>
    %add3A_37 = arith.addi %mul3A_36, %select_n3A_33 : vector<16xi32>
    tpu.vector_store_idx %arg6[%add3A_37], %broadcast_in_dim3A_15 masked %and3A_29 : memref<4096xf32, #tpu.memory_space<vmem>>[vector<16xi32>], vector<16xf32>, vector<16xi1>
    %all_reduce_population_count3A = tpu.all_reduce %and3A_29 {dim = 0 : i64, kind = #tpu.reduction_kind<sum>} : vector<16xi1> -> vector<16xi32>
    %convert_element_type3A = arith.sitofp %all_reduce_population_count3A : vector<16xi32> to vector<16xf32>
    %mul3A_38 = arith.constant 1.000000e+03 : f32
    %mul3A_39 = vector.broadcast %mul3A_38 : f32 to vector<16xf32>
    %mul3A_40 = arith.mulf %convert_element_type3A, %mul3A_39 : vector<16xf32>
    %and3A_41 = arith.constant 7 : i32
    %and3A_42 = vector.broadcast %and3A_41 : i32 to vector<16xi32>
    %and3A_43 = arith.andi %iota3A, %and3A_42 : vector<16xi32>
    %broadcast_in_dim3A_44 = arith.constant 0 : i32
    %broadcast_in_dim3A_45 = vector.broadcast %broadcast_in_dim3A_44 : i32 to vector<16xi32>
    %gather3A_46 = tpu.vector_load_idx %arg14[%and3A_43, %broadcast_in_dim3A_45] : memref<8x2xi32, #tpu.memory_space<vmem>>[vector<16xi32>, vector<16xi32>], vector<16xi32>,
    %broadcast_in_dim3A_47 = arith.constant 1 : i32
    %broadcast_in_dim3A_48 = vector.broadcast %broadcast_in_dim3A_47 : i32 to vector<16xi32>
    %gather3A_49 = tpu.vector_load_idx %arg14[%and3A_43, %broadcast_in_dim3A_48] : memref<8x2xi32, #tpu.memory_space<vmem>>[vector<16xi32>, vector<16xi32>], vector<16xi32>,
    %sub3A_50 = arith.constant 1 : i32
    %sub3A_51 = vector.broadcast %sub3A_50 : i32 to vector<16xi32>
    %sub3A_52 = arith.subi %gather3A_49, %sub3A_51 : vector<16xi32>
    %gt3A_53 = arith.constant 0 : i32
    %gt3A_54 = vector.broadcast %gt3A_53 : i32 to vector<16xi32>
    %gt3A_55 = arith.cmpi sgt, %sub3A_52, %gt3A_54 : vector<16xi32>
    %lt3A_56 = arith.constant 8 : i32
    %lt3A_57 = vector.broadcast %lt3A_56 : i32 to vector<16xi32>
    %lt3A_58 = arith.cmpi slt, %iota3A, %lt3A_57 : vector<16xi32>
    %and3A_59 = arith.andi %gt3A_55, %lt3A_58 : vector<16xi1>
    %jit3A_60 = arith.constant 0 : i32
    %broadcast_in_dim3A_61 = vector.broadcast %jit3A_60 : i32 to vector<16xi32>
    %select_n3A_62 = arith.select %and3A_59, %sub3A_52, %broadcast_in_dim3A_61 : vector<16xi1>, vector<16xi32>
    %jit3A_63 = arith.constant 0 : i32
    %broadcast_in_dim3A_64 = vector.broadcast %jit3A_63 : i32 to vector<16xi32>
    %select_n3A_65 = arith.select %and3A_59, %gather3A_46, %broadcast_in_dim3A_64 : vector<16xi1>, vector<16xi32>
    %mul3A_66 = arith.constant 64 : i32
    %mul3A_67 = vector.broadcast %mul3A_66 : i32 to vector<16xi32>
    %mul3A_68 = arith.muli %select_n3A_62, %mul3A_67 : vector<16xi32>
    %add3A_69 = arith.addi %mul3A_68, %select_n3A_65 : vector<16xi32>
    tpu.vector_store_idx %arg8[%add3A_69], %broadcast_in_dim3A_15 masked %and3A_59 : memref<4096xf32, #tpu.memory_space<vmem>>[vector<16xi32>], vector<16xf32>, vector<16xi1>
    %all_reduce_population_count3A_70 = tpu.all_reduce %and3A_59 {dim = 0 : i64, kind = #tpu.reduction_kind<sum>} : vector<16xi1> -> vector<16xi32>
    %convert_element_type3A_71 = arith.sitofp %all_reduce_population_count3A_70 : vector<16xi32> to vector<16xf32>
    %mul3A_72 = arith.constant 1.000000e+03 : f32
    %mul3A_73 = vector.broadcast %mul3A_72 : f32 to vector<16xf32>
    %mul3A_74 = arith.mulf %convert_element_type3A_71, %mul3A_73 : vector<16xf32>
    %scan3A_75 = arith.constant 0 : i32
    %scan3A_76 = arith.constant 0 : i32
    %mul3A_77 = arith.constant 8 : i32
    %mul3A_78 = arith.muli %scan3A_76, %mul3A_77 : i32
    %mul3A_79 = arith.constant 8 : i32
    %mul3A_80 = arith.muli %scan3A_76, %mul3A_79 : i32
    %dma_start3A = arith.constant 0 : i32
    %dma_start3A_81 = arith.constant 0 : i32
    %dma_start3A_82 = tpu.memref_slice %arg9[%mul3A_80, %dma_start3A_81] : memref<64x63xf32, #tpu.memory_space<vmem>> -> memref<8x63xf32, #tpu.memory_space<vmem>>
    %dma_start3A_83 = arith.constant 0 : i32
    %dma_start3A_84 = tpu.memref_slice %arg2[%dma_start3A, %mul3A_78, %mul3A_2, %dma_start3A_83] : memref<63x63x64x63xf32, #tpu.memory_space<hbm>> -> memref<1x8x1x63xf32, #tpu.memory_space<hbm>>
    %dma_start3A_85 = tpu.memref_squeeze %dma_start3A_84 : memref<1x8x1x63xf32, #tpu.memory_space<hbm>> -> memref<8x63xf32, #tpu.memory_space<hbm>>
    %dma_start3A_86 = arith.constant 0 : i32
    %dma_start3A_87 = tpu.memref_slice %arg9[%mul3A_80, %dma_start3A_86] : memref<64x63xf32, #tpu.memory_space<vmem>> -> memref<8x63xf32, #tpu.memory_space<vmem>>
    %dma_start3A_88 = arith.constant 0 : i32
    %dma_start3A_89 = tpu.memref_slice %arg2[%dma_start3A, %mul3A_78, %mul3A_2, %dma_start3A_88] : memref<63x63x64x63xf32, #tpu.memory_space<hbm>> -> memref<1x8x1x63xf32, #tpu.memory_space<hbm>>
    %dma_start3A_90 = tpu.memref_squeeze %dma_start3A_89 : memref<1x8x1x63xf32, #tpu.memory_space<hbm>> -> memref<8x63xf32, #tpu.memory_space<hbm>>
    tpu.enqueue_dma source(%dma_start3A_90 : memref<8x63xf32, #tpu.memory_space<hbm>>) target(%dma_start3A_87 : memref<8x63xf32, #tpu.memory_space<vmem>>) target_semaphore(%arg16 : memref<!tpu.dma_semaphore, #tpu.memory_space<semaphore_mem>>)
    %mul3A_91 = arith.constant 8 : i32
    %mul3A_92 = arith.muli %scan3A_76, %mul3A_91 : i32
    %mul3A_93 = arith.constant 8 : i32
    %mul3A_94 = arith.muli %scan3A_76, %mul3A_93 : i32
    %dma_start3A_95 = arith.constant 0 : i32
    %dma_start3A_96 = arith.constant 0 : i32
    %dma_start3A_97 = tpu.memref_slice %arg10[%mul3A_94, %dma_start3A_96] : memref<64x63xf32, #tpu.memory_space<vmem>> -> memref<8x63xf32, #tpu.memory_space<vmem>>
    %dma_start3A_98 = arith.constant 0 : i32
    %dma_start3A_99 = tpu.memref_slice %arg2[%dma_start3A_95, %mul3A_92, %add3A_4, %dma_start3A_98] : memref<63x63x64x63xf32, #tpu.memory_space<hbm>> -> memref<1x8x1x63xf32, #tpu.memory_space<hbm>>
    %dma_start3A_100 = tpu.memref_squeeze %dma_start3A_99 : memref<1x8x1x63xf32, #tpu.memory_space<hbm>> -> memref<8x63xf32, #tpu.memory_space<hbm>>
    %dma_start3A_101 = arith.constant 0 : i32
    %dma_start3A_102 = tpu.memref_slice %arg10[%mul3A_94, %dma_start3A_101] : memref<64x63xf32, #tpu.memory_space<vmem>> -> memref<8x63xf32, #tpu.memory_space<vmem>>
    %dma_start3A_103 = arith.constant 0 : i32
    %dma_start3A_104 = tpu.memref_slice %arg2[%dma_start3A_95, %mul3A_92, %add3A_4, %dma_start3A_103] : memref<63x63x64x63xf32, #tpu.memory_space<hbm>> -> memref<1x8x1x63xf32, #tpu.memory_space<hbm>>
    %dma_start3A_105 = tpu.memref_squeeze %dma_start3A_104 : memref<1x8x1x63xf32, #tpu.memory_space<hbm>> -> memref<8x63xf32, #tpu.memory_space<hbm>>
    tpu.enqueue_dma source(%dma_start3A_105 : memref<8x63xf32, #tpu.memory_space<hbm>>) target(%dma_start3A_102 : memref<8x63xf32, #tpu.memory_space<vmem>>) target_semaphore(%arg17 : memref<!tpu.dma_semaphore, #tpu.memory_space<semaphore_mem>>)
    %scan3A_106 = arith.constant 0 : i32
    %scan3A_107 = arith.constant 1 : i32
    %scan3A_108 = arith.constant 0 : i32
    %scan3A_109 = arith.constant 0 : i32
    %scan3A_110 = arith.constant 31 : i32
    %scan3A_111 = arith.addi %scan3A_109, %scan3A_110 : i32
    %scan3A_112 = arith.constant 1 : i32
    %scan3A_113 = scf.for %scan3A_184 = %scan3A_109 to %scan3A_111 step %scan3A_112 iter_args(%scan3A_185 = %scan3A_108) -> (i32)  : i32 {
      %mul3A_186 = arith.constant 2 : i32
      %mul3A_187 = arith.muli %mul3A_186, %scan3A_184 : i32
      %add3A_188 = arith.constant 1 : i32
      %add3A_189 = arith.addi %mul3A_187, %add3A_188 : i32
      %add3A_190 = arith.constant 7 : i32
      %add3A_191 = arith.addi %add3A_189, %add3A_190 : i32
      %shift_right_arithmetic3A = arith.constant 3 : i32
      %shift_right_arithmetic3A_192 = arith.shrsi %add3A_191, %shift_right_arithmetic3A : i32
      %while3A = arith.constant 0 : i32
      %while3A_193 = arith.constant 0 : i32
      %while3A_194 = arith.subi %shift_right_arithmetic3A_192, %while3A : i32
      %while3A_195 = arith.addi %while3A, %while3A_194 : i32
      %while3A_196 = arith.constant 1 : i32
      %while3A_197 = arith.divsi %while3A_194, %while3A_196 : i32
      %while3A_198 = arith.muli %while3A_197, %while3A_196 : i32
      %while3A_199 = arith.addi %while3A, %while3A_198 : i32
      %while3A_200 = arith.constant 1 : i32
      %while3A_201 = scf.for %while3A_337 = %while3A to %while3A_199 step %while3A_200 iter_args(%while3A_338 = %while3A_193) -> (i32)  : i32 {
        %sub3A_339 = arith.constant 1 : i32
        %sub3A_340 = arith.subi %add3A_189, %sub3A_339 : i32
        %mul3A_341 = arith.constant 8 : i32
        %mul3A_342 = arith.muli %while3A_337, %mul3A_341 : i32
        %mul3A_343 = arith.constant 8 : i32
        %mul3A_344 = arith.muli %while3A_337, %mul3A_343 : i32
        %dma_wait3A = arith.constant 0 : i32
        %dma_wait3A_345 = tpu.memref_slice %arg9[%mul3A_344, %dma_wait3A] : memref<64x63xf32, #tpu.memory_space<vmem>> -> memref<8x63xf32, #tpu.memory_space<vmem>>
        %dma_wait3A_346 = arith.constant 0 : i32
        %dma_wait3A_347 = tpu.memref_slice %arg2[%sub3A_340, %mul3A_342, %mul3A_2, %dma_wait3A_346] : memref<63x63x64x63xf32, #tpu.memory_space<hbm>> -> memref<1x8x1x63xf32, #tpu.memory_space<hbm>>
        %dma_wait3A_348 = tpu.memref_squeeze %dma_wait3A_347 : memref<1x8x1x63xf32, #tpu.memory_space<hbm>> -> memref<8x63xf32, #tpu.memory_space<hbm>>
        %dma_wait3A_349 = arith.constant 0 : i32
        %dma_wait3A_350 = tpu.memref_slice %arg9[%mul3A_344, %dma_wait3A_349] : memref<64x63xf32, #tpu.memory_space<vmem>> -> memref<8x63xf32, #tpu.memory_space<vmem>>
        %dma_wait3A_351 = arith.constant 0 : i32
        %dma_wait3A_352 = tpu.memref_slice %arg2[%sub3A_340, %mul3A_342, %mul3A_2, %dma_wait3A_351] : memref<63x63x64x63xf32, #tpu.memory_space<hbm>> -> memref<1x8x1x63xf32, #tpu.memory_space<hbm>>
        %dma_wait3A_353 = tpu.memref_squeeze %dma_wait3A_352 : memref<1x8x1x63xf32, #tpu.memory_space<hbm>> -> memref<8x63xf32, #tpu.memory_space<hbm>>
        tpu.wait_dma2 semaphore(%arg16 : memref<!tpu.dma_semaphore, #tpu.memory_space<semaphore_mem>>) src(%dma_wait3A_353 : memref<8x63xf32, #tpu.memory_space<hbm>>) dst(%dma_wait3A_350 : memref<8x63xf32, #tpu.memory_space<vmem>>)
        %sub3A_354 = arith.constant 1 : i32
        %sub3A_355 = arith.subi %add3A_189, %sub3A_354 : i32
        %mul3A_356 = arith.constant 8 : i32
        %mul3A_357 = arith.muli %while3A_337, %mul3A_356 : i32
        %mul3A_358 = arith.constant 8 : i32
        %mul3A_359 = arith.muli %while3A_337, %mul3A_358 : i32
        %dma_wait3A_360 = arith.constant 0 : i32
        %dma_wait3A_361 = tpu.memref_slice %arg10[%mul3A_359, %dma_wait3A_360] : memref<64x63xf32, #tpu.memory_space<vmem>> -> memref<8x63xf32, #tpu.memory_space<vmem>>
        %dma_wait3A_362 = arith.constant 0 : i32
        %dma_wait3A_363 = tpu.memref_slice %arg2[%sub3A_355, %mul3A_357, %add3A_4, %dma_wait3A_362] : memref<63x63x64x63xf32, #tpu.memory_space<hbm>> -> memref<1x8x1x63xf32, #tpu.memory_space<hbm>>
        %dma_wait3A_364 = tpu.memref_squeeze %dma_wait3A_363 : memref<1x8x1x63xf32, #tpu.memory_space<hbm>> -> memref<8x63xf32, #tpu.memory_space<hbm>>
        %dma_wait3A_365 = arith.constant 0 : i32
        %dma_wait3A_366 = tpu.memref_slice %arg10[%mul3A_359, %dma_wait3A_365] : memref<64x63xf32, #tpu.memory_space<vmem>> -> memref<8x63xf32, #tpu.memory_space<vmem>>
        %dma_wait3A_367 = arith.constant 0 : i32
        %dma_wait3A_368 = tpu.memref_slice %arg2[%sub3A_355, %mul3A_357, %add3A_4, %dma_wait3A_367] : memref<63x63x64x63xf32, #tpu.memory_space<hbm>> -> memref<1x8x1x63xf32, #tpu.memory_space<hbm>>
        %dma_wait3A_369 = tpu.memref_squeeze %dma_wait3A_368 : memref<1x8x1x63xf32, #tpu.memory_space<hbm>> -> memref<8x63xf32, #tpu.memory_space<hbm>>
        tpu.wait_dma2 semaphore(%arg17 : memref<!tpu.dma_semaphore, #tpu.memory_space<semaphore_mem>>) src(%dma_wait3A_369 : memref<8x63xf32, #tpu.memory_space<hbm>>) dst(%dma_wait3A_366 : memref<8x63xf32, #tpu.memory_space<vmem>>)
        %while3A_370 = arith.constant 0 : i32
        scf.yield %while3A_370 : i32
      }
      %while3A_202 = arith.constant 1 : i32
      %while3A_203 = scf.for %while3A_337 = %while3A_199 to %while3A_195 step %while3A_202 iter_args(%while3A_338 = %while3A_201) -> (i32)  : i32 {
        %sub3A_339 = arith.constant 1 : i32
        %sub3A_340 = arith.subi %add3A_189, %sub3A_339 : i32
        %mul3A_341 = arith.constant 8 : i32
        %mul3A_342 = arith.muli %while3A_337, %mul3A_341 : i32
        %mul3A_343 = arith.constant 8 : i32
        %mul3A_344 = arith.muli %while3A_337, %mul3A_343 : i32
        %dma_wait3A = arith.constant 0 : i32
        %dma_wait3A_345 = tpu.memref_slice %arg9[%mul3A_344, %dma_wait3A] : memref<64x63xf32, #tpu.memory_space<vmem>> -> memref<8x63xf32, #tpu.memory_space<vmem>>
        %dma_wait3A_346 = arith.constant 0 : i32
        %dma_wait3A_347 = tpu.memref_slice %arg2[%sub3A_340, %mul3A_342, %mul3A_2, %dma_wait3A_346] : memref<63x63x64x63xf32, #tpu.memory_space<hbm>> -> memref<1x8x1x63xf32, #tpu.memory_space<hbm>>
        %dma_wait3A_348 = tpu.memref_squeeze %dma_wait3A_347 : memref<1x8x1x63xf32, #tpu.memory_space<hbm>> -> memref<8x63xf32, #tpu.memory_space<hbm>>
        %dma_wait3A_349 = arith.constant 0 : i32
        %dma_wait3A_350 = tpu.memref_slice %arg9[%mul3A_344, %dma_wait3A_349] : memref<64x63xf32, #tpu.memory_space<vmem>> -> memref<8x63xf32, #tpu.memory_space<vmem>>
        %dma_wait3A_351 = arith.constant 0 : i32
        %dma_wait3A_352 = tpu.memref_slice %arg2[%sub3A_340, %mul3A_342, %mul3A_2, %dma_wait3A_351] : memref<63x63x64x63xf32, #tpu.memory_space<hbm>> -> memref<1x8x1x63xf32, #tpu.memory_space<hbm>>
        %dma_wait3A_353 = tpu.memref_squeeze %dma_wait3A_352 : memref<1x8x1x63xf32, #tpu.memory_space<hbm>> -> memref<8x63xf32, #tpu.memory_space<hbm>>
        tpu.wait_dma2 semaphore(%arg16 : memref<!tpu.dma_semaphore, #tpu.memory_space<semaphore_mem>>) src(%dma_wait3A_353 : memref<8x63xf32, #tpu.memory_space<hbm>>) dst(%dma_wait3A_350 : memref<8x63xf32, #tpu.memory_space<vmem>>)
        %sub3A_354 = arith.constant 1 : i32
        %sub3A_355 = arith.subi %add3A_189, %sub3A_354 : i32
        %mul3A_356 = arith.constant 8 : i32
        %mul3A_357 = arith.muli %while3A_337, %mul3A_356 : i32
        %mul3A_358 = arith.constant 8 : i32
        %mul3A_359 = arith.muli %while3A_337, %mul3A_358 : i32
        %dma_wait3A_360 = arith.constant 0 : i32
        %dma_wait3A_361 = tpu.memref_slice %arg10[%mul3A_359, %dma_wait3A_360] : memref<64x63xf32, #tpu.memory_space<vmem>> -> memref<8x63xf32, #tpu.memory_space<vmem>>
        %dma_wait3A_362 = arith.constant 0 : i32
        %dma_wait3A_363 = tpu.memref_slice %arg2[%sub3A_355, %mul3A_357, %add3A_4, %dma_wait3A_362] : memref<63x63x64x63xf32, #tpu.memory_space<hbm>> -> memref<1x8x1x63xf32, #tpu.memory_space<hbm>>
        %dma_wait3A_364 = tpu.memref_squeeze %dma_wait3A_363 : memref<1x8x1x63xf32, #tpu.memory_space<hbm>> -> memref<8x63xf32, #tpu.memory_space<hbm>>
        %dma_wait3A_365 = arith.constant 0 : i32
        %dma_wait3A_366 = tpu.memref_slice %arg10[%mul3A_359, %dma_wait3A_365] : memref<64x63xf32, #tpu.memory_space<vmem>> -> memref<8x63xf32, #tpu.memory_space<vmem>>
        %dma_wait3A_367 = arith.constant 0 : i32
        %dma_wait3A_368 = tpu.memref_slice %arg2[%sub3A_355, %mul3A_357, %add3A_4, %dma_wait3A_367] : memref<63x63x64x63xf32, #tpu.memory_space<hbm>> -> memref<1x8x1x63xf32, #tpu.memory_space<hbm>>
        %dma_wait3A_369 = tpu.memref_squeeze %dma_wait3A_368 : memref<1x8x1x63xf32, #tpu.memory_space<hbm>> -> memref<8x63xf32, #tpu.memory_space<hbm>>
        tpu.wait_dma2 semaphore(%arg17 : memref<!tpu.dma_semaphore, #tpu.memory_space<semaphore_mem>>) src(%dma_wait3A_369 : memref<8x63xf32, #tpu.memory_space<hbm>>) dst(%dma_wait3A_366 : memref<8x63xf32, #tpu.memory_space<vmem>>)
        %while3A_370 = arith.constant 0 : i32
        scf.yield %while3A_370 : i32
      }
      %add3A_204 = arith.constant 1 : i32
      %add3A_205 = arith.addi %add3A_189, %add3A_204 : i32
      %add3A_206 = arith.constant 7 : i32
      %add3A_207 = arith.addi %add3A_205, %add3A_206 : i32
      %shift_right_arithmetic3A_208 = arith.constant 3 : i32
      %shift_right_arithmetic3A_209 = arith.shrsi %add3A_207, %shift_right_arithmetic3A_208 : i32
      %while3A_210 = arith.constant 0 : i32
      %while3A_211 = arith.constant 0 : i32
      %while3A_212 = arith.subi %shift_right_arithmetic3A_209, %while3A_210 : i32
      %while3A_213 = arith.addi %while3A_210, %while3A_212 : i32
      %while3A_214 = arith.constant 1 : i32
      %while3A_215 = arith.divsi %while3A_212, %while3A_214 : i32
      %while3A_216 = arith.muli %while3A_215, %while3A_214 : i32
      %while3A_217 = arith.addi %while3A_210, %while3A_216 : i32
      %while3A_218 = arith.constant 1 : i32
      %while3A_219 = scf.for %while3A_337 = %while3A_210 to %while3A_217 step %while3A_218 iter_args(%while3A_338 = %while3A_211) -> (i32)  : i32 {
        %sub3A_339 = arith.constant 1 : i32
        %sub3A_340 = arith.subi %add3A_205, %sub3A_339 : i32
        %mul3A_341 = arith.constant 8 : i32
        %mul3A_342 = arith.muli %while3A_337, %mul3A_341 : i32
        %mul3A_343 = arith.constant 8 : i32
        %mul3A_344 = arith.muli %while3A_337, %mul3A_343 : i32
        %dma_start3A_345 = arith.constant 0 : i32
        %dma_start3A_346 = tpu.memref_slice %arg11[%mul3A_344, %dma_start3A_345] : memref<64x63xf32, #tpu.memory_space<vmem>> -> memref<8x63xf32, #tpu.memory_space<vmem>>
        %dma_start3A_347 = arith.constant 0 : i32
        %dma_start3A_348 = tpu.memref_slice %arg2[%sub3A_340, %mul3A_342, %mul3A_2, %dma_start3A_347] : memref<63x63x64x63xf32, #tpu.memory_space<hbm>> -> memref<1x8x1x63xf32, #tpu.memory_space<hbm>>
        %dma_start3A_349 = tpu.memref_squeeze %dma_start3A_348 : memref<1x8x1x63xf32, #tpu.memory_space<hbm>> -> memref<8x63xf32, #tpu.memory_space<hbm>>
        %dma_start3A_350 = arith.constant 0 : i32
        %dma_start3A_351 = tpu.memref_slice %arg11[%mul3A_344, %dma_start3A_350] : memref<64x63xf32, #tpu.memory_space<vmem>> -> memref<8x63xf32, #tpu.memory_space<vmem>>
        %dma_start3A_352 = arith.constant 0 : i32
        %dma_start3A_353 = tpu.memref_slice %arg2[%sub3A_340, %mul3A_342, %mul3A_2, %dma_start3A_352] : memref<63x63x64x63xf32, #tpu.memory_space<hbm>> -> memref<1x8x1x63xf32, #tpu.memory_space<hbm>>
        %dma_start3A_354 = tpu.memref_squeeze %dma_start3A_353 : memref<1x8x1x63xf32, #tpu.memory_space<hbm>> -> memref<8x63xf32, #tpu.memory_space<hbm>>
        tpu.enqueue_dma source(%dma_start3A_354 : memref<8x63xf32, #tpu.memory_space<hbm>>) target(%dma_start3A_351 : memref<8x63xf32, #tpu.memory_space<vmem>>) target_semaphore(%arg18 : memref<!tpu.dma_semaphore, #tpu.memory_space<semaphore_mem>>)
        %sub3A_355 = arith.constant 1 : i32
        %sub3A_356 = arith.subi %add3A_205, %sub3A_355 : i32
        %mul3A_357 = arith.constant 8 : i32
        %mul3A_358 = arith.muli %while3A_337, %mul3A_357 : i32
        %mul3A_359 = arith.constant 8 : i32
        %mul3A_360 = arith.muli %while3A_337, %mul3A_359 : i32
        %dma_start3A_361 = arith.constant 0 : i32
        %dma_start3A_362 = tpu.memref_slice %arg12[%mul3A_360, %dma_start3A_361] : memref<64x63xf32, #tpu.memory_space<vmem>> -> memref<8x63xf32, #tpu.memory_space<vmem>>
        %dma_start3A_363 = arith.constant 0 : i32
        %dma_start3A_364 = tpu.memref_slice %arg2[%sub3A_356, %mul3A_358, %add3A_4, %dma_start3A_363] : memref<63x63x64x63xf32, #tpu.memory_space<hbm>> -> memref<1x8x1x63xf32, #tpu.memory_space<hbm>>
        %dma_start3A_365 = tpu.memref_squeeze %dma_start3A_364 : memref<1x8x1x63xf32, #tpu.memory_space<hbm>> -> memref<8x63xf32, #tpu.memory_space<hbm>>
        %dma_start3A_366 = arith.constant 0 : i32
        %dma_start3A_367 = tpu.memref_slice %arg12[%mul3A_360, %dma_start3A_366] : memref<64x63xf32, #tpu.memory_space<vmem>> -> memref<8x63xf32, #tpu.memory_space<vmem>>
        %dma_start3A_368 = arith.constant 0 : i32
        %dma_start3A_369 = tpu.memref_slice %arg2[%sub3A_356, %mul3A_358, %add3A_4, %dma_start3A_368] : memref<63x63x64x63xf32, #tpu.memory_space<hbm>> -> memref<1x8x1x63xf32, #tpu.memory_space<hbm>>
        %dma_start3A_370 = tpu.memref_squeeze %dma_start3A_369 : memref<1x8x1x63xf32, #tpu.memory_space<hbm>> -> memref<8x63xf32, #tpu.memory_space<hbm>>
        tpu.enqueue_dma source(%dma_start3A_370 : memref<8x63xf32, #tpu.memory_space<hbm>>) target(%dma_start3A_367 : memref<8x63xf32, #tpu.memory_space<vmem>>) target_semaphore(%arg19 : memref<!tpu.dma_semaphore, #tpu.memory_space<semaphore_mem>>)
        %while3A_371 = arith.constant 0 : i32
        scf.yield %while3A_371 : i32
      }
      %while3A_220 = arith.constant 1 : i32
      %while3A_221 = scf.for %while3A_337 = %while3A_217 to %while3A_213 step %while3A_220 iter_args(%while3A_338 = %while3A_219) -> (i32)  : i32 {
        %sub3A_339 = arith.constant 1 : i32
        %sub3A_340 = arith.subi %add3A_205, %sub3A_339 : i32
        %mul3A_341 = arith.constant 8 : i32
        %mul3A_342 = arith.muli %while3A_337, %mul3A_341 : i32
        %mul3A_343 = arith.constant 8 : i32
        %mul3A_344 = arith.muli %while3A_337, %mul3A_343 : i32
        %dma_start3A_345 = arith.constant 0 : i32
        %dma_start3A_346 = tpu.memref_slice %arg11[%mul3A_344, %dma_start3A_345] : memref<64x63xf32, #tpu.memory_space<vmem>> -> memref<8x63xf32, #tpu.memory_space<vmem>>
        %dma_start3A_347 = arith.constant 0 : i32
        %dma_start3A_348 = tpu.memref_slice %arg2[%sub3A_340, %mul3A_342, %mul3A_2, %dma_start3A_347] : memref<63x63x64x63xf32, #tpu.memory_space<hbm>> -> memref<1x8x1x63xf32, #tpu.memory_space<hbm>>
        %dma_start3A_349 = tpu.memref_squeeze %dma_start3A_348 : memref<1x8x1x63xf32, #tpu.memory_space<hbm>> -> memref<8x63xf32, #tpu.memory_space<hbm>>
        %dma_start3A_350 = arith.constant 0 : i32
        %dma_start3A_351 = tpu.memref_slice %arg11[%mul3A_344, %dma_start3A_350] : memref<64x63xf32, #tpu.memory_space<vmem>> -> memref<8x63xf32, #tpu.memory_space<vmem>>
        %dma_start3A_352 = arith.constant 0 : i32
        %dma_start3A_353 = tpu.memref_slice %arg2[%sub3A_340, %mul3A_342, %mul3A_2, %dma_start3A_352] : memref<63x63x64x63xf32, #tpu.memory_space<hbm>> -> memref<1x8x1x63xf32, #tpu.memory_space<hbm>>
        %dma_start3A_354 = tpu.memref_squeeze %dma_start3A_353 : memref<1x8x1x63xf32, #tpu.memory_space<hbm>> -> memref<8x63xf32, #tpu.memory_space<hbm>>
        tpu.enqueue_dma source(%dma_start3A_354 : memref<8x63xf32, #tpu.memory_space<hbm>>) target(%dma_start3A_351 : memref<8x63xf32, #tpu.memory_space<vmem>>) target_semaphore(%arg18 : memref<!tpu.dma_semaphore, #tpu.memory_space<semaphore_mem>>)
        %sub3A_355 = arith.constant 1 : i32
        %sub3A_356 = arith.subi %add3A_205, %sub3A_355 : i32
        %mul3A_357 = arith.constant 8 : i32
        %mul3A_358 = arith.muli %while3A_337, %mul3A_357 : i32
        %mul3A_359 = arith.constant 8 : i32
        %mul3A_360 = arith.muli %while3A_337, %mul3A_359 : i32
        %dma_start3A_361 = arith.constant 0 : i32
        %dma_start3A_362 = tpu.memref_slice %arg12[%mul3A_360, %dma_start3A_361] : memref<64x63xf32, #tpu.memory_space<vmem>> -> memref<8x63xf32, #tpu.memory_space<vmem>>
        %dma_start3A_363 = arith.constant 0 : i32
        %dma_start3A_364 = tpu.memref_slice %arg2[%sub3A_356, %mul3A_358, %add3A_4, %dma_start3A_363] : memref<63x63x64x63xf32, #tpu.memory_space<hbm>> -> memref<1x8x1x63xf32, #tpu.memory_space<hbm>>
        %dma_start3A_365 = tpu.memref_squeeze %dma_start3A_364 : memref<1x8x1x63xf32, #tpu.memory_space<hbm>> -> memref<8x63xf32, #tpu.memory_space<hbm>>
        %dma_start3A_366 = arith.constant 0 : i32
        %dma_start3A_367 = tpu.memref_slice %arg12[%mul3A_360, %dma_start3A_366] : memref<64x63xf32, #tpu.memory_space<vmem>> -> memref<8x63xf32, #tpu.memory_space<vmem>>
        %dma_start3A_368 = arith.constant 0 : i32
        %dma_start3A_369 = tpu.memref_slice %arg2[%sub3A_356, %mul3A_358, %add3A_4, %dma_start3A_368] : memref<63x63x64x63xf32, #tpu.memory_space<hbm>> -> memref<1x8x1x63xf32, #tpu.memory_space<hbm>>
        %dma_start3A_370 = tpu.memref_squeeze %dma_start3A_369 : memref<1x8x1x63xf32, #tpu.memory_space<hbm>> -> memref<8x63xf32, #tpu.memory_space<hbm>>
        tpu.enqueue_dma source(%dma_start3A_370 : memref<8x63xf32, #tpu.memory_space<hbm>>) target(%dma_start3A_367 : memref<8x63xf32, #tpu.memory_space<vmem>>) target_semaphore(%arg19 : memref<!tpu.dma_semaphore, #tpu.memory_space<semaphore_mem>>)
        %while3A_371 = arith.constant 0 : i32
        scf.yield %while3A_371 : i32
      }
      %sub3A_222 = arith.constant 64 : i32
      %sub3A_223 = arith.subi %sub3A_222, %add3A_189 : i32
      %add3A_224 = arith.constant 15 : i32
      %add3A_225 = arith.addi %sub3A_223, %add3A_224 : i32
      %jit3A_226 = arith.constant 16 : i32
      %div3A = arith.divsi %add3A_225, %jit3A_226 : i32
      %sign3A = arith.constant 0 : i32
      %sign3A_227 = arith.cmpi sgt, %add3A_225, %sign3A : i32
      %sign3A_228 = arith.extui %sign3A_227 : i1 to i32
      %sign3A_229 = arith.constant 0 : i32
      %sign3A_230 = arith.cmpi slt, %add3A_225, %sign3A_229 : i32
      %sign3A_231 = arith.extui %sign3A_230 : i1 to i32
      %sign3A_232 = arith.subi %sign3A_228, %sign3A_231 : i32
      %sign3A_233 = arith.constant 0 : i32
      %sign3A_234 = arith.cmpi sgt, %jit3A_226, %sign3A_233 : i32
      %sign3A_235 = arith.extui %sign3A_234 : i1 to i32
      %sign3A_236 = arith.constant 0 : i32
      %sign3A_237 = arith.cmpi slt, %jit3A_226, %sign3A_236 : i32
      %sign3A_238 = arith.extui %sign3A_237 : i1 to i32
      %sign3A_239 = arith.subi %sign3A_235, %sign3A_238 : i32
      %ne3A = arith.cmpi ne, %sign3A_232, %sign3A_239 : i32
      %rem3A = arith.remsi %add3A_225, %jit3A_226 : i32
      %ne3A_240 = arith.constant 0 : i32
      %ne3A_241 = arith.cmpi ne, %rem3A, %ne3A_240 : i32
      %and3A_242 = arith.andi %ne3A, %ne3A_241 : i1
      %sub3A_243 = arith.constant 1 : i32
      %sub3A_244 = arith.subi %div3A, %sub3A_243 : i32
      %select_n3A_245 = arith.select %and3A_242, %sub3A_244, %div3A : i32
      %while3A_246 = arith.constant 0 : i32
      %while3A_247 = arith.constant 0 : i32
      %while3A_248 = arith.subi %select_n3A_245, %while3A_246 : i32
      %while3A_249 = arith.addi %while3A_246, %while3A_248 : i32
      %while3A_250 = arith.constant 1 : i32
      %while3A_251 = arith.divsi %while3A_248, %while3A_250 : i32
      %while3A_252 = arith.muli %while3A_251, %while3A_250 : i32
      %while3A_253 = arith.addi %while3A_246, %while3A_252 : i32
      %while3A_254 = arith.constant 1 : i32
      %while3A_255 = scf.for %while3A_337 = %while3A_246 to %while3A_253 step %while3A_254 iter_args(%while3A_338 = %while3A_247) -> (i32)  : i32 {
        %mul3A_339 = arith.constant 16 : i32
        %mul3A_340 = arith.muli %while3A_337, %mul3A_339 : i32
        %broadcast_in_dim3A_341 = arith.constant -3.000000e+38 : f32
        %broadcast_in_dim3A_342 = vector.broadcast %broadcast_in_dim3A_341 : f32 to vector<16xf32>
        %sub3A_343 = arith.constant 1 : i32
        %sub3A_344 = arith.subi %add3A_189, %sub3A_343 : i32
        %mul3A_345 = arith.constant 64 : i32
        %mul3A_346 = arith.muli %sub3A_344, %mul3A_345 : i32
        %add3A_347 = arith.constant 1 : i32
        %add3A_348 = arith.addi %mul3A_346, %add3A_347 : i32
        %add3A_349 = arith.addi %add3A_348, %mul3A_340 : i32
        %shift_right_arithmetic3A_350 = arith.constant 2 : i32
        %shift_right_arithmetic3A_351 = arith.shrsi %add3A_189, %shift_right_arithmetic3A_350 : i32
        %while3A_352 = arith.constant 0 : i32
        %while3A_353 = arith.constant 0 : i32
        %while3A_354 = arith.subi %shift_right_arithmetic3A_351, %while3A_352 : i32
        %while3A_355 = arith.addi %while3A_352, %while3A_354 : i32
        %while3A_356 = arith.constant 1 : i32
        %while3A_357 = arith.divsi %while3A_354, %while3A_356 : i32
        %while3A_358 = arith.muli %while3A_357, %while3A_356 : i32
        %while3A_359 = arith.addi %while3A_352, %while3A_358 : i32
        %while3A_360 = arith.constant 1 : i32
        %while3A_361:7 = scf.for %while3A_394 = %while3A_352 to %while3A_359 step %while3A_360 iter_args(%while3A_395 = %broadcast_in_dim3A_342, %while3A_396 = %broadcast_in_dim3A_342, %while3A_397 = %broadcast_in_dim3A_342, %while3A_398 = %broadcast_in_dim3A_342, %while3A_399 = %mul3A_340, %while3A_400 = %add3A_349, %while3A_401 = %while3A_353) -> (vector<16xf32>, vector<16xf32>, vector<16xf32>, vector<16xf32>, i32, i32, i32)  : i32 {
          %add3A_402 = arith.constant 0 : i32
          %add3A_403 = arith.addi %while3A_399, %add3A_402 : i32
          %sub3A_404 = arith.constant 0 : i32
          %sub3A_405 = arith.subi %while3A_400, %sub3A_404 : i32
          %add3A_406 = arith.constant 0 : i32
          %add3A_407 = arith.addi %while3A_401, %add3A_406 : i32
          %get3A_408 = arith.index_cast %add3A_407 : i32 to index
          %get3A_409 = arith.index_cast %mul3A_340 : i32 to index
          %get3A_410 = tpu.vector_load %arg9[%get3A_408, %get3A_409] {strides = array<i32>} : memref<64x63xf32, #tpu.memory_space<vmem>>, vector<16xf32>,
          %get3A_411 = arith.index_cast %add3A_407 : i32 to index
          %get3A_412 = arith.index_cast %mul3A_340 : i32 to index
          %get3A_413 = tpu.vector_load %arg10[%get3A_411, %get3A_412] {strides = array<i32>} : memref<64x63xf32, #tpu.memory_space<vmem>>, vector<16xf32>,
          %get3A_414 = arith.index_cast %add3A_403 : i32 to index
          %get3A_415 = tpu.vector_load %arg5[%get3A_414] {strides = array<i32>} : memref<4096xf32, #tpu.memory_space<vmem>>, vector<16xf32>,
          %add3A_416 = arith.addf %get3A_410, %get3A_415 : vector<16xf32>
          %get3A_417 = arith.index_cast %sub3A_405 : i32 to index
          %get3A_418 = tpu.vector_load %arg5[%get3A_417] {strides = array<i32>} : memref<4096xf32, #tpu.memory_space<vmem>>, vector<16xf32>,
          %add3A_419 = arith.addf %add3A_416, %get3A_418 : vector<16xf32>
          %max3A = arith.maximumf %while3A_395, %add3A_419 : vector<16xf32>
          %get3A_420 = arith.index_cast %add3A_403 : i32 to index
          %get3A_421 = tpu.vector_load %arg6[%get3A_420] {strides = array<i32>} : memref<4096xf32, #tpu.memory_space<vmem>>, vector<16xf32>,
          %add3A_422 = arith.addf %get3A_410, %get3A_421 : vector<16xf32>
          %get3A_423 = arith.index_cast %sub3A_405 : i32 to index
          %get3A_424 = tpu.vector_load %arg6[%get3A_423] {strides = array<i32>} : memref<4096xf32, #tpu.memory_space<vmem>>, vector<16xf32>,
          %add3A_425 = arith.addf %add3A_422, %get3A_424 : vector<16xf32>
          %max3A_426 = arith.maximumf %while3A_396, %add3A_425 : vector<16xf32>
          %get3A_427 = arith.index_cast %add3A_403 : i32 to index
          %get3A_428 = tpu.vector_load %arg7[%get3A_427] {strides = array<i32>} : memref<4096xf32, #tpu.memory_space<vmem>>, vector<16xf32>,
          %add3A_429 = arith.addf %get3A_413, %get3A_428 : vector<16xf32>
          %get3A_430 = arith.index_cast %sub3A_405 : i32 to index
          %get3A_431 = tpu.vector_load %arg7[%get3A_430] {strides = array<i32>} : memref<4096xf32, #tpu.memory_space<vmem>>, vector<16xf32>,
          %add3A_432 = arith.addf %add3A_429, %get3A_431 : vector<16xf32>
          %max3A_433 = arith.maximumf %while3A_397, %add3A_432 : vector<16xf32>
          %get3A_434 = arith.index_cast %add3A_403 : i32 to index
          %get3A_435 = tpu.vector_load %arg8[%get3A_434] {strides = array<i32>} : memref<4096xf32, #tpu.memory_space<vmem>>, vector<16xf32>,
          %add3A_436 = arith.addf %get3A_413, %get3A_435 : vector<16xf32>
          %get3A_437 = arith.index_cast %sub3A_405 : i32 to index
          %get3A_438 = tpu.vector_load %arg8[%get3A_437] {strides = array<i32>} : memref<4096xf32, #tpu.memory_space<vmem>>, vector<16xf32>,
          %add3A_439 = arith.addf %add3A_436, %get3A_438 : vector<16xf32>
          %max3A_440 = arith.maximumf %while3A_398, %add3A_439 : vector<16xf32>
          %add3A_441 = arith.constant 64 : i32
          %add3A_442 = arith.addi %while3A_399, %add3A_441 : i32
          %sub3A_443 = arith.constant 63 : i32
          %sub3A_444 = arith.subi %while3A_400, %sub3A_443 : i32
          %add3A_445 = arith.constant 1 : i32
          %add3A_446 = arith.addi %while3A_401, %add3A_445 : i32
          %get3A_447 = arith.index_cast %add3A_446 : i32 to index
          %get3A_448 = arith.index_cast %mul3A_340 : i32 to index
          %get3A_449 = tpu.vector_load %arg9[%get3A_447, %get3A_448] {strides = array<i32>} : memref<64x63xf32, #tpu.memory_space<vmem>>, vector<16xf32>,
          %get3A_450 = arith.index_cast %add3A_446 : i32 to index
          %get3A_451 = arith.index_cast %mul3A_340 : i32 to index
          %get3A_452 = tpu.vector_load %arg10[%get3A_450, %get3A_451] {strides = array<i32>} : memref<64x63xf32, #tpu.memory_space<vmem>>, vector<16xf32>,
          %get3A_453 = arith.index_cast %add3A_442 : i32 to index
          %get3A_454 = tpu.vector_load %arg5[%get3A_453] {strides = array<i32>} : memref<4096xf32, #tpu.memory_space<vmem>>, vector<16xf32>,
          %add3A_455 = arith.addf %get3A_449, %get3A_454 : vector<16xf32>
          %get3A_456 = arith.index_cast %sub3A_444 : i32 to index
          %get3A_457 = tpu.vector_load %arg5[%get3A_456] {strides = array<i32>} : memref<4096xf32, #tpu.memory_space<vmem>>, vector<16xf32>,
          %add3A_458 = arith.addf %add3A_455, %get3A_457 : vector<16xf32>
          %max3A_459 = arith.maximumf %max3A, %add3A_458 : vector<16xf32>
          %get3A_460 = arith.index_cast %add3A_442 : i32 to index
          %get3A_461 = tpu.vector_load %arg6[%get3A_460] {strides = array<i32>} : memref<4096xf32, #tpu.memory_space<vmem>>, vector<16xf32>,
          %add3A_462 = arith.addf %get3A_449, %get3A_461 : vector<16xf32>
          %get3A_463 = arith.index_cast %sub3A_444 : i32 to index
          %get3A_464 = tpu.vector_load %arg6[%get3A_463] {strides = array<i32>} : memref<4096xf32, #tpu.memory_space<vmem>>, vector<16xf32>,
          %add3A_465 = arith.addf %add3A_462, %get3A_464 : vector<16xf32>
          %max3A_466 = arith.maximumf %max3A_426, %add3A_465 : vector<16xf32>
          %get3A_467 = arith.index_cast %add3A_442 : i32 to index
          %get3A_468 = tpu.vector_load %arg7[%get3A_467] {strides = array<i32>} : memref<4096xf32, #tpu.memory_space<vmem>>, vector<16xf32>,
          %add3A_469 = arith.addf %get3A_452, %get3A_468 : vector<16xf32>
          %get3A_470 = arith.index_cast %sub3A_444 : i32 to index
          %get3A_471 = tpu.vector_load %arg7[%get3A_470] {strides = array<i32>} : memref<4096xf32, #tpu.memory_space<vmem>>, vector<16xf32>,
          %add3A_472 = arith.addf %add3A_469, %get3A_471 : vector<16xf32>
          %max3A_473 = arith.maximumf %max3A_433, %add3A_472 : vector<16xf32>
          %get3A_474 = arith.index_cast %add3A_442 : i32 to index
          %get3A_475 = tpu.vector_load %arg8[%get3A_474] {strides = array<i32>} : memref<4096xf32, #tpu.memory_space<vmem>>, vector<16xf32>,
          %add3A_476 = arith.addf %get3A_452, %get3A_475 : vector<16xf32>
          %get3A_477 = arith.index_cast %sub3A_444 : i32 to index
          %get3A_478 = tpu.vector_load %arg8[%get3A_477] {strides = array<i32>} : memref<4096xf32, #tpu.memory_space<vmem>>, vector<16xf32>,
          %add3A_479 = arith.addf %add3A_476, %get3A_478 : vector<16xf32>
          %max3A_480 = arith.maximumf %max3A_440, %add3A_479 : vector<16xf32>
          %add3A_481 = arith.constant 128 : i32
          %add3A_482 = arith.addi %while3A_399, %add3A_481 : i32
          %sub3A_483 = arith.constant 126 : i32
          %sub3A_484 = arith.subi %while3A_400, %sub3A_483 : i32
          %add3A_485 = arith.constant 2 : i32
          %add3A_486 = arith.addi %while3A_401, %add3A_485 : i32
          %get3A_487 = arith.index_cast %add3A_486 : i32 to index
          %get3A_488 = arith.index_cast %mul3A_340 : i32 to index
          %get3A_489 = tpu.vector_load %arg9[%get3A_487, %get3A_488] {strides = array<i32>} : memref<64x63xf32, #tpu.memory_space<vmem>>, vector<16xf32>,
          %get3A_490 = arith.index_cast %add3A_486 : i32 to index
          %get3A_491 = arith.index_cast %mul3A_340 : i32 to index
          %get3A_492 = tpu.vector_load %arg10[%get3A_490, %get3A_491] {strides = array<i32>} : memref<64x63xf32, #tpu.memory_space<vmem>>, vector<16xf32>,
          %get3A_493 = arith.index_cast %add3A_482 : i32 to index
          %get3A_494 = tpu.vector_load %arg5[%get3A_493] {strides = array<i32>} : memref<4096xf32, #tpu.memory_space<vmem>>, vector<16xf32>,
          %add3A_495 = arith.addf %get3A_489, %get3A_494 : vector<16xf32>
          %get3A_496 = arith.index_cast %sub3A_484 : i32 to index
          %get3A_497 = tpu.vector_load %arg5[%get3A_496] {strides = array<i32>} : memref<4096xf32, #tpu.memory_space<vmem>>, vector<16xf32>,
          %add3A_498 = arith.addf %add3A_495, %get3A_497 : vector<16xf32>
          %max3A_499 = arith.maximumf %max3A_459, %add3A_498 : vector<16xf32>
          %get3A_500 = arith.index_cast %add3A_482 : i32 to index
          %get3A_501 = tpu.vector_load %arg6[%get3A_500] {strides = array<i32>} : memref<4096xf32, #tpu.memory_space<vmem>>, vector<16xf32>,
          %add3A_502 = arith.addf %get3A_489, %get3A_501 : vector<16xf32>
          %get3A_503 = arith.index_cast %sub3A_484 : i32 to index
          %get3A_504 = tpu.vector_load %arg6[%get3A_503] {strides = array<i32>} : memref<4096xf32, #tpu.memory_space<vmem>>, vector<16xf32>,
          %add3A_505 = arith.addf %add3A_502, %get3A_504 : vector<16xf32>
          %max3A_506 = arith.maximumf %max3A_466, %add3A_505 : vector<16xf32>
          %get3A_507 = arith.index_cast %add3A_482 : i32 to index
          %get3A_508 = tpu.vector_load %arg7[%get3A_507] {strides = array<i32>} : memref<4096xf32, #tpu.memory_space<vmem>>, vector<16xf32>,
          %add3A_509 = arith.addf %get3A_492, %get3A_508 : vector<16xf32>
          %get3A_510 = arith.index_cast %sub3A_484 : i32 to index
          %get3A_511 = tpu.vector_load %arg7[%get3A_510] {strides = array<i32>} : memref<4096xf32, #tpu.memory_space<vmem>>, vector<16xf32>,
          %add3A_512 = arith.addf %add3A_509, %get3A_511 : vector<16xf32>
          %max3A_513 = arith.maximumf %max3A_473, %add3A_512 : vector<16xf32>
          %get3A_514 = arith.index_cast %add3A_482 : i32 to index
          %get3A_515 = tpu.vector_load %arg8[%get3A_514] {strides = array<i32>} : memref<4096xf32, #tpu.memory_space<vmem>>, vector<16xf32>,
          %add3A_516 = arith.addf %get3A_492, %get3A_515 : vector<16xf32>
          %get3A_517 = arith.index_cast %sub3A_484 : i32 to index
          %get3A_518 = tpu.vector_load %arg8[%get3A_517] {strides = array<i32>} : memref<4096xf32, #tpu.memory_space<vmem>>, vector<16xf32>,
          %add3A_519 = arith.addf %add3A_516, %get3A_518 : vector<16xf32>
          %max3A_520 = arith.maximumf %max3A_480, %add3A_519 : vector<16xf32>
          %add3A_521 = arith.constant 192 : i32
          %add3A_522 = arith.addi %while3A_399, %add3A_521 : i32
          %sub3A_523 = arith.constant 189 : i32
          %sub3A_524 = arith.subi %while3A_400, %sub3A_523 : i32
          %add3A_525 = arith.constant 3 : i32
          %add3A_526 = arith.addi %while3A_401, %add3A_525 : i32
          %get3A_527 = arith.index_cast %add3A_526 : i32 to index
          %get3A_528 = arith.index_cast %mul3A_340 : i32 to index
          %get3A_529 = tpu.vector_load %arg9[%get3A_527, %get3A_528] {strides = array<i32>} : memref<64x63xf32, #tpu.memory_space<vmem>>, vector<16xf32>,
          %get3A_530 = arith.index_cast %add3A_526 : i32 to index
          %get3A_531 = arith.index_cast %mul3A_340 : i32 to index
          %get3A_532 = tpu.vector_load %arg10[%get3A_530, %get3A_531] {strides = array<i32>} : memref<64x63xf32, #tpu.memory_space<vmem>>, vector<16xf32>,
          %get3A_533 = arith.index_cast %add3A_522 : i32 to index
          %get3A_534 = tpu.vector_load %arg5[%get3A_533] {strides = array<i32>} : memref<4096xf32, #tpu.memory_space<vmem>>, vector<16xf32>,
          %add3A_535 = arith.addf %get3A_529, %get3A_534 : vector<16xf32>
          %get3A_536 = arith.index_cast %sub3A_524 : i32 to index
          %get3A_537 = tpu.vector_load %arg5[%get3A_536] {strides = array<i32>} : memref<4096xf32, #tpu.memory_space<vmem>>, vector<16xf32>,
          %add3A_538 = arith.addf %add3A_535, %get3A_537 : vector<16xf32>
          %max3A_539 = arith.maximumf %max3A_499, %add3A_538 : vector<16xf32>
          %get3A_540 = arith.index_cast %add3A_522 : i32 to index
          %get3A_541 = tpu.vector_load %arg6[%get3A_540] {strides = array<i32>} : memref<4096xf32, #tpu.memory_space<vmem>>, vector<16xf32>,
          %add3A_542 = arith.addf %get3A_529, %get3A_541 : vector<16xf32>
          %get3A_543 = arith.index_cast %sub3A_524 : i32 to index
          %get3A_544 = tpu.vector_load %arg6[%get3A_543] {strides = array<i32>} : memref<4096xf32, #tpu.memory_space<vmem>>, vector<16xf32>,
          %add3A_545 = arith.addf %add3A_542, %get3A_544 : vector<16xf32>
          %max3A_546 = arith.maximumf %max3A_506, %add3A_545 : vector<16xf32>
          %get3A_547 = arith.index_cast %add3A_522 : i32 to index
          %get3A_548 = tpu.vector_load %arg7[%get3A_547] {strides = array<i32>} : memref<4096xf32, #tpu.memory_space<vmem>>, vector<16xf32>,
          %add3A_549 = arith.addf %get3A_532, %get3A_548 : vector<16xf32>
          %get3A_550 = arith.index_cast %sub3A_524 : i32 to index
          %get3A_551 = tpu.vector_load %arg7[%get3A_550] {strides = array<i32>} : memref<4096xf32, #tpu.memory_space<vmem>>, vector<16xf32>,
          %add3A_552 = arith.addf %add3A_549, %get3A_551 : vector<16xf32>
          %max3A_553 = arith.maximumf %max3A_513, %add3A_552 : vector<16xf32>
          %get3A_554 = arith.index_cast %add3A_522 : i32 to index
          %get3A_555 = tpu.vector_load %arg8[%get3A_554] {strides = array<i32>} : memref<4096xf32, #tpu.memory_space<vmem>>, vector<16xf32>,
          %add3A_556 = arith.addf %get3A_532, %get3A_555 : vector<16xf32>
          %get3A_557 = arith.index_cast %sub3A_524 : i32 to index
          %get3A_558 = tpu.vector_load %arg8[%get3A_557] {strides = array<i32>} : memref<4096xf32, #tpu.memory_space<vmem>>, vector<16xf32>,
          %add3A_559 = arith.addf %add3A_556, %get3A_558 : vector<16xf32>
          %max3A_560 = arith.maximumf %max3A_520, %add3A_559 : vector<16xf32>
          %add3A_561 = arith.constant 256 : i32
          %add3A_562 = arith.addi %while3A_399, %add3A_561 : i32
          %sub3A_563 = arith.constant 252 : i32
          %sub3A_564 = arith.subi %while3A_400, %sub3A_563 : i32
          %add3A_565 = arith.constant 4 : i32
          %add3A_566 = arith.addi %while3A_401, %add3A_565 : i32
          scf.yield %max3A_539, %max3A_546, %max3A_553, %max3A_560, %add3A_562, %sub3A_564, %add3A_566 : vector<16xf32>, vector<16xf32>, vector<16xf32>, vector<16xf32>, i32, i32, i32
        }
        %while3A_362 = arith.constant 1 : i32
        %while3A_363:7 = scf.for %while3A_394 = %while3A_359 to %while3A_355 step %while3A_362 iter_args(%while3A_395 = %while3A_361#0, %while3A_396 = %while3A_361#1, %while3A_397 = %while3A_361#2, %while3A_398 = %while3A_361#3, %while3A_399 = %while3A_361#4, %while3A_400 = %while3A_361#5, %while3A_401 = %while3A_361#6) -> (vector<16xf32>, vector<16xf32>, vector<16xf32>, vector<16xf32>, i32, i32, i32)  : i32 {
          %add3A_402 = arith.constant 0 : i32
          %add3A_403 = arith.addi %while3A_399, %add3A_402 : i32
          %sub3A_404 = arith.constant 0 : i32
          %sub3A_405 = arith.subi %while3A_400, %sub3A_404 : i32
          %add3A_406 = arith.constant 0 : i32
          %add3A_407 = arith.addi %while3A_401, %add3A_406 : i32
          %get3A_408 = arith.index_cast %add3A_407 : i32 to index
          %get3A_409 = arith.index_cast %mul3A_340 : i32 to index
          %get3A_410 = tpu.vector_load %arg9[%get3A_408, %get3A_409] {strides = array<i32>} : memref<64x63xf32, #tpu.memory_space<vmem>>, vector<16xf32>,
          %get3A_411 = arith.index_cast %add3A_407 : i32 to index
          %get3A_412 = arith.index_cast %mul3A_340 : i32 to index
          %get3A_413 = tpu.vector_load %arg10[%get3A_411, %get3A_412] {strides = array<i32>} : memref<64x63xf32, #tpu.memory_space<vmem>>, vector<16xf32>,
          %get3A_414 = arith.index_cast %add3A_403 : i32 to index
          %get3A_415 = tpu.vector_load %arg5[%get3A_414] {strides = array<i32>} : memref<4096xf32, #tpu.memory_space<vmem>>, vector<16xf32>,
          %add3A_416 = arith.addf %get3A_410, %get3A_415 : vector<16xf32>
          %get3A_417 = arith.index_cast %sub3A_405 : i32 to index
          %get3A_418 = tpu.vector_load %arg5[%get3A_417] {strides = array<i32>} : memref<4096xf32, #tpu.memory_space<vmem>>, vector<16xf32>,
          %add3A_419 = arith.addf %add3A_416, %get3A_418 : vector<16xf32>
          %max3A = arith.maximumf %while3A_395, %add3A_419 : vector<16xf32>
          %get3A_420 = arith.index_cast %add3A_403 : i32 to index
          %get3A_421 = tpu.vector_load %arg6[%get3A_420] {strides = array<i32>} : memref<4096xf32, #tpu.memory_space<vmem>>, vector<16xf32>,
          %add3A_422 = arith.addf %get3A_410, %get3A_421 : vector<16xf32>
          %get3A_423 = arith.index_cast %sub3A_405 : i32 to index
          %get3A_424 = tpu.vector_load %arg6[%get3A_423] {strides = array<i32>} : memref<4096xf32, #tpu.memory_space<vmem>>, vector<16xf32>,
          %add3A_425 = arith.addf %add3A_422, %get3A_424 : vector<16xf32>
          %max3A_426 = arith.maximumf %while3A_396, %add3A_425 : vector<16xf32>
          %get3A_427 = arith.index_cast %add3A_403 : i32 to index
          %get3A_428 = tpu.vector_load %arg7[%get3A_427] {strides = array<i32>} : memref<4096xf32, #tpu.memory_space<vmem>>, vector<16xf32>,
          %add3A_429 = arith.addf %get3A_413, %get3A_428 : vector<16xf32>
          %get3A_430 = arith.index_cast %sub3A_405 : i32 to index
          %get3A_431 = tpu.vector_load %arg7[%get3A_430] {strides = array<i32>} : memref<4096xf32, #tpu.memory_space<vmem>>, vector<16xf32>,
          %add3A_432 = arith.addf %add3A_429, %get3A_431 : vector<16xf32>
          %max3A_433 = arith.maximumf %while3A_397, %add3A_432 : vector<16xf32>
          %get3A_434 = arith.index_cast %add3A_403 : i32 to index
          %get3A_435 = tpu.vector_load %arg8[%get3A_434] {strides = array<i32>} : memref<4096xf32, #tpu.memory_space<vmem>>, vector<16xf32>,
          %add3A_436 = arith.addf %get3A_413, %get3A_435 : vector<16xf32>
          %get3A_437 = arith.index_cast %sub3A_405 : i32 to index
          %get3A_438 = tpu.vector_load %arg8[%get3A_437] {strides = array<i32>} : memref<4096xf32, #tpu.memory_space<vmem>>, vector<16xf32>,
          %add3A_439 = arith.addf %add3A_436, %get3A_438 : vector<16xf32>
          %max3A_440 = arith.maximumf %while3A_398, %add3A_439 : vector<16xf32>
          %add3A_441 = arith.constant 64 : i32
          %add3A_442 = arith.addi %while3A_399, %add3A_441 : i32
          %sub3A_443 = arith.constant 63 : i32
          %sub3A_444 = arith.subi %while3A_400, %sub3A_443 : i32
          %add3A_445 = arith.constant 1 : i32
          %add3A_446 = arith.addi %while3A_401, %add3A_445 : i32
          %get3A_447 = arith.index_cast %add3A_446 : i32 to index
          %get3A_448 = arith.index_cast %mul3A_340 : i32 to index
          %get3A_449 = tpu.vector_load %arg9[%get3A_447, %get3A_448] {strides = array<i32>} : memref<64x63xf32, #tpu.memory_space<vmem>>, vector<16xf32>,
          %get3A_450 = arith.index_cast %add3A_446 : i32 to index
          %get3A_451 = arith.index_cast %mul3A_340 : i32 to index
          %get3A_452 = tpu.vector_load %arg10[%get3A_450, %get3A_451] {strides = array<i32>} : memref<64x63xf32, #tpu.memory_space<vmem>>, vector<16xf32>,
          %get3A_453 = arith.index_cast %add3A_442 : i32 to index
          %get3A_454 = tpu.vector_load %arg5[%get3A_453] {strides = array<i32>} : memref<4096xf32, #tpu.memory_space<vmem>>, vector<16xf32>,
          %add3A_455 = arith.addf %get3A_449, %get3A_454 : vector<16xf32>
          %get3A_456 = arith.index_cast %sub3A_444 : i32 to index
          %get3A_457 = tpu.vector_load %arg5[%get3A_456] {strides = array<i32>} : memref<4096xf32, #tpu.memory_space<vmem>>, vector<16xf32>,
          %add3A_458 = arith.addf %add3A_455, %get3A_457 : vector<16xf32>
          %max3A_459 = arith.maximumf %max3A, %add3A_458 : vector<16xf32>
          %get3A_460 = arith.index_cast %add3A_442 : i32 to index
          %get3A_461 = tpu.vector_load %arg6[%get3A_460] {strides = array<i32>} : memref<4096xf32, #tpu.memory_space<vmem>>, vector<16xf32>,
          %add3A_462 = arith.addf %get3A_449, %get3A_461 : vector<16xf32>
          %get3A_463 = arith.index_cast %sub3A_444 : i32 to index
          %get3A_464 = tpu.vector_load %arg6[%get3A_463] {strides = array<i32>} : memref<4096xf32, #tpu.memory_space<vmem>>, vector<16xf32>,
          %add3A_465 = arith.addf %add3A_462, %get3A_464 : vector<16xf32>
          %max3A_466 = arith.maximumf %max3A_426, %add3A_465 : vector<16xf32>
          %get3A_467 = arith.index_cast %add3A_442 : i32 to index
          %get3A_468 = tpu.vector_load %arg7[%get3A_467] {strides = array<i32>} : memref<4096xf32, #tpu.memory_space<vmem>>, vector<16xf32>,
          %add3A_469 = arith.addf %get3A_452, %get3A_468 : vector<16xf32>
          %get3A_470 = arith.index_cast %sub3A_444 : i32 to index
          %get3A_471 = tpu.vector_load %arg7[%get3A_470] {strides = array<i32>} : memref<4096xf32, #tpu.memory_space<vmem>>, vector<16xf32>,
          %add3A_472 = arith.addf %add3A_469, %get3A_471 : vector<16xf32>
          %max3A_473 = arith.maximumf %max3A_433, %add3A_472 : vector<16xf32>
          %get3A_474 = arith.index_cast %add3A_442 : i32 to index
          %get3A_475 = tpu.vector_load %arg8[%get3A_474] {strides = array<i32>} : memref<4096xf32, #tpu.memory_space<vmem>>, vector<16xf32>,
          %add3A_476 = arith.addf %get3A_452, %get3A_475 : vector<16xf32>
          %get3A_477 = arith.index_cast %sub3A_444 : i32 to index
          %get3A_478 = tpu.vector_load %arg8[%get3A_477] {strides = array<i32>} : memref<4096xf32, #tpu.memory_space<vmem>>, vector<16xf32>,
          %add3A_479 = arith.addf %add3A_476, %get3A_478 : vector<16xf32>
          %max3A_480 = arith.maximumf %max3A_440, %add3A_479 : vector<16xf32>
          %add3A_481 = arith.constant 128 : i32
          %add3A_482 = arith.addi %while3A_399, %add3A_481 : i32
          %sub3A_483 = arith.constant 126 : i32
          %sub3A_484 = arith.subi %while3A_400, %sub3A_483 : i32
          %add3A_485 = arith.constant 2 : i32
          %add3A_486 = arith.addi %while3A_401, %add3A_485 : i32
          %get3A_487 = arith.index_cast %add3A_486 : i32 to index
          %get3A_488 = arith.index_cast %mul3A_340 : i32 to index
          %get3A_489 = tpu.vector_load %arg9[%get3A_487, %get3A_488] {strides = array<i32>} : memref<64x63xf32, #tpu.memory_space<vmem>>, vector<16xf32>,
          %get3A_490 = arith.index_cast %add3A_486 : i32 to index
          %get3A_491 = arith.index_cast %mul3A_340 : i32 to index
          %get3A_492 = tpu.vector_load %arg10[%get3A_490, %get3A_491] {strides = array<i32>} : memref<64x63xf32, #tpu.memory_space<vmem>>, vector<16xf32>,
          %get3A_493 = arith.index_cast %add3A_482 : i32 to index
          %get3A_494 = tpu.vector_load %arg5[%get3A_493] {strides = array<i32>} : memref<4096xf32, #tpu.memory_space<vmem>>, vector<16xf32>,
          %add3A_495 = arith.addf %get3A_489, %get3A_494 : vector<16xf32>
          %get3A_496 = arith.index_cast %sub3A_484 : i32 to index
          %get3A_497 = tpu.vector_load %arg5[%get3A_496] {strides = array<i32>} : memref<4096xf32, #tpu.memory_space<vmem>>, vector<16xf32>,
          %add3A_498 = arith.addf %add3A_495, %get3A_497 : vector<16xf32>
          %max3A_499 = arith.maximumf %max3A_459, %add3A_498 : vector<16xf32>
          %get3A_500 = arith.index_cast %add3A_482 : i32 to index
          %get3A_501 = tpu.vector_load %arg6[%get3A_500] {strides = array<i32>} : memref<4096xf32, #tpu.memory_space<vmem>>, vector<16xf32>,
          %add3A_502 = arith.addf %get3A_489, %get3A_501 : vector<16xf32>
          %get3A_503 = arith.index_cast %sub3A_484 : i32 to index
          %get3A_504 = tpu.vector_load %arg6[%get3A_503] {strides = array<i32>} : memref<4096xf32, #tpu.memory_space<vmem>>, vector<16xf32>,
          %add3A_505 = arith.addf %add3A_502, %get3A_504 : vector<16xf32>
          %max3A_506 = arith.maximumf %max3A_466, %add3A_505 : vector<16xf32>
          %get3A_507 = arith.index_cast %add3A_482 : i32 to index
          %get3A_508 = tpu.vector_load %arg7[%get3A_507] {strides = array<i32>} : memref<4096xf32, #tpu.memory_space<vmem>>, vector<16xf32>,
          %add3A_509 = arith.addf %get3A_492, %get3A_508 : vector<16xf32>
          %get3A_510 = arith.index_cast %sub3A_484 : i32 to index
          %get3A_511 = tpu.vector_load %arg7[%get3A_510] {strides = array<i32>} : memref<4096xf32, #tpu.memory_space<vmem>>, vector<16xf32>,
          %add3A_512 = arith.addf %add3A_509, %get3A_511 : vector<16xf32>
          %max3A_513 = arith.maximumf %max3A_473, %add3A_512 : vector<16xf32>
          %get3A_514 = arith.index_cast %add3A_482 : i32 to index
          %get3A_515 = tpu.vector_load %arg8[%get3A_514] {strides = array<i32>} : memref<4096xf32, #tpu.memory_space<vmem>>, vector<16xf32>,
          %add3A_516 = arith.addf %get3A_492, %get3A_515 : vector<16xf32>
          %get3A_517 = arith.index_cast %sub3A_484 : i32 to index
          %get3A_518 = tpu.vector_load %arg8[%get3A_517] {strides = array<i32>} : memref<4096xf32, #tpu.memory_space<vmem>>, vector<16xf32>,
          %add3A_519 = arith.addf %add3A_516, %get3A_518 : vector<16xf32>
          %max3A_520 = arith.maximumf %max3A_480, %add3A_519 : vector<16xf32>
          %add3A_521 = arith.constant 192 : i32
          %add3A_522 = arith.addi %while3A_399, %add3A_521 : i32
          %sub3A_523 = arith.constant 189 : i32
          %sub3A_524 = arith.subi %while3A_400, %sub3A_523 : i32
          %add3A_525 = arith.constant 3 : i32
          %add3A_526 = arith.addi %while3A_401, %add3A_525 : i32
          %get3A_527 = arith.index_cast %add3A_526 : i32 to index
          %get3A_528 = arith.index_cast %mul3A_340 : i32 to index
          %get3A_529 = tpu.vector_load %arg9[%get3A_527, %get3A_528] {strides = array<i32>} : memref<64x63xf32, #tpu.memory_space<vmem>>, vector<16xf32>,
          %get3A_530 = arith.index_cast %add3A_526 : i32 to index
          %get3A_531 = arith.index_cast %mul3A_340 : i32 to index
          %get3A_532 = tpu.vector_load %arg10[%get3A_530, %get3A_531] {strides = array<i32>} : memref<64x63xf32, #tpu.memory_space<vmem>>, vector<16xf32>,
          %get3A_533 = arith.index_cast %add3A_522 : i32 to index
          %get3A_534 = tpu.vector_load %arg5[%get3A_533] {strides = array<i32>} : memref<4096xf32, #tpu.memory_space<vmem>>, vector<16xf32>,
          %add3A_535 = arith.addf %get3A_529, %get3A_534 : vector<16xf32>
          %get3A_536 = arith.index_cast %sub3A_524 : i32 to index
          %get3A_537 = tpu.vector_load %arg5[%get3A_536] {strides = array<i32>} : memref<4096xf32, #tpu.memory_space<vmem>>, vector<16xf32>,
          %add3A_538 = arith.addf %add3A_535, %get3A_537 : vector<16xf32>
          %max3A_539 = arith.maximumf %max3A_499, %add3A_538 : vector<16xf32>
          %get3A_540 = arith.index_cast %add3A_522 : i32 to index
          %get3A_541 = tpu.vector_load %arg6[%get3A_540] {strides = array<i32>} : memref<4096xf32, #tpu.memory_space<vmem>>, vector<16xf32>,
          %add3A_542 = arith.addf %get3A_529, %get3A_541 : vector<16xf32>
          %get3A_543 = arith.index_cast %sub3A_524 : i32 to index
          %get3A_544 = tpu.vector_load %arg6[%get3A_543] {strides = array<i32>} : memref<4096xf32, #tpu.memory_space<vmem>>, vector<16xf32>,
          %add3A_545 = arith.addf %add3A_542, %get3A_544 : vector<16xf32>
          %max3A_546 = arith.maximumf %max3A_506, %add3A_545 : vector<16xf32>
          %get3A_547 = arith.index_cast %add3A_522 : i32 to index
          %get3A_548 = tpu.vector_load %arg7[%get3A_547] {strides = array<i32>} : memref<4096xf32, #tpu.memory_space<vmem>>, vector<16xf32>,
          %add3A_549 = arith.addf %get3A_532, %get3A_548 : vector<16xf32>
          %get3A_550 = arith.index_cast %sub3A_524 : i32 to index
          %get3A_551 = tpu.vector_load %arg7[%get3A_550] {strides = array<i32>} : memref<4096xf32, #tpu.memory_space<vmem>>, vector<16xf32>,
          %add3A_552 = arith.addf %add3A_549, %get3A_551 : vector<16xf32>
          %max3A_553 = arith.maximumf %max3A_513, %add3A_552 : vector<16xf32>
          %get3A_554 = arith.index_cast %add3A_522 : i32 to index
          %get3A_555 = tpu.vector_load %arg8[%get3A_554] {strides = array<i32>} : memref<4096xf32, #tpu.memory_space<vmem>>, vector<16xf32>,
          %add3A_556 = arith.addf %get3A_532, %get3A_555 : vector<16xf32>
          %get3A_557 = arith.index_cast %sub3A_524 : i32 to index
          %get3A_558 = tpu.vector_load %arg8[%get3A_557] {strides = array<i32>} : memref<4096xf32, #tpu.memory_space<vmem>>, vector<16xf32>,
          %add3A_559 = arith.addf %add3A_556, %get3A_558 : vector<16xf32>
          %max3A_560 = arith.maximumf %max3A_520, %add3A_559 : vector<16xf32>
          %add3A_561 = arith.constant 256 : i32
          %add3A_562 = arith.addi %while3A_399, %add3A_561 : i32
          %sub3A_563 = arith.constant 252 : i32
          %sub3A_564 = arith.subi %while3A_400, %sub3A_563 : i32
          %add3A_565 = arith.constant 4 : i32
          %add3A_566 = arith.addi %while3A_401, %add3A_565 : i32
          scf.yield %max3A_539, %max3A_546, %max3A_553, %max3A_560, %add3A_562, %sub3A_564, %add3A_566 : vector<16xf32>, vector<16xf32>, vector<16xf32>, vector<16xf32>, i32, i32, i32
        }
        %and3A_364 = arith.constant -4 : i32
        %and3A_365 = arith.andi %add3A_189, %and3A_364 : i32
        %while3A_366 = arith.subi %add3A_189, %and3A_365 : i32
        %while3A_367 = arith.addi %and3A_365, %while3A_366 : i32
        %while3A_368 = arith.constant 1 : i32
        %while3A_369 = arith.divsi %while3A_366, %while3A_368 : i32
        %while3A_370 = arith.muli %while3A_369, %while3A_368 : i32
        %while3A_371 = arith.addi %and3A_365, %while3A_370 : i32
        %while3A_372 = arith.constant 1 : i32
        %while3A_373:7 = scf.for %while3A_394 = %and3A_365 to %while3A_371 step %while3A_372 iter_args(%while3A_395 = %while3A_363#0, %while3A_396 = %while3A_363#1, %while3A_397 = %while3A_363#2, %while3A_398 = %while3A_363#3, %while3A_399 = %while3A_363#4, %while3A_400 = %while3A_363#5, %while3A_401 = %while3A_363#6) -> (vector<16xf32>, vector<16xf32>, vector<16xf32>, vector<16xf32>, i32, i32, i32)  : i32 {
          %add3A_402 = arith.constant 0 : i32
          %add3A_403 = arith.addi %while3A_399, %add3A_402 : i32
          %sub3A_404 = arith.constant 0 : i32
          %sub3A_405 = arith.subi %while3A_400, %sub3A_404 : i32
          %add3A_406 = arith.constant 0 : i32
          %add3A_407 = arith.addi %while3A_401, %add3A_406 : i32
          %get3A_408 = arith.index_cast %add3A_407 : i32 to index
          %get3A_409 = arith.index_cast %mul3A_340 : i32 to index
          %get3A_410 = tpu.vector_load %arg9[%get3A_408, %get3A_409] {strides = array<i32>} : memref<64x63xf32, #tpu.memory_space<vmem>>, vector<16xf32>,
          %get3A_411 = arith.index_cast %add3A_407 : i32 to index
          %get3A_412 = arith.index_cast %mul3A_340 : i32 to index
          %get3A_413 = tpu.vector_load %arg10[%get3A_411, %get3A_412] {strides = array<i32>} : memref<64x63xf32, #tpu.memory_space<vmem>>, vector<16xf32>,
          %get3A_414 = arith.index_cast %add3A_403 : i32 to index
          %get3A_415 = tpu.vector_load %arg5[%get3A_414] {strides = array<i32>} : memref<4096xf32, #tpu.memory_space<vmem>>, vector<16xf32>,
          %add3A_416 = arith.addf %get3A_410, %get3A_415 : vector<16xf32>
          %get3A_417 = arith.index_cast %sub3A_405 : i32 to index
          %get3A_418 = tpu.vector_load %arg5[%get3A_417] {strides = array<i32>} : memref<4096xf32, #tpu.memory_space<vmem>>, vector<16xf32>,
          %add3A_419 = arith.addf %add3A_416, %get3A_418 : vector<16xf32>
          %max3A = arith.maximumf %while3A_395, %add3A_419 : vector<16xf32>
          %get3A_420 = arith.index_cast %add3A_403 : i32 to index
          %get3A_421 = tpu.vector_load %arg6[%get3A_420] {strides = array<i32>} : memref<4096xf32, #tpu.memory_space<vmem>>, vector<16xf32>,
          %add3A_422 = arith.addf %get3A_410, %get3A_421 : vector<16xf32>
          %get3A_423 = arith.index_cast %sub3A_405 : i32 to index
          %get3A_424 = tpu.vector_load %arg6[%get3A_423] {strides = array<i32>} : memref<4096xf32, #tpu.memory_space<vmem>>, vector<16xf32>,
          %add3A_425 = arith.addf %add3A_422, %get3A_424 : vector<16xf32>
          %max3A_426 = arith.maximumf %while3A_396, %add3A_425 : vector<16xf32>
          %get3A_427 = arith.index_cast %add3A_403 : i32 to index
          %get3A_428 = tpu.vector_load %arg7[%get3A_427] {strides = array<i32>} : memref<4096xf32, #tpu.memory_space<vmem>>, vector<16xf32>,
          %add3A_429 = arith.addf %get3A_413, %get3A_428 : vector<16xf32>
          %get3A_430 = arith.index_cast %sub3A_405 : i32 to index
          %get3A_431 = tpu.vector_load %arg7[%get3A_430] {strides = array<i32>} : memref<4096xf32, #tpu.memory_space<vmem>>, vector<16xf32>,
          %add3A_432 = arith.addf %add3A_429, %get3A_431 : vector<16xf32>
          %max3A_433 = arith.maximumf %while3A_397, %add3A_432 : vector<16xf32>
          %get3A_434 = arith.index_cast %add3A_403 : i32 to index
          %get3A_435 = tpu.vector_load %arg8[%get3A_434] {strides = array<i32>} : memref<4096xf32, #tpu.memory_space<vmem>>, vector<16xf32>,
          %add3A_436 = arith.addf %get3A_413, %get3A_435 : vector<16xf32>
          %get3A_437 = arith.index_cast %sub3A_405 : i32 to index
          %get3A_438 = tpu.vector_load %arg8[%get3A_437] {strides = array<i32>} : memref<4096xf32, #tpu.memory_space<vmem>>, vector<16xf32>,
          %add3A_439 = arith.addf %add3A_436, %get3A_438 : vector<16xf32>
          %max3A_440 = arith.maximumf %while3A_398, %add3A_439 : vector<16xf32>
          %add3A_441 = arith.constant 64 : i32
          %add3A_442 = arith.addi %while3A_399, %add3A_441 : i32
          %sub3A_443 = arith.constant 63 : i32
          %sub3A_444 = arith.subi %while3A_400, %sub3A_443 : i32
          %add3A_445 = arith.constant 1 : i32
          %add3A_446 = arith.addi %while3A_401, %add3A_445 : i32
          scf.yield %max3A, %max3A_426, %max3A_433, %max3A_440, %add3A_442, %sub3A_444, %add3A_446 : vector<16xf32>, vector<16xf32>, vector<16xf32>, vector<16xf32>, i32, i32, i32
        }
        %while3A_374 = arith.constant 1 : i32
        %while3A_375:7 = scf.for %while3A_394 = %while3A_371 to %while3A_367 step %while3A_374 iter_args(%while3A_395 = %while3A_373#0, %while3A_396 = %while3A_373#1, %while3A_397 = %while3A_373#2, %while3A_398 = %while3A_373#3, %while3A_399 = %while3A_373#4, %while3A_400 = %while3A_373#5, %while3A_401 = %while3A_373#6) -> (vector<16xf32>, vector<16xf32>, vector<16xf32>, vector<16xf32>, i32, i32, i32)  : i32 {
          %add3A_402 = arith.constant 0 : i32
          %add3A_403 = arith.addi %while3A_399, %add3A_402 : i32
          %sub3A_404 = arith.constant 0 : i32
          %sub3A_405 = arith.subi %while3A_400, %sub3A_404 : i32
          %add3A_406 = arith.constant 0 : i32
          %add3A_407 = arith.addi %while3A_401, %add3A_406 : i32
          %get3A_408 = arith.index_cast %add3A_407 : i32 to index
          %get3A_409 = arith.index_cast %mul3A_340 : i32 to index
          %get3A_410 = tpu.vector_load %arg9[%get3A_408, %get3A_409] {strides = array<i32>} : memref<64x63xf32, #tpu.memory_space<vmem>>, vector<16xf32>,
          %get3A_411 = arith.index_cast %add3A_407 : i32 to index
          %get3A_412 = arith.index_cast %mul3A_340 : i32 to index
          %get3A_413 = tpu.vector_load %arg10[%get3A_411, %get3A_412] {strides = array<i32>} : memref<64x63xf32, #tpu.memory_space<vmem>>, vector<16xf32>,
          %get3A_414 = arith.index_cast %add3A_403 : i32 to index
          %get3A_415 = tpu.vector_load %arg5[%get3A_414] {strides = array<i32>} : memref<4096xf32, #tpu.memory_space<vmem>>, vector<16xf32>,
          %add3A_416 = arith.addf %get3A_410, %get3A_415 : vector<16xf32>
          %get3A_417 = arith.index_cast %sub3A_405 : i32 to index
          %get3A_418 = tpu.vector_load %arg5[%get3A_417] {strides = array<i32>} : memref<4096xf32, #tpu.memory_space<vmem>>, vector<16xf32>,
          %add3A_419 = arith.addf %add3A_416, %get3A_418 : vector<16xf32>
          %max3A = arith.maximumf %while3A_395, %add3A_419 : vector<16xf32>
          %get3A_420 = arith.index_cast %add3A_403 : i32 to index
          %get3A_421 = tpu.vector_load %arg6[%get3A_420] {strides = array<i32>} : memref<4096xf32, #tpu.memory_space<vmem>>, vector<16xf32>,
          %add3A_422 = arith.addf %get3A_410, %get3A_421 : vector<16xf32>
          %get3A_423 = arith.index_cast %sub3A_405 : i32 to index
          %get3A_424 = tpu.vector_load %arg6[%get3A_423] {strides = array<i32>} : memref<4096xf32, #tpu.memory_space<vmem>>, vector<16xf32>,
          %add3A_425 = arith.addf %add3A_422, %get3A_424 : vector<16xf32>
          %max3A_426 = arith.maximumf %while3A_396, %add3A_425 : vector<16xf32>
          %get3A_427 = arith.index_cast %add3A_403 : i32 to index
          %get3A_428 = tpu.vector_load %arg7[%get3A_427] {strides = array<i32>} : memref<4096xf32, #tpu.memory_space<vmem>>, vector<16xf32>,
          %add3A_429 = arith.addf %get3A_413, %get3A_428 : vector<16xf32>
          %get3A_430 = arith.index_cast %sub3A_405 : i32 to index
          %get3A_431 = tpu.vector_load %arg7[%get3A_430] {strides = array<i32>} : memref<4096xf32, #tpu.memory_space<vmem>>, vector<16xf32>,
          %add3A_432 = arith.addf %add3A_429, %get3A_431 : vector<16xf32>
          %max3A_433 = arith.maximumf %while3A_397, %add3A_432 : vector<16xf32>
          %get3A_434 = arith.index_cast %add3A_403 : i32 to index
          %get3A_435 = tpu.vector_load %arg8[%get3A_434] {strides = array<i32>} : memref<4096xf32, #tpu.memory_space<vmem>>, vector<16xf32>,
          %add3A_436 = arith.addf %get3A_413, %get3A_435 : vector<16xf32>
          %get3A_437 = arith.index_cast %sub3A_405 : i32 to index
          %get3A_438 = tpu.vector_load %arg8[%get3A_437] {strides = array<i32>} : memref<4096xf32, #tpu.memory_space<vmem>>, vector<16xf32>,
          %add3A_439 = arith.addf %add3A_436, %get3A_438 : vector<16xf32>
          %max3A_440 = arith.maximumf %while3A_398, %add3A_439 : vector<16xf32>
          %add3A_441 = arith.constant 64 : i32
          %add3A_442 = arith.addi %while3A_399, %add3A_441 : i32
          %sub3A_443 = arith.constant 63 : i32
          %sub3A_444 = arith.subi %while3A_400, %sub3A_443 : i32
          %add3A_445 = arith.constant 1 : i32
          %add3A_446 = arith.addi %while3A_401, %add3A_445 : i32
          scf.yield %max3A, %max3A_426, %max3A_433, %max3A_440, %add3A_442, %sub3A_444, %add3A_446 : vector<16xf32>, vector<16xf32>, vector<16xf32>, vector<16xf32>, i32, i32, i32
        }
        %mul3A_376 = arith.constant 64 : i32
        %mul3A_377 = arith.muli %add3A_189, %mul3A_376 : i32
        %add3A_378 = arith.addi %mul3A_377, %mul3A_340 : i32
        %swap3A_379 = arith.index_cast %add3A_378 : i32 to index
        %swap3A_380 = tpu.vector_load %arg5[%swap3A_379] {strides = array<i32>} : memref<4096xf32, #tpu.memory_space<vmem>>, vector<16xf32>,
        tpu.vector_store %arg5[%swap3A_379], %while3A_375#0 {strides = array<i32>} : memref<4096xf32, #tpu.memory_space<vmem>>, vector<16xf32>,
        %swap3A_381 = arith.index_cast %add3A_378 : i32 to index
        %swap3A_382 = tpu.vector_load %arg7[%swap3A_381] {strides = array<i32>} : memref<4096xf32, #tpu.memory_space<vmem>>, vector<16xf32>,
        tpu.vector_store %arg7[%swap3A_381], %while3A_375#2 {strides = array<i32>} : memref<4096xf32, #tpu.memory_space<vmem>>, vector<16xf32>,
        %get3A_383 = arith.index_cast %add3A_378 : i32 to index
        %get3A_384 = tpu.vector_load %arg6[%get3A_383] {strides = array<i32>} : memref<4096xf32, #tpu.memory_space<vmem>>, vector<16xf32>,
        %add3A_385 = arith.addf %while3A_375#1, %get3A_384 : vector<16xf32>
        %swap3A_386 = arith.index_cast %add3A_378 : i32 to index
        %swap3A_387 = tpu.vector_load %arg6[%swap3A_386] {strides = array<i32>} : memref<4096xf32, #tpu.memory_space<vmem>>, vector<16xf32>,
        tpu.vector_store %arg6[%swap3A_386], %add3A_385 {strides = array<i32>} : memref<4096xf32, #tpu.memory_space<vmem>>, vector<16xf32>,
        %get3A_388 = arith.index_cast %add3A_378 : i32 to index
        %get3A_389 = tpu.vector_load %arg8[%get3A_388] {strides = array<i32>} : memref<4096xf32, #tpu.memory_space<vmem>>, vector<16xf32>,
        %add3A_390 = arith.addf %while3A_375#3, %get3A_389 : vector<16xf32>
        %swap3A_391 = arith.index_cast %add3A_378 : i32 to index
        %swap3A_392 = tpu.vector_load %arg8[%swap3A_391] {strides = array<i32>} : memref<4096xf32, #tpu.memory_space<vmem>>, vector<16xf32>,
        tpu.vector_store %arg8[%swap3A_391], %add3A_390 {strides = array<i32>} : memref<4096xf32, #tpu.memory_space<vmem>>, vector<16xf32>,
        %while3A_393 = arith.constant 0 : i32
        scf.yield %while3A_393 : i32
      }
      %while3A_256 = arith.constant 1 : i32
      %while3A_257 = scf.for %while3A_337 = %while3A_253 to %while3A_249 step %while3A_256 iter_args(%while3A_338 = %while3A_255) -> (i32)  : i32 {
        %mul3A_339 = arith.constant 16 : i32
        %mul3A_340 = arith.muli %while3A_337, %mul3A_339 : i32
        %broadcast_in_dim3A_341 = arith.constant -3.000000e+38 : f32
        %broadcast_in_dim3A_342 = vector.broadcast %broadcast_in_dim3A_341 : f32 to vector<16xf32>
        %sub3A_343 = arith.constant 1 : i32
        %sub3A_344 = arith.subi %add3A_189, %sub3A_343 : i32
        %mul3A_345 = arith.constant 64 : i32
        %mul3A_346 = arith.muli %sub3A_344, %mul3A_345 : i32
        %add3A_347 = arith.constant 1 : i32
        %add3A_348 = arith.addi %mul3A_346, %add3A_347 : i32
        %add3A_349 = arith.addi %add3A_348, %mul3A_340 : i32
        %shift_right_arithmetic3A_350 = arith.constant 2 : i32
        %shift_right_arithmetic3A_351 = arith.shrsi %add3A_189, %shift_right_arithmetic3A_350 : i32
        %while3A_352 = arith.constant 0 : i32
        %while3A_353 = arith.constant 0 : i32
        %while3A_354 = arith.subi %shift_right_arithmetic3A_351, %while3A_352 : i32
        %while3A_355 = arith.addi %while3A_352, %while3A_354 : i32
        %while3A_356 = arith.constant 1 : i32
        %while3A_357 = arith.divsi %while3A_354, %while3A_356 : i32
        %while3A_358 = arith.muli %while3A_357, %while3A_356 : i32
        %while3A_359 = arith.addi %while3A_352, %while3A_358 : i32
        %while3A_360 = arith.constant 1 : i32
        %while3A_361:7 = scf.for %while3A_394 = %while3A_352 to %while3A_359 step %while3A_360 iter_args(%while3A_395 = %broadcast_in_dim3A_342, %while3A_396 = %broadcast_in_dim3A_342, %while3A_397 = %broadcast_in_dim3A_342, %while3A_398 = %broadcast_in_dim3A_342, %while3A_399 = %mul3A_340, %while3A_400 = %add3A_349, %while3A_401 = %while3A_353) -> (vector<16xf32>, vector<16xf32>, vector<16xf32>, vector<16xf32>, i32, i32, i32)  : i32 {
          %add3A_402 = arith.constant 0 : i32
          %add3A_403 = arith.addi %while3A_399, %add3A_402 : i32
          %sub3A_404 = arith.constant 0 : i32
          %sub3A_405 = arith.subi %while3A_400, %sub3A_404 : i32
          %add3A_406 = arith.constant 0 : i32
          %add3A_407 = arith.addi %while3A_401, %add3A_406 : i32
          %get3A_408 = arith.index_cast %add3A_407 : i32 to index
          %get3A_409 = arith.index_cast %mul3A_340 : i32 to index
          %get3A_410 = tpu.vector_load %arg9[%get3A_408, %get3A_409] {strides = array<i32>} : memref<64x63xf32, #tpu.memory_space<vmem>>, vector<16xf32>,
          %get3A_411 = arith.index_cast %add3A_407 : i32 to index
          %get3A_412 = arith.index_cast %mul3A_340 : i32 to index
          %get3A_413 = tpu.vector_load %arg10[%get3A_411, %get3A_412] {strides = array<i32>} : memref<64x63xf32, #tpu.memory_space<vmem>>, vector<16xf32>,
          %get3A_414 = arith.index_cast %add3A_403 : i32 to index
          %get3A_415 = tpu.vector_load %arg5[%get3A_414] {strides = array<i32>} : memref<4096xf32, #tpu.memory_space<vmem>>, vector<16xf32>,
          %add3A_416 = arith.addf %get3A_410, %get3A_415 : vector<16xf32>
          %get3A_417 = arith.index_cast %sub3A_405 : i32 to index
          %get3A_418 = tpu.vector_load %arg5[%get3A_417] {strides = array<i32>} : memref<4096xf32, #tpu.memory_space<vmem>>, vector<16xf32>,
          %add3A_419 = arith.addf %add3A_416, %get3A_418 : vector<16xf32>
          %max3A = arith.maximumf %while3A_395, %add3A_419 : vector<16xf32>
          %get3A_420 = arith.index_cast %add3A_403 : i32 to index
          %get3A_421 = tpu.vector_load %arg6[%get3A_420] {strides = array<i32>} : memref<4096xf32, #tpu.memory_space<vmem>>, vector<16xf32>,
          %add3A_422 = arith.addf %get3A_410, %get3A_421 : vector<16xf32>
          %get3A_423 = arith.index_cast %sub3A_405 : i32 to index
          %get3A_424 = tpu.vector_load %arg6[%get3A_423] {strides = array<i32>} : memref<4096xf32, #tpu.memory_space<vmem>>, vector<16xf32>,
          %add3A_425 = arith.addf %add3A_422, %get3A_424 : vector<16xf32>
          %max3A_426 = arith.maximumf %while3A_396, %add3A_425 : vector<16xf32>
          %get3A_427 = arith.index_cast %add3A_403 : i32 to index
          %get3A_428 = tpu.vector_load %arg7[%get3A_427] {strides = array<i32>} : memref<4096xf32, #tpu.memory_space<vmem>>, vector<16xf32>,
          %add3A_429 = arith.addf %get3A_413, %get3A_428 : vector<16xf32>
          %get3A_430 = arith.index_cast %sub3A_405 : i32 to index
          %get3A_431 = tpu.vector_load %arg7[%get3A_430] {strides = array<i32>} : memref<4096xf32, #tpu.memory_space<vmem>>, vector<16xf32>,
          %add3A_432 = arith.addf %add3A_429, %get3A_431 : vector<16xf32>
          %max3A_433 = arith.maximumf %while3A_397, %add3A_432 : vector<16xf32>
          %get3A_434 = arith.index_cast %add3A_403 : i32 to index
          %get3A_435 = tpu.vector_load %arg8[%get3A_434] {strides = array<i32>} : memref<4096xf32, #tpu.memory_space<vmem>>, vector<16xf32>,
          %add3A_436 = arith.addf %get3A_413, %get3A_435 : vector<16xf32>
          %get3A_437 = arith.index_cast %sub3A_405 : i32 to index
          %get3A_438 = tpu.vector_load %arg8[%get3A_437] {strides = array<i32>} : memref<4096xf32, #tpu.memory_space<vmem>>, vector<16xf32>,
          %add3A_439 = arith.addf %add3A_436, %get3A_438 : vector<16xf32>
          %max3A_440 = arith.maximumf %while3A_398, %add3A_439 : vector<16xf32>
          %add3A_441 = arith.constant 64 : i32
          %add3A_442 = arith.addi %while3A_399, %add3A_441 : i32
          %sub3A_443 = arith.constant 63 : i32
          %sub3A_444 = arith.subi %while3A_400, %sub3A_443 : i32
          %add3A_445 = arith.constant 1 : i32
          %add3A_446 = arith.addi %while3A_401, %add3A_445 : i32
          %get3A_447 = arith.index_cast %add3A_446 : i32 to index
          %get3A_448 = arith.index_cast %mul3A_340 : i32 to index
          %get3A_449 = tpu.vector_load %arg9[%get3A_447, %get3A_448] {strides = array<i32>} : memref<64x63xf32, #tpu.memory_space<vmem>>, vector<16xf32>,
          %get3A_450 = arith.index_cast %add3A_446 : i32 to index
          %get3A_451 = arith.index_cast %mul3A_340 : i32 to index
          %get3A_452 = tpu.vector_load %arg10[%get3A_450, %get3A_451] {strides = array<i32>} : memref<64x63xf32, #tpu.memory_space<vmem>>, vector<16xf32>,
          %get3A_453 = arith.index_cast %add3A_442 : i32 to index
          %get3A_454 = tpu.vector_load %arg5[%get3A_453] {strides = array<i32>} : memref<4096xf32, #tpu.memory_space<vmem>>, vector<16xf32>,
          %add3A_455 = arith.addf %get3A_449, %get3A_454 : vector<16xf32>
          %get3A_456 = arith.index_cast %sub3A_444 : i32 to index
          %get3A_457 = tpu.vector_load %arg5[%get3A_456] {strides = array<i32>} : memref<4096xf32, #tpu.memory_space<vmem>>, vector<16xf32>,
          %add3A_458 = arith.addf %add3A_455, %get3A_457 : vector<16xf32>
          %max3A_459 = arith.maximumf %max3A, %add3A_458 : vector<16xf32>
          %get3A_460 = arith.index_cast %add3A_442 : i32 to index
          %get3A_461 = tpu.vector_load %arg6[%get3A_460] {strides = array<i32>} : memref<4096xf32, #tpu.memory_space<vmem>>, vector<16xf32>,
          %add3A_462 = arith.addf %get3A_449, %get3A_461 : vector<16xf32>
          %get3A_463 = arith.index_cast %sub3A_444 : i32 to index
          %get3A_464 = tpu.vector_load %arg6[%get3A_463] {strides = array<i32>} : memref<4096xf32, #tpu.memory_space<vmem>>, vector<16xf32>,
          %add3A_465 = arith.addf %add3A_462, %get3A_464 : vector<16xf32>
          %max3A_466 = arith.maximumf %max3A_426, %add3A_465 : vector<16xf32>
          %get3A_467 = arith.index_cast %add3A_442 : i32 to index
          %get3A_468 = tpu.vector_load %arg7[%get3A_467] {strides = array<i32>} : memref<4096xf32, #tpu.memory_space<vmem>>, vector<16xf32>,
          %add3A_469 = arith.addf %get3A_452, %get3A_468 : vector<16xf32>
          %get3A_470 = arith.index_cast %sub3A_444 : i32 to index
          %get3A_471 = tpu.vector_load %arg7[%get3A_470] {strides = array<i32>} : memref<4096xf32, #tpu.memory_space<vmem>>, vector<16xf32>,
          %add3A_472 = arith.addf %add3A_469, %get3A_471 : vector<16xf32>
          %max3A_473 = arith.maximumf %max3A_433, %add3A_472 : vector<16xf32>
          %get3A_474 = arith.index_cast %add3A_442 : i32 to index
          %get3A_475 = tpu.vector_load %arg8[%get3A_474] {strides = array<i32>} : memref<4096xf32, #tpu.memory_space<vmem>>, vector<16xf32>,
          %add3A_476 = arith.addf %get3A_452, %get3A_475 : vector<16xf32>
          %get3A_477 = arith.index_cast %sub3A_444 : i32 to index
          %get3A_478 = tpu.vector_load %arg8[%get3A_477] {strides = array<i32>} : memref<4096xf32, #tpu.memory_space<vmem>>, vector<16xf32>,
          %add3A_479 = arith.addf %add3A_476, %get3A_478 : vector<16xf32>
          %max3A_480 = arith.maximumf %max3A_440, %add3A_479 : vector<16xf32>
          %add3A_481 = arith.constant 128 : i32
          %add3A_482 = arith.addi %while3A_399, %add3A_481 : i32
          %sub3A_483 = arith.constant 126 : i32
          %sub3A_484 = arith.subi %while3A_400, %sub3A_483 : i32
          %add3A_485 = arith.constant 2 : i32
          %add3A_486 = arith.addi %while3A_401, %add3A_485 : i32
          %get3A_487 = arith.index_cast %add3A_486 : i32 to index
          %get3A_488 = arith.index_cast %mul3A_340 : i32 to index
          %get3A_489 = tpu.vector_load %arg9[%get3A_487, %get3A_488] {strides = array<i32>} : memref<64x63xf32, #tpu.memory_space<vmem>>, vector<16xf32>,
          %get3A_490 = arith.index_cast %add3A_486 : i32 to index
          %get3A_491 = arith.index_cast %mul3A_340 : i32 to index
          %get3A_492 = tpu.vector_load %arg10[%get3A_490, %get3A_491] {strides = array<i32>} : memref<64x63xf32, #tpu.memory_space<vmem>>, vector<16xf32>,
          %get3A_493 = arith.index_cast %add3A_482 : i32 to index
          %get3A_494 = tpu.vector_load %arg5[%get3A_493] {strides = array<i32>} : memref<4096xf32, #tpu.memory_space<vmem>>, vector<16xf32>,
          %add3A_495 = arith.addf %get3A_489, %get3A_494 : vector<16xf32>
          %get3A_496 = arith.index_cast %sub3A_484 : i32 to index
          %get3A_497 = tpu.vector_load %arg5[%get3A_496] {strides = array<i32>} : memref<4096xf32, #tpu.memory_space<vmem>>, vector<16xf32>,
          %add3A_498 = arith.addf %add3A_495, %get3A_497 : vector<16xf32>
          %max3A_499 = arith.maximumf %max3A_459, %add3A_498 : vector<16xf32>
          %get3A_500 = arith.index_cast %add3A_482 : i32 to index
          %get3A_501 = tpu.vector_load %arg6[%get3A_500] {strides = array<i32>} : memref<4096xf32, #tpu.memory_space<vmem>>, vector<16xf32>,
          %add3A_502 = arith.addf %get3A_489, %get3A_501 : vector<16xf32>
          %get3A_503 = arith.index_cast %sub3A_484 : i32 to index
          %get3A_504 = tpu.vector_load %arg6[%get3A_503] {strides = array<i32>} : memref<4096xf32, #tpu.memory_space<vmem>>, vector<16xf32>,
          %add3A_505 = arith.addf %add3A_502, %get3A_504 : vector<16xf32>
          %max3A_506 = arith.maximumf %max3A_466, %add3A_505 : vector<16xf32>
          %get3A_507 = arith.index_cast %add3A_482 : i32 to index
          %get3A_508 = tpu.vector_load %arg7[%get3A_507] {strides = array<i32>} : memref<4096xf32, #tpu.memory_space<vmem>>, vector<16xf32>,
          %add3A_509 = arith.addf %get3A_492, %get3A_508 : vector<16xf32>
          %get3A_510 = arith.index_cast %sub3A_484 : i32 to index
          %get3A_511 = tpu.vector_load %arg7[%get3A_510] {strides = array<i32>} : memref<4096xf32, #tpu.memory_space<vmem>>, vector<16xf32>,
          %add3A_512 = arith.addf %add3A_509, %get3A_511 : vector<16xf32>
          %max3A_513 = arith.maximumf %max3A_473, %add3A_512 : vector<16xf32>
          %get3A_514 = arith.index_cast %add3A_482 : i32 to index
          %get3A_515 = tpu.vector_load %arg8[%get3A_514] {strides = array<i32>} : memref<4096xf32, #tpu.memory_space<vmem>>, vector<16xf32>,
          %add3A_516 = arith.addf %get3A_492, %get3A_515 : vector<16xf32>
          %get3A_517 = arith.index_cast %sub3A_484 : i32 to index
          %get3A_518 = tpu.vector_load %arg8[%get3A_517] {strides = array<i32>} : memref<4096xf32, #tpu.memory_space<vmem>>, vector<16xf32>,
          %add3A_519 = arith.addf %add3A_516, %get3A_518 : vector<16xf32>
          %max3A_520 = arith.maximumf %max3A_480, %add3A_519 : vector<16xf32>
          %add3A_521 = arith.constant 192 : i32
          %add3A_522 = arith.addi %while3A_399, %add3A_521 : i32
          %sub3A_523 = arith.constant 189 : i32
          %sub3A_524 = arith.subi %while3A_400, %sub3A_523 : i32
          %add3A_525 = arith.constant 3 : i32
          %add3A_526 = arith.addi %while3A_401, %add3A_525 : i32
          %get3A_527 = arith.index_cast %add3A_526 : i32 to index
          %get3A_528 = arith.index_cast %mul3A_340 : i32 to index
          %get3A_529 = tpu.vector_load %arg9[%get3A_527, %get3A_528] {strides = array<i32>} : memref<64x63xf32, #tpu.memory_space<vmem>>, vector<16xf32>,
          %get3A_530 = arith.index_cast %add3A_526 : i32 to index
          %get3A_531 = arith.index_cast %mul3A_340 : i32 to index
          %get3A_532 = tpu.vector_load %arg10[%get3A_530, %get3A_531] {strides = array<i32>} : memref<64x63xf32, #tpu.memory_space<vmem>>, vector<16xf32>,
          %get3A_533 = arith.index_cast %add3A_522 : i32 to index
          %get3A_534 = tpu.vector_load %arg5[%get3A_533] {strides = array<i32>} : memref<4096xf32, #tpu.memory_space<vmem>>, vector<16xf32>,
          %add3A_535 = arith.addf %get3A_529, %get3A_534 : vector<16xf32>
          %get3A_536 = arith.index_cast %sub3A_524 : i32 to index
          %get3A_537 = tpu.vector_load %arg5[%get3A_536] {strides = array<i32>} : memref<4096xf32, #tpu.memory_space<vmem>>, vector<16xf32>,
          %add3A_538 = arith.addf %add3A_535, %get3A_537 : vector<16xf32>
          %max3A_539 = arith.maximumf %max3A_499, %add3A_538 : vector<16xf32>
          %get3A_540 = arith.index_cast %add3A_522 : i32 to index
          %get3A_541 = tpu.vector_load %arg6[%get3A_540] {strides = array<i32>} : memref<4096xf32, #tpu.memory_space<vmem>>, vector<16xf32>,
          %add3A_542 = arith.addf %get3A_529, %get3A_541 : vector<16xf32>
          %get3A_543 = arith.index_cast %sub3A_524 : i32 to index
          %get3A_544 = tpu.vector_load %arg6[%get3A_543] {strides = array<i32>} : memref<4096xf32, #tpu.memory_space<vmem>>, vector<16xf32>,
          %add3A_545 = arith.addf %add3A_542, %get3A_544 : vector<16xf32>
          %max3A_546 = arith.maximumf %max3A_506, %add3A_545 : vector<16xf32>
          %get3A_547 = arith.index_cast %add3A_522 : i32 to index
          %get3A_548 = tpu.vector_load %arg7[%get3A_547] {strides = array<i32>} : memref<4096xf32, #tpu.memory_space<vmem>>, vector<16xf32>,
          %add3A_549 = arith.addf %get3A_532, %get3A_548 : vector<16xf32>
          %get3A_550 = arith.index_cast %sub3A_524 : i32 to index
          %get3A_551 = tpu.vector_load %arg7[%get3A_550] {strides = array<i32>} : memref<4096xf32, #tpu.memory_space<vmem>>, vector<16xf32>,
          %add3A_552 = arith.addf %add3A_549, %get3A_551 : vector<16xf32>
          %max3A_553 = arith.maximumf %max3A_513, %add3A_552 : vector<16xf32>
          %get3A_554 = arith.index_cast %add3A_522 : i32 to index
          %get3A_555 = tpu.vector_load %arg8[%get3A_554] {strides = array<i32>} : memref<4096xf32, #tpu.memory_space<vmem>>, vector<16xf32>,
          %add3A_556 = arith.addf %get3A_532, %get3A_555 : vector<16xf32>
          %get3A_557 = arith.index_cast %sub3A_524 : i32 to index
          %get3A_558 = tpu.vector_load %arg8[%get3A_557] {strides = array<i32>} : memref<4096xf32, #tpu.memory_space<vmem>>, vector<16xf32>,
          %add3A_559 = arith.addf %add3A_556, %get3A_558 : vector<16xf32>
          %max3A_560 = arith.maximumf %max3A_520, %add3A_559 : vector<16xf32>
          %add3A_561 = arith.constant 256 : i32
          %add3A_562 = arith.addi %while3A_399, %add3A_561 : i32
          %sub3A_563 = arith.constant 252 : i32
          %sub3A_564 = arith.subi %while3A_400, %sub3A_563 : i32
          %add3A_565 = arith.constant 4 : i32
          %add3A_566 = arith.addi %while3A_401, %add3A_565 : i32
          scf.yield %max3A_539, %max3A_546, %max3A_553, %max3A_560, %add3A_562, %sub3A_564, %add3A_566 : vector<16xf32>, vector<16xf32>, vector<16xf32>, vector<16xf32>, i32, i32, i32
        }
        %while3A_362 = arith.constant 1 : i32
        %while3A_363:7 = scf.for %while3A_394 = %while3A_359 to %while3A_355 step %while3A_362 iter_args(%while3A_395 = %while3A_361#0, %while3A_396 = %while3A_361#1, %while3A_397 = %while3A_361#2, %while3A_398 = %while3A_361#3, %while3A_399 = %while3A_361#4, %while3A_400 = %while3A_361#5, %while3A_401 = %while3A_361#6) -> (vector<16xf32>, vector<16xf32>, vector<16xf32>, vector<16xf32>, i32, i32, i32)  : i32 {
          %add3A_402 = arith.constant 0 : i32
          %add3A_403 = arith.addi %while3A_399, %add3A_402 : i32
          %sub3A_404 = arith.constant 0 : i32
          %sub3A_405 = arith.subi %while3A_400, %sub3A_404 : i32
          %add3A_406 = arith.constant 0 : i32
          %add3A_407 = arith.addi %while3A_401, %add3A_406 : i32
          %get3A_408 = arith.index_cast %add3A_407 : i32 to index
          %get3A_409 = arith.index_cast %mul3A_340 : i32 to index
          %get3A_410 = tpu.vector_load %arg9[%get3A_408, %get3A_409] {strides = array<i32>} : memref<64x63xf32, #tpu.memory_space<vmem>>, vector<16xf32>,
          %get3A_411 = arith.index_cast %add3A_407 : i32 to index
          %get3A_412 = arith.index_cast %mul3A_340 : i32 to index
          %get3A_413 = tpu.vector_load %arg10[%get3A_411, %get3A_412] {strides = array<i32>} : memref<64x63xf32, #tpu.memory_space<vmem>>, vector<16xf32>,
          %get3A_414 = arith.index_cast %add3A_403 : i32 to index
          %get3A_415 = tpu.vector_load %arg5[%get3A_414] {strides = array<i32>} : memref<4096xf32, #tpu.memory_space<vmem>>, vector<16xf32>,
          %add3A_416 = arith.addf %get3A_410, %get3A_415 : vector<16xf32>
          %get3A_417 = arith.index_cast %sub3A_405 : i32 to index
          %get3A_418 = tpu.vector_load %arg5[%get3A_417] {strides = array<i32>} : memref<4096xf32, #tpu.memory_space<vmem>>, vector<16xf32>,
          %add3A_419 = arith.addf %add3A_416, %get3A_418 : vector<16xf32>
          %max3A = arith.maximumf %while3A_395, %add3A_419 : vector<16xf32>
          %get3A_420 = arith.index_cast %add3A_403 : i32 to index
          %get3A_421 = tpu.vector_load %arg6[%get3A_420] {strides = array<i32>} : memref<4096xf32, #tpu.memory_space<vmem>>, vector<16xf32>,
          %add3A_422 = arith.addf %get3A_410, %get3A_421 : vector<16xf32>
          %get3A_423 = arith.index_cast %sub3A_405 : i32 to index
          %get3A_424 = tpu.vector_load %arg6[%get3A_423] {strides = array<i32>} : memref<4096xf32, #tpu.memory_space<vmem>>, vector<16xf32>,
          %add3A_425 = arith.addf %add3A_422, %get3A_424 : vector<16xf32>
          %max3A_426 = arith.maximumf %while3A_396, %add3A_425 : vector<16xf32>
          %get3A_427 = arith.index_cast %add3A_403 : i32 to index
          %get3A_428 = tpu.vector_load %arg7[%get3A_427] {strides = array<i32>} : memref<4096xf32, #tpu.memory_space<vmem>>, vector<16xf32>,
          %add3A_429 = arith.addf %get3A_413, %get3A_428 : vector<16xf32>
          %get3A_430 = arith.index_cast %sub3A_405 : i32 to index
          %get3A_431 = tpu.vector_load %arg7[%get3A_430] {strides = array<i32>} : memref<4096xf32, #tpu.memory_space<vmem>>, vector<16xf32>,
          %add3A_432 = arith.addf %add3A_429, %get3A_431 : vector<16xf32>
          %max3A_433 = arith.maximumf %while3A_397, %add3A_432 : vector<16xf32>
          %get3A_434 = arith.index_cast %add3A_403 : i32 to index
          %get3A_435 = tpu.vector_load %arg8[%get3A_434] {strides = array<i32>} : memref<4096xf32, #tpu.memory_space<vmem>>, vector<16xf32>,
          %add3A_436 = arith.addf %get3A_413, %get3A_435 : vector<16xf32>
          %get3A_437 = arith.index_cast %sub3A_405 : i32 to index
          %get3A_438 = tpu.vector_load %arg8[%get3A_437] {strides = array<i32>} : memref<4096xf32, #tpu.memory_space<vmem>>, vector<16xf32>,
          %add3A_439 = arith.addf %add3A_436, %get3A_438 : vector<16xf32>
          %max3A_440 = arith.maximumf %while3A_398, %add3A_439 : vector<16xf32>
          %add3A_441 = arith.constant 64 : i32
          %add3A_442 = arith.addi %while3A_399, %add3A_441 : i32
          %sub3A_443 = arith.constant 63 : i32
          %sub3A_444 = arith.subi %while3A_400, %sub3A_443 : i32
          %add3A_445 = arith.constant 1 : i32
          %add3A_446 = arith.addi %while3A_401, %add3A_445 : i32
          %get3A_447 = arith.index_cast %add3A_446 : i32 to index
          %get3A_448 = arith.index_cast %mul3A_340 : i32 to index
          %get3A_449 = tpu.vector_load %arg9[%get3A_447, %get3A_448] {strides = array<i32>} : memref<64x63xf32, #tpu.memory_space<vmem>>, vector<16xf32>,
          %get3A_450 = arith.index_cast %add3A_446 : i32 to index
          %get3A_451 = arith.index_cast %mul3A_340 : i32 to index
          %get3A_452 = tpu.vector_load %arg10[%get3A_450, %get3A_451] {strides = array<i32>} : memref<64x63xf32, #tpu.memory_space<vmem>>, vector<16xf32>,
          %get3A_453 = arith.index_cast %add3A_442 : i32 to index
          %get3A_454 = tpu.vector_load %arg5[%get3A_453] {strides = array<i32>} : memref<4096xf32, #tpu.memory_space<vmem>>, vector<16xf32>,
          %add3A_455 = arith.addf %get3A_449, %get3A_454 : vector<16xf32>
          %get3A_456 = arith.index_cast %sub3A_444 : i32 to index
          %get3A_457 = tpu.vector_load %arg5[%get3A_456] {strides = array<i32>} : memref<4096xf32, #tpu.memory_space<vmem>>, vector<16xf32>,
          %add3A_458 = arith.addf %add3A_455, %get3A_457 : vector<16xf32>
          %max3A_459 = arith.maximumf %max3A, %add3A_458 : vector<16xf32>
          %get3A_460 = arith.index_cast %add3A_442 : i32 to index
          %get3A_461 = tpu.vector_load %arg6[%get3A_460] {strides = array<i32>} : memref<4096xf32, #tpu.memory_space<vmem>>, vector<16xf32>,
          %add3A_462 = arith.addf %get3A_449, %get3A_461 : vector<16xf32>
          %get3A_463 = arith.index_cast %sub3A_444 : i32 to index
          %get3A_464 = tpu.vector_load %arg6[%get3A_463] {strides = array<i32>} : memref<4096xf32, #tpu.memory_space<vmem>>, vector<16xf32>,
          %add3A_465 = arith.addf %add3A_462, %get3A_464 : vector<16xf32>
          %max3A_466 = arith.maximumf %max3A_426, %add3A_465 : vector<16xf32>
          %get3A_467 = arith.index_cast %add3A_442 : i32 to index
          %get3A_468 = tpu.vector_load %arg7[%get3A_467] {strides = array<i32>} : memref<4096xf32, #tpu.memory_space<vmem>>, vector<16xf32>,
          %add3A_469 = arith.addf %get3A_452, %get3A_468 : vector<16xf32>
          %get3A_470 = arith.index_cast %sub3A_444 : i32 to index
          %get3A_471 = tpu.vector_load %arg7[%get3A_470] {strides = array<i32>} : memref<4096xf32, #tpu.memory_space<vmem>>, vector<16xf32>,
          %add3A_472 = arith.addf %add3A_469, %get3A_471 : vector<16xf32>
          %max3A_473 = arith.maximumf %max3A_433, %add3A_472 : vector<16xf32>
          %get3A_474 = arith.index_cast %add3A_442 : i32 to index
          %get3A_475 = tpu.vector_load %arg8[%get3A_474] {strides = array<i32>} : memref<4096xf32, #tpu.memory_space<vmem>>, vector<16xf32>,
          %add3A_476 = arith.addf %get3A_452, %get3A_475 : vector<16xf32>
          %get3A_477 = arith.index_cast %sub3A_444 : i32 to index
          %get3A_478 = tpu.vector_load %arg8[%get3A_477] {strides = array<i32>} : memref<4096xf32, #tpu.memory_space<vmem>>, vector<16xf32>,
          %add3A_479 = arith.addf %add3A_476, %get3A_478 : vector<16xf32>
          %max3A_480 = arith.maximumf %max3A_440, %add3A_479 : vector<16xf32>
          %add3A_481 = arith.constant 128 : i32
          %add3A_482 = arith.addi %while3A_399, %add3A_481 : i32
          %sub3A_483 = arith.constant 126 : i32
          %sub3A_484 = arith.subi %while3A_400, %sub3A_483 : i32
          %add3A_485 = arith.constant 2 : i32
          %add3A_486 = arith.addi %while3A_401, %add3A_485 : i32
          %get3A_487 = arith.index_cast %add3A_486 : i32 to index
          %get3A_488 = arith.index_cast %mul3A_340 : i32 to index
          %get3A_489 = tpu.vector_load %arg9[%get3A_487, %get3A_488] {strides = array<i32>} : memref<64x63xf32, #tpu.memory_space<vmem>>, vector<16xf32>,
          %get3A_490 = arith.index_cast %add3A_486 : i32 to index
          %get3A_491 = arith.index_cast %mul3A_340 : i32 to index
          %get3A_492 = tpu.vector_load %arg10[%get3A_490, %get3A_491] {strides = array<i32>} : memref<64x63xf32, #tpu.memory_space<vmem>>, vector<16xf32>,
          %get3A_493 = arith.index_cast %add3A_482 : i32 to index
          %get3A_494 = tpu.vector_load %arg5[%get3A_493] {strides = array<i32>} : memref<4096xf32, #tpu.memory_space<vmem>>, vector<16xf32>,
          %add3A_495 = arith.addf %get3A_489, %get3A_494 : vector<16xf32>
          %get3A_496 = arith.index_cast %sub3A_484 : i32 to index
          %get3A_497 = tpu.vector_load %arg5[%get3A_496] {strides = array<i32>} : memref<4096xf32, #tpu.memory_space<vmem>>, vector<16xf32>,
          %add3A_498 = arith.addf %add3A_495, %get3A_497 : vector<16xf32>
          %max3A_499 = arith.maximumf %max3A_459, %add3A_498 : vector<16xf32>
          %get3A_500 = arith.index_cast %add3A_482 : i32 to index
          %get3A_501 = tpu.vector_load %arg6[%get3A_500] {strides = array<i32>} : memref<4096xf32, #tpu.memory_space<vmem>>, vector<16xf32>,
          %add3A_502 = arith.addf %get3A_489, %get3A_501 : vector<16xf32>
          %get3A_503 = arith.index_cast %sub3A_484 : i32 to index
          %get3A_504 = tpu.vector_load %arg6[%get3A_503] {strides = array<i32>} : memref<4096xf32, #tpu.memory_space<vmem>>, vector<16xf32>,
          %add3A_505 = arith.addf %add3A_502, %get3A_504 : vector<16xf32>
          %max3A_506 = arith.maximumf %max3A_466, %add3A_505 : vector<16xf32>
          %get3A_507 = arith.index_cast %add3A_482 : i32 to index
          %get3A_508 = tpu.vector_load %arg7[%get3A_507] {strides = array<i32>} : memref<4096xf32, #tpu.memory_space<vmem>>, vector<16xf32>,
          %add3A_509 = arith.addf %get3A_492, %get3A_508 : vector<16xf32>
          %get3A_510 = arith.index_cast %sub3A_484 : i32 to index
          %get3A_511 = tpu.vector_load %arg7[%get3A_510] {strides = array<i32>} : memref<4096xf32, #tpu.memory_space<vmem>>, vector<16xf32>,
          %add3A_512 = arith.addf %add3A_509, %get3A_511 : vector<16xf32>
          %max3A_513 = arith.maximumf %max3A_473, %add3A_512 : vector<16xf32>
          %get3A_514 = arith.index_cast %add3A_482 : i32 to index
          %get3A_515 = tpu.vector_load %arg8[%get3A_514] {strides = array<i32>} : memref<4096xf32, #tpu.memory_space<vmem>>, vector<16xf32>,
          %add3A_516 = arith.addf %get3A_492, %get3A_515 : vector<16xf32>
          %get3A_517 = arith.index_cast %sub3A_484 : i32 to index
          %get3A_518 = tpu.vector_load %arg8[%get3A_517] {strides = array<i32>} : memref<4096xf32, #tpu.memory_space<vmem>>, vector<16xf32>,
          %add3A_519 = arith.addf %add3A_516, %get3A_518 : vector<16xf32>
          %max3A_520 = arith.maximumf %max3A_480, %add3A_519 : vector<16xf32>
          %add3A_521 = arith.constant 192 : i32
          %add3A_522 = arith.addi %while3A_399, %add3A_521 : i32
          %sub3A_523 = arith.constant 189 : i32
          %sub3A_524 = arith.subi %while3A_400, %sub3A_523 : i32
          %add3A_525 = arith.constant 3 : i32
          %add3A_526 = arith.addi %while3A_401, %add3A_525 : i32
          %get3A_527 = arith.index_cast %add3A_526 : i32 to index
          %get3A_528 = arith.index_cast %mul3A_340 : i32 to index
          %get3A_529 = tpu.vector_load %arg9[%get3A_527, %get3A_528] {strides = array<i32>} : memref<64x63xf32, #tpu.memory_space<vmem>>, vector<16xf32>,
          %get3A_530 = arith.index_cast %add3A_526 : i32 to index
          %get3A_531 = arith.index_cast %mul3A_340 : i32 to index
          %get3A_532 = tpu.vector_load %arg10[%get3A_530, %get3A_531] {strides = array<i32>} : memref<64x63xf32, #tpu.memory_space<vmem>>, vector<16xf32>,
          %get3A_533 = arith.index_cast %add3A_522 : i32 to index
          %get3A_534 = tpu.vector_load %arg5[%get3A_533] {strides = array<i32>} : memref<4096xf32, #tpu.memory_space<vmem>>, vector<16xf32>,
          %add3A_535 = arith.addf %get3A_529, %get3A_534 : vector<16xf32>
          %get3A_536 = arith.index_cast %sub3A_524 : i32 to index
          %get3A_537 = tpu.vector_load %arg5[%get3A_536] {strides = array<i32>} : memref<4096xf32, #tpu.memory_space<vmem>>, vector<16xf32>,
          %add3A_538 = arith.addf %add3A_535, %get3A_537 : vector<16xf32>
          %max3A_539 = arith.maximumf %max3A_499, %add3A_538 : vector<16xf32>
          %get3A_540 = arith.index_cast %add3A_522 : i32 to index
          %get3A_541 = tpu.vector_load %arg6[%get3A_540] {strides = array<i32>} : memref<4096xf32, #tpu.memory_space<vmem>>, vector<16xf32>,
          %add3A_542 = arith.addf %get3A_529, %get3A_541 : vector<16xf32>
          %get3A_543 = arith.index_cast %sub3A_524 : i32 to index
          %get3A_544 = tpu.vector_load %arg6[%get3A_543] {strides = array<i32>} : memref<4096xf32, #tpu.memory_space<vmem>>, vector<16xf32>,
          %add3A_545 = arith.addf %add3A_542, %get3A_544 : vector<16xf32>
          %max3A_546 = arith.maximumf %max3A_506, %add3A_545 : vector<16xf32>
          %get3A_547 = arith.index_cast %add3A_522 : i32 to index
          %get3A_548 = tpu.vector_load %arg7[%get3A_547] {strides = array<i32>} : memref<4096xf32, #tpu.memory_space<vmem>>, vector<16xf32>,
          %add3A_549 = arith.addf %get3A_532, %get3A_548 : vector<16xf32>
          %get3A_550 = arith.index_cast %sub3A_524 : i32 to index
          %get3A_551 = tpu.vector_load %arg7[%get3A_550] {strides = array<i32>} : memref<4096xf32, #tpu.memory_space<vmem>>, vector<16xf32>,
          %add3A_552 = arith.addf %add3A_549, %get3A_551 : vector<16xf32>
          %max3A_553 = arith.maximumf %max3A_513, %add3A_552 : vector<16xf32>
          %get3A_554 = arith.index_cast %add3A_522 : i32 to index
          %get3A_555 = tpu.vector_load %arg8[%get3A_554] {strides = array<i32>} : memref<4096xf32, #tpu.memory_space<vmem>>, vector<16xf32>,
          %add3A_556 = arith.addf %get3A_532, %get3A_555 : vector<16xf32>
          %get3A_557 = arith.index_cast %sub3A_524 : i32 to index
          %get3A_558 = tpu.vector_load %arg8[%get3A_557] {strides = array<i32>} : memref<4096xf32, #tpu.memory_space<vmem>>, vector<16xf32>,
          %add3A_559 = arith.addf %add3A_556, %get3A_558 : vector<16xf32>
          %max3A_560 = arith.maximumf %max3A_520, %add3A_559 : vector<16xf32>
          %add3A_561 = arith.constant 256 : i32
          %add3A_562 = arith.addi %while3A_399, %add3A_561 : i32
          %sub3A_563 = arith.constant 252 : i32
          %sub3A_564 = arith.subi %while3A_400, %sub3A_563 : i32
          %add3A_565 = arith.constant 4 : i32
          %add3A_566 = arith.addi %while3A_401, %add3A_565 : i32
          scf.yield %max3A_539, %max3A_546, %max3A_553, %max3A_560, %add3A_562, %sub3A_564, %add3A_566 : vector<16xf32>, vector<16xf32>, vector<16xf32>, vector<16xf32>, i32, i32, i32
        }
        %and3A_364 = arith.constant -4 : i32
        %and3A_365 = arith.andi %add3A_189, %and3A_364 : i32
        %while3A_366 = arith.subi %add3A_189, %and3A_365 : i32
        %while3A_367 = arith.addi %and3A_365, %while3A_366 : i32
        %while3A_368 = arith.constant 1 : i32
        %while3A_369 = arith.divsi %while3A_366, %while3A_368 : i32
        %while3A_370 = arith.muli %while3A_369, %while3A_368 : i32
        %while3A_371 = arith.addi %and3A_365, %while3A_370 : i32
        %while3A_372 = arith.constant 1 : i32
        %while3A_373:7 = scf.for %while3A_394 = %and3A_365 to %while3A_371 step %while3A_372 iter_args(%while3A_395 = %while3A_363#0, %while3A_396 = %while3A_363#1, %while3A_397 = %while3A_363#2, %while3A_398 = %while3A_363#3, %while3A_399 = %while3A_363#4, %while3A_400 = %while3A_363#5, %while3A_401 = %while3A_363#6) -> (vector<16xf32>, vector<16xf32>, vector<16xf32>, vector<16xf32>, i32, i32, i32)  : i32 {
          %add3A_402 = arith.constant 0 : i32
          %add3A_403 = arith.addi %while3A_399, %add3A_402 : i32
          %sub3A_404 = arith.constant 0 : i32
          %sub3A_405 = arith.subi %while3A_400, %sub3A_404 : i32
          %add3A_406 = arith.constant 0 : i32
          %add3A_407 = arith.addi %while3A_401, %add3A_406 : i32
          %get3A_408 = arith.index_cast %add3A_407 : i32 to index
          %get3A_409 = arith.index_cast %mul3A_340 : i32 to index
          %get3A_410 = tpu.vector_load %arg9[%get3A_408, %get3A_409] {strides = array<i32>} : memref<64x63xf32, #tpu.memory_space<vmem>>, vector<16xf32>,
          %get3A_411 = arith.index_cast %add3A_407 : i32 to index
          %get3A_412 = arith.index_cast %mul3A_340 : i32 to index
          %get3A_413 = tpu.vector_load %arg10[%get3A_411, %get3A_412] {strides = array<i32>} : memref<64x63xf32, #tpu.memory_space<vmem>>, vector<16xf32>,
          %get3A_414 = arith.index_cast %add3A_403 : i32 to index
          %get3A_415 = tpu.vector_load %arg5[%get3A_414] {strides = array<i32>} : memref<4096xf32, #tpu.memory_space<vmem>>, vector<16xf32>,
          %add3A_416 = arith.addf %get3A_410, %get3A_415 : vector<16xf32>
          %get3A_417 = arith.index_cast %sub3A_405 : i32 to index
          %get3A_418 = tpu.vector_load %arg5[%get3A_417] {strides = array<i32>} : memref<4096xf32, #tpu.memory_space<vmem>>, vector<16xf32>,
          %add3A_419 = arith.addf %add3A_416, %get3A_418 : vector<16xf32>
          %max3A = arith.maximumf %while3A_395, %add3A_419 : vector<16xf32>
          %get3A_420 = arith.index_cast %add3A_403 : i32 to index
          %get3A_421 = tpu.vector_load %arg6[%get3A_420] {strides = array<i32>} : memref<4096xf32, #tpu.memory_space<vmem>>, vector<16xf32>,
          %add3A_422 = arith.addf %get3A_410, %get3A_421 : vector<16xf32>
          %get3A_423 = arith.index_cast %sub3A_405 : i32 to index
          %get3A_424 = tpu.vector_load %arg6[%get3A_423] {strides = array<i32>} : memref<4096xf32, #tpu.memory_space<vmem>>, vector<16xf32>,
          %add3A_425 = arith.addf %add3A_422, %get3A_424 : vector<16xf32>
          %max3A_426 = arith.maximumf %while3A_396, %add3A_425 : vector<16xf32>
          %get3A_427 = arith.index_cast %add3A_403 : i32 to index
          %get3A_428 = tpu.vector_load %arg7[%get3A_427] {strides = array<i32>} : memref<4096xf32, #tpu.memory_space<vmem>>, vector<16xf32>,
          %add3A_429 = arith.addf %get3A_413, %get3A_428 : vector<16xf32>
          %get3A_430 = arith.index_cast %sub3A_405 : i32 to index
          %get3A_431 = tpu.vector_load %arg7[%get3A_430] {strides = array<i32>} : memref<4096xf32, #tpu.memory_space<vmem>>, vector<16xf32>,
          %add3A_432 = arith.addf %add3A_429, %get3A_431 : vector<16xf32>
          %max3A_433 = arith.maximumf %while3A_397, %add3A_432 : vector<16xf32>
          %get3A_434 = arith.index_cast %add3A_403 : i32 to index
          %get3A_435 = tpu.vector_load %arg8[%get3A_434] {strides = array<i32>} : memref<4096xf32, #tpu.memory_space<vmem>>, vector<16xf32>,
          %add3A_436 = arith.addf %get3A_413, %get3A_435 : vector<16xf32>
          %get3A_437 = arith.index_cast %sub3A_405 : i32 to index
          %get3A_438 = tpu.vector_load %arg8[%get3A_437] {strides = array<i32>} : memref<4096xf32, #tpu.memory_space<vmem>>, vector<16xf32>,
          %add3A_439 = arith.addf %add3A_436, %get3A_438 : vector<16xf32>
          %max3A_440 = arith.maximumf %while3A_398, %add3A_439 : vector<16xf32>
          %add3A_441 = arith.constant 64 : i32
          %add3A_442 = arith.addi %while3A_399, %add3A_441 : i32
          %sub3A_443 = arith.constant 63 : i32
          %sub3A_444 = arith.subi %while3A_400, %sub3A_443 : i32
          %add3A_445 = arith.constant 1 : i32
          %add3A_446 = arith.addi %while3A_401, %add3A_445 : i32
          scf.yield %max3A, %max3A_426, %max3A_433, %max3A_440, %add3A_442, %sub3A_444, %add3A_446 : vector<16xf32>, vector<16xf32>, vector<16xf32>, vector<16xf32>, i32, i32, i32
        }
        %while3A_374 = arith.constant 1 : i32
        %while3A_375:7 = scf.for %while3A_394 = %while3A_371 to %while3A_367 step %while3A_374 iter_args(%while3A_395 = %while3A_373#0, %while3A_396 = %while3A_373#1, %while3A_397 = %while3A_373#2, %while3A_398 = %while3A_373#3, %while3A_399 = %while3A_373#4, %while3A_400 = %while3A_373#5, %while3A_401 = %while3A_373#6) -> (vector<16xf32>, vector<16xf32>, vector<16xf32>, vector<16xf32>, i32, i32, i32)  : i32 {
          %add3A_402 = arith.constant 0 : i32
          %add3A_403 = arith.addi %while3A_399, %add3A_402 : i32
          %sub3A_404 = arith.constant 0 : i32
          %sub3A_405 = arith.subi %while3A_400, %sub3A_404 : i32
          %add3A_406 = arith.constant 0 : i32
          %add3A_407 = arith.addi %while3A_401, %add3A_406 : i32
          %get3A_408 = arith.index_cast %add3A_407 : i32 to index
          %get3A_409 = arith.index_cast %mul3A_340 : i32 to index
          %get3A_410 = tpu.vector_load %arg9[%get3A_408, %get3A_409] {strides = array<i32>} : memref<64x63xf32, #tpu.memory_space<vmem>>, vector<16xf32>,
          %get3A_411 = arith.index_cast %add3A_407 : i32 to index
          %get3A_412 = arith.index_cast %mul3A_340 : i32 to index
          %get3A_413 = tpu.vector_load %arg10[%get3A_411, %get3A_412] {strides = array<i32>} : memref<64x63xf32, #tpu.memory_space<vmem>>, vector<16xf32>,
          %get3A_414 = arith.index_cast %add3A_403 : i32 to index
          %get3A_415 = tpu.vector_load %arg5[%get3A_414] {strides = array<i32>} : memref<4096xf32, #tpu.memory_space<vmem>>, vector<16xf32>,
          %add3A_416 = arith.addf %get3A_410, %get3A_415 : vector<16xf32>
          %get3A_417 = arith.index_cast %sub3A_405 : i32 to index
          %get3A_418 = tpu.vector_load %arg5[%get3A_417] {strides = array<i32>} : memref<4096xf32, #tpu.memory_space<vmem>>, vector<16xf32>,
          %add3A_419 = arith.addf %add3A_416, %get3A_418 : vector<16xf32>
          %max3A = arith.maximumf %while3A_395, %add3A_419 : vector<16xf32>
          %get3A_420 = arith.index_cast %add3A_403 : i32 to index
          %get3A_421 = tpu.vector_load %arg6[%get3A_420] {strides = array<i32>} : memref<4096xf32, #tpu.memory_space<vmem>>, vector<16xf32>,
          %add3A_422 = arith.addf %get3A_410, %get3A_421 : vector<16xf32>
          %get3A_423 = arith.index_cast %sub3A_405 : i32 to index
          %get3A_424 = tpu.vector_load %arg6[%get3A_423] {strides = array<i32>} : memref<4096xf32, #tpu.memory_space<vmem>>, vector<16xf32>,
          %add3A_425 = arith.addf %add3A_422, %get3A_424 : vector<16xf32>
          %max3A_426 = arith.maximumf %while3A_396, %add3A_425 : vector<16xf32>
          %get3A_427 = arith.index_cast %add3A_403 : i32 to index
          %get3A_428 = tpu.vector_load %arg7[%get3A_427] {strides = array<i32>} : memref<4096xf32, #tpu.memory_space<vmem>>, vector<16xf32>,
          %add3A_429 = arith.addf %get3A_413, %get3A_428 : vector<16xf32>
          %get3A_430 = arith.index_cast %sub3A_405 : i32 to index
          %get3A_431 = tpu.vector_load %arg7[%get3A_430] {strides = array<i32>} : memref<4096xf32, #tpu.memory_space<vmem>>, vector<16xf32>,
          %add3A_432 = arith.addf %add3A_429, %get3A_431 : vector<16xf32>
          %max3A_433 = arith.maximumf %while3A_397, %add3A_432 : vector<16xf32>
          %get3A_434 = arith.index_cast %add3A_403 : i32 to index
          %get3A_435 = tpu.vector_load %arg8[%get3A_434] {strides = array<i32>} : memref<4096xf32, #tpu.memory_space<vmem>>, vector<16xf32>,
          %add3A_436 = arith.addf %get3A_413, %get3A_435 : vector<16xf32>
          %get3A_437 = arith.index_cast %sub3A_405 : i32 to index
          %get3A_438 = tpu.vector_load %arg8[%get3A_437] {strides = array<i32>} : memref<4096xf32, #tpu.memory_space<vmem>>, vector<16xf32>,
          %add3A_439 = arith.addf %add3A_436, %get3A_438 : vector<16xf32>
          %max3A_440 = arith.maximumf %while3A_398, %add3A_439 : vector<16xf32>
          %add3A_441 = arith.constant 64 : i32
          %add3A_442 = arith.addi %while3A_399, %add3A_441 : i32
          %sub3A_443 = arith.constant 63 : i32
          %sub3A_444 = arith.subi %while3A_400, %sub3A_443 : i32
          %add3A_445 = arith.constant 1 : i32
          %add3A_446 = arith.addi %while3A_401, %add3A_445 : i32
          scf.yield %max3A, %max3A_426, %max3A_433, %max3A_440, %add3A_442, %sub3A_444, %add3A_446 : vector<16xf32>, vector<16xf32>, vector<16xf32>, vector<16xf32>, i32, i32, i32
        }
        %mul3A_376 = arith.constant 64 : i32
        %mul3A_377 = arith.muli %add3A_189, %mul3A_376 : i32
        %add3A_378 = arith.addi %mul3A_377, %mul3A_340 : i32
        %swap3A_379 = arith.index_cast %add3A_378 : i32 to index
        %swap3A_380 = tpu.vector_load %arg5[%swap3A_379] {strides = array<i32>} : memref<4096xf32, #tpu.memory_space<vmem>>, vector<16xf32>,
        tpu.vector_store %arg5[%swap3A_379], %while3A_375#0 {strides = array<i32>} : memref<4096xf32, #tpu.memory_space<vmem>>, vector<16xf32>,
        %swap3A_381 = arith.index_cast %add3A_378 : i32 to index
        %swap3A_382 = tpu.vector_load %arg7[%swap3A_381] {strides = array<i32>} : memref<4096xf32, #tpu.memory_space<vmem>>, vector<16xf32>,
        tpu.vector_store %arg7[%swap3A_381], %while3A_375#2 {strides = array<i32>} : memref<4096xf32, #tpu.memory_space<vmem>>, vector<16xf32>,
        %get3A_383 = arith.index_cast %add3A_378 : i32 to index
        %get3A_384 = tpu.vector_load %arg6[%get3A_383] {strides = array<i32>} : memref<4096xf32, #tpu.memory_space<vmem>>, vector<16xf32>,
        %add3A_385 = arith.addf %while3A_375#1, %get3A_384 : vector<16xf32>
        %swap3A_386 = arith.index_cast %add3A_378 : i32 to index
        %swap3A_387 = tpu.vector_load %arg6[%swap3A_386] {strides = array<i32>} : memref<4096xf32, #tpu.memory_space<vmem>>, vector<16xf32>,
        tpu.vector_store %arg6[%swap3A_386], %add3A_385 {strides = array<i32>} : memref<4096xf32, #tpu.memory_space<vmem>>, vector<16xf32>,
        %get3A_388 = arith.index_cast %add3A_378 : i32 to index
        %get3A_389 = tpu.vector_load %arg8[%get3A_388] {strides = array<i32>} : memref<4096xf32, #tpu.memory_space<vmem>>, vector<16xf32>,
        %add3A_390 = arith.addf %while3A_375#3, %get3A_389 : vector<16xf32>
        %swap3A_391 = arith.index_cast %add3A_378 : i32 to index
        %swap3A_392 = tpu.vector_load %arg8[%swap3A_391] {strides = array<i32>} : memref<4096xf32, #tpu.memory_space<vmem>>, vector<16xf32>,
        tpu.vector_store %arg8[%swap3A_391], %add3A_390 {strides = array<i32>} : memref<4096xf32, #tpu.memory_space<vmem>>, vector<16xf32>,
        %while3A_393 = arith.constant 0 : i32
        scf.yield %while3A_393 : i32
      }
      %add3A_258 = arith.constant 1 : i32
      %add3A_259 = arith.addi %add3A_189, %add3A_258 : i32
      %add3A_260 = arith.constant 7 : i32
      %add3A_261 = arith.addi %add3A_259, %add3A_260 : i32
      %shift_right_arithmetic3A_262 = arith.constant 3 : i32
      %shift_right_arithmetic3A_263 = arith.shrsi %add3A_261, %shift_right_arithmetic3A_262 : i32
      %while3A_264 = arith.constant 0 : i32
      %while3A_265 = arith.constant 0 : i32
      %while3A_266 = arith.subi %shift_right_arithmetic3A_263, %while3A_264 : i32
      %while3A_267 = arith.addi %while3A_264, %while3A_266 : i32
      %while3A_268 = arith.constant 1 : i32
      %while3A_269 = arith.divsi %while3A_266, %while3A_268 : i32
      %while3A_270 = arith.muli %while3A_269, %while3A_268 : i32
      %while3A_271 = arith.addi %while3A_264, %while3A_270 : i32
      %while3A_272 = arith.constant 1 : i32
      %while3A_273 = scf.for %while3A_337 = %while3A_264 to %while3A_271 step %while3A_272 iter_args(%while3A_338 = %while3A_265) -> (i32)  : i32 {
        %sub3A_339 = arith.constant 1 : i32
        %sub3A_340 = arith.subi %add3A_259, %sub3A_339 : i32
        %mul3A_341 = arith.constant 8 : i32
        %mul3A_342 = arith.muli %while3A_337, %mul3A_341 : i32
        %mul3A_343 = arith.constant 8 : i32
        %mul3A_344 = arith.muli %while3A_337, %mul3A_343 : i32
        %dma_wait3A = arith.constant 0 : i32
        %dma_wait3A_345 = tpu.memref_slice %arg11[%mul3A_344, %dma_wait3A] : memref<64x63xf32, #tpu.memory_space<vmem>> -> memref<8x63xf32, #tpu.memory_space<vmem>>
        %dma_wait3A_346 = arith.constant 0 : i32
        %dma_wait3A_347 = tpu.memref_slice %arg2[%sub3A_340, %mul3A_342, %mul3A_2, %dma_wait3A_346] : memref<63x63x64x63xf32, #tpu.memory_space<hbm>> -> memref<1x8x1x63xf32, #tpu.memory_space<hbm>>
        %dma_wait3A_348 = tpu.memref_squeeze %dma_wait3A_347 : memref<1x8x1x63xf32, #tpu.memory_space<hbm>> -> memref<8x63xf32, #tpu.memory_space<hbm>>
        %dma_wait3A_349 = arith.constant 0 : i32
        %dma_wait3A_350 = tpu.memref_slice %arg11[%mul3A_344, %dma_wait3A_349] : memref<64x63xf32, #tpu.memory_space<vmem>> -> memref<8x63xf32, #tpu.memory_space<vmem>>
        %dma_wait3A_351 = arith.constant 0 : i32
        %dma_wait3A_352 = tpu.memref_slice %arg2[%sub3A_340, %mul3A_342, %mul3A_2, %dma_wait3A_351] : memref<63x63x64x63xf32, #tpu.memory_space<hbm>> -> memref<1x8x1x63xf32, #tpu.memory_space<hbm>>
        %dma_wait3A_353 = tpu.memref_squeeze %dma_wait3A_352 : memref<1x8x1x63xf32, #tpu.memory_space<hbm>> -> memref<8x63xf32, #tpu.memory_space<hbm>>
        tpu.wait_dma2 semaphore(%arg18 : memref<!tpu.dma_semaphore, #tpu.memory_space<semaphore_mem>>) src(%dma_wait3A_353 : memref<8x63xf32, #tpu.memory_space<hbm>>) dst(%dma_wait3A_350 : memref<8x63xf32, #tpu.memory_space<vmem>>)
        %sub3A_354 = arith.constant 1 : i32
        %sub3A_355 = arith.subi %add3A_259, %sub3A_354 : i32
        %mul3A_356 = arith.constant 8 : i32
        %mul3A_357 = arith.muli %while3A_337, %mul3A_356 : i32
        %mul3A_358 = arith.constant 8 : i32
        %mul3A_359 = arith.muli %while3A_337, %mul3A_358 : i32
        %dma_wait3A_360 = arith.constant 0 : i32
        %dma_wait3A_361 = tpu.memref_slice %arg12[%mul3A_359, %dma_wait3A_360] : memref<64x63xf32, #tpu.memory_space<vmem>> -> memref<8x63xf32, #tpu.memory_space<vmem>>
        %dma_wait3A_362 = arith.constant 0 : i32
        %dma_wait3A_363 = tpu.memref_slice %arg2[%sub3A_355, %mul3A_357, %add3A_4, %dma_wait3A_362] : memref<63x63x64x63xf32, #tpu.memory_space<hbm>> -> memref<1x8x1x63xf32, #tpu.memory_space<hbm>>
        %dma_wait3A_364 = tpu.memref_squeeze %dma_wait3A_363 : memref<1x8x1x63xf32, #tpu.memory_space<hbm>> -> memref<8x63xf32, #tpu.memory_space<hbm>>
        %dma_wait3A_365 = arith.constant 0 : i32
        %dma_wait3A_366 = tpu.memref_slice %arg12[%mul3A_359, %dma_wait3A_365] : memref<64x63xf32, #tpu.memory_space<vmem>> -> memref<8x63xf32, #tpu.memory_space<vmem>>
        %dma_wait3A_367 = arith.constant 0 : i32
        %dma_wait3A_368 = tpu.memref_slice %arg2[%sub3A_355, %mul3A_357, %add3A_4, %dma_wait3A_367] : memref<63x63x64x63xf32, #tpu.memory_space<hbm>> -> memref<1x8x1x63xf32, #tpu.memory_space<hbm>>
        %dma_wait3A_369 = tpu.memref_squeeze %dma_wait3A_368 : memref<1x8x1x63xf32, #tpu.memory_space<hbm>> -> memref<8x63xf32, #tpu.memory_space<hbm>>
        tpu.wait_dma2 semaphore(%arg19 : memref<!tpu.dma_semaphore, #tpu.memory_space<semaphore_mem>>) src(%dma_wait3A_369 : memref<8x63xf32, #tpu.memory_space<hbm>>) dst(%dma_wait3A_366 : memref<8x63xf32, #tpu.memory_space<vmem>>)
        %while3A_370 = arith.constant 0 : i32
        scf.yield %while3A_370 : i32
      }
      %while3A_274 = arith.constant 1 : i32
      %while3A_275 = scf.for %while3A_337 = %while3A_271 to %while3A_267 step %while3A_274 iter_args(%while3A_338 = %while3A_273) -> (i32)  : i32 {
        %sub3A_339 = arith.constant 1 : i32
        %sub3A_340 = arith.subi %add3A_259, %sub3A_339 : i32
        %mul3A_341 = arith.constant 8 : i32
        %mul3A_342 = arith.muli %while3A_337, %mul3A_341 : i32
        %mul3A_343 = arith.constant 8 : i32
        %mul3A_344 = arith.muli %while3A_337, %mul3A_343 : i32
        %dma_wait3A = arith.constant 0 : i32
        %dma_wait3A_345 = tpu.memref_slice %arg11[%mul3A_344, %dma_wait3A] : memref<64x63xf32, #tpu.memory_space<vmem>> -> memref<8x63xf32, #tpu.memory_space<vmem>>
        %dma_wait3A_346 = arith.constant 0 : i32
        %dma_wait3A_347 = tpu.memref_slice %arg2[%sub3A_340, %mul3A_342, %mul3A_2, %dma_wait3A_346] : memref<63x63x64x63xf32, #tpu.memory_space<hbm>> -> memref<1x8x1x63xf32, #tpu.memory_space<hbm>>
        %dma_wait3A_348 = tpu.memref_squeeze %dma_wait3A_347 : memref<1x8x1x63xf32, #tpu.memory_space<hbm>> -> memref<8x63xf32, #tpu.memory_space<hbm>>
        %dma_wait3A_349 = arith.constant 0 : i32
        %dma_wait3A_350 = tpu.memref_slice %arg11[%mul3A_344, %dma_wait3A_349] : memref<64x63xf32, #tpu.memory_space<vmem>> -> memref<8x63xf32, #tpu.memory_space<vmem>>
        %dma_wait3A_351 = arith.constant 0 : i32
        %dma_wait3A_352 = tpu.memref_slice %arg2[%sub3A_340, %mul3A_342, %mul3A_2, %dma_wait3A_351] : memref<63x63x64x63xf32, #tpu.memory_space<hbm>> -> memref<1x8x1x63xf32, #tpu.memory_space<hbm>>
        %dma_wait3A_353 = tpu.memref_squeeze %dma_wait3A_352 : memref<1x8x1x63xf32, #tpu.memory_space<hbm>> -> memref<8x63xf32, #tpu.memory_space<hbm>>
        tpu.wait_dma2 semaphore(%arg18 : memref<!tpu.dma_semaphore, #tpu.memory_space<semaphore_mem>>) src(%dma_wait3A_353 : memref<8x63xf32, #tpu.memory_space<hbm>>) dst(%dma_wait3A_350 : memref<8x63xf32, #tpu.memory_space<vmem>>)
        %sub3A_354 = arith.constant 1 : i32
        %sub3A_355 = arith.subi %add3A_259, %sub3A_354 : i32
        %mul3A_356 = arith.constant 8 : i32
        %mul3A_357 = arith.muli %while3A_337, %mul3A_356 : i32
        %mul3A_358 = arith.constant 8 : i32
        %mul3A_359 = arith.muli %while3A_337, %mul3A_358 : i32
        %dma_wait3A_360 = arith.constant 0 : i32
        %dma_wait3A_361 = tpu.memref_slice %arg12[%mul3A_359, %dma_wait3A_360] : memref<64x63xf32, #tpu.memory_space<vmem>> -> memref<8x63xf32, #tpu.memory_space<vmem>>
        %dma_wait3A_362 = arith.constant 0 : i32
        %dma_wait3A_363 = tpu.memref_slice %arg2[%sub3A_355, %mul3A_357, %add3A_4, %dma_wait3A_362] : memref<63x63x64x63xf32, #tpu.memory_space<hbm>> -> memref<1x8x1x63xf32, #tpu.memory_space<hbm>>
        %dma_wait3A_364 = tpu.memref_squeeze %dma_wait3A_363 : memref<1x8x1x63xf32, #tpu.memory_space<hbm>> -> memref<8x63xf32, #tpu.memory_space<hbm>>
        %dma_wait3A_365 = arith.constant 0 : i32
        %dma_wait3A_366 = tpu.memref_slice %arg12[%mul3A_359, %dma_wait3A_365] : memref<64x63xf32, #tpu.memory_space<vmem>> -> memref<8x63xf32, #tpu.memory_space<vmem>>
        %dma_wait3A_367 = arith.constant 0 : i32
        %dma_wait3A_368 = tpu.memref_slice %arg2[%sub3A_355, %mul3A_357, %add3A_4, %dma_wait3A_367] : memref<63x63x64x63xf32, #tpu.memory_space<hbm>> -> memref<1x8x1x63xf32, #tpu.memory_space<hbm>>
        %dma_wait3A_369 = tpu.memref_squeeze %dma_wait3A_368 : memref<1x8x1x63xf32, #tpu.memory_space<hbm>> -> memref<8x63xf32, #tpu.memory_space<hbm>>
        tpu.wait_dma2 semaphore(%arg19 : memref<!tpu.dma_semaphore, #tpu.memory_space<semaphore_mem>>) src(%dma_wait3A_369 : memref<8x63xf32, #tpu.memory_space<hbm>>) dst(%dma_wait3A_366 : memref<8x63xf32, #tpu.memory_space<vmem>>)
        %while3A_370 = arith.constant 0 : i32
        scf.yield %while3A_370 : i32
      }
      %add3A_276 = arith.constant 2 : i32
      %add3A_277 = arith.addi %add3A_189, %add3A_276 : i32
      %add3A_278 = arith.constant 7 : i32
      %add3A_279 = arith.addi %add3A_277, %add3A_278 : i32
      %shift_right_arithmetic3A_280 = arith.constant 3 : i32
      %shift_right_arithmetic3A_281 = arith.shrsi %add3A_279, %shift_right_arithmetic3A_280 : i32
      %while3A_282 = arith.constant 0 : i32
      %while3A_283 = arith.constant 0 : i32
      %while3A_284 = arith.subi %shift_right_arithmetic3A_281, %while3A_282 : i32
      %while3A_285 = arith.addi %while3A_282, %while3A_284 : i32
      %while3A_286 = arith.constant 1 : i32
      %while3A_287 = arith.divsi %while3A_284, %while3A_286 : i32
      %while3A_288 = arith.muli %while3A_287, %while3A_286 : i32
      %while3A_289 = arith.addi %while3A_282, %while3A_288 : i32
      %while3A_290 = arith.constant 1 : i32
      %while3A_291 = scf.for %while3A_337 = %while3A_282 to %while3A_289 step %while3A_290 iter_args(%while3A_338 = %while3A_283) -> (i32)  : i32 {
        %sub3A_339 = arith.constant 1 : i32
        %sub3A_340 = arith.subi %add3A_277, %sub3A_339 : i32
        %mul3A_341 = arith.constant 8 : i32
        %mul3A_342 = arith.muli %while3A_337, %mul3A_341 : i32
        %mul3A_343 = arith.constant 8 : i32
        %mul3A_344 = arith.muli %while3A_337, %mul3A_343 : i32
        %dma_start3A_345 = arith.constant 0 : i32
        %dma_start3A_346 = tpu.memref_slice %arg9[%mul3A_344, %dma_start3A_345] : memref<64x63xf32, #tpu.memory_space<vmem>> -> memref<8x63xf32, #tpu.memory_space<vmem>>
        %dma_start3A_347 = arith.constant 0 : i32
        %dma_start3A_348 = tpu.memref_slice %arg2[%sub3A_340, %mul3A_342, %mul3A_2, %dma_start3A_347] : memref<63x63x64x63xf32, #tpu.memory_space<hbm>> -> memref<1x8x1x63xf32, #tpu.memory_space<hbm>>
        %dma_start3A_349 = tpu.memref_squeeze %dma_start3A_348 : memref<1x8x1x63xf32, #tpu.memory_space<hbm>> -> memref<8x63xf32, #tpu.memory_space<hbm>>
        %dma_start3A_350 = arith.constant 0 : i32
        %dma_start3A_351 = tpu.memref_slice %arg9[%mul3A_344, %dma_start3A_350] : memref<64x63xf32, #tpu.memory_space<vmem>> -> memref<8x63xf32, #tpu.memory_space<vmem>>
        %dma_start3A_352 = arith.constant 0 : i32
        %dma_start3A_353 = tpu.memref_slice %arg2[%sub3A_340, %mul3A_342, %mul3A_2, %dma_start3A_352] : memref<63x63x64x63xf32, #tpu.memory_space<hbm>> -> memref<1x8x1x63xf32, #tpu.memory_space<hbm>>
        %dma_start3A_354 = tpu.memref_squeeze %dma_start3A_353 : memref<1x8x1x63xf32, #tpu.memory_space<hbm>> -> memref<8x63xf32, #tpu.memory_space<hbm>>
        tpu.enqueue_dma source(%dma_start3A_354 : memref<8x63xf32, #tpu.memory_space<hbm>>) target(%dma_start3A_351 : memref<8x63xf32, #tpu.memory_space<vmem>>) target_semaphore(%arg16 : memref<!tpu.dma_semaphore, #tpu.memory_space<semaphore_mem>>)
        %sub3A_355 = arith.constant 1 : i32
        %sub3A_356 = arith.subi %add3A_277, %sub3A_355 : i32
        %mul3A_357 = arith.constant 8 : i32
        %mul3A_358 = arith.muli %while3A_337, %mul3A_357 : i32
        %mul3A_359 = arith.constant 8 : i32
        %mul3A_360 = arith.muli %while3A_337, %mul3A_359 : i32
        %dma_start3A_361 = arith.constant 0 : i32
        %dma_start3A_362 = tpu.memref_slice %arg10[%mul3A_360, %dma_start3A_361] : memref<64x63xf32, #tpu.memory_space<vmem>> -> memref<8x63xf32, #tpu.memory_space<vmem>>
        %dma_start3A_363 = arith.constant 0 : i32
        %dma_start3A_364 = tpu.memref_slice %arg2[%sub3A_356, %mul3A_358, %add3A_4, %dma_start3A_363] : memref<63x63x64x63xf32, #tpu.memory_space<hbm>> -> memref<1x8x1x63xf32, #tpu.memory_space<hbm>>
        %dma_start3A_365 = tpu.memref_squeeze %dma_start3A_364 : memref<1x8x1x63xf32, #tpu.memory_space<hbm>> -> memref<8x63xf32, #tpu.memory_space<hbm>>
        %dma_start3A_366 = arith.constant 0 : i32
        %dma_start3A_367 = tpu.memref_slice %arg10[%mul3A_360, %dma_start3A_366] : memref<64x63xf32, #tpu.memory_space<vmem>> -> memref<8x63xf32, #tpu.memory_space<vmem>>
        %dma_start3A_368 = arith.constant 0 : i32
        %dma_start3A_369 = tpu.memref_slice %arg2[%sub3A_356, %mul3A_358, %add3A_4, %dma_start3A_368] : memref<63x63x64x63xf32, #tpu.memory_space<hbm>> -> memref<1x8x1x63xf32, #tpu.memory_space<hbm>>
        %dma_start3A_370 = tpu.memref_squeeze %dma_start3A_369 : memref<1x8x1x63xf32, #tpu.memory_space<hbm>> -> memref<8x63xf32, #tpu.memory_space<hbm>>
        tpu.enqueue_dma source(%dma_start3A_370 : memref<8x63xf32, #tpu.memory_space<hbm>>) target(%dma_start3A_367 : memref<8x63xf32, #tpu.memory_space<vmem>>) target_semaphore(%arg17 : memref<!tpu.dma_semaphore, #tpu.memory_space<semaphore_mem>>)
        %while3A_371 = arith.constant 0 : i32
        scf.yield %while3A_371 : i32
      }
      %while3A_292 = arith.constant 1 : i32
      %while3A_293 = scf.for %while3A_337 = %while3A_289 to %while3A_285 step %while3A_292 iter_args(%while3A_338 = %while3A_291) -> (i32)  : i32 {
        %sub3A_339 = arith.constant 1 : i32
        %sub3A_340 = arith.subi %add3A_277, %sub3A_339 : i32
        %mul3A_341 = arith.constant 8 : i32
        %mul3A_342 = arith.muli %while3A_337, %mul3A_341 : i32
        %mul3A_343 = arith.constant 8 : i32
        %mul3A_344 = arith.muli %while3A_337, %mul3A_343 : i32
        %dma_start3A_345 = arith.constant 0 : i32
        %dma_start3A_346 = tpu.memref_slice %arg9[%mul3A_344, %dma_start3A_345] : memref<64x63xf32, #tpu.memory_space<vmem>> -> memref<8x63xf32, #tpu.memory_space<vmem>>
        %dma_start3A_347 = arith.constant 0 : i32
        %dma_start3A_348 = tpu.memref_slice %arg2[%sub3A_340, %mul3A_342, %mul3A_2, %dma_start3A_347] : memref<63x63x64x63xf32, #tpu.memory_space<hbm>> -> memref<1x8x1x63xf32, #tpu.memory_space<hbm>>
        %dma_start3A_349 = tpu.memref_squeeze %dma_start3A_348 : memref<1x8x1x63xf32, #tpu.memory_space<hbm>> -> memref<8x63xf32, #tpu.memory_space<hbm>>
        %dma_start3A_350 = arith.constant 0 : i32
        %dma_start3A_351 = tpu.memref_slice %arg9[%mul3A_344, %dma_start3A_350] : memref<64x63xf32, #tpu.memory_space<vmem>> -> memref<8x63xf32, #tpu.memory_space<vmem>>
        %dma_start3A_352 = arith.constant 0 : i32
        %dma_start3A_353 = tpu.memref_slice %arg2[%sub3A_340, %mul3A_342, %mul3A_2, %dma_start3A_352] : memref<63x63x64x63xf32, #tpu.memory_space<hbm>> -> memref<1x8x1x63xf32, #tpu.memory_space<hbm>>
        %dma_start3A_354 = tpu.memref_squeeze %dma_start3A_353 : memref<1x8x1x63xf32, #tpu.memory_space<hbm>> -> memref<8x63xf32, #tpu.memory_space<hbm>>
        tpu.enqueue_dma source(%dma_start3A_354 : memref<8x63xf32, #tpu.memory_space<hbm>>) target(%dma_start3A_351 : memref<8x63xf32, #tpu.memory_space<vmem>>) target_semaphore(%arg16 : memref<!tpu.dma_semaphore, #tpu.memory_space<semaphore_mem>>)
        %sub3A_355 = arith.constant 1 : i32
        %sub3A_356 = arith.subi %add3A_277, %sub3A_355 : i32
        %mul3A_357 = arith.constant 8 : i32
        %mul3A_358 = arith.muli %while3A_337, %mul3A_357 : i32
        %mul3A_359 = arith.constant 8 : i32
        %mul3A_360 = arith.muli %while3A_337, %mul3A_359 : i32
        %dma_start3A_361 = arith.constant 0 : i32
        %dma_start3A_362 = tpu.memref_slice %arg10[%mul3A_360, %dma_start3A_361] : memref<64x63xf32, #tpu.memory_space<vmem>> -> memref<8x63xf32, #tpu.memory_space<vmem>>
        %dma_start3A_363 = arith.constant 0 : i32
        %dma_start3A_364 = tpu.memref_slice %arg2[%sub3A_356, %mul3A_358, %add3A_4, %dma_start3A_363] : memref<63x63x64x63xf32, #tpu.memory_space<hbm>> -> memref<1x8x1x63xf32, #tpu.memory_space<hbm>>
        %dma_start3A_365 = tpu.memref_squeeze %dma_start3A_364 : memref<1x8x1x63xf32, #tpu.memory_space<hbm>> -> memref<8x63xf32, #tpu.memory_space<hbm>>
        %dma_start3A_366 = arith.constant 0 : i32
        %dma_start3A_367 = tpu.memref_slice %arg10[%mul3A_360, %dma_start3A_366] : memref<64x63xf32, #tpu.memory_space<vmem>> -> memref<8x63xf32, #tpu.memory_space<vmem>>
        %dma_start3A_368 = arith.constant 0 : i32
        %dma_start3A_369 = tpu.memref_slice %arg2[%sub3A_356, %mul3A_358, %add3A_4, %dma_start3A_368] : memref<63x63x64x63xf32, #tpu.memory_space<hbm>> -> memref<1x8x1x63xf32, #tpu.memory_space<hbm>>
        %dma_start3A_370 = tpu.memref_squeeze %dma_start3A_369 : memref<1x8x1x63xf32, #tpu.memory_space<hbm>> -> memref<8x63xf32, #tpu.memory_space<hbm>>
        tpu.enqueue_dma source(%dma_start3A_370 : memref<8x63xf32, #tpu.memory_space<hbm>>) target(%dma_start3A_367 : memref<8x63xf32, #tpu.memory_space<vmem>>) target_semaphore(%arg17 : memref<!tpu.dma_semaphore, #tpu.memory_space<semaphore_mem>>)
        %while3A_371 = arith.constant 0 : i32
        scf.yield %while3A_371 : i32
      }
      %add3A_294 = arith.constant 1 : i32
      %add3A_295 = arith.addi %add3A_189, %add3A_294 : i32
      %sub3A_296 = arith.constant 64 : i32
      %sub3A_297 = arith.subi %sub3A_296, %add3A_295 : i32
      %add3A_298 = arith.constant 15 : i32
      %add3A_299 = arith.addi %sub3A_297, %add3A_298 : i32
      %jit3A_300 = arith.constant 16 : i32
      %div3A_301 = arith.divsi %add3A_299, %jit3A_300 : i32
      %sign3A_302 = arith.constant 0 : i32
      %sign3A_303 = arith.cmpi sgt, %add3A_299, %sign3A_302 : i32
      %sign3A_304 = arith.extui %sign3A_303 : i1 to i32
      %sign3A_305 = arith.constant 0 : i32
      %sign3A_306 = arith.cmpi slt, %add3A_299, %sign3A_305 : i32
      %sign3A_307 = arith.extui %sign3A_306 : i1 to i32
      %sign3A_308 = arith.subi %sign3A_304, %sign3A_307 : i32
      %sign3A_309 = arith.constant 0 : i32
      %sign3A_310 = arith.cmpi sgt, %jit3A_300, %sign3A_309 : i32
      %sign3A_311 = arith.extui %sign3A_310 : i1 to i32
      %sign3A_312 = arith.constant 0 : i32
      %sign3A_313 = arith.cmpi slt, %jit3A_300, %sign3A_312 : i32
      %sign3A_314 = arith.extui %sign3A_313 : i1 to i32
      %sign3A_315 = arith.subi %sign3A_311, %sign3A_314 : i32
      %ne3A_316 = arith.cmpi ne, %sign3A_308, %sign3A_315 : i32
      %rem3A_317 = arith.remsi %add3A_299, %jit3A_300 : i32
      %ne3A_318 = arith.constant 0 : i32
      %ne3A_319 = arith.cmpi ne, %rem3A_317, %ne3A_318 : i32
      %and3A_320 = arith.andi %ne3A_316, %ne3A_319 : i1
      %sub3A_321 = arith.constant 1 : i32
      %sub3A_322 = arith.subi %div3A_301, %sub3A_321 : i32
      %select_n3A_323 = arith.select %and3A_320, %sub3A_322, %div3A_301 : i32
      %while3A_324 = arith.constant 0 : i32
      %while3A_325 = arith.constant 0 : i32
      %while3A_326 = arith.subi %select_n3A_323, %while3A_324 : i32
      %while3A_327 = arith.addi %while3A_324, %while3A_326 : i32
      %while3A_328 = arith.constant 1 : i32
      %while3A_329 = arith.divsi %while3A_326, %while3A_328 : i32
      %while3A_330 = arith.muli %while3A_329, %while3A_328 : i32
      %while3A_331 = arith.addi %while3A_324, %while3A_330 : i32
      %while3A_332 = arith.constant 1 : i32
      %while3A_333 = scf.for %while3A_337 = %while3A_324 to %while3A_331 step %while3A_332 iter_args(%while3A_338 = %while3A_325) -> (i32)  : i32 {
        %mul3A_339 = arith.constant 16 : i32
        %mul3A_340 = arith.muli %while3A_337, %mul3A_339 : i32
        %broadcast_in_dim3A_341 = arith.constant -3.000000e+38 : f32
        %broadcast_in_dim3A_342 = vector.broadcast %broadcast_in_dim3A_341 : f32 to vector<16xf32>
        %sub3A_343 = arith.constant 1 : i32
        %sub3A_344 = arith.subi %add3A_295, %sub3A_343 : i32
        %mul3A_345 = arith.constant 64 : i32
        %mul3A_346 = arith.muli %sub3A_344, %mul3A_345 : i32
        %add3A_347 = arith.constant 1 : i32
        %add3A_348 = arith.addi %mul3A_346, %add3A_347 : i32
        %add3A_349 = arith.addi %add3A_348, %mul3A_340 : i32
        %shift_right_arithmetic3A_350 = arith.constant 2 : i32
        %shift_right_arithmetic3A_351 = arith.shrsi %add3A_295, %shift_right_arithmetic3A_350 : i32
        %while3A_352 = arith.constant 0 : i32
        %while3A_353 = arith.constant 0 : i32
        %while3A_354 = arith.subi %shift_right_arithmetic3A_351, %while3A_352 : i32
        %while3A_355 = arith.addi %while3A_352, %while3A_354 : i32
        %while3A_356 = arith.constant 1 : i32
        %while3A_357 = arith.divsi %while3A_354, %while3A_356 : i32
        %while3A_358 = arith.muli %while3A_357, %while3A_356 : i32
        %while3A_359 = arith.addi %while3A_352, %while3A_358 : i32
        %while3A_360 = arith.constant 1 : i32
        %while3A_361:7 = scf.for %while3A_394 = %while3A_352 to %while3A_359 step %while3A_360 iter_args(%while3A_395 = %broadcast_in_dim3A_342, %while3A_396 = %broadcast_in_dim3A_342, %while3A_397 = %broadcast_in_dim3A_342, %while3A_398 = %broadcast_in_dim3A_342, %while3A_399 = %mul3A_340, %while3A_400 = %add3A_349, %while3A_401 = %while3A_353) -> (vector<16xf32>, vector<16xf32>, vector<16xf32>, vector<16xf32>, i32, i32, i32)  : i32 {
          %add3A_402 = arith.constant 0 : i32
          %add3A_403 = arith.addi %while3A_399, %add3A_402 : i32
          %sub3A_404 = arith.constant 0 : i32
          %sub3A_405 = arith.subi %while3A_400, %sub3A_404 : i32
          %add3A_406 = arith.constant 0 : i32
          %add3A_407 = arith.addi %while3A_401, %add3A_406 : i32
          %get3A_408 = arith.index_cast %add3A_407 : i32 to index
          %get3A_409 = arith.index_cast %mul3A_340 : i32 to index
          %get3A_410 = tpu.vector_load %arg11[%get3A_408, %get3A_409] {strides = array<i32>} : memref<64x63xf32, #tpu.memory_space<vmem>>, vector<16xf32>,
          %get3A_411 = arith.index_cast %add3A_407 : i32 to index
          %get3A_412 = arith.index_cast %mul3A_340 : i32 to index
          %get3A_413 = tpu.vector_load %arg12[%get3A_411, %get3A_412] {strides = array<i32>} : memref<64x63xf32, #tpu.memory_space<vmem>>, vector<16xf32>,
          %get3A_414 = arith.index_cast %add3A_403 : i32 to index
          %get3A_415 = tpu.vector_load %arg5[%get3A_414] {strides = array<i32>} : memref<4096xf32, #tpu.memory_space<vmem>>, vector<16xf32>,
          %add3A_416 = arith.addf %get3A_410, %get3A_415 : vector<16xf32>
          %get3A_417 = arith.index_cast %sub3A_405 : i32 to index
          %get3A_418 = tpu.vector_load %arg5[%get3A_417] {strides = array<i32>} : memref<4096xf32, #tpu.memory_space<vmem>>, vector<16xf32>,
          %add3A_419 = arith.addf %add3A_416, %get3A_418 : vector<16xf32>
          %max3A = arith.maximumf %while3A_395, %add3A_419 : vector<16xf32>
          %get3A_420 = arith.index_cast %add3A_403 : i32 to index
          %get3A_421 = tpu.vector_load %arg6[%get3A_420] {strides = array<i32>} : memref<4096xf32, #tpu.memory_space<vmem>>, vector<16xf32>,
          %add3A_422 = arith.addf %get3A_410, %get3A_421 : vector<16xf32>
          %get3A_423 = arith.index_cast %sub3A_405 : i32 to index
          %get3A_424 = tpu.vector_load %arg6[%get3A_423] {strides = array<i32>} : memref<4096xf32, #tpu.memory_space<vmem>>, vector<16xf32>,
          %add3A_425 = arith.addf %add3A_422, %get3A_424 : vector<16xf32>
          %max3A_426 = arith.maximumf %while3A_396, %add3A_425 : vector<16xf32>
          %get3A_427 = arith.index_cast %add3A_403 : i32 to index
          %get3A_428 = tpu.vector_load %arg7[%get3A_427] {strides = array<i32>} : memref<4096xf32, #tpu.memory_space<vmem>>, vector<16xf32>,
          %add3A_429 = arith.addf %get3A_413, %get3A_428 : vector<16xf32>
          %get3A_430 = arith.index_cast %sub3A_405 : i32 to index
          %get3A_431 = tpu.vector_load %arg7[%get3A_430] {strides = array<i32>} : memref<4096xf32, #tpu.memory_space<vmem>>, vector<16xf32>,
          %add3A_432 = arith.addf %add3A_429, %get3A_431 : vector<16xf32>
          %max3A_433 = arith.maximumf %while3A_397, %add3A_432 : vector<16xf32>
          %get3A_434 = arith.index_cast %add3A_403 : i32 to index
          %get3A_435 = tpu.vector_load %arg8[%get3A_434] {strides = array<i32>} : memref<4096xf32, #tpu.memory_space<vmem>>, vector<16xf32>,
          %add3A_436 = arith.addf %get3A_413, %get3A_435 : vector<16xf32>
          %get3A_437 = arith.index_cast %sub3A_405 : i32 to index
          %get3A_438 = tpu.vector_load %arg8[%get3A_437] {strides = array<i32>} : memref<4096xf32, #tpu.memory_space<vmem>>, vector<16xf32>,
          %add3A_439 = arith.addf %add3A_436, %get3A_438 : vector<16xf32>
          %max3A_440 = arith.maximumf %while3A_398, %add3A_439 : vector<16xf32>
          %add3A_441 = arith.constant 64 : i32
          %add3A_442 = arith.addi %while3A_399, %add3A_441 : i32
          %sub3A_443 = arith.constant 63 : i32
          %sub3A_444 = arith.subi %while3A_400, %sub3A_443 : i32
          %add3A_445 = arith.constant 1 : i32
          %add3A_446 = arith.addi %while3A_401, %add3A_445 : i32
          %get3A_447 = arith.index_cast %add3A_446 : i32 to index
          %get3A_448 = arith.index_cast %mul3A_340 : i32 to index
          %get3A_449 = tpu.vector_load %arg11[%get3A_447, %get3A_448] {strides = array<i32>} : memref<64x63xf32, #tpu.memory_space<vmem>>, vector<16xf32>,
          %get3A_450 = arith.index_cast %add3A_446 : i32 to index
          %get3A_451 = arith.index_cast %mul3A_340 : i32 to index
          %get3A_452 = tpu.vector_load %arg12[%get3A_450, %get3A_451] {strides = array<i32>} : memref<64x63xf32, #tpu.memory_space<vmem>>, vector<16xf32>,
          %get3A_453 = arith.index_cast %add3A_442 : i32 to index
          %get3A_454 = tpu.vector_load %arg5[%get3A_453] {strides = array<i32>} : memref<4096xf32, #tpu.memory_space<vmem>>, vector<16xf32>,
          %add3A_455 = arith.addf %get3A_449, %get3A_454 : vector<16xf32>
          %get3A_456 = arith.index_cast %sub3A_444 : i32 to index
          %get3A_457 = tpu.vector_load %arg5[%get3A_456] {strides = array<i32>} : memref<4096xf32, #tpu.memory_space<vmem>>, vector<16xf32>,
          %add3A_458 = arith.addf %add3A_455, %get3A_457 : vector<16xf32>
          %max3A_459 = arith.maximumf %max3A, %add3A_458 : vector<16xf32>
          %get3A_460 = arith.index_cast %add3A_442 : i32 to index
          %get3A_461 = tpu.vector_load %arg6[%get3A_460] {strides = array<i32>} : memref<4096xf32, #tpu.memory_space<vmem>>, vector<16xf32>,
          %add3A_462 = arith.addf %get3A_449, %get3A_461 : vector<16xf32>
          %get3A_463 = arith.index_cast %sub3A_444 : i32 to index
          %get3A_464 = tpu.vector_load %arg6[%get3A_463] {strides = array<i32>} : memref<4096xf32, #tpu.memory_space<vmem>>, vector<16xf32>,
          %add3A_465 = arith.addf %add3A_462, %get3A_464 : vector<16xf32>
          %max3A_466 = arith.maximumf %max3A_426, %add3A_465 : vector<16xf32>
          %get3A_467 = arith.index_cast %add3A_442 : i32 to index
          %get3A_468 = tpu.vector_load %arg7[%get3A_467] {strides = array<i32>} : memref<4096xf32, #tpu.memory_space<vmem>>, vector<16xf32>,
          %add3A_469 = arith.addf %get3A_452, %get3A_468 : vector<16xf32>
          %get3A_470 = arith.index_cast %sub3A_444 : i32 to index
          %get3A_471 = tpu.vector_load %arg7[%get3A_470] {strides = array<i32>} : memref<4096xf32, #tpu.memory_space<vmem>>, vector<16xf32>,
          %add3A_472 = arith.addf %add3A_469, %get3A_471 : vector<16xf32>
          %max3A_473 = arith.maximumf %max3A_433, %add3A_472 : vector<16xf32>
          %get3A_474 = arith.index_cast %add3A_442 : i32 to index
          %get3A_475 = tpu.vector_load %arg8[%get3A_474] {strides = array<i32>} : memref<4096xf32, #tpu.memory_space<vmem>>, vector<16xf32>,
          %add3A_476 = arith.addf %get3A_452, %get3A_475 : vector<16xf32>
          %get3A_477 = arith.index_cast %sub3A_444 : i32 to index
          %get3A_478 = tpu.vector_load %arg8[%get3A_477] {strides = array<i32>} : memref<4096xf32, #tpu.memory_space<vmem>>, vector<16xf32>,
          %add3A_479 = arith.addf %add3A_476, %get3A_478 : vector<16xf32>
          %max3A_480 = arith.maximumf %max3A_440, %add3A_479 : vector<16xf32>
          %add3A_481 = arith.constant 128 : i32
          %add3A_482 = arith.addi %while3A_399, %add3A_481 : i32
          %sub3A_483 = arith.constant 126 : i32
          %sub3A_484 = arith.subi %while3A_400, %sub3A_483 : i32
          %add3A_485 = arith.constant 2 : i32
          %add3A_486 = arith.addi %while3A_401, %add3A_485 : i32
          %get3A_487 = arith.index_cast %add3A_486 : i32 to index
          %get3A_488 = arith.index_cast %mul3A_340 : i32 to index
          %get3A_489 = tpu.vector_load %arg11[%get3A_487, %get3A_488] {strides = array<i32>} : memref<64x63xf32, #tpu.memory_space<vmem>>, vector<16xf32>,
          %get3A_490 = arith.index_cast %add3A_486 : i32 to index
          %get3A_491 = arith.index_cast %mul3A_340 : i32 to index
          %get3A_492 = tpu.vector_load %arg12[%get3A_490, %get3A_491] {strides = array<i32>} : memref<64x63xf32, #tpu.memory_space<vmem>>, vector<16xf32>,
          %get3A_493 = arith.index_cast %add3A_482 : i32 to index
          %get3A_494 = tpu.vector_load %arg5[%get3A_493] {strides = array<i32>} : memref<4096xf32, #tpu.memory_space<vmem>>, vector<16xf32>,
          %add3A_495 = arith.addf %get3A_489, %get3A_494 : vector<16xf32>
          %get3A_496 = arith.index_cast %sub3A_484 : i32 to index
          %get3A_497 = tpu.vector_load %arg5[%get3A_496] {strides = array<i32>} : memref<4096xf32, #tpu.memory_space<vmem>>, vector<16xf32>,
          %add3A_498 = arith.addf %add3A_495, %get3A_497 : vector<16xf32>
          %max3A_499 = arith.maximumf %max3A_459, %add3A_498 : vector<16xf32>
          %get3A_500 = arith.index_cast %add3A_482 : i32 to index
          %get3A_501 = tpu.vector_load %arg6[%get3A_500] {strides = array<i32>} : memref<4096xf32, #tpu.memory_space<vmem>>, vector<16xf32>,
          %add3A_502 = arith.addf %get3A_489, %get3A_501 : vector<16xf32>
          %get3A_503 = arith.index_cast %sub3A_484 : i32 to index
          %get3A_504 = tpu.vector_load %arg6[%get3A_503] {strides = array<i32>} : memref<4096xf32, #tpu.memory_space<vmem>>, vector<16xf32>,
          %add3A_505 = arith.addf %add3A_502, %get3A_504 : vector<16xf32>
          %max3A_506 = arith.maximumf %max3A_466, %add3A_505 : vector<16xf32>
          %get3A_507 = arith.index_cast %add3A_482 : i32 to index
          %get3A_508 = tpu.vector_load %arg7[%get3A_507] {strides = array<i32>} : memref<4096xf32, #tpu.memory_space<vmem>>, vector<16xf32>,
          %add3A_509 = arith.addf %get3A_492, %get3A_508 : vector<16xf32>
          %get3A_510 = arith.index_cast %sub3A_484 : i32 to index
          %get3A_511 = tpu.vector_load %arg7[%get3A_510] {strides = array<i32>} : memref<4096xf32, #tpu.memory_space<vmem>>, vector<16xf32>,
          %add3A_512 = arith.addf %add3A_509, %get3A_511 : vector<16xf32>
          %max3A_513 = arith.maximumf %max3A_473, %add3A_512 : vector<16xf32>
          %get3A_514 = arith.index_cast %add3A_482 : i32 to index
          %get3A_515 = tpu.vector_load %arg8[%get3A_514] {strides = array<i32>} : memref<4096xf32, #tpu.memory_space<vmem>>, vector<16xf32>,
          %add3A_516 = arith.addf %get3A_492, %get3A_515 : vector<16xf32>
          %get3A_517 = arith.index_cast %sub3A_484 : i32 to index
          %get3A_518 = tpu.vector_load %arg8[%get3A_517] {strides = array<i32>} : memref<4096xf32, #tpu.memory_space<vmem>>, vector<16xf32>,
          %add3A_519 = arith.addf %add3A_516, %get3A_518 : vector<16xf32>
          %max3A_520 = arith.maximumf %max3A_480, %add3A_519 : vector<16xf32>
          %add3A_521 = arith.constant 192 : i32
          %add3A_522 = arith.addi %while3A_399, %add3A_521 : i32
          %sub3A_523 = arith.constant 189 : i32
          %sub3A_524 = arith.subi %while3A_400, %sub3A_523 : i32
          %add3A_525 = arith.constant 3 : i32
          %add3A_526 = arith.addi %while3A_401, %add3A_525 : i32
          %get3A_527 = arith.index_cast %add3A_526 : i32 to index
          %get3A_528 = arith.index_cast %mul3A_340 : i32 to index
          %get3A_529 = tpu.vector_load %arg11[%get3A_527, %get3A_528] {strides = array<i32>} : memref<64x63xf32, #tpu.memory_space<vmem>>, vector<16xf32>,
          %get3A_530 = arith.index_cast %add3A_526 : i32 to index
          %get3A_531 = arith.index_cast %mul3A_340 : i32 to index
          %get3A_532 = tpu.vector_load %arg12[%get3A_530, %get3A_531] {strides = array<i32>} : memref<64x63xf32, #tpu.memory_space<vmem>>, vector<16xf32>,
          %get3A_533 = arith.index_cast %add3A_522 : i32 to index
          %get3A_534 = tpu.vector_load %arg5[%get3A_533] {strides = array<i32>} : memref<4096xf32, #tpu.memory_space<vmem>>, vector<16xf32>,
          %add3A_535 = arith.addf %get3A_529, %get3A_534 : vector<16xf32>
          %get3A_536 = arith.index_cast %sub3A_524 : i32 to index
          %get3A_537 = tpu.vector_load %arg5[%get3A_536] {strides = array<i32>} : memref<4096xf32, #tpu.memory_space<vmem>>, vector<16xf32>,
          %add3A_538 = arith.addf %add3A_535, %get3A_537 : vector<16xf32>
          %max3A_539 = arith.maximumf %max3A_499, %add3A_538 : vector<16xf32>
          %get3A_540 = arith.index_cast %add3A_522 : i32 to index
          %get3A_541 = tpu.vector_load %arg6[%get3A_540] {strides = array<i32>} : memref<4096xf32, #tpu.memory_space<vmem>>, vector<16xf32>,
          %add3A_542 = arith.addf %get3A_529, %get3A_541 : vector<16xf32>
          %get3A_543 = arith.index_cast %sub3A_524 : i32 to index
          %get3A_544 = tpu.vector_load %arg6[%get3A_543] {strides = array<i32>} : memref<4096xf32, #tpu.memory_space<vmem>>, vector<16xf32>,
          %add3A_545 = arith.addf %add3A_542, %get3A_544 : vector<16xf32>
          %max3A_546 = arith.maximumf %max3A_506, %add3A_545 : vector<16xf32>
          %get3A_547 = arith.index_cast %add3A_522 : i32 to index
          %get3A_548 = tpu.vector_load %arg7[%get3A_547] {strides = array<i32>} : memref<4096xf32, #tpu.memory_space<vmem>>, vector<16xf32>,
          %add3A_549 = arith.addf %get3A_532, %get3A_548 : vector<16xf32>
          %get3A_550 = arith.index_cast %sub3A_524 : i32 to index
          %get3A_551 = tpu.vector_load %arg7[%get3A_550] {strides = array<i32>} : memref<4096xf32, #tpu.memory_space<vmem>>, vector<16xf32>,
          %add3A_552 = arith.addf %add3A_549, %get3A_551 : vector<16xf32>
          %max3A_553 = arith.maximumf %max3A_513, %add3A_552 : vector<16xf32>
          %get3A_554 = arith.index_cast %add3A_522 : i32 to index
          %get3A_555 = tpu.vector_load %arg8[%get3A_554] {strides = array<i32>} : memref<4096xf32, #tpu.memory_space<vmem>>, vector<16xf32>,
          %add3A_556 = arith.addf %get3A_532, %get3A_555 : vector<16xf32>
          %get3A_557 = arith.index_cast %sub3A_524 : i32 to index
          %get3A_558 = tpu.vector_load %arg8[%get3A_557] {strides = array<i32>} : memref<4096xf32, #tpu.memory_space<vmem>>, vector<16xf32>,
          %add3A_559 = arith.addf %add3A_556, %get3A_558 : vector<16xf32>
          %max3A_560 = arith.maximumf %max3A_520, %add3A_559 : vector<16xf32>
          %add3A_561 = arith.constant 256 : i32
          %add3A_562 = arith.addi %while3A_399, %add3A_561 : i32
          %sub3A_563 = arith.constant 252 : i32
          %sub3A_564 = arith.subi %while3A_400, %sub3A_563 : i32
          %add3A_565 = arith.constant 4 : i32
          %add3A_566 = arith.addi %while3A_401, %add3A_565 : i32
          scf.yield %max3A_539, %max3A_546, %max3A_553, %max3A_560, %add3A_562, %sub3A_564, %add3A_566 : vector<16xf32>, vector<16xf32>, vector<16xf32>, vector<16xf32>, i32, i32, i32
        }
        %while3A_362 = arith.constant 1 : i32
        %while3A_363:7 = scf.for %while3A_394 = %while3A_359 to %while3A_355 step %while3A_362 iter_args(%while3A_395 = %while3A_361#0, %while3A_396 = %while3A_361#1, %while3A_397 = %while3A_361#2, %while3A_398 = %while3A_361#3, %while3A_399 = %while3A_361#4, %while3A_400 = %while3A_361#5, %while3A_401 = %while3A_361#6) -> (vector<16xf32>, vector<16xf32>, vector<16xf32>, vector<16xf32>, i32, i32, i32)  : i32 {
          %add3A_402 = arith.constant 0 : i32
          %add3A_403 = arith.addi %while3A_399, %add3A_402 : i32
          %sub3A_404 = arith.constant 0 : i32
          %sub3A_405 = arith.subi %while3A_400, %sub3A_404 : i32
          %add3A_406 = arith.constant 0 : i32
          %add3A_407 = arith.addi %while3A_401, %add3A_406 : i32
          %get3A_408 = arith.index_cast %add3A_407 : i32 to index
          %get3A_409 = arith.index_cast %mul3A_340 : i32 to index
          %get3A_410 = tpu.vector_load %arg11[%get3A_408, %get3A_409] {strides = array<i32>} : memref<64x63xf32, #tpu.memory_space<vmem>>, vector<16xf32>,
          %get3A_411 = arith.index_cast %add3A_407 : i32 to index
          %get3A_412 = arith.index_cast %mul3A_340 : i32 to index
          %get3A_413 = tpu.vector_load %arg12[%get3A_411, %get3A_412] {strides = array<i32>} : memref<64x63xf32, #tpu.memory_space<vmem>>, vector<16xf32>,
          %get3A_414 = arith.index_cast %add3A_403 : i32 to index
          %get3A_415 = tpu.vector_load %arg5[%get3A_414] {strides = array<i32>} : memref<4096xf32, #tpu.memory_space<vmem>>, vector<16xf32>,
          %add3A_416 = arith.addf %get3A_410, %get3A_415 : vector<16xf32>
          %get3A_417 = arith.index_cast %sub3A_405 : i32 to index
          %get3A_418 = tpu.vector_load %arg5[%get3A_417] {strides = array<i32>} : memref<4096xf32, #tpu.memory_space<vmem>>, vector<16xf32>,
          %add3A_419 = arith.addf %add3A_416, %get3A_418 : vector<16xf32>
          %max3A = arith.maximumf %while3A_395, %add3A_419 : vector<16xf32>
          %get3A_420 = arith.index_cast %add3A_403 : i32 to index
          %get3A_421 = tpu.vector_load %arg6[%get3A_420] {strides = array<i32>} : memref<4096xf32, #tpu.memory_space<vmem>>, vector<16xf32>,
          %add3A_422 = arith.addf %get3A_410, %get3A_421 : vector<16xf32>
          %get3A_423 = arith.index_cast %sub3A_405 : i32 to index
          %get3A_424 = tpu.vector_load %arg6[%get3A_423] {strides = array<i32>} : memref<4096xf32, #tpu.memory_space<vmem>>, vector<16xf32>,
          %add3A_425 = arith.addf %add3A_422, %get3A_424 : vector<16xf32>
          %max3A_426 = arith.maximumf %while3A_396, %add3A_425 : vector<16xf32>
          %get3A_427 = arith.index_cast %add3A_403 : i32 to index
          %get3A_428 = tpu.vector_load %arg7[%get3A_427] {strides = array<i32>} : memref<4096xf32, #tpu.memory_space<vmem>>, vector<16xf32>,
          %add3A_429 = arith.addf %get3A_413, %get3A_428 : vector<16xf32>
          %get3A_430 = arith.index_cast %sub3A_405 : i32 to index
          %get3A_431 = tpu.vector_load %arg7[%get3A_430] {strides = array<i32>} : memref<4096xf32, #tpu.memory_space<vmem>>, vector<16xf32>,
          %add3A_432 = arith.addf %add3A_429, %get3A_431 : vector<16xf32>
          %max3A_433 = arith.maximumf %while3A_397, %add3A_432 : vector<16xf32>
          %get3A_434 = arith.index_cast %add3A_403 : i32 to index
          %get3A_435 = tpu.vector_load %arg8[%get3A_434] {strides = array<i32>} : memref<4096xf32, #tpu.memory_space<vmem>>, vector<16xf32>,
          %add3A_436 = arith.addf %get3A_413, %get3A_435 : vector<16xf32>
          %get3A_437 = arith.index_cast %sub3A_405 : i32 to index
          %get3A_438 = tpu.vector_load %arg8[%get3A_437] {strides = array<i32>} : memref<4096xf32, #tpu.memory_space<vmem>>, vector<16xf32>,
          %add3A_439 = arith.addf %add3A_436, %get3A_438 : vector<16xf32>
          %max3A_440 = arith.maximumf %while3A_398, %add3A_439 : vector<16xf32>
          %add3A_441 = arith.constant 64 : i32
          %add3A_442 = arith.addi %while3A_399, %add3A_441 : i32
          %sub3A_443 = arith.constant 63 : i32
          %sub3A_444 = arith.subi %while3A_400, %sub3A_443 : i32
          %add3A_445 = arith.constant 1 : i32
          %add3A_446 = arith.addi %while3A_401, %add3A_445 : i32
          %get3A_447 = arith.index_cast %add3A_446 : i32 to index
          %get3A_448 = arith.index_cast %mul3A_340 : i32 to index
          %get3A_449 = tpu.vector_load %arg11[%get3A_447, %get3A_448] {strides = array<i32>} : memref<64x63xf32, #tpu.memory_space<vmem>>, vector<16xf32>,
          %get3A_450 = arith.index_cast %add3A_446 : i32 to index
          %get3A_451 = arith.index_cast %mul3A_340 : i32 to index
          %get3A_452 = tpu.vector_load %arg12[%get3A_450, %get3A_451] {strides = array<i32>} : memref<64x63xf32, #tpu.memory_space<vmem>>, vector<16xf32>,
          %get3A_453 = arith.index_cast %add3A_442 : i32 to index
          %get3A_454 = tpu.vector_load %arg5[%get3A_453] {strides = array<i32>} : memref<4096xf32, #tpu.memory_space<vmem>>, vector<16xf32>,
          %add3A_455 = arith.addf %get3A_449, %get3A_454 : vector<16xf32>
          %get3A_456 = arith.index_cast %sub3A_444 : i32 to index
          %get3A_457 = tpu.vector_load %arg5[%get3A_456] {strides = array<i32>} : memref<4096xf32, #tpu.memory_space<vmem>>, vector<16xf32>,
          %add3A_458 = arith.addf %add3A_455, %get3A_457 : vector<16xf32>
          %max3A_459 = arith.maximumf %max3A, %add3A_458 : vector<16xf32>
          %get3A_460 = arith.index_cast %add3A_442 : i32 to index
          %get3A_461 = tpu.vector_load %arg6[%get3A_460] {strides = array<i32>} : memref<4096xf32, #tpu.memory_space<vmem>>, vector<16xf32>,
          %add3A_462 = arith.addf %get3A_449, %get3A_461 : vector<16xf32>
          %get3A_463 = arith.index_cast %sub3A_444 : i32 to index
          %get3A_464 = tpu.vector_load %arg6[%get3A_463] {strides = array<i32>} : memref<4096xf32, #tpu.memory_space<vmem>>, vector<16xf32>,
          %add3A_465 = arith.addf %add3A_462, %get3A_464 : vector<16xf32>
          %max3A_466 = arith.maximumf %max3A_426, %add3A_465 : vector<16xf32>
          %get3A_467 = arith.index_cast %add3A_442 : i32 to index
          %get3A_468 = tpu.vector_load %arg7[%get3A_467] {strides = array<i32>} : memref<4096xf32, #tpu.memory_space<vmem>>, vector<16xf32>,
          %add3A_469 = arith.addf %get3A_452, %get3A_468 : vector<16xf32>
          %get3A_470 = arith.index_cast %sub3A_444 : i32 to index
          %get3A_471 = tpu.vector_load %arg7[%get3A_470] {strides = array<i32>} : memref<4096xf32, #tpu.memory_space<vmem>>, vector<16xf32>,
          %add3A_472 = arith.addf %add3A_469, %get3A_471 : vector<16xf32>
          %max3A_473 = arith.maximumf %max3A_433, %add3A_472 : vector<16xf32>
          %get3A_474 = arith.index_cast %add3A_442 : i32 to index
          %get3A_475 = tpu.vector_load %arg8[%get3A_474] {strides = array<i32>} : memref<4096xf32, #tpu.memory_space<vmem>>, vector<16xf32>,
          %add3A_476 = arith.addf %get3A_452, %get3A_475 : vector<16xf32>
          %get3A_477 = arith.index_cast %sub3A_444 : i32 to index
          %get3A_478 = tpu.vector_load %arg8[%get3A_477] {strides = array<i32>} : memref<4096xf32, #tpu.memory_space<vmem>>, vector<16xf32>,
          %add3A_479 = arith.addf %add3A_476, %get3A_478 : vector<16xf32>
          %max3A_480 = arith.maximumf %max3A_440, %add3A_479 : vector<16xf32>
          %add3A_481 = arith.constant 128 : i32
          %add3A_482 = arith.addi %while3A_399, %add3A_481 : i32
          %sub3A_483 = arith.constant 126 : i32
          %sub3A_484 = arith.subi %while3A_400, %sub3A_483 : i32
          %add3A_485 = arith.constant 2 : i32
          %add3A_486 = arith.addi %while3A_401, %add3A_485 : i32
          %get3A_487 = arith.index_cast %add3A_486 : i32 to index
          %get3A_488 = arith.index_cast %mul3A_340 : i32 to index
          %get3A_489 = tpu.vector_load %arg11[%get3A_487, %get3A_488] {strides = array<i32>} : memref<64x63xf32, #tpu.memory_space<vmem>>, vector<16xf32>,
          %get3A_490 = arith.index_cast %add3A_486 : i32 to index
          %get3A_491 = arith.index_cast %mul3A_340 : i32 to index
          %get3A_492 = tpu.vector_load %arg12[%get3A_490, %get3A_491] {strides = array<i32>} : memref<64x63xf32, #tpu.memory_space<vmem>>, vector<16xf32>,
          %get3A_493 = arith.index_cast %add3A_482 : i32 to index
          %get3A_494 = tpu.vector_load %arg5[%get3A_493] {strides = array<i32>} : memref<4096xf32, #tpu.memory_space<vmem>>, vector<16xf32>,
          %add3A_495 = arith.addf %get3A_489, %get3A_494 : vector<16xf32>
          %get3A_496 = arith.index_cast %sub3A_484 : i32 to index
          %get3A_497 = tpu.vector_load %arg5[%get3A_496] {strides = array<i32>} : memref<4096xf32, #tpu.memory_space<vmem>>, vector<16xf32>,
          %add3A_498 = arith.addf %add3A_495, %get3A_497 : vector<16xf32>
          %max3A_499 = arith.maximumf %max3A_459, %add3A_498 : vector<16xf32>
          %get3A_500 = arith.index_cast %add3A_482 : i32 to index
          %get3A_501 = tpu.vector_load %arg6[%get3A_500] {strides = array<i32>} : memref<4096xf32, #tpu.memory_space<vmem>>, vector<16xf32>,
          %add3A_502 = arith.addf %get3A_489, %get3A_501 : vector<16xf32>
          %get3A_503 = arith.index_cast %sub3A_484 : i32 to index
          %get3A_504 = tpu.vector_load %arg6[%get3A_503] {strides = array<i32>} : memref<4096xf32, #tpu.memory_space<vmem>>, vector<16xf32>,
          %add3A_505 = arith.addf %add3A_502, %get3A_504 : vector<16xf32>
          %max3A_506 = arith.maximumf %max3A_466, %add3A_505 : vector<16xf32>
          %get3A_507 = arith.index_cast %add3A_482 : i32 to index
          %get3A_508 = tpu.vector_load %arg7[%get3A_507] {strides = array<i32>} : memref<4096xf32, #tpu.memory_space<vmem>>, vector<16xf32>,
          %add3A_509 = arith.addf %get3A_492, %get3A_508 : vector<16xf32>
          %get3A_510 = arith.index_cast %sub3A_484 : i32 to index
          %get3A_511 = tpu.vector_load %arg7[%get3A_510] {strides = array<i32>} : memref<4096xf32, #tpu.memory_space<vmem>>, vector<16xf32>,
          %add3A_512 = arith.addf %add3A_509, %get3A_511 : vector<16xf32>
          %max3A_513 = arith.maximumf %max3A_473, %add3A_512 : vector<16xf32>
          %get3A_514 = arith.index_cast %add3A_482 : i32 to index
          %get3A_515 = tpu.vector_load %arg8[%get3A_514] {strides = array<i32>} : memref<4096xf32, #tpu.memory_space<vmem>>, vector<16xf32>,
          %add3A_516 = arith.addf %get3A_492, %get3A_515 : vector<16xf32>
          %get3A_517 = arith.index_cast %sub3A_484 : i32 to index
          %get3A_518 = tpu.vector_load %arg8[%get3A_517] {strides = array<i32>} : memref<4096xf32, #tpu.memory_space<vmem>>, vector<16xf32>,
          %add3A_519 = arith.addf %add3A_516, %get3A_518 : vector<16xf32>
          %max3A_520 = arith.maximumf %max3A_480, %add3A_519 : vector<16xf32>
          %add3A_521 = arith.constant 192 : i32
          %add3A_522 = arith.addi %while3A_399, %add3A_521 : i32
          %sub3A_523 = arith.constant 189 : i32
          %sub3A_524 = arith.subi %while3A_400, %sub3A_523 : i32
          %add3A_525 = arith.constant 3 : i32
          %add3A_526 = arith.addi %while3A_401, %add3A_525 : i32
          %get3A_527 = arith.index_cast %add3A_526 : i32 to index
          %get3A_528 = arith.index_cast %mul3A_340 : i32 to index
          %get3A_529 = tpu.vector_load %arg11[%get3A_527, %get3A_528] {strides = array<i32>} : memref<64x63xf32, #tpu.memory_space<vmem>>, vector<16xf32>,
          %get3A_530 = arith.index_cast %add3A_526 : i32 to index
          %get3A_531 = arith.index_cast %mul3A_340 : i32 to index
          %get3A_532 = tpu.vector_load %arg12[%get3A_530, %get3A_531] {strides = array<i32>} : memref<64x63xf32, #tpu.memory_space<vmem>>, vector<16xf32>,
          %get3A_533 = arith.index_cast %add3A_522 : i32 to index
          %get3A_534 = tpu.vector_load %arg5[%get3A_533] {strides = array<i32>} : memref<4096xf32, #tpu.memory_space<vmem>>, vector<16xf32>,
          %add3A_535 = arith.addf %get3A_529, %get3A_534 : vector<16xf32>
          %get3A_536 = arith.index_cast %sub3A_524 : i32 to index
          %get3A_537 = tpu.vector_load %arg5[%get3A_536] {strides = array<i32>} : memref<4096xf32, #tpu.memory_space<vmem>>, vector<16xf32>,
          %add3A_538 = arith.addf %add3A_535, %get3A_537 : vector<16xf32>
          %max3A_539 = arith.maximumf %max3A_499, %add3A_538 : vector<16xf32>
          %get3A_540 = arith.index_cast %add3A_522 : i32 to index
          %get3A_541 = tpu.vector_load %arg6[%get3A_540] {strides = array<i32>} : memref<4096xf32, #tpu.memory_space<vmem>>, vector<16xf32>,
          %add3A_542 = arith.addf %get3A_529, %get3A_541 : vector<16xf32>
          %get3A_543 = arith.index_cast %sub3A_524 : i32 to index
          %get3A_544 = tpu.vector_load %arg6[%get3A_543] {strides = array<i32>} : memref<4096xf32, #tpu.memory_space<vmem>>, vector<16xf32>,
          %add3A_545 = arith.addf %add3A_542, %get3A_544 : vector<16xf32>
          %max3A_546 = arith.maximumf %max3A_506, %add3A_545 : vector<16xf32>
          %get3A_547 = arith.index_cast %add3A_522 : i32 to index
          %get3A_548 = tpu.vector_load %arg7[%get3A_547] {strides = array<i32>} : memref<4096xf32, #tpu.memory_space<vmem>>, vector<16xf32>,
          %add3A_549 = arith.addf %get3A_532, %get3A_548 : vector<16xf32>
          %get3A_550 = arith.index_cast %sub3A_524 : i32 to index
          %get3A_551 = tpu.vector_load %arg7[%get3A_550] {strides = array<i32>} : memref<4096xf32, #tpu.memory_space<vmem>>, vector<16xf32>,
          %add3A_552 = arith.addf %add3A_549, %get3A_551 : vector<16xf32>
          %max3A_553 = arith.maximumf %max3A_513, %add3A_552 : vector<16xf32>
          %get3A_554 = arith.index_cast %add3A_522 : i32 to index
          %get3A_555 = tpu.vector_load %arg8[%get3A_554] {strides = array<i32>} : memref<4096xf32, #tpu.memory_space<vmem>>, vector<16xf32>,
          %add3A_556 = arith.addf %get3A_532, %get3A_555 : vector<16xf32>
          %get3A_557 = arith.index_cast %sub3A_524 : i32 to index
          %get3A_558 = tpu.vector_load %arg8[%get3A_557] {strides = array<i32>} : memref<4096xf32, #tpu.memory_space<vmem>>, vector<16xf32>,
          %add3A_559 = arith.addf %add3A_556, %get3A_558 : vector<16xf32>
          %max3A_560 = arith.maximumf %max3A_520, %add3A_559 : vector<16xf32>
          %add3A_561 = arith.constant 256 : i32
          %add3A_562 = arith.addi %while3A_399, %add3A_561 : i32
          %sub3A_563 = arith.constant 252 : i32
          %sub3A_564 = arith.subi %while3A_400, %sub3A_563 : i32
          %add3A_565 = arith.constant 4 : i32
          %add3A_566 = arith.addi %while3A_401, %add3A_565 : i32
          scf.yield %max3A_539, %max3A_546, %max3A_553, %max3A_560, %add3A_562, %sub3A_564, %add3A_566 : vector<16xf32>, vector<16xf32>, vector<16xf32>, vector<16xf32>, i32, i32, i32
        }
        %and3A_364 = arith.constant -4 : i32
        %and3A_365 = arith.andi %add3A_295, %and3A_364 : i32
        %while3A_366 = arith.subi %add3A_295, %and3A_365 : i32
        %while3A_367 = arith.addi %and3A_365, %while3A_366 : i32
        %while3A_368 = arith.constant 1 : i32
        %while3A_369 = arith.divsi %while3A_366, %while3A_368 : i32
        %while3A_370 = arith.muli %while3A_369, %while3A_368 : i32
        %while3A_371 = arith.addi %and3A_365, %while3A_370 : i32
        %while3A_372 = arith.constant 1 : i32
        %while3A_373:7 = scf.for %while3A_394 = %and3A_365 to %while3A_371 step %while3A_372 iter_args(%while3A_395 = %while3A_363#0, %while3A_396 = %while3A_363#1, %while3A_397 = %while3A_363#2, %while3A_398 = %while3A_363#3, %while3A_399 = %while3A_363#4, %while3A_400 = %while3A_363#5, %while3A_401 = %while3A_363#6) -> (vector<16xf32>, vector<16xf32>, vector<16xf32>, vector<16xf32>, i32, i32, i32)  : i32 {
          %add3A_402 = arith.constant 0 : i32
          %add3A_403 = arith.addi %while3A_399, %add3A_402 : i32
          %sub3A_404 = arith.constant 0 : i32
          %sub3A_405 = arith.subi %while3A_400, %sub3A_404 : i32
          %add3A_406 = arith.constant 0 : i32
          %add3A_407 = arith.addi %while3A_401, %add3A_406 : i32
          %get3A_408 = arith.index_cast %add3A_407 : i32 to index
          %get3A_409 = arith.index_cast %mul3A_340 : i32 to index
          %get3A_410 = tpu.vector_load %arg11[%get3A_408, %get3A_409] {strides = array<i32>} : memref<64x63xf32, #tpu.memory_space<vmem>>, vector<16xf32>,
          %get3A_411 = arith.index_cast %add3A_407 : i32 to index
          %get3A_412 = arith.index_cast %mul3A_340 : i32 to index
          %get3A_413 = tpu.vector_load %arg12[%get3A_411, %get3A_412] {strides = array<i32>} : memref<64x63xf32, #tpu.memory_space<vmem>>, vector<16xf32>,
          %get3A_414 = arith.index_cast %add3A_403 : i32 to index
          %get3A_415 = tpu.vector_load %arg5[%get3A_414] {strides = array<i32>} : memref<4096xf32, #tpu.memory_space<vmem>>, vector<16xf32>,
          %add3A_416 = arith.addf %get3A_410, %get3A_415 : vector<16xf32>
          %get3A_417 = arith.index_cast %sub3A_405 : i32 to index
          %get3A_418 = tpu.vector_load %arg5[%get3A_417] {strides = array<i32>} : memref<4096xf32, #tpu.memory_space<vmem>>, vector<16xf32>,
          %add3A_419 = arith.addf %add3A_416, %get3A_418 : vector<16xf32>
          %max3A = arith.maximumf %while3A_395, %add3A_419 : vector<16xf32>
          %get3A_420 = arith.index_cast %add3A_403 : i32 to index
          %get3A_421 = tpu.vector_load %arg6[%get3A_420] {strides = array<i32>} : memref<4096xf32, #tpu.memory_space<vmem>>, vector<16xf32>,
          %add3A_422 = arith.addf %get3A_410, %get3A_421 : vector<16xf32>
          %get3A_423 = arith.index_cast %sub3A_405 : i32 to index
          %get3A_424 = tpu.vector_load %arg6[%get3A_423] {strides = array<i32>} : memref<4096xf32, #tpu.memory_space<vmem>>, vector<16xf32>,
          %add3A_425 = arith.addf %add3A_422, %get3A_424 : vector<16xf32>
          %max3A_426 = arith.maximumf %while3A_396, %add3A_425 : vector<16xf32>
          %get3A_427 = arith.index_cast %add3A_403 : i32 to index
          %get3A_428 = tpu.vector_load %arg7[%get3A_427] {strides = array<i32>} : memref<4096xf32, #tpu.memory_space<vmem>>, vector<16xf32>,
          %add3A_429 = arith.addf %get3A_413, %get3A_428 : vector<16xf32>
          %get3A_430 = arith.index_cast %sub3A_405 : i32 to index
          %get3A_431 = tpu.vector_load %arg7[%get3A_430] {strides = array<i32>} : memref<4096xf32, #tpu.memory_space<vmem>>, vector<16xf32>,
          %add3A_432 = arith.addf %add3A_429, %get3A_431 : vector<16xf32>
          %max3A_433 = arith.maximumf %while3A_397, %add3A_432 : vector<16xf32>
          %get3A_434 = arith.index_cast %add3A_403 : i32 to index
          %get3A_435 = tpu.vector_load %arg8[%get3A_434] {strides = array<i32>} : memref<4096xf32, #tpu.memory_space<vmem>>, vector<16xf32>,
          %add3A_436 = arith.addf %get3A_413, %get3A_435 : vector<16xf32>
          %get3A_437 = arith.index_cast %sub3A_405 : i32 to index
          %get3A_438 = tpu.vector_load %arg8[%get3A_437] {strides = array<i32>} : memref<4096xf32, #tpu.memory_space<vmem>>, vector<16xf32>,
          %add3A_439 = arith.addf %add3A_436, %get3A_438 : vector<16xf32>
          %max3A_440 = arith.maximumf %while3A_398, %add3A_439 : vector<16xf32>
          %add3A_441 = arith.constant 64 : i32
          %add3A_442 = arith.addi %while3A_399, %add3A_441 : i32
          %sub3A_443 = arith.constant 63 : i32
          %sub3A_444 = arith.subi %while3A_400, %sub3A_443 : i32
          %add3A_445 = arith.constant 1 : i32
          %add3A_446 = arith.addi %while3A_401, %add3A_445 : i32
          scf.yield %max3A, %max3A_426, %max3A_433, %max3A_440, %add3A_442, %sub3A_444, %add3A_446 : vector<16xf32>, vector<16xf32>, vector<16xf32>, vector<16xf32>, i32, i32, i32
        }
        %while3A_374 = arith.constant 1 : i32
        %while3A_375:7 = scf.for %while3A_394 = %while3A_371 to %while3A_367 step %while3A_374 iter_args(%while3A_395 = %while3A_373#0, %while3A_396 = %while3A_373#1, %while3A_397 = %while3A_373#2, %while3A_398 = %while3A_373#3, %while3A_399 = %while3A_373#4, %while3A_400 = %while3A_373#5, %while3A_401 = %while3A_373#6) -> (vector<16xf32>, vector<16xf32>, vector<16xf32>, vector<16xf32>, i32, i32, i32)  : i32 {
          %add3A_402 = arith.constant 0 : i32
          %add3A_403 = arith.addi %while3A_399, %add3A_402 : i32
          %sub3A_404 = arith.constant 0 : i32
          %sub3A_405 = arith.subi %while3A_400, %sub3A_404 : i32
          %add3A_406 = arith.constant 0 : i32
          %add3A_407 = arith.addi %while3A_401, %add3A_406 : i32
          %get3A_408 = arith.index_cast %add3A_407 : i32 to index
          %get3A_409 = arith.index_cast %mul3A_340 : i32 to index
          %get3A_410 = tpu.vector_load %arg11[%get3A_408, %get3A_409] {strides = array<i32>} : memref<64x63xf32, #tpu.memory_space<vmem>>, vector<16xf32>,
          %get3A_411 = arith.index_cast %add3A_407 : i32 to index
          %get3A_412 = arith.index_cast %mul3A_340 : i32 to index
          %get3A_413 = tpu.vector_load %arg12[%get3A_411, %get3A_412] {strides = array<i32>} : memref<64x63xf32, #tpu.memory_space<vmem>>, vector<16xf32>,
          %get3A_414 = arith.index_cast %add3A_403 : i32 to index
          %get3A_415 = tpu.vector_load %arg5[%get3A_414] {strides = array<i32>} : memref<4096xf32, #tpu.memory_space<vmem>>, vector<16xf32>,
          %add3A_416 = arith.addf %get3A_410, %get3A_415 : vector<16xf32>
          %get3A_417 = arith.index_cast %sub3A_405 : i32 to index
          %get3A_418 = tpu.vector_load %arg5[%get3A_417] {strides = array<i32>} : memref<4096xf32, #tpu.memory_space<vmem>>, vector<16xf32>,
          %add3A_419 = arith.addf %add3A_416, %get3A_418 : vector<16xf32>
          %max3A = arith.maximumf %while3A_395, %add3A_419 : vector<16xf32>
          %get3A_420 = arith.index_cast %add3A_403 : i32 to index
          %get3A_421 = tpu.vector_load %arg6[%get3A_420] {strides = array<i32>} : memref<4096xf32, #tpu.memory_space<vmem>>, vector<16xf32>,
          %add3A_422 = arith.addf %get3A_410, %get3A_421 : vector<16xf32>
          %get3A_423 = arith.index_cast %sub3A_405 : i32 to index
          %get3A_424 = tpu.vector_load %arg6[%get3A_423] {strides = array<i32>} : memref<4096xf32, #tpu.memory_space<vmem>>, vector<16xf32>,
          %add3A_425 = arith.addf %add3A_422, %get3A_424 : vector<16xf32>
          %max3A_426 = arith.maximumf %while3A_396, %add3A_425 : vector<16xf32>
          %get3A_427 = arith.index_cast %add3A_403 : i32 to index
          %get3A_428 = tpu.vector_load %arg7[%get3A_427] {strides = array<i32>} : memref<4096xf32, #tpu.memory_space<vmem>>, vector<16xf32>,
          %add3A_429 = arith.addf %get3A_413, %get3A_428 : vector<16xf32>
          %get3A_430 = arith.index_cast %sub3A_405 : i32 to index
          %get3A_431 = tpu.vector_load %arg7[%get3A_430] {strides = array<i32>} : memref<4096xf32, #tpu.memory_space<vmem>>, vector<16xf32>,
          %add3A_432 = arith.addf %add3A_429, %get3A_431 : vector<16xf32>
          %max3A_433 = arith.maximumf %while3A_397, %add3A_432 : vector<16xf32>
          %get3A_434 = arith.index_cast %add3A_403 : i32 to index
          %get3A_435 = tpu.vector_load %arg8[%get3A_434] {strides = array<i32>} : memref<4096xf32, #tpu.memory_space<vmem>>, vector<16xf32>,
          %add3A_436 = arith.addf %get3A_413, %get3A_435 : vector<16xf32>
          %get3A_437 = arith.index_cast %sub3A_405 : i32 to index
          %get3A_438 = tpu.vector_load %arg8[%get3A_437] {strides = array<i32>} : memref<4096xf32, #tpu.memory_space<vmem>>, vector<16xf32>,
          %add3A_439 = arith.addf %add3A_436, %get3A_438 : vector<16xf32>
          %max3A_440 = arith.maximumf %while3A_398, %add3A_439 : vector<16xf32>
          %add3A_441 = arith.constant 64 : i32
          %add3A_442 = arith.addi %while3A_399, %add3A_441 : i32
          %sub3A_443 = arith.constant 63 : i32
          %sub3A_444 = arith.subi %while3A_400, %sub3A_443 : i32
          %add3A_445 = arith.constant 1 : i32
          %add3A_446 = arith.addi %while3A_401, %add3A_445 : i32
          scf.yield %max3A, %max3A_426, %max3A_433, %max3A_440, %add3A_442, %sub3A_444, %add3A_446 : vector<16xf32>, vector<16xf32>, vector<16xf32>, vector<16xf32>, i32, i32, i32
        }
        %mul3A_376 = arith.constant 64 : i32
        %mul3A_377 = arith.muli %add3A_295, %mul3A_376 : i32
        %add3A_378 = arith.addi %mul3A_377, %mul3A_340 : i32
        %swap3A_379 = arith.index_cast %add3A_378 : i32 to index
        %swap3A_380 = tpu.vector_load %arg5[%swap3A_379] {strides = array<i32>} : memref<4096xf32, #tpu.memory_space<vmem>>, vector<16xf32>,
        tpu.vector_store %arg5[%swap3A_379], %while3A_375#0 {strides = array<i32>} : memref<4096xf32, #tpu.memory_space<vmem>>, vector<16xf32>,
        %swap3A_381 = arith.index_cast %add3A_378 : i32 to index
        %swap3A_382 = tpu.vector_load %arg7[%swap3A_381] {strides = array<i32>} : memref<4096xf32, #tpu.memory_space<vmem>>, vector<16xf32>,
        tpu.vector_store %arg7[%swap3A_381], %while3A_375#2 {strides = array<i32>} : memref<4096xf32, #tpu.memory_space<vmem>>, vector<16xf32>,
        %get3A_383 = arith.index_cast %add3A_378 : i32 to index
        %get3A_384 = tpu.vector_load %arg6[%get3A_383] {strides = array<i32>} : memref<4096xf32, #tpu.memory_space<vmem>>, vector<16xf32>,
        %add3A_385 = arith.addf %while3A_375#1, %get3A_384 : vector<16xf32>
        %swap3A_386 = arith.index_cast %add3A_378 : i32 to index
        %swap3A_387 = tpu.vector_load %arg6[%swap3A_386] {strides = array<i32>} : memref<4096xf32, #tpu.memory_space<vmem>>, vector<16xf32>,
        tpu.vector_store %arg6[%swap3A_386], %add3A_385 {strides = array<i32>} : memref<4096xf32, #tpu.memory_space<vmem>>, vector<16xf32>,
        %get3A_388 = arith.index_cast %add3A_378 : i32 to index
        %get3A_389 = tpu.vector_load %arg8[%get3A_388] {strides = array<i32>} : memref<4096xf32, #tpu.memory_space<vmem>>, vector<16xf32>,
        %add3A_390 = arith.addf %while3A_375#3, %get3A_389 : vector<16xf32>
        %swap3A_391 = arith.index_cast %add3A_378 : i32 to index
        %swap3A_392 = tpu.vector_load %arg8[%swap3A_391] {strides = array<i32>} : memref<4096xf32, #tpu.memory_space<vmem>>, vector<16xf32>,
        tpu.vector_store %arg8[%swap3A_391], %add3A_390 {strides = array<i32>} : memref<4096xf32, #tpu.memory_space<vmem>>, vector<16xf32>,
        %while3A_393 = arith.constant 0 : i32
        scf.yield %while3A_393 : i32
      }
      %while3A_334 = arith.constant 1 : i32
      %while3A_335 = scf.for %while3A_337 = %while3A_331 to %while3A_327 step %while3A_334 iter_args(%while3A_338 = %while3A_333) -> (i32)  : i32 {
        %mul3A_339 = arith.constant 16 : i32
        %mul3A_340 = arith.muli %while3A_337, %mul3A_339 : i32
        %broadcast_in_dim3A_341 = arith.constant -3.000000e+38 : f32
        %broadcast_in_dim3A_342 = vector.broadcast %broadcast_in_dim3A_341 : f32 to vector<16xf32>
        %sub3A_343 = arith.constant 1 : i32
        %sub3A_344 = arith.subi %add3A_295, %sub3A_343 : i32
        %mul3A_345 = arith.constant 64 : i32
        %mul3A_346 = arith.muli %sub3A_344, %mul3A_345 : i32
        %add3A_347 = arith.constant 1 : i32
        %add3A_348 = arith.addi %mul3A_346, %add3A_347 : i32
        %add3A_349 = arith.addi %add3A_348, %mul3A_340 : i32
        %shift_right_arithmetic3A_350 = arith.constant 2 : i32
        %shift_right_arithmetic3A_351 = arith.shrsi %add3A_295, %shift_right_arithmetic3A_350 : i32
        %while3A_352 = arith.constant 0 : i32
        %while3A_353 = arith.constant 0 : i32
        %while3A_354 = arith.subi %shift_right_arithmetic3A_351, %while3A_352 : i32
        %while3A_355 = arith.addi %while3A_352, %while3A_354 : i32
        %while3A_356 = arith.constant 1 : i32
        %while3A_357 = arith.divsi %while3A_354, %while3A_356 : i32
        %while3A_358 = arith.muli %while3A_357, %while3A_356 : i32
        %while3A_359 = arith.addi %while3A_352, %while3A_358 : i32
        %while3A_360 = arith.constant 1 : i32
        %while3A_361:7 = scf.for %while3A_394 = %while3A_352 to %while3A_359 step %while3A_360 iter_args(%while3A_395 = %broadcast_in_dim3A_342, %while3A_396 = %broadcast_in_dim3A_342, %while3A_397 = %broadcast_in_dim3A_342, %while3A_398 = %broadcast_in_dim3A_342, %while3A_399 = %mul3A_340, %while3A_400 = %add3A_349, %while3A_401 = %while3A_353) -> (vector<16xf32>, vector<16xf32>, vector<16xf32>, vector<16xf32>, i32, i32, i32)  : i32 {
          %add3A_402 = arith.constant 0 : i32
          %add3A_403 = arith.addi %while3A_399, %add3A_402 : i32
          %sub3A_404 = arith.constant 0 : i32
          %sub3A_405 = arith.subi %while3A_400, %sub3A_404 : i32
          %add3A_406 = arith.constant 0 : i32
          %add3A_407 = arith.addi %while3A_401, %add3A_406 : i32
          %get3A_408 = arith.index_cast %add3A_407 : i32 to index
          %get3A_409 = arith.index_cast %mul3A_340 : i32 to index
          %get3A_410 = tpu.vector_load %arg11[%get3A_408, %get3A_409] {strides = array<i32>} : memref<64x63xf32, #tpu.memory_space<vmem>>, vector<16xf32>,
          %get3A_411 = arith.index_cast %add3A_407 : i32 to index
          %get3A_412 = arith.index_cast %mul3A_340 : i32 to index
          %get3A_413 = tpu.vector_load %arg12[%get3A_411, %get3A_412] {strides = array<i32>} : memref<64x63xf32, #tpu.memory_space<vmem>>, vector<16xf32>,
          %get3A_414 = arith.index_cast %add3A_403 : i32 to index
          %get3A_415 = tpu.vector_load %arg5[%get3A_414] {strides = array<i32>} : memref<4096xf32, #tpu.memory_space<vmem>>, vector<16xf32>,
          %add3A_416 = arith.addf %get3A_410, %get3A_415 : vector<16xf32>
          %get3A_417 = arith.index_cast %sub3A_405 : i32 to index
          %get3A_418 = tpu.vector_load %arg5[%get3A_417] {strides = array<i32>} : memref<4096xf32, #tpu.memory_space<vmem>>, vector<16xf32>,
          %add3A_419 = arith.addf %add3A_416, %get3A_418 : vector<16xf32>
          %max3A = arith.maximumf %while3A_395, %add3A_419 : vector<16xf32>
          %get3A_420 = arith.index_cast %add3A_403 : i32 to index
          %get3A_421 = tpu.vector_load %arg6[%get3A_420] {strides = array<i32>} : memref<4096xf32, #tpu.memory_space<vmem>>, vector<16xf32>,
          %add3A_422 = arith.addf %get3A_410, %get3A_421 : vector<16xf32>
          %get3A_423 = arith.index_cast %sub3A_405 : i32 to index
          %get3A_424 = tpu.vector_load %arg6[%get3A_423] {strides = array<i32>} : memref<4096xf32, #tpu.memory_space<vmem>>, vector<16xf32>,
          %add3A_425 = arith.addf %add3A_422, %get3A_424 : vector<16xf32>
          %max3A_426 = arith.maximumf %while3A_396, %add3A_425 : vector<16xf32>
          %get3A_427 = arith.index_cast %add3A_403 : i32 to index
          %get3A_428 = tpu.vector_load %arg7[%get3A_427] {strides = array<i32>} : memref<4096xf32, #tpu.memory_space<vmem>>, vector<16xf32>,
          %add3A_429 = arith.addf %get3A_413, %get3A_428 : vector<16xf32>
          %get3A_430 = arith.index_cast %sub3A_405 : i32 to index
          %get3A_431 = tpu.vector_load %arg7[%get3A_430] {strides = array<i32>} : memref<4096xf32, #tpu.memory_space<vmem>>, vector<16xf32>,
          %add3A_432 = arith.addf %add3A_429, %get3A_431 : vector<16xf32>
          %max3A_433 = arith.maximumf %while3A_397, %add3A_432 : vector<16xf32>
          %get3A_434 = arith.index_cast %add3A_403 : i32 to index
          %get3A_435 = tpu.vector_load %arg8[%get3A_434] {strides = array<i32>} : memref<4096xf32, #tpu.memory_space<vmem>>, vector<16xf32>,
          %add3A_436 = arith.addf %get3A_413, %get3A_435 : vector<16xf32>
          %get3A_437 = arith.index_cast %sub3A_405 : i32 to index
          %get3A_438 = tpu.vector_load %arg8[%get3A_437] {strides = array<i32>} : memref<4096xf32, #tpu.memory_space<vmem>>, vector<16xf32>,
          %add3A_439 = arith.addf %add3A_436, %get3A_438 : vector<16xf32>
          %max3A_440 = arith.maximumf %while3A_398, %add3A_439 : vector<16xf32>
          %add3A_441 = arith.constant 64 : i32
          %add3A_442 = arith.addi %while3A_399, %add3A_441 : i32
          %sub3A_443 = arith.constant 63 : i32
          %sub3A_444 = arith.subi %while3A_400, %sub3A_443 : i32
          %add3A_445 = arith.constant 1 : i32
          %add3A_446 = arith.addi %while3A_401, %add3A_445 : i32
          %get3A_447 = arith.index_cast %add3A_446 : i32 to index
          %get3A_448 = arith.index_cast %mul3A_340 : i32 to index
          %get3A_449 = tpu.vector_load %arg11[%get3A_447, %get3A_448] {strides = array<i32>} : memref<64x63xf32, #tpu.memory_space<vmem>>, vector<16xf32>,
          %get3A_450 = arith.index_cast %add3A_446 : i32 to index
          %get3A_451 = arith.index_cast %mul3A_340 : i32 to index
          %get3A_452 = tpu.vector_load %arg12[%get3A_450, %get3A_451] {strides = array<i32>} : memref<64x63xf32, #tpu.memory_space<vmem>>, vector<16xf32>,
          %get3A_453 = arith.index_cast %add3A_442 : i32 to index
          %get3A_454 = tpu.vector_load %arg5[%get3A_453] {strides = array<i32>} : memref<4096xf32, #tpu.memory_space<vmem>>, vector<16xf32>,
          %add3A_455 = arith.addf %get3A_449, %get3A_454 : vector<16xf32>
          %get3A_456 = arith.index_cast %sub3A_444 : i32 to index
          %get3A_457 = tpu.vector_load %arg5[%get3A_456] {strides = array<i32>} : memref<4096xf32, #tpu.memory_space<vmem>>, vector<16xf32>,
          %add3A_458 = arith.addf %add3A_455, %get3A_457 : vector<16xf32>
          %max3A_459 = arith.maximumf %max3A, %add3A_458 : vector<16xf32>
          %get3A_460 = arith.index_cast %add3A_442 : i32 to index
          %get3A_461 = tpu.vector_load %arg6[%get3A_460] {strides = array<i32>} : memref<4096xf32, #tpu.memory_space<vmem>>, vector<16xf32>,
          %add3A_462 = arith.addf %get3A_449, %get3A_461 : vector<16xf32>
          %get3A_463 = arith.index_cast %sub3A_444 : i32 to index
          %get3A_464 = tpu.vector_load %arg6[%get3A_463] {strides = array<i32>} : memref<4096xf32, #tpu.memory_space<vmem>>, vector<16xf32>,
          %add3A_465 = arith.addf %add3A_462, %get3A_464 : vector<16xf32>
          %max3A_466 = arith.maximumf %max3A_426, %add3A_465 : vector<16xf32>
          %get3A_467 = arith.index_cast %add3A_442 : i32 to index
          %get3A_468 = tpu.vector_load %arg7[%get3A_467] {strides = array<i32>} : memref<4096xf32, #tpu.memory_space<vmem>>, vector<16xf32>,
          %add3A_469 = arith.addf %get3A_452, %get3A_468 : vector<16xf32>
          %get3A_470 = arith.index_cast %sub3A_444 : i32 to index
          %get3A_471 = tpu.vector_load %arg7[%get3A_470] {strides = array<i32>} : memref<4096xf32, #tpu.memory_space<vmem>>, vector<16xf32>,
          %add3A_472 = arith.addf %add3A_469, %get3A_471 : vector<16xf32>
          %max3A_473 = arith.maximumf %max3A_433, %add3A_472 : vector<16xf32>
          %get3A_474 = arith.index_cast %add3A_442 : i32 to index
          %get3A_475 = tpu.vector_load %arg8[%get3A_474] {strides = array<i32>} : memref<4096xf32, #tpu.memory_space<vmem>>, vector<16xf32>,
          %add3A_476 = arith.addf %get3A_452, %get3A_475 : vector<16xf32>
          %get3A_477 = arith.index_cast %sub3A_444 : i32 to index
          %get3A_478 = tpu.vector_load %arg8[%get3A_477] {strides = array<i32>} : memref<4096xf32, #tpu.memory_space<vmem>>, vector<16xf32>,
          %add3A_479 = arith.addf %add3A_476, %get3A_478 : vector<16xf32>
          %max3A_480 = arith.maximumf %max3A_440, %add3A_479 : vector<16xf32>
          %add3A_481 = arith.constant 128 : i32
          %add3A_482 = arith.addi %while3A_399, %add3A_481 : i32
          %sub3A_483 = arith.constant 126 : i32
          %sub3A_484 = arith.subi %while3A_400, %sub3A_483 : i32
          %add3A_485 = arith.constant 2 : i32
          %add3A_486 = arith.addi %while3A_401, %add3A_485 : i32
          %get3A_487 = arith.index_cast %add3A_486 : i32 to index
          %get3A_488 = arith.index_cast %mul3A_340 : i32 to index
          %get3A_489 = tpu.vector_load %arg11[%get3A_487, %get3A_488] {strides = array<i32>} : memref<64x63xf32, #tpu.memory_space<vmem>>, vector<16xf32>,
          %get3A_490 = arith.index_cast %add3A_486 : i32 to index
          %get3A_491 = arith.index_cast %mul3A_340 : i32 to index
          %get3A_492 = tpu.vector_load %arg12[%get3A_490, %get3A_491] {strides = array<i32>} : memref<64x63xf32, #tpu.memory_space<vmem>>, vector<16xf32>,
          %get3A_493 = arith.index_cast %add3A_482 : i32 to index
          %get3A_494 = tpu.vector_load %arg5[%get3A_493] {strides = array<i32>} : memref<4096xf32, #tpu.memory_space<vmem>>, vector<16xf32>,
          %add3A_495 = arith.addf %get3A_489, %get3A_494 : vector<16xf32>
          %get3A_496 = arith.index_cast %sub3A_484 : i32 to index
          %get3A_497 = tpu.vector_load %arg5[%get3A_496] {strides = array<i32>} : memref<4096xf32, #tpu.memory_space<vmem>>, vector<16xf32>,
          %add3A_498 = arith.addf %add3A_495, %get3A_497 : vector<16xf32>
          %max3A_499 = arith.maximumf %max3A_459, %add3A_498 : vector<16xf32>
          %get3A_500 = arith.index_cast %add3A_482 : i32 to index
          %get3A_501 = tpu.vector_load %arg6[%get3A_500] {strides = array<i32>} : memref<4096xf32, #tpu.memory_space<vmem>>, vector<16xf32>,
          %add3A_502 = arith.addf %get3A_489, %get3A_501 : vector<16xf32>
          %get3A_503 = arith.index_cast %sub3A_484 : i32 to index
          %get3A_504 = tpu.vector_load %arg6[%get3A_503] {strides = array<i32>} : memref<4096xf32, #tpu.memory_space<vmem>>, vector<16xf32>,
          %add3A_505 = arith.addf %add3A_502, %get3A_504 : vector<16xf32>
          %max3A_506 = arith.maximumf %max3A_466, %add3A_505 : vector<16xf32>
          %get3A_507 = arith.index_cast %add3A_482 : i32 to index
          %get3A_508 = tpu.vector_load %arg7[%get3A_507] {strides = array<i32>} : memref<4096xf32, #tpu.memory_space<vmem>>, vector<16xf32>,
          %add3A_509 = arith.addf %get3A_492, %get3A_508 : vector<16xf32>
          %get3A_510 = arith.index_cast %sub3A_484 : i32 to index
          %get3A_511 = tpu.vector_load %arg7[%get3A_510] {strides = array<i32>} : memref<4096xf32, #tpu.memory_space<vmem>>, vector<16xf32>,
          %add3A_512 = arith.addf %add3A_509, %get3A_511 : vector<16xf32>
          %max3A_513 = arith.maximumf %max3A_473, %add3A_512 : vector<16xf32>
          %get3A_514 = arith.index_cast %add3A_482 : i32 to index
          %get3A_515 = tpu.vector_load %arg8[%get3A_514] {strides = array<i32>} : memref<4096xf32, #tpu.memory_space<vmem>>, vector<16xf32>,
          %add3A_516 = arith.addf %get3A_492, %get3A_515 : vector<16xf32>
          %get3A_517 = arith.index_cast %sub3A_484 : i32 to index
          %get3A_518 = tpu.vector_load %arg8[%get3A_517] {strides = array<i32>} : memref<4096xf32, #tpu.memory_space<vmem>>, vector<16xf32>,
          %add3A_519 = arith.addf %add3A_516, %get3A_518 : vector<16xf32>
          %max3A_520 = arith.maximumf %max3A_480, %add3A_519 : vector<16xf32>
          %add3A_521 = arith.constant 192 : i32
          %add3A_522 = arith.addi %while3A_399, %add3A_521 : i32
          %sub3A_523 = arith.constant 189 : i32
          %sub3A_524 = arith.subi %while3A_400, %sub3A_523 : i32
          %add3A_525 = arith.constant 3 : i32
          %add3A_526 = arith.addi %while3A_401, %add3A_525 : i32
          %get3A_527 = arith.index_cast %add3A_526 : i32 to index
          %get3A_528 = arith.index_cast %mul3A_340 : i32 to index
          %get3A_529 = tpu.vector_load %arg11[%get3A_527, %get3A_528] {strides = array<i32>} : memref<64x63xf32, #tpu.memory_space<vmem>>, vector<16xf32>,
          %get3A_530 = arith.index_cast %add3A_526 : i32 to index
          %get3A_531 = arith.index_cast %mul3A_340 : i32 to index
          %get3A_532 = tpu.vector_load %arg12[%get3A_530, %get3A_531] {strides = array<i32>} : memref<64x63xf32, #tpu.memory_space<vmem>>, vector<16xf32>,
          %get3A_533 = arith.index_cast %add3A_522 : i32 to index
          %get3A_534 = tpu.vector_load %arg5[%get3A_533] {strides = array<i32>} : memref<4096xf32, #tpu.memory_space<vmem>>, vector<16xf32>,
          %add3A_535 = arith.addf %get3A_529, %get3A_534 : vector<16xf32>
          %get3A_536 = arith.index_cast %sub3A_524 : i32 to index
          %get3A_537 = tpu.vector_load %arg5[%get3A_536] {strides = array<i32>} : memref<4096xf32, #tpu.memory_space<vmem>>, vector<16xf32>,
          %add3A_538 = arith.addf %add3A_535, %get3A_537 : vector<16xf32>
          %max3A_539 = arith.maximumf %max3A_499, %add3A_538 : vector<16xf32>
          %get3A_540 = arith.index_cast %add3A_522 : i32 to index
          %get3A_541 = tpu.vector_load %arg6[%get3A_540] {strides = array<i32>} : memref<4096xf32, #tpu.memory_space<vmem>>, vector<16xf32>,
          %add3A_542 = arith.addf %get3A_529, %get3A_541 : vector<16xf32>
          %get3A_543 = arith.index_cast %sub3A_524 : i32 to index
          %get3A_544 = tpu.vector_load %arg6[%get3A_543] {strides = array<i32>} : memref<4096xf32, #tpu.memory_space<vmem>>, vector<16xf32>,
          %add3A_545 = arith.addf %add3A_542, %get3A_544 : vector<16xf32>
          %max3A_546 = arith.maximumf %max3A_506, %add3A_545 : vector<16xf32>
          %get3A_547 = arith.index_cast %add3A_522 : i32 to index
          %get3A_548 = tpu.vector_load %arg7[%get3A_547] {strides = array<i32>} : memref<4096xf32, #tpu.memory_space<vmem>>, vector<16xf32>,
          %add3A_549 = arith.addf %get3A_532, %get3A_548 : vector<16xf32>
          %get3A_550 = arith.index_cast %sub3A_524 : i32 to index
          %get3A_551 = tpu.vector_load %arg7[%get3A_550] {strides = array<i32>} : memref<4096xf32, #tpu.memory_space<vmem>>, vector<16xf32>,
          %add3A_552 = arith.addf %add3A_549, %get3A_551 : vector<16xf32>
          %max3A_553 = arith.maximumf %max3A_513, %add3A_552 : vector<16xf32>
          %get3A_554 = arith.index_cast %add3A_522 : i32 to index
          %get3A_555 = tpu.vector_load %arg8[%get3A_554] {strides = array<i32>} : memref<4096xf32, #tpu.memory_space<vmem>>, vector<16xf32>,
          %add3A_556 = arith.addf %get3A_532, %get3A_555 : vector<16xf32>
          %get3A_557 = arith.index_cast %sub3A_524 : i32 to index
          %get3A_558 = tpu.vector_load %arg8[%get3A_557] {strides = array<i32>} : memref<4096xf32, #tpu.memory_space<vmem>>, vector<16xf32>,
          %add3A_559 = arith.addf %add3A_556, %get3A_558 : vector<16xf32>
          %max3A_560 = arith.maximumf %max3A_520, %add3A_559 : vector<16xf32>
          %add3A_561 = arith.constant 256 : i32
          %add3A_562 = arith.addi %while3A_399, %add3A_561 : i32
          %sub3A_563 = arith.constant 252 : i32
          %sub3A_564 = arith.subi %while3A_400, %sub3A_563 : i32
          %add3A_565 = arith.constant 4 : i32
          %add3A_566 = arith.addi %while3A_401, %add3A_565 : i32
          scf.yield %max3A_539, %max3A_546, %max3A_553, %max3A_560, %add3A_562, %sub3A_564, %add3A_566 : vector<16xf32>, vector<16xf32>, vector<16xf32>, vector<16xf32>, i32, i32, i32
        }
        %while3A_362 = arith.constant 1 : i32
        %while3A_363:7 = scf.for %while3A_394 = %while3A_359 to %while3A_355 step %while3A_362 iter_args(%while3A_395 = %while3A_361#0, %while3A_396 = %while3A_361#1, %while3A_397 = %while3A_361#2, %while3A_398 = %while3A_361#3, %while3A_399 = %while3A_361#4, %while3A_400 = %while3A_361#5, %while3A_401 = %while3A_361#6) -> (vector<16xf32>, vector<16xf32>, vector<16xf32>, vector<16xf32>, i32, i32, i32)  : i32 {
          %add3A_402 = arith.constant 0 : i32
          %add3A_403 = arith.addi %while3A_399, %add3A_402 : i32
          %sub3A_404 = arith.constant 0 : i32
          %sub3A_405 = arith.subi %while3A_400, %sub3A_404 : i32
          %add3A_406 = arith.constant 0 : i32
          %add3A_407 = arith.addi %while3A_401, %add3A_406 : i32
          %get3A_408 = arith.index_cast %add3A_407 : i32 to index
          %get3A_409 = arith.index_cast %mul3A_340 : i32 to index
          %get3A_410 = tpu.vector_load %arg11[%get3A_408, %get3A_409] {strides = array<i32>} : memref<64x63xf32, #tpu.memory_space<vmem>>, vector<16xf32>,
          %get3A_411 = arith.index_cast %add3A_407 : i32 to index
          %get3A_412 = arith.index_cast %mul3A_340 : i32 to index
          %get3A_413 = tpu.vector_load %arg12[%get3A_411, %get3A_412] {strides = array<i32>} : memref<64x63xf32, #tpu.memory_space<vmem>>, vector<16xf32>,
          %get3A_414 = arith.index_cast %add3A_403 : i32 to index
          %get3A_415 = tpu.vector_load %arg5[%get3A_414] {strides = array<i32>} : memref<4096xf32, #tpu.memory_space<vmem>>, vector<16xf32>,
          %add3A_416 = arith.addf %get3A_410, %get3A_415 : vector<16xf32>
          %get3A_417 = arith.index_cast %sub3A_405 : i32 to index
          %get3A_418 = tpu.vector_load %arg5[%get3A_417] {strides = array<i32>} : memref<4096xf32, #tpu.memory_space<vmem>>, vector<16xf32>,
          %add3A_419 = arith.addf %add3A_416, %get3A_418 : vector<16xf32>
          %max3A = arith.maximumf %while3A_395, %add3A_419 : vector<16xf32>
          %get3A_420 = arith.index_cast %add3A_403 : i32 to index
          %get3A_421 = tpu.vector_load %arg6[%get3A_420] {strides = array<i32>} : memref<4096xf32, #tpu.memory_space<vmem>>, vector<16xf32>,
          %add3A_422 = arith.addf %get3A_410, %get3A_421 : vector<16xf32>
          %get3A_423 = arith.index_cast %sub3A_405 : i32 to index
          %get3A_424 = tpu.vector_load %arg6[%get3A_423] {strides = array<i32>} : memref<4096xf32, #tpu.memory_space<vmem>>, vector<16xf32>,
          %add3A_425 = arith.addf %add3A_422, %get3A_424 : vector<16xf32>
          %max3A_426 = arith.maximumf %while3A_396, %add3A_425 : vector<16xf32>
          %get3A_427 = arith.index_cast %add3A_403 : i32 to index
          %get3A_428 = tpu.vector_load %arg7[%get3A_427] {strides = array<i32>} : memref<4096xf32, #tpu.memory_space<vmem>>, vector<16xf32>,
          %add3A_429 = arith.addf %get3A_413, %get3A_428 : vector<16xf32>
          %get3A_430 = arith.index_cast %sub3A_405 : i32 to index
          %get3A_431 = tpu.vector_load %arg7[%get3A_430] {strides = array<i32>} : memref<4096xf32, #tpu.memory_space<vmem>>, vector<16xf32>,
          %add3A_432 = arith.addf %add3A_429, %get3A_431 : vector<16xf32>
          %max3A_433 = arith.maximumf %while3A_397, %add3A_432 : vector<16xf32>
          %get3A_434 = arith.index_cast %add3A_403 : i32 to index
          %get3A_435 = tpu.vector_load %arg8[%get3A_434] {strides = array<i32>} : memref<4096xf32, #tpu.memory_space<vmem>>, vector<16xf32>,
          %add3A_436 = arith.addf %get3A_413, %get3A_435 : vector<16xf32>
          %get3A_437 = arith.index_cast %sub3A_405 : i32 to index
          %get3A_438 = tpu.vector_load %arg8[%get3A_437] {strides = array<i32>} : memref<4096xf32, #tpu.memory_space<vmem>>, vector<16xf32>,
          %add3A_439 = arith.addf %add3A_436, %get3A_438 : vector<16xf32>
          %max3A_440 = arith.maximumf %while3A_398, %add3A_439 : vector<16xf32>
          %add3A_441 = arith.constant 64 : i32
          %add3A_442 = arith.addi %while3A_399, %add3A_441 : i32
          %sub3A_443 = arith.constant 63 : i32
          %sub3A_444 = arith.subi %while3A_400, %sub3A_443 : i32
          %add3A_445 = arith.constant 1 : i32
          %add3A_446 = arith.addi %while3A_401, %add3A_445 : i32
          %get3A_447 = arith.index_cast %add3A_446 : i32 to index
          %get3A_448 = arith.index_cast %mul3A_340 : i32 to index
          %get3A_449 = tpu.vector_load %arg11[%get3A_447, %get3A_448] {strides = array<i32>} : memref<64x63xf32, #tpu.memory_space<vmem>>, vector<16xf32>,
          %get3A_450 = arith.index_cast %add3A_446 : i32 to index
          %get3A_451 = arith.index_cast %mul3A_340 : i32 to index
          %get3A_452 = tpu.vector_load %arg12[%get3A_450, %get3A_451] {strides = array<i32>} : memref<64x63xf32, #tpu.memory_space<vmem>>, vector<16xf32>,
          %get3A_453 = arith.index_cast %add3A_442 : i32 to index
          %get3A_454 = tpu.vector_load %arg5[%get3A_453] {strides = array<i32>} : memref<4096xf32, #tpu.memory_space<vmem>>, vector<16xf32>,
          %add3A_455 = arith.addf %get3A_449, %get3A_454 : vector<16xf32>
          %get3A_456 = arith.index_cast %sub3A_444 : i32 to index
          %get3A_457 = tpu.vector_load %arg5[%get3A_456] {strides = array<i32>} : memref<4096xf32, #tpu.memory_space<vmem>>, vector<16xf32>,
          %add3A_458 = arith.addf %add3A_455, %get3A_457 : vector<16xf32>
          %max3A_459 = arith.maximumf %max3A, %add3A_458 : vector<16xf32>
          %get3A_460 = arith.index_cast %add3A_442 : i32 to index
          %get3A_461 = tpu.vector_load %arg6[%get3A_460] {strides = array<i32>} : memref<4096xf32, #tpu.memory_space<vmem>>, vector<16xf32>,
          %add3A_462 = arith.addf %get3A_449, %get3A_461 : vector<16xf32>
          %get3A_463 = arith.index_cast %sub3A_444 : i32 to index
          %get3A_464 = tpu.vector_load %arg6[%get3A_463] {strides = array<i32>} : memref<4096xf32, #tpu.memory_space<vmem>>, vector<16xf32>,
          %add3A_465 = arith.addf %add3A_462, %get3A_464 : vector<16xf32>
          %max3A_466 = arith.maximumf %max3A_426, %add3A_465 : vector<16xf32>
          %get3A_467 = arith.index_cast %add3A_442 : i32 to index
          %get3A_468 = tpu.vector_load %arg7[%get3A_467] {strides = array<i32>} : memref<4096xf32, #tpu.memory_space<vmem>>, vector<16xf32>,
          %add3A_469 = arith.addf %get3A_452, %get3A_468 : vector<16xf32>
          %get3A_470 = arith.index_cast %sub3A_444 : i32 to index
          %get3A_471 = tpu.vector_load %arg7[%get3A_470] {strides = array<i32>} : memref<4096xf32, #tpu.memory_space<vmem>>, vector<16xf32>,
          %add3A_472 = arith.addf %add3A_469, %get3A_471 : vector<16xf32>
          %max3A_473 = arith.maximumf %max3A_433, %add3A_472 : vector<16xf32>
          %get3A_474 = arith.index_cast %add3A_442 : i32 to index
          %get3A_475 = tpu.vector_load %arg8[%get3A_474] {strides = array<i32>} : memref<4096xf32, #tpu.memory_space<vmem>>, vector<16xf32>,
          %add3A_476 = arith.addf %get3A_452, %get3A_475 : vector<16xf32>
          %get3A_477 = arith.index_cast %sub3A_444 : i32 to index
          %get3A_478 = tpu.vector_load %arg8[%get3A_477] {strides = array<i32>} : memref<4096xf32, #tpu.memory_space<vmem>>, vector<16xf32>,
          %add3A_479 = arith.addf %add3A_476, %get3A_478 : vector<16xf32>
          %max3A_480 = arith.maximumf %max3A_440, %add3A_479 : vector<16xf32>
          %add3A_481 = arith.constant 128 : i32
          %add3A_482 = arith.addi %while3A_399, %add3A_481 : i32
          %sub3A_483 = arith.constant 126 : i32
          %sub3A_484 = arith.subi %while3A_400, %sub3A_483 : i32
          %add3A_485 = arith.constant 2 : i32
          %add3A_486 = arith.addi %while3A_401, %add3A_485 : i32
          %get3A_487 = arith.index_cast %add3A_486 : i32 to index
          %get3A_488 = arith.index_cast %mul3A_340 : i32 to index
          %get3A_489 = tpu.vector_load %arg11[%get3A_487, %get3A_488] {strides = array<i32>} : memref<64x63xf32, #tpu.memory_space<vmem>>, vector<16xf32>,
          %get3A_490 = arith.index_cast %add3A_486 : i32 to index
          %get3A_491 = arith.index_cast %mul3A_340 : i32 to index
          %get3A_492 = tpu.vector_load %arg12[%get3A_490, %get3A_491] {strides = array<i32>} : memref<64x63xf32, #tpu.memory_space<vmem>>, vector<16xf32>,
          %get3A_493 = arith.index_cast %add3A_482 : i32 to index
          %get3A_494 = tpu.vector_load %arg5[%get3A_493] {strides = array<i32>} : memref<4096xf32, #tpu.memory_space<vmem>>, vector<16xf32>,
          %add3A_495 = arith.addf %get3A_489, %get3A_494 : vector<16xf32>
          %get3A_496 = arith.index_cast %sub3A_484 : i32 to index
          %get3A_497 = tpu.vector_load %arg5[%get3A_496] {strides = array<i32>} : memref<4096xf32, #tpu.memory_space<vmem>>, vector<16xf32>,
          %add3A_498 = arith.addf %add3A_495, %get3A_497 : vector<16xf32>
          %max3A_499 = arith.maximumf %max3A_459, %add3A_498 : vector<16xf32>
          %get3A_500 = arith.index_cast %add3A_482 : i32 to index
          %get3A_501 = tpu.vector_load %arg6[%get3A_500] {strides = array<i32>} : memref<4096xf32, #tpu.memory_space<vmem>>, vector<16xf32>,
          %add3A_502 = arith.addf %get3A_489, %get3A_501 : vector<16xf32>
          %get3A_503 = arith.index_cast %sub3A_484 : i32 to index
          %get3A_504 = tpu.vector_load %arg6[%get3A_503] {strides = array<i32>} : memref<4096xf32, #tpu.memory_space<vmem>>, vector<16xf32>,
          %add3A_505 = arith.addf %add3A_502, %get3A_504 : vector<16xf32>
          %max3A_506 = arith.maximumf %max3A_466, %add3A_505 : vector<16xf32>
          %get3A_507 = arith.index_cast %add3A_482 : i32 to index
          %get3A_508 = tpu.vector_load %arg7[%get3A_507] {strides = array<i32>} : memref<4096xf32, #tpu.memory_space<vmem>>, vector<16xf32>,
          %add3A_509 = arith.addf %get3A_492, %get3A_508 : vector<16xf32>
          %get3A_510 = arith.index_cast %sub3A_484 : i32 to index
          %get3A_511 = tpu.vector_load %arg7[%get3A_510] {strides = array<i32>} : memref<4096xf32, #tpu.memory_space<vmem>>, vector<16xf32>,
          %add3A_512 = arith.addf %add3A_509, %get3A_511 : vector<16xf32>
          %max3A_513 = arith.maximumf %max3A_473, %add3A_512 : vector<16xf32>
          %get3A_514 = arith.index_cast %add3A_482 : i32 to index
          %get3A_515 = tpu.vector_load %arg8[%get3A_514] {strides = array<i32>} : memref<4096xf32, #tpu.memory_space<vmem>>, vector<16xf32>,
          %add3A_516 = arith.addf %get3A_492, %get3A_515 : vector<16xf32>
          %get3A_517 = arith.index_cast %sub3A_484 : i32 to index
          %get3A_518 = tpu.vector_load %arg8[%get3A_517] {strides = array<i32>} : memref<4096xf32, #tpu.memory_space<vmem>>, vector<16xf32>,
          %add3A_519 = arith.addf %add3A_516, %get3A_518 : vector<16xf32>
          %max3A_520 = arith.maximumf %max3A_480, %add3A_519 : vector<16xf32>
          %add3A_521 = arith.constant 192 : i32
          %add3A_522 = arith.addi %while3A_399, %add3A_521 : i32
          %sub3A_523 = arith.constant 189 : i32
          %sub3A_524 = arith.subi %while3A_400, %sub3A_523 : i32
          %add3A_525 = arith.constant 3 : i32
          %add3A_526 = arith.addi %while3A_401, %add3A_525 : i32
          %get3A_527 = arith.index_cast %add3A_526 : i32 to index
          %get3A_528 = arith.index_cast %mul3A_340 : i32 to index
          %get3A_529 = tpu.vector_load %arg11[%get3A_527, %get3A_528] {strides = array<i32>} : memref<64x63xf32, #tpu.memory_space<vmem>>, vector<16xf32>,
          %get3A_530 = arith.index_cast %add3A_526 : i32 to index
          %get3A_531 = arith.index_cast %mul3A_340 : i32 to index
          %get3A_532 = tpu.vector_load %arg12[%get3A_530, %get3A_531] {strides = array<i32>} : memref<64x63xf32, #tpu.memory_space<vmem>>, vector<16xf32>,
          %get3A_533 = arith.index_cast %add3A_522 : i32 to index
          %get3A_534 = tpu.vector_load %arg5[%get3A_533] {strides = array<i32>} : memref<4096xf32, #tpu.memory_space<vmem>>, vector<16xf32>,
          %add3A_535 = arith.addf %get3A_529, %get3A_534 : vector<16xf32>
          %get3A_536 = arith.index_cast %sub3A_524 : i32 to index
          %get3A_537 = tpu.vector_load %arg5[%get3A_536] {strides = array<i32>} : memref<4096xf32, #tpu.memory_space<vmem>>, vector<16xf32>,
          %add3A_538 = arith.addf %add3A_535, %get3A_537 : vector<16xf32>
          %max3A_539 = arith.maximumf %max3A_499, %add3A_538 : vector<16xf32>
          %get3A_540 = arith.index_cast %add3A_522 : i32 to index
          %get3A_541 = tpu.vector_load %arg6[%get3A_540] {strides = array<i32>} : memref<4096xf32, #tpu.memory_space<vmem>>, vector<16xf32>,
          %add3A_542 = arith.addf %get3A_529, %get3A_541 : vector<16xf32>
          %get3A_543 = arith.index_cast %sub3A_524 : i32 to index
          %get3A_544 = tpu.vector_load %arg6[%get3A_543] {strides = array<i32>} : memref<4096xf32, #tpu.memory_space<vmem>>, vector<16xf32>,
          %add3A_545 = arith.addf %add3A_542, %get3A_544 : vector<16xf32>
          %max3A_546 = arith.maximumf %max3A_506, %add3A_545 : vector<16xf32>
          %get3A_547 = arith.index_cast %add3A_522 : i32 to index
          %get3A_548 = tpu.vector_load %arg7[%get3A_547] {strides = array<i32>} : memref<4096xf32, #tpu.memory_space<vmem>>, vector<16xf32>,
          %add3A_549 = arith.addf %get3A_532, %get3A_548 : vector<16xf32>
          %get3A_550 = arith.index_cast %sub3A_524 : i32 to index
          %get3A_551 = tpu.vector_load %arg7[%get3A_550] {strides = array<i32>} : memref<4096xf32, #tpu.memory_space<vmem>>, vector<16xf32>,
          %add3A_552 = arith.addf %add3A_549, %get3A_551 : vector<16xf32>
          %max3A_553 = arith.maximumf %max3A_513, %add3A_552 : vector<16xf32>
          %get3A_554 = arith.index_cast %add3A_522 : i32 to index
          %get3A_555 = tpu.vector_load %arg8[%get3A_554] {strides = array<i32>} : memref<4096xf32, #tpu.memory_space<vmem>>, vector<16xf32>,
          %add3A_556 = arith.addf %get3A_532, %get3A_555 : vector<16xf32>
          %get3A_557 = arith.index_cast %sub3A_524 : i32 to index
          %get3A_558 = tpu.vector_load %arg8[%get3A_557] {strides = array<i32>} : memref<4096xf32, #tpu.memory_space<vmem>>, vector<16xf32>,
          %add3A_559 = arith.addf %add3A_556, %get3A_558 : vector<16xf32>
          %max3A_560 = arith.maximumf %max3A_520, %add3A_559 : vector<16xf32>
          %add3A_561 = arith.constant 256 : i32
          %add3A_562 = arith.addi %while3A_399, %add3A_561 : i32
          %sub3A_563 = arith.constant 252 : i32
          %sub3A_564 = arith.subi %while3A_400, %sub3A_563 : i32
          %add3A_565 = arith.constant 4 : i32
          %add3A_566 = arith.addi %while3A_401, %add3A_565 : i32
          scf.yield %max3A_539, %max3A_546, %max3A_553, %max3A_560, %add3A_562, %sub3A_564, %add3A_566 : vector<16xf32>, vector<16xf32>, vector<16xf32>, vector<16xf32>, i32, i32, i32
        }
        %and3A_364 = arith.constant -4 : i32
        %and3A_365 = arith.andi %add3A_295, %and3A_364 : i32
        %while3A_366 = arith.subi %add3A_295, %and3A_365 : i32
        %while3A_367 = arith.addi %and3A_365, %while3A_366 : i32
        %while3A_368 = arith.constant 1 : i32
        %while3A_369 = arith.divsi %while3A_366, %while3A_368 : i32
        %while3A_370 = arith.muli %while3A_369, %while3A_368 : i32
        %while3A_371 = arith.addi %and3A_365, %while3A_370 : i32
        %while3A_372 = arith.constant 1 : i32
        %while3A_373:7 = scf.for %while3A_394 = %and3A_365 to %while3A_371 step %while3A_372 iter_args(%while3A_395 = %while3A_363#0, %while3A_396 = %while3A_363#1, %while3A_397 = %while3A_363#2, %while3A_398 = %while3A_363#3, %while3A_399 = %while3A_363#4, %while3A_400 = %while3A_363#5, %while3A_401 = %while3A_363#6) -> (vector<16xf32>, vector<16xf32>, vector<16xf32>, vector<16xf32>, i32, i32, i32)  : i32 {
          %add3A_402 = arith.constant 0 : i32
          %add3A_403 = arith.addi %while3A_399, %add3A_402 : i32
          %sub3A_404 = arith.constant 0 : i32
          %sub3A_405 = arith.subi %while3A_400, %sub3A_404 : i32
          %add3A_406 = arith.constant 0 : i32
          %add3A_407 = arith.addi %while3A_401, %add3A_406 : i32
          %get3A_408 = arith.index_cast %add3A_407 : i32 to index
          %get3A_409 = arith.index_cast %mul3A_340 : i32 to index
          %get3A_410 = tpu.vector_load %arg11[%get3A_408, %get3A_409] {strides = array<i32>} : memref<64x63xf32, #tpu.memory_space<vmem>>, vector<16xf32>,
          %get3A_411 = arith.index_cast %add3A_407 : i32 to index
          %get3A_412 = arith.index_cast %mul3A_340 : i32 to index
          %get3A_413 = tpu.vector_load %arg12[%get3A_411, %get3A_412] {strides = array<i32>} : memref<64x63xf32, #tpu.memory_space<vmem>>, vector<16xf32>,
          %get3A_414 = arith.index_cast %add3A_403 : i32 to index
          %get3A_415 = tpu.vector_load %arg5[%get3A_414] {strides = array<i32>} : memref<4096xf32, #tpu.memory_space<vmem>>, vector<16xf32>,
          %add3A_416 = arith.addf %get3A_410, %get3A_415 : vector<16xf32>
          %get3A_417 = arith.index_cast %sub3A_405 : i32 to index
          %get3A_418 = tpu.vector_load %arg5[%get3A_417] {strides = array<i32>} : memref<4096xf32, #tpu.memory_space<vmem>>, vector<16xf32>,
          %add3A_419 = arith.addf %add3A_416, %get3A_418 : vector<16xf32>
          %max3A = arith.maximumf %while3A_395, %add3A_419 : vector<16xf32>
          %get3A_420 = arith.index_cast %add3A_403 : i32 to index
          %get3A_421 = tpu.vector_load %arg6[%get3A_420] {strides = array<i32>} : memref<4096xf32, #tpu.memory_space<vmem>>, vector<16xf32>,
          %add3A_422 = arith.addf %get3A_410, %get3A_421 : vector<16xf32>
          %get3A_423 = arith.index_cast %sub3A_405 : i32 to index
          %get3A_424 = tpu.vector_load %arg6[%get3A_423] {strides = array<i32>} : memref<4096xf32, #tpu.memory_space<vmem>>, vector<16xf32>,
          %add3A_425 = arith.addf %add3A_422, %get3A_424 : vector<16xf32>
          %max3A_426 = arith.maximumf %while3A_396, %add3A_425 : vector<16xf32>
          %get3A_427 = arith.index_cast %add3A_403 : i32 to index
          %get3A_428 = tpu.vector_load %arg7[%get3A_427] {strides = array<i32>} : memref<4096xf32, #tpu.memory_space<vmem>>, vector<16xf32>,
          %add3A_429 = arith.addf %get3A_413, %get3A_428 : vector<16xf32>
          %get3A_430 = arith.index_cast %sub3A_405 : i32 to index
          %get3A_431 = tpu.vector_load %arg7[%get3A_430] {strides = array<i32>} : memref<4096xf32, #tpu.memory_space<vmem>>, vector<16xf32>,
          %add3A_432 = arith.addf %add3A_429, %get3A_431 : vector<16xf32>
          %max3A_433 = arith.maximumf %while3A_397, %add3A_432 : vector<16xf32>
          %get3A_434 = arith.index_cast %add3A_403 : i32 to index
          %get3A_435 = tpu.vector_load %arg8[%get3A_434] {strides = array<i32>} : memref<4096xf32, #tpu.memory_space<vmem>>, vector<16xf32>,
          %add3A_436 = arith.addf %get3A_413, %get3A_435 : vector<16xf32>
          %get3A_437 = arith.index_cast %sub3A_405 : i32 to index
          %get3A_438 = tpu.vector_load %arg8[%get3A_437] {strides = array<i32>} : memref<4096xf32, #tpu.memory_space<vmem>>, vector<16xf32>,
          %add3A_439 = arith.addf %add3A_436, %get3A_438 : vector<16xf32>
          %max3A_440 = arith.maximumf %while3A_398, %add3A_439 : vector<16xf32>
          %add3A_441 = arith.constant 64 : i32
          %add3A_442 = arith.addi %while3A_399, %add3A_441 : i32
          %sub3A_443 = arith.constant 63 : i32
          %sub3A_444 = arith.subi %while3A_400, %sub3A_443 : i32
          %add3A_445 = arith.constant 1 : i32
          %add3A_446 = arith.addi %while3A_401, %add3A_445 : i32
          scf.yield %max3A, %max3A_426, %max3A_433, %max3A_440, %add3A_442, %sub3A_444, %add3A_446 : vector<16xf32>, vector<16xf32>, vector<16xf32>, vector<16xf32>, i32, i32, i32
        }
        %while3A_374 = arith.constant 1 : i32
        %while3A_375:7 = scf.for %while3A_394 = %while3A_371 to %while3A_367 step %while3A_374 iter_args(%while3A_395 = %while3A_373#0, %while3A_396 = %while3A_373#1, %while3A_397 = %while3A_373#2, %while3A_398 = %while3A_373#3, %while3A_399 = %while3A_373#4, %while3A_400 = %while3A_373#5, %while3A_401 = %while3A_373#6) -> (vector<16xf32>, vector<16xf32>, vector<16xf32>, vector<16xf32>, i32, i32, i32)  : i32 {
          %add3A_402 = arith.constant 0 : i32
          %add3A_403 = arith.addi %while3A_399, %add3A_402 : i32
          %sub3A_404 = arith.constant 0 : i32
          %sub3A_405 = arith.subi %while3A_400, %sub3A_404 : i32
          %add3A_406 = arith.constant 0 : i32
          %add3A_407 = arith.addi %while3A_401, %add3A_406 : i32
          %get3A_408 = arith.index_cast %add3A_407 : i32 to index
          %get3A_409 = arith.index_cast %mul3A_340 : i32 to index
          %get3A_410 = tpu.vector_load %arg11[%get3A_408, %get3A_409] {strides = array<i32>} : memref<64x63xf32, #tpu.memory_space<vmem>>, vector<16xf32>,
          %get3A_411 = arith.index_cast %add3A_407 : i32 to index
          %get3A_412 = arith.index_cast %mul3A_340 : i32 to index
          %get3A_413 = tpu.vector_load %arg12[%get3A_411, %get3A_412] {strides = array<i32>} : memref<64x63xf32, #tpu.memory_space<vmem>>, vector<16xf32>,
          %get3A_414 = arith.index_cast %add3A_403 : i32 to index
          %get3A_415 = tpu.vector_load %arg5[%get3A_414] {strides = array<i32>} : memref<4096xf32, #tpu.memory_space<vmem>>, vector<16xf32>,
          %add3A_416 = arith.addf %get3A_410, %get3A_415 : vector<16xf32>
          %get3A_417 = arith.index_cast %sub3A_405 : i32 to index
          %get3A_418 = tpu.vector_load %arg5[%get3A_417] {strides = array<i32>} : memref<4096xf32, #tpu.memory_space<vmem>>, vector<16xf32>,
          %add3A_419 = arith.addf %add3A_416, %get3A_418 : vector<16xf32>
          %max3A = arith.maximumf %while3A_395, %add3A_419 : vector<16xf32>
          %get3A_420 = arith.index_cast %add3A_403 : i32 to index
          %get3A_421 = tpu.vector_load %arg6[%get3A_420] {strides = array<i32>} : memref<4096xf32, #tpu.memory_space<vmem>>, vector<16xf32>,
          %add3A_422 = arith.addf %get3A_410, %get3A_421 : vector<16xf32>
          %get3A_423 = arith.index_cast %sub3A_405 : i32 to index
          %get3A_424 = tpu.vector_load %arg6[%get3A_423] {strides = array<i32>} : memref<4096xf32, #tpu.memory_space<vmem>>, vector<16xf32>,
          %add3A_425 = arith.addf %add3A_422, %get3A_424 : vector<16xf32>
          %max3A_426 = arith.maximumf %while3A_396, %add3A_425 : vector<16xf32>
          %get3A_427 = arith.index_cast %add3A_403 : i32 to index
          %get3A_428 = tpu.vector_load %arg7[%get3A_427] {strides = array<i32>} : memref<4096xf32, #tpu.memory_space<vmem>>, vector<16xf32>,
          %add3A_429 = arith.addf %get3A_413, %get3A_428 : vector<16xf32>
          %get3A_430 = arith.index_cast %sub3A_405 : i32 to index
          %get3A_431 = tpu.vector_load %arg7[%get3A_430] {strides = array<i32>} : memref<4096xf32, #tpu.memory_space<vmem>>, vector<16xf32>,
          %add3A_432 = arith.addf %add3A_429, %get3A_431 : vector<16xf32>
          %max3A_433 = arith.maximumf %while3A_397, %add3A_432 : vector<16xf32>
          %get3A_434 = arith.index_cast %add3A_403 : i32 to index
          %get3A_435 = tpu.vector_load %arg8[%get3A_434] {strides = array<i32>} : memref<4096xf32, #tpu.memory_space<vmem>>, vector<16xf32>,
          %add3A_436 = arith.addf %get3A_413, %get3A_435 : vector<16xf32>
          %get3A_437 = arith.index_cast %sub3A_405 : i32 to index
          %get3A_438 = tpu.vector_load %arg8[%get3A_437] {strides = array<i32>} : memref<4096xf32, #tpu.memory_space<vmem>>, vector<16xf32>,
          %add3A_439 = arith.addf %add3A_436, %get3A_438 : vector<16xf32>
          %max3A_440 = arith.maximumf %while3A_398, %add3A_439 : vector<16xf32>
          %add3A_441 = arith.constant 64 : i32
          %add3A_442 = arith.addi %while3A_399, %add3A_441 : i32
          %sub3A_443 = arith.constant 63 : i32
          %sub3A_444 = arith.subi %while3A_400, %sub3A_443 : i32
          %add3A_445 = arith.constant 1 : i32
          %add3A_446 = arith.addi %while3A_401, %add3A_445 : i32
          scf.yield %max3A, %max3A_426, %max3A_433, %max3A_440, %add3A_442, %sub3A_444, %add3A_446 : vector<16xf32>, vector<16xf32>, vector<16xf32>, vector<16xf32>, i32, i32, i32
        }
        %mul3A_376 = arith.constant 64 : i32
        %mul3A_377 = arith.muli %add3A_295, %mul3A_376 : i32
        %add3A_378 = arith.addi %mul3A_377, %mul3A_340 : i32
        %swap3A_379 = arith.index_cast %add3A_378 : i32 to index
        %swap3A_380 = tpu.vector_load %arg5[%swap3A_379] {strides = array<i32>} : memref<4096xf32, #tpu.memory_space<vmem>>, vector<16xf32>,
        tpu.vector_store %arg5[%swap3A_379], %while3A_375#0 {strides = array<i32>} : memref<4096xf32, #tpu.memory_space<vmem>>, vector<16xf32>,
        %swap3A_381 = arith.index_cast %add3A_378 : i32 to index
        %swap3A_382 = tpu.vector_load %arg7[%swap3A_381] {strides = array<i32>} : memref<4096xf32, #tpu.memory_space<vmem>>, vector<16xf32>,
        tpu.vector_store %arg7[%swap3A_381], %while3A_375#2 {strides = array<i32>} : memref<4096xf32, #tpu.memory_space<vmem>>, vector<16xf32>,
        %get3A_383 = arith.index_cast %add3A_378 : i32 to index
        %get3A_384 = tpu.vector_load %arg6[%get3A_383] {strides = array<i32>} : memref<4096xf32, #tpu.memory_space<vmem>>, vector<16xf32>,
        %add3A_385 = arith.addf %while3A_375#1, %get3A_384 : vector<16xf32>
        %swap3A_386 = arith.index_cast %add3A_378 : i32 to index
        %swap3A_387 = tpu.vector_load %arg6[%swap3A_386] {strides = array<i32>} : memref<4096xf32, #tpu.memory_space<vmem>>, vector<16xf32>,
        tpu.vector_store %arg6[%swap3A_386], %add3A_385 {strides = array<i32>} : memref<4096xf32, #tpu.memory_space<vmem>>, vector<16xf32>,
        %get3A_388 = arith.index_cast %add3A_378 : i32 to index
        %get3A_389 = tpu.vector_load %arg8[%get3A_388] {strides = array<i32>} : memref<4096xf32, #tpu.memory_space<vmem>>, vector<16xf32>,
        %add3A_390 = arith.addf %while3A_375#3, %get3A_389 : vector<16xf32>
        %swap3A_391 = arith.index_cast %add3A_378 : i32 to index
        %swap3A_392 = tpu.vector_load %arg8[%swap3A_391] {strides = array<i32>} : memref<4096xf32, #tpu.memory_space<vmem>>, vector<16xf32>,
        tpu.vector_store %arg8[%swap3A_391], %add3A_390 {strides = array<i32>} : memref<4096xf32, #tpu.memory_space<vmem>>, vector<16xf32>,
        %while3A_393 = arith.constant 0 : i32
        scf.yield %while3A_393 : i32
      }
      %scan3A_336 = arith.constant 0 : i32
      scf.yield %scan3A_336 : i32
    }
    %scan3A_114 = arith.constant 31 : i32
    %scan3A_115 = arith.constant 0 : i32
    %scan3A_116 = arith.constant 0 : i32
    %scan3A_117 = arith.constant 8 : i32
    %scan3A_118 = arith.addi %scan3A_116, %scan3A_117 : i32
    %scan3A_119 = arith.constant 1 : i32
    %scan3A_120 = scf.for %scan3A_184 = %scan3A_116 to %scan3A_118 step %scan3A_119 iter_args(%scan3A_185 = %scan3A_115) -> (i32)  : i32 {
      %mul3A_186 = arith.constant 8 : i32
      %mul3A_187 = arith.muli %scan3A_184, %mul3A_186 : i32
      %mul3A_188 = arith.constant 8 : i32
      %mul3A_189 = arith.muli %scan3A_184, %mul3A_188 : i32
      %dma_wait3A = arith.constant 62 : i32
      %dma_wait3A_190 = arith.constant 0 : i32
      %dma_wait3A_191 = tpu.memref_slice %arg9[%mul3A_189, %dma_wait3A_190] : memref<64x63xf32, #tpu.memory_space<vmem>> -> memref<8x63xf32, #tpu.memory_space<vmem>>
      %dma_wait3A_192 = arith.constant 0 : i32
      %dma_wait3A_193 = tpu.memref_slice %arg2[%dma_wait3A, %mul3A_187, %mul3A_2, %dma_wait3A_192] : memref<63x63x64x63xf32, #tpu.memory_space<hbm>> -> memref<1x8x1x63xf32, #tpu.memory_space<hbm>>
      %dma_wait3A_194 = tpu.memref_squeeze %dma_wait3A_193 : memref<1x8x1x63xf32, #tpu.memory_space<hbm>> -> memref<8x63xf32, #tpu.memory_space<hbm>>
      %dma_wait3A_195 = arith.constant 0 : i32
      %dma_wait3A_196 = tpu.memref_slice %arg9[%mul3A_189, %dma_wait3A_195] : memref<64x63xf32, #tpu.memory_space<vmem>> -> memref<8x63xf32, #tpu.memory_space<vmem>>
      %dma_wait3A_197 = arith.constant 0 : i32
      %dma_wait3A_198 = tpu.memref_slice %arg2[%dma_wait3A, %mul3A_187, %mul3A_2, %dma_wait3A_197] : memref<63x63x64x63xf32, #tpu.memory_space<hbm>> -> memref<1x8x1x63xf32, #tpu.memory_space<hbm>>
      %dma_wait3A_199 = tpu.memref_squeeze %dma_wait3A_198 : memref<1x8x1x63xf32, #tpu.memory_space<hbm>> -> memref<8x63xf32, #tpu.memory_space<hbm>>
      tpu.wait_dma2 semaphore(%arg16 : memref<!tpu.dma_semaphore, #tpu.memory_space<semaphore_mem>>) src(%dma_wait3A_199 : memref<8x63xf32, #tpu.memory_space<hbm>>) dst(%dma_wait3A_196 : memref<8x63xf32, #tpu.memory_space<vmem>>)
      %mul3A_200 = arith.constant 8 : i32
      %mul3A_201 = arith.muli %scan3A_184, %mul3A_200 : i32
      %mul3A_202 = arith.constant 8 : i32
      %mul3A_203 = arith.muli %scan3A_184, %mul3A_202 : i32
      %dma_wait3A_204 = arith.constant 62 : i32
      %dma_wait3A_205 = arith.constant 0 : i32
      %dma_wait3A_206 = tpu.memref_slice %arg10[%mul3A_203, %dma_wait3A_205] : memref<64x63xf32, #tpu.memory_space<vmem>> -> memref<8x63xf32, #tpu.memory_space<vmem>>
      %dma_wait3A_207 = arith.constant 0 : i32
      %dma_wait3A_208 = tpu.memref_slice %arg2[%dma_wait3A_204, %mul3A_201, %add3A_4, %dma_wait3A_207] : memref<63x63x64x63xf32, #tpu.memory_space<hbm>> -> memref<1x8x1x63xf32, #tpu.memory_space<hbm>>
      %dma_wait3A_209 = tpu.memref_squeeze %dma_wait3A_208 : memref<1x8x1x63xf32, #tpu.memory_space<hbm>> -> memref<8x63xf32, #tpu.memory_space<hbm>>
      %dma_wait3A_210 = arith.constant 0 : i32
      %dma_wait3A_211 = tpu.memref_slice %arg10[%mul3A_203, %dma_wait3A_210] : memref<64x63xf32, #tpu.memory_space<vmem>> -> memref<8x63xf32, #tpu.memory_space<vmem>>
      %dma_wait3A_212 = arith.constant 0 : i32
      %dma_wait3A_213 = tpu.memref_slice %arg2[%dma_wait3A_204, %mul3A_201, %add3A_4, %dma_wait3A_212] : memref<63x63x64x63xf32, #tpu.memory_space<hbm>> -> memref<1x8x1x63xf32, #tpu.memory_space<hbm>>
      %dma_wait3A_214 = tpu.memref_squeeze %dma_wait3A_213 : memref<1x8x1x63xf32, #tpu.memory_space<hbm>> -> memref<8x63xf32, #tpu.memory_space<hbm>>
      tpu.wait_dma2 semaphore(%arg17 : memref<!tpu.dma_semaphore, #tpu.memory_space<semaphore_mem>>) src(%dma_wait3A_214 : memref<8x63xf32, #tpu.memory_space<hbm>>) dst(%dma_wait3A_211 : memref<8x63xf32, #tpu.memory_space<vmem>>)
      %scan3A_215 = arith.constant 0 : i32
      scf.yield %scan3A_215 : i32
    }
    %scan3A_121 = arith.constant 8 : i32
    %scan3A_122 = arith.constant 0 : i32
    %scan3A_123 = arith.constant 0 : i32
    %mul3A_124 = arith.constant 16 : i32
    %mul3A_125 = arith.muli %scan3A_123, %mul3A_124 : i32
    %broadcast_in_dim3A_126 = arith.constant -3.000000e+38 : f32
    %broadcast_in_dim3A_127 = vector.broadcast %broadcast_in_dim3A_126 : f32 to vector<16xf32>
    %add3A_128 = arith.constant 3969 : i32
    %add3A_129 = arith.addi %add3A_128, %mul3A_125 : i32
    %scan3A_130 = arith.constant 0 : i32
    %scan3A_131 = arith.constant 0 : i32
    %scan3A_132 = arith.constant 15 : i32
    %scan3A_133 = arith.addi %scan3A_131, %scan3A_132 : i32
    %scan3A_134 = arith.constant 1 : i32
    %scan3A_135:7 = scf.for %scan3A_184 = %scan3A_131 to %scan3A_133 step %scan3A_134 iter_args(%scan3A_185 = %broadcast_in_dim3A_127, %scan3A_186 = %broadcast_in_dim3A_127, %scan3A_187 = %broadcast_in_dim3A_127, %scan3A_188 = %broadcast_in_dim3A_127, %scan3A_189 = %mul3A_125, %scan3A_190 = %add3A_129, %scan3A_191 = %scan3A_130) -> (vector<16xf32>, vector<16xf32>, vector<16xf32>, vector<16xf32>, i32, i32, i32)  : i32 {
      %add3A_192 = arith.constant 0 : i32
      %add3A_193 = arith.addi %scan3A_189, %add3A_192 : i32
      %sub3A_194 = arith.constant 0 : i32
      %sub3A_195 = arith.subi %scan3A_190, %sub3A_194 : i32
      %add3A_196 = arith.constant 0 : i32
      %add3A_197 = arith.addi %scan3A_191, %add3A_196 : i32
      %get3A_198 = arith.index_cast %add3A_197 : i32 to index
      %get3A_199 = arith.index_cast %mul3A_125 : i32 to index
      %get3A_200 = tpu.vector_load %arg9[%get3A_198, %get3A_199] {strides = array<i32>} : memref<64x63xf32, #tpu.memory_space<vmem>>, vector<16xf32>,
      %get3A_201 = arith.index_cast %add3A_197 : i32 to index
      %get3A_202 = arith.index_cast %mul3A_125 : i32 to index
      %get3A_203 = tpu.vector_load %arg10[%get3A_201, %get3A_202] {strides = array<i32>} : memref<64x63xf32, #tpu.memory_space<vmem>>, vector<16xf32>,
      %get3A_204 = arith.index_cast %add3A_193 : i32 to index
      %get3A_205 = tpu.vector_load %arg5[%get3A_204] {strides = array<i32>} : memref<4096xf32, #tpu.memory_space<vmem>>, vector<16xf32>,
      %add3A_206 = arith.addf %get3A_200, %get3A_205 : vector<16xf32>
      %get3A_207 = arith.index_cast %sub3A_195 : i32 to index
      %get3A_208 = tpu.vector_load %arg5[%get3A_207] {strides = array<i32>} : memref<4096xf32, #tpu.memory_space<vmem>>, vector<16xf32>,
      %add3A_209 = arith.addf %add3A_206, %get3A_208 : vector<16xf32>
      %max3A = arith.maximumf %scan3A_185, %add3A_209 : vector<16xf32>
      %get3A_210 = arith.index_cast %add3A_193 : i32 to index
      %get3A_211 = tpu.vector_load %arg6[%get3A_210] {strides = array<i32>} : memref<4096xf32, #tpu.memory_space<vmem>>, vector<16xf32>,
      %add3A_212 = arith.addf %get3A_200, %get3A_211 : vector<16xf32>
      %get3A_213 = arith.index_cast %sub3A_195 : i32 to index
      %get3A_214 = tpu.vector_load %arg6[%get3A_213] {strides = array<i32>} : memref<4096xf32, #tpu.memory_space<vmem>>, vector<16xf32>,
      %add3A_215 = arith.addf %add3A_212, %get3A_214 : vector<16xf32>
      %max3A_216 = arith.maximumf %scan3A_186, %add3A_215 : vector<16xf32>
      %get3A_217 = arith.index_cast %add3A_193 : i32 to index
      %get3A_218 = tpu.vector_load %arg7[%get3A_217] {strides = array<i32>} : memref<4096xf32, #tpu.memory_space<vmem>>, vector<16xf32>,
      %add3A_219 = arith.addf %get3A_203, %get3A_218 : vector<16xf32>
      %get3A_220 = arith.index_cast %sub3A_195 : i32 to index
      %get3A_221 = tpu.vector_load %arg7[%get3A_220] {strides = array<i32>} : memref<4096xf32, #tpu.memory_space<vmem>>, vector<16xf32>,
      %add3A_222 = arith.addf %add3A_219, %get3A_221 : vector<16xf32>
      %max3A_223 = arith.maximumf %scan3A_187, %add3A_222 : vector<16xf32>
      %get3A_224 = arith.index_cast %add3A_193 : i32 to index
      %get3A_225 = tpu.vector_load %arg8[%get3A_224] {strides = array<i32>} : memref<4096xf32, #tpu.memory_space<vmem>>, vector<16xf32>,
      %add3A_226 = arith.addf %get3A_203, %get3A_225 : vector<16xf32>
      %get3A_227 = arith.index_cast %sub3A_195 : i32 to index
      %get3A_228 = tpu.vector_load %arg8[%get3A_227] {strides = array<i32>} : memref<4096xf32, #tpu.memory_space<vmem>>, vector<16xf32>,
      %add3A_229 = arith.addf %add3A_226, %get3A_228 : vector<16xf32>
      %max3A_230 = arith.maximumf %scan3A_188, %add3A_229 : vector<16xf32>
      %add3A_231 = arith.constant 64 : i32
      %add3A_232 = arith.addi %scan3A_189, %add3A_231 : i32
      %sub3A_233 = arith.constant 63 : i32
      %sub3A_234 = arith.subi %scan3A_190, %sub3A_233 : i32
      %add3A_235 = arith.constant 1 : i32
      %add3A_236 = arith.addi %scan3A_191, %add3A_235 : i32
      %get3A_237 = arith.index_cast %add3A_236 : i32 to index
      %get3A_238 = arith.index_cast %mul3A_125 : i32 to index
      %get3A_239 = tpu.vector_load %arg9[%get3A_237, %get3A_238] {strides = array<i32>} : memref<64x63xf32, #tpu.memory_space<vmem>>, vector<16xf32>,
      %get3A_240 = arith.index_cast %add3A_236 : i32 to index
      %get3A_241 = arith.index_cast %mul3A_125 : i32 to index
      %get3A_242 = tpu.vector_load %arg10[%get3A_240, %get3A_241] {strides = array<i32>} : memref<64x63xf32, #tpu.memory_space<vmem>>, vector<16xf32>,
      %get3A_243 = arith.index_cast %add3A_232 : i32 to index
      %get3A_244 = tpu.vector_load %arg5[%get3A_243] {strides = array<i32>} : memref<4096xf32, #tpu.memory_space<vmem>>, vector<16xf32>,
      %add3A_245 = arith.addf %get3A_239, %get3A_244 : vector<16xf32>
      %get3A_246 = arith.index_cast %sub3A_234 : i32 to index
      %get3A_247 = tpu.vector_load %arg5[%get3A_246] {strides = array<i32>} : memref<4096xf32, #tpu.memory_space<vmem>>, vector<16xf32>,
      %add3A_248 = arith.addf %add3A_245, %get3A_247 : vector<16xf32>
      %max3A_249 = arith.maximumf %max3A, %add3A_248 : vector<16xf32>
      %get3A_250 = arith.index_cast %add3A_232 : i32 to index
      %get3A_251 = tpu.vector_load %arg6[%get3A_250] {strides = array<i32>} : memref<4096xf32, #tpu.memory_space<vmem>>, vector<16xf32>,
      %add3A_252 = arith.addf %get3A_239, %get3A_251 : vector<16xf32>
      %get3A_253 = arith.index_cast %sub3A_234 : i32 to index
      %get3A_254 = tpu.vector_load %arg6[%get3A_253] {strides = array<i32>} : memref<4096xf32, #tpu.memory_space<vmem>>, vector<16xf32>,
      %add3A_255 = arith.addf %add3A_252, %get3A_254 : vector<16xf32>
      %max3A_256 = arith.maximumf %max3A_216, %add3A_255 : vector<16xf32>
      %get3A_257 = arith.index_cast %add3A_232 : i32 to index
      %get3A_258 = tpu.vector_load %arg7[%get3A_257] {strides = array<i32>} : memref<4096xf32, #tpu.memory_space<vmem>>, vector<16xf32>,
      %add3A_259 = arith.addf %get3A_242, %get3A_258 : vector<16xf32>
      %get3A_260 = arith.index_cast %sub3A_234 : i32 to index
      %get3A_261 = tpu.vector_load %arg7[%get3A_260] {strides = array<i32>} : memref<4096xf32, #tpu.memory_space<vmem>>, vector<16xf32>,
      %add3A_262 = arith.addf %add3A_259, %get3A_261 : vector<16xf32>
      %max3A_263 = arith.maximumf %max3A_223, %add3A_262 : vector<16xf32>
      %get3A_264 = arith.index_cast %add3A_232 : i32 to index
      %get3A_265 = tpu.vector_load %arg8[%get3A_264] {strides = array<i32>} : memref<4096xf32, #tpu.memory_space<vmem>>, vector<16xf32>,
      %add3A_266 = arith.addf %get3A_242, %get3A_265 : vector<16xf32>
      %get3A_267 = arith.index_cast %sub3A_234 : i32 to index
      %get3A_268 = tpu.vector_load %arg8[%get3A_267] {strides = array<i32>} : memref<4096xf32, #tpu.memory_space<vmem>>, vector<16xf32>,
      %add3A_269 = arith.addf %add3A_266, %get3A_268 : vector<16xf32>
      %max3A_270 = arith.maximumf %max3A_230, %add3A_269 : vector<16xf32>
      %add3A_271 = arith.constant 128 : i32
      %add3A_272 = arith.addi %scan3A_189, %add3A_271 : i32
      %sub3A_273 = arith.constant 126 : i32
      %sub3A_274 = arith.subi %scan3A_190, %sub3A_273 : i32
      %add3A_275 = arith.constant 2 : i32
      %add3A_276 = arith.addi %scan3A_191, %add3A_275 : i32
      %get3A_277 = arith.index_cast %add3A_276 : i32 to index
      %get3A_278 = arith.index_cast %mul3A_125 : i32 to index
      %get3A_279 = tpu.vector_load %arg9[%get3A_277, %get3A_278] {strides = array<i32>} : memref<64x63xf32, #tpu.memory_space<vmem>>, vector<16xf32>,
      %get3A_280 = arith.index_cast %add3A_276 : i32 to index
      %get3A_281 = arith.index_cast %mul3A_125 : i32 to index
      %get3A_282 = tpu.vector_load %arg10[%get3A_280, %get3A_281] {strides = array<i32>} : memref<64x63xf32, #tpu.memory_space<vmem>>, vector<16xf32>,
      %get3A_283 = arith.index_cast %add3A_272 : i32 to index
      %get3A_284 = tpu.vector_load %arg5[%get3A_283] {strides = array<i32>} : memref<4096xf32, #tpu.memory_space<vmem>>, vector<16xf32>,
      %add3A_285 = arith.addf %get3A_279, %get3A_284 : vector<16xf32>
      %get3A_286 = arith.index_cast %sub3A_274 : i32 to index
      %get3A_287 = tpu.vector_load %arg5[%get3A_286] {strides = array<i32>} : memref<4096xf32, #tpu.memory_space<vmem>>, vector<16xf32>,
      %add3A_288 = arith.addf %add3A_285, %get3A_287 : vector<16xf32>
      %max3A_289 = arith.maximumf %max3A_249, %add3A_288 : vector<16xf32>
      %get3A_290 = arith.index_cast %add3A_272 : i32 to index
      %get3A_291 = tpu.vector_load %arg6[%get3A_290] {strides = array<i32>} : memref<4096xf32, #tpu.memory_space<vmem>>, vector<16xf32>,
      %add3A_292 = arith.addf %get3A_279, %get3A_291 : vector<16xf32>
      %get3A_293 = arith.index_cast %sub3A_274 : i32 to index
      %get3A_294 = tpu.vector_load %arg6[%get3A_293] {strides = array<i32>} : memref<4096xf32, #tpu.memory_space<vmem>>, vector<16xf32>,
      %add3A_295 = arith.addf %add3A_292, %get3A_294 : vector<16xf32>
      %max3A_296 = arith.maximumf %max3A_256, %add3A_295 : vector<16xf32>
      %get3A_297 = arith.index_cast %add3A_272 : i32 to index
      %get3A_298 = tpu.vector_load %arg7[%get3A_297] {strides = array<i32>} : memref<4096xf32, #tpu.memory_space<vmem>>, vector<16xf32>,
      %add3A_299 = arith.addf %get3A_282, %get3A_298 : vector<16xf32>
      %get3A_300 = arith.index_cast %sub3A_274 : i32 to index
      %get3A_301 = tpu.vector_load %arg7[%get3A_300] {strides = array<i32>} : memref<4096xf32, #tpu.memory_space<vmem>>, vector<16xf32>,
      %add3A_302 = arith.addf %add3A_299, %get3A_301 : vector<16xf32>
      %max3A_303 = arith.maximumf %max3A_263, %add3A_302 : vector<16xf32>
      %get3A_304 = arith.index_cast %add3A_272 : i32 to index
      %get3A_305 = tpu.vector_load %arg8[%get3A_304] {strides = array<i32>} : memref<4096xf32, #tpu.memory_space<vmem>>, vector<16xf32>,
      %add3A_306 = arith.addf %get3A_282, %get3A_305 : vector<16xf32>
      %get3A_307 = arith.index_cast %sub3A_274 : i32 to index
      %get3A_308 = tpu.vector_load %arg8[%get3A_307] {strides = array<i32>} : memref<4096xf32, #tpu.memory_space<vmem>>, vector<16xf32>,
      %add3A_309 = arith.addf %add3A_306, %get3A_308 : vector<16xf32>
      %max3A_310 = arith.maximumf %max3A_270, %add3A_309 : vector<16xf32>
      %add3A_311 = arith.constant 192 : i32
      %add3A_312 = arith.addi %scan3A_189, %add3A_311 : i32
      %sub3A_313 = arith.constant 189 : i32
      %sub3A_314 = arith.subi %scan3A_190, %sub3A_313 : i32
      %add3A_315 = arith.constant 3 : i32
      %add3A_316 = arith.addi %scan3A_191, %add3A_315 : i32
      %get3A_317 = arith.index_cast %add3A_316 : i32 to index
      %get3A_318 = arith.index_cast %mul3A_125 : i32 to index
      %get3A_319 = tpu.vector_load %arg9[%get3A_317, %get3A_318] {strides = array<i32>} : memref<64x63xf32, #tpu.memory_space<vmem>>, vector<16xf32>,
      %get3A_320 = arith.index_cast %add3A_316 : i32 to index
      %get3A_321 = arith.index_cast %mul3A_125 : i32 to index
      %get3A_322 = tpu.vector_load %arg10[%get3A_320, %get3A_321] {strides = array<i32>} : memref<64x63xf32, #tpu.memory_space<vmem>>, vector<16xf32>,
      %get3A_323 = arith.index_cast %add3A_312 : i32 to index
      %get3A_324 = tpu.vector_load %arg5[%get3A_323] {strides = array<i32>} : memref<4096xf32, #tpu.memory_space<vmem>>, vector<16xf32>,
      %add3A_325 = arith.addf %get3A_319, %get3A_324 : vector<16xf32>
      %get3A_326 = arith.index_cast %sub3A_314 : i32 to index
      %get3A_327 = tpu.vector_load %arg5[%get3A_326] {strides = array<i32>} : memref<4096xf32, #tpu.memory_space<vmem>>, vector<16xf32>,
      %add3A_328 = arith.addf %add3A_325, %get3A_327 : vector<16xf32>
      %max3A_329 = arith.maximumf %max3A_289, %add3A_328 : vector<16xf32>
      %get3A_330 = arith.index_cast %add3A_312 : i32 to index
      %get3A_331 = tpu.vector_load %arg6[%get3A_330] {strides = array<i32>} : memref<4096xf32, #tpu.memory_space<vmem>>, vector<16xf32>,
      %add3A_332 = arith.addf %get3A_319, %get3A_331 : vector<16xf32>
      %get3A_333 = arith.index_cast %sub3A_314 : i32 to index
      %get3A_334 = tpu.vector_load %arg6[%get3A_333] {strides = array<i32>} : memref<4096xf32, #tpu.memory_space<vmem>>, vector<16xf32>,
      %add3A_335 = arith.addf %add3A_332, %get3A_334 : vector<16xf32>
      %max3A_336 = arith.maximumf %max3A_296, %add3A_335 : vector<16xf32>
      %get3A_337 = arith.index_cast %add3A_312 : i32 to index
      %get3A_338 = tpu.vector_load %arg7[%get3A_337] {strides = array<i32>} : memref<4096xf32, #tpu.memory_space<vmem>>, vector<16xf32>,
      %add3A_339 = arith.addf %get3A_322, %get3A_338 : vector<16xf32>
      %get3A_340 = arith.index_cast %sub3A_314 : i32 to index
      %get3A_341 = tpu.vector_load %arg7[%get3A_340] {strides = array<i32>} : memref<4096xf32, #tpu.memory_space<vmem>>, vector<16xf32>,
      %add3A_342 = arith.addf %add3A_339, %get3A_341 : vector<16xf32>
      %max3A_343 = arith.maximumf %max3A_303, %add3A_342 : vector<16xf32>
      %get3A_344 = arith.index_cast %add3A_312 : i32 to index
      %get3A_345 = tpu.vector_load %arg8[%get3A_344] {strides = array<i32>} : memref<4096xf32, #tpu.memory_space<vmem>>, vector<16xf32>,
      %add3A_346 = arith.addf %get3A_322, %get3A_345 : vector<16xf32>
      %get3A_347 = arith.index_cast %sub3A_314 : i32 to index
      %get3A_348 = tpu.vector_load %arg8[%get3A_347] {strides = array<i32>} : memref<4096xf32, #tpu.memory_space<vmem>>, vector<16xf32>,
      %add3A_349 = arith.addf %add3A_346, %get3A_348 : vector<16xf32>
      %max3A_350 = arith.maximumf %max3A_310, %add3A_349 : vector<16xf32>
      %add3A_351 = arith.constant 256 : i32
      %add3A_352 = arith.addi %scan3A_189, %add3A_351 : i32
      %sub3A_353 = arith.constant 252 : i32
      %sub3A_354 = arith.subi %scan3A_190, %sub3A_353 : i32
      %add3A_355 = arith.constant 4 : i32
      %add3A_356 = arith.addi %scan3A_191, %add3A_355 : i32
      scf.yield %max3A_329, %max3A_336, %max3A_343, %max3A_350, %add3A_352, %sub3A_354, %add3A_356 : vector<16xf32>, vector<16xf32>, vector<16xf32>, vector<16xf32>, i32, i32, i32
    }
    %scan3A_136 = arith.constant 15 : i32
    %scan3A_137 = arith.constant 60 : i32
    %scan3A_138 = arith.constant 3 : i32
    %scan3A_139 = arith.addi %scan3A_137, %scan3A_138 : i32
    %scan3A_140 = arith.constant 1 : i32
    %scan3A_141:7 = scf.for %scan3A_184 = %scan3A_137 to %scan3A_139 step %scan3A_140 iter_args(%scan3A_185 = %scan3A_135#0, %scan3A_186 = %scan3A_135#1, %scan3A_187 = %scan3A_135#2, %scan3A_188 = %scan3A_135#3, %scan3A_189 = %scan3A_135#4, %scan3A_190 = %scan3A_135#5, %scan3A_191 = %scan3A_135#6) -> (vector<16xf32>, vector<16xf32>, vector<16xf32>, vector<16xf32>, i32, i32, i32)  : i32 {
      %add3A_192 = arith.constant 0 : i32
      %add3A_193 = arith.addi %scan3A_189, %add3A_192 : i32
      %sub3A_194 = arith.constant 0 : i32
      %sub3A_195 = arith.subi %scan3A_190, %sub3A_194 : i32
      %add3A_196 = arith.constant 0 : i32
      %add3A_197 = arith.addi %scan3A_191, %add3A_196 : i32
      %get3A_198 = arith.index_cast %add3A_197 : i32 to index
      %get3A_199 = arith.index_cast %mul3A_125 : i32 to index
      %get3A_200 = tpu.vector_load %arg9[%get3A_198, %get3A_199] {strides = array<i32>} : memref<64x63xf32, #tpu.memory_space<vmem>>, vector<16xf32>,
      %get3A_201 = arith.index_cast %add3A_197 : i32 to index
      %get3A_202 = arith.index_cast %mul3A_125 : i32 to index
      %get3A_203 = tpu.vector_load %arg10[%get3A_201, %get3A_202] {strides = array<i32>} : memref<64x63xf32, #tpu.memory_space<vmem>>, vector<16xf32>,
      %get3A_204 = arith.index_cast %add3A_193 : i32 to index
      %get3A_205 = tpu.vector_load %arg5[%get3A_204] {strides = array<i32>} : memref<4096xf32, #tpu.memory_space<vmem>>, vector<16xf32>,
      %add3A_206 = arith.addf %get3A_200, %get3A_205 : vector<16xf32>
      %get3A_207 = arith.index_cast %sub3A_195 : i32 to index
      %get3A_208 = tpu.vector_load %arg5[%get3A_207] {strides = array<i32>} : memref<4096xf32, #tpu.memory_space<vmem>>, vector<16xf32>,
      %add3A_209 = arith.addf %add3A_206, %get3A_208 : vector<16xf32>
      %max3A = arith.maximumf %scan3A_185, %add3A_209 : vector<16xf32>
      %get3A_210 = arith.index_cast %add3A_193 : i32 to index
      %get3A_211 = tpu.vector_load %arg6[%get3A_210] {strides = array<i32>} : memref<4096xf32, #tpu.memory_space<vmem>>, vector<16xf32>,
      %add3A_212 = arith.addf %get3A_200, %get3A_211 : vector<16xf32>
      %get3A_213 = arith.index_cast %sub3A_195 : i32 to index
      %get3A_214 = tpu.vector_load %arg6[%get3A_213] {strides = array<i32>} : memref<4096xf32, #tpu.memory_space<vmem>>, vector<16xf32>,
      %add3A_215 = arith.addf %add3A_212, %get3A_214 : vector<16xf32>
      %max3A_216 = arith.maximumf %scan3A_186, %add3A_215 : vector<16xf32>
      %get3A_217 = arith.index_cast %add3A_193 : i32 to index
      %get3A_218 = tpu.vector_load %arg7[%get3A_217] {strides = array<i32>} : memref<4096xf32, #tpu.memory_space<vmem>>, vector<16xf32>,
      %add3A_219 = arith.addf %get3A_203, %get3A_218 : vector<16xf32>
      %get3A_220 = arith.index_cast %sub3A_195 : i32 to index
      %get3A_221 = tpu.vector_load %arg7[%get3A_220] {strides = array<i32>} : memref<4096xf32, #tpu.memory_space<vmem>>, vector<16xf32>,
      %add3A_222 = arith.addf %add3A_219, %get3A_221 : vector<16xf32>
      %max3A_223 = arith.maximumf %scan3A_187, %add3A_222 : vector<16xf32>
      %get3A_224 = arith.index_cast %add3A_193 : i32 to index
      %get3A_225 = tpu.vector_load %arg8[%get3A_224] {strides = array<i32>} : memref<4096xf32, #tpu.memory_space<vmem>>, vector<16xf32>,
      %add3A_226 = arith.addf %get3A_203, %get3A_225 : vector<16xf32>
      %get3A_227 = arith.index_cast %sub3A_195 : i32 to index
      %get3A_228 = tpu.vector_load %arg8[%get3A_227] {strides = array<i32>} : memref<4096xf32, #tpu.memory_space<vmem>>, vector<16xf32>,
      %add3A_229 = arith.addf %add3A_226, %get3A_228 : vector<16xf32>
      %max3A_230 = arith.maximumf %scan3A_188, %add3A_229 : vector<16xf32>
      %add3A_231 = arith.constant 64 : i32
      %add3A_232 = arith.addi %scan3A_189, %add3A_231 : i32
      %sub3A_233 = arith.constant 63 : i32
      %sub3A_234 = arith.subi %scan3A_190, %sub3A_233 : i32
      %add3A_235 = arith.constant 1 : i32
      %add3A_236 = arith.addi %scan3A_191, %add3A_235 : i32
      scf.yield %max3A, %max3A_216, %max3A_223, %max3A_230, %add3A_232, %sub3A_234, %add3A_236 : vector<16xf32>, vector<16xf32>, vector<16xf32>, vector<16xf32>, i32, i32, i32
    }
    %scan3A_142 = arith.constant 3 : i32
    %add3A_143 = arith.constant 4032 : i32
    %add3A_144 = arith.addi %add3A_143, %mul3A_125 : i32
    %swap3A = arith.index_cast %add3A_144 : i32 to index
    %swap3A_145 = tpu.vector_load %arg5[%swap3A] {strides = array<i32>} : memref<4096xf32, #tpu.memory_space<vmem>>, vector<16xf32>,
    tpu.vector_store %arg5[%swap3A], %scan3A_141#0 {strides = array<i32>} : memref<4096xf32, #tpu.memory_space<vmem>>, vector<16xf32>,
    %swap3A_146 = arith.index_cast %add3A_144 : i32 to index
    %swap3A_147 = tpu.vector_load %arg7[%swap3A_146] {strides = array<i32>} : memref<4096xf32, #tpu.memory_space<vmem>>, vector<16xf32>,
    tpu.vector_store %arg7[%swap3A_146], %scan3A_141#2 {strides = array<i32>} : memref<4096xf32, #tpu.memory_space<vmem>>, vector<16xf32>,
    %get3A = arith.index_cast %add3A_144 : i32 to index
    %get3A_148 = tpu.vector_load %arg6[%get3A] {strides = array<i32>} : memref<4096xf32, #tpu.memory_space<vmem>>, vector<16xf32>,
    %add3A_149 = arith.addf %scan3A_141#1, %get3A_148 : vector<16xf32>
    %swap3A_150 = arith.index_cast %add3A_144 : i32 to index
    %swap3A_151 = tpu.vector_load %arg6[%swap3A_150] {strides = array<i32>} : memref<4096xf32, #tpu.memory_space<vmem>>, vector<16xf32>,
    tpu.vector_store %arg6[%swap3A_150], %add3A_149 {strides = array<i32>} : memref<4096xf32, #tpu.memory_space<vmem>>, vector<16xf32>,
    %get3A_152 = arith.index_cast %add3A_144 : i32 to index
    %get3A_153 = tpu.vector_load %arg8[%get3A_152] {strides = array<i32>} : memref<4096xf32, #tpu.memory_space<vmem>>, vector<16xf32>,
    %add3A_154 = arith.addf %scan3A_141#3, %get3A_153 : vector<16xf32>
    %swap3A_155 = arith.index_cast %add3A_144 : i32 to index
    %swap3A_156 = tpu.vector_load %arg8[%swap3A_155] {strides = array<i32>} : memref<4096xf32, #tpu.memory_space<vmem>>, vector<16xf32>,
    tpu.vector_store %arg8[%swap3A_155], %add3A_154 {strides = array<i32>} : memref<4096xf32, #tpu.memory_space<vmem>>, vector<16xf32>,
    %scan3A_157 = arith.constant 0 : i32
    %scan3A_158 = arith.constant 1 : i32
    %broadcast_in_dim3A_159 = arith.constant 4032 : i32
    %broadcast_in_dim3A_160 = vector.broadcast %broadcast_in_dim3A_159 : i32 to vector<16xi32>
    %gather3A_161 = tpu.vector_load_idx %arg5[%broadcast_in_dim3A_160] : memref<4096xf32, #tpu.memory_space<vmem>>[vector<16xi32>], vector<16xf32>,
    %gather3A_162 = tpu.vector_load_idx %arg7[%broadcast_in_dim3A_160] : memref<4096xf32, #tpu.memory_space<vmem>>[vector<16xi32>], vector<16xf32>,
    %gather3A_163 = tpu.vector_load_idx %arg6[%broadcast_in_dim3A_160] : memref<4096xf32, #tpu.memory_space<vmem>>[vector<16xi32>], vector<16xf32>,
    %sub3A_164 = arith.subf %gather3A_163, %mul3A_40 : vector<16xf32>
    %gather3A_165 = tpu.vector_load_idx %arg8[%broadcast_in_dim3A_160] : memref<4096xf32, #tpu.memory_space<vmem>>[vector<16xi32>], vector<16xf32>,
    %sub3A_166 = arith.subf %gather3A_165, %mul3A_74 : vector<16xf32>
    %eq3A = arith.constant 0 : i32
    %eq3A_167 = vector.broadcast %eq3A : i32 to vector<16xi32>
    %eq3A_168 = arith.cmpi eq, %iota3A, %eq3A_167 : vector<16xi32>
    %select_n3A_169 = arith.select %eq3A_168, %gather3A_161, %broadcast_in_dim3A_5 : vector<16xi1>, vector<16xf32>
    %eq3A_170 = arith.constant 1 : i32
    %eq3A_171 = vector.broadcast %eq3A_170 : i32 to vector<16xi32>
    %eq3A_172 = arith.cmpi eq, %iota3A, %eq3A_171 : vector<16xi32>
    %select_n3A_173 = arith.select %eq3A_172, %gather3A_162, %select_n3A_169 : vector<16xi1>, vector<16xf32>
    %eq3A_174 = arith.constant 2 : i32
    %eq3A_175 = vector.broadcast %eq3A_174 : i32 to vector<16xi32>
    %eq3A_176 = arith.cmpi eq, %iota3A, %eq3A_175 : vector<16xi32>
    %select_n3A_177 = arith.select %eq3A_176, %sub3A_164, %select_n3A_173 : vector<16xi1>, vector<16xf32>
    %eq3A_178 = arith.constant 3 : i32
    %eq3A_179 = vector.broadcast %eq3A_178 : i32 to vector<16xi32>
    %eq3A_180 = arith.cmpi eq, %iota3A, %eq3A_179 : vector<16xi32>
    %select_n3A_181 = arith.select %eq3A_180, %sub3A_166, %select_n3A_177 : vector<16xi1>, vector<16xf32>
    %swap3A_182 = arith.constant 0 : index
    %swap3A_183 = tpu.vector_load %arg15[%swap3A_182] {strides = array<i32>} : memref<16xf32, #tpu.memory_space<vmem>>, vector<16xf32>,
    tpu.vector_store %arg15[%swap3A_182], %select_n3A_181 {strides = array<i32>} : memref<16xf32, #tpu.memory_space<vmem>>, vector<16xf32>,
    "tpu.region"() ({
      %run_scoped3A = tpu.sem_alloc : memref<!tpu.dma_semaphore, #tpu.memory_space<semaphore_mem>>
      %dma_start3A_184 = arith.constant 0 : i32
      %dma_start3A_185 = tpu.memref_slice %arg4[%add3A, %dma_start3A_184] : memref<32x16xf32, #tpu.memory_space<hbm>> -> memref<1x16xf32, #tpu.memory_space<hbm>>
      %dma_start3A_186 = tpu.memref_squeeze %dma_start3A_185 : memref<1x16xf32, #tpu.memory_space<hbm>> -> memref<16xf32, #tpu.memory_space<hbm>>
      %dma_start3A_187 = arith.constant 0 : i32
      %dma_start3A_188 = tpu.memref_slice %arg4[%add3A, %dma_start3A_187] : memref<32x16xf32, #tpu.memory_space<hbm>> -> memref<1x16xf32, #tpu.memory_space<hbm>>
      %dma_start3A_189 = tpu.memref_squeeze %dma_start3A_188 : memref<1x16xf32, #tpu.memory_space<hbm>> -> memref<16xf32, #tpu.memory_space<hbm>>
      tpu.enqueue_dma source(%arg15 : memref<16xf32, #tpu.memory_space<vmem>>) target(%dma_start3A_189 : memref<16xf32, #tpu.memory_space<hbm>>) target_semaphore(%run_scoped3A : memref<!tpu.dma_semaphore, #tpu.memory_space<semaphore_mem>>)
      %dma_wait3A = arith.constant 0 : i32
      %dma_wait3A_190 = tpu.memref_slice %arg4[%add3A, %dma_wait3A] : memref<32x16xf32, #tpu.memory_space<hbm>> -> memref<1x16xf32, #tpu.memory_space<hbm>>
      %dma_wait3A_191 = tpu.memref_squeeze %dma_wait3A_190 : memref<1x16xf32, #tpu.memory_space<hbm>> -> memref<16xf32, #tpu.memory_space<hbm>>
      %dma_wait3A_192 = arith.constant 0 : i32
      %dma_wait3A_193 = tpu.memref_slice %arg4[%add3A, %dma_wait3A_192] : memref<32x16xf32, #tpu.memory_space<hbm>> -> memref<1x16xf32, #tpu.memory_space<hbm>>
      %dma_wait3A_194 = tpu.memref_squeeze %dma_wait3A_193 : memref<1x16xf32, #tpu.memory_space<hbm>> -> memref<16xf32, #tpu.memory_space<hbm>>
      tpu.wait_dma2 semaphore(%run_scoped3A : memref<!tpu.dma_semaphore, #tpu.memory_space<semaphore_mem>>) src(%arg15 : memref<16xf32, #tpu.memory_space<vmem>>) dst(%dma_wait3A_194 : memref<16xf32, #tpu.memory_space<hbm>>)
      tpu.yield
    }) : () -> ()
    return
  }
}

module attributes {stable_mosaic.version = 14 : i64} {
  func.func @_loss_body(%arg0: memref<32x16xf32, #tpu.memory_space<vmem>>, %arg1: memref<1x1xf32, #tpu.memory_space<smem>>) attributes {dimension_semantics = [], scalar_prefetch = 0 : i64, scratch_operands = 0 : i64, tpu.core_type = #tpu.core_type<tc>} {
    %get3A = arith.constant 0 : index
    %get3A_0 = arith.constant 0 : index
    %get3A_1 = vector.load %arg0[%get3A, %get3A_0] : memref<32x16xf32, #tpu.memory_space<vmem>>, vector<32x16xf32>
    %slice3A = vector.extract_strided_slice %get3A_1 {offsets = [0, 0], sizes = [32, 2], strides = [1, 1]} : vector<32x16xf32> to vector<32x2xf32>
    %slice3A_2 = vector.extract_strided_slice %get3A_1 {offsets = [0, 2], sizes = [32, 2], strides = [1, 1]} : vector<32x16xf32> to vector<32x2xf32>
    %sub3A = arith.subf %slice3A, %slice3A_2 : vector<32x2xf32>
    %abs3A = math.absf %sub3A : vector<32x2xf32>
    %lt3A = arith.constant 1.000000e-03 : f32
    %lt3A_3 = vector.broadcast %lt3A : f32 to vector<32x2xf32>
    %lt3A_4 = arith.cmpf olt, %abs3A, %lt3A_3 : vector<32x2xf32>
    %jit3A = arith.constant 0.000000e+00 : f32
    %jit3A_5 = arith.constant 1.000000e+00 : f32
    %broadcast_in_dim3A = vector.broadcast %jit3A : f32 to vector<32x2xf32>
    %broadcast_in_dim3A_6 = vector.broadcast %jit3A_5 : f32 to vector<32x2xf32>
    %select_n3A = arith.select %lt3A_4, %broadcast_in_dim3A, %broadcast_in_dim3A_6 : vector<32x2xi1>, vector<32x2xf32>
    %add3A = arith.constant 1.000000e+00 : f32
    %add3A_7 = vector.broadcast %add3A : f32 to vector<32x2xf32>
    %add3A_8 = arith.addf %add3A_7, %sub3A : vector<32x2xf32>
    %max3A = arith.constant 0.000000e+00 : f32
    %max3A_9 = vector.broadcast %max3A : f32 to vector<32x2xf32>
    %max3A_10 = arith.maximumf %add3A_8, %max3A_9 : vector<32x2xf32>
    %mul3A = arith.mulf %max3A_10, %select_n3A : vector<32x2xf32>
    %reduce_sum3A = vector.shape_cast %select_n3A : vector<32x2xf32> to vector<1x32x2xf32>
    %reduce_sum3A_11 = arith.constant dense<0.000000e+00> : vector<1xf32>
    %reduce_sum3A_12 = vector.multi_reduction <add>, %reduce_sum3A, %reduce_sum3A_11 [1, 2] : vector<1x32x2xf32> to vector<1xf32>
    %reduce_sum3A_13 = vector.shape_cast %reduce_sum3A_12 : vector<1xf32> to vector<1x1x1xf32>
    %reduce_sum3A_14 = vector.extract %reduce_sum3A_13[0, 0, 0] : f32 from vector<1x1x1xf32>
    %reduce_sum3A_15 = vector.shape_cast %mul3A : vector<32x2xf32> to vector<1x32x2xf32>
    %reduce_sum3A_16 = arith.constant dense<0.000000e+00> : vector<1xf32>
    %reduce_sum3A_17 = vector.multi_reduction <add>, %reduce_sum3A_15, %reduce_sum3A_16 [1, 2] : vector<1x32x2xf32> to vector<1xf32>
    %reduce_sum3A_18 = vector.shape_cast %reduce_sum3A_17 : vector<1xf32> to vector<1x1x1xf32>
    %reduce_sum3A_19 = vector.extract %reduce_sum3A_18[0, 0, 0] : f32 from vector<1x1x1xf32>
    %gt3A = arith.constant 1.000000e-01 : f32
    %gt3A_20 = arith.cmpf ogt, %reduce_sum3A_14, %gt3A : f32
    %max3A_21 = arith.constant 9.99999971E-10 : f32
    %max3A_22 = arith.maximumf %reduce_sum3A_14, %max3A_21 : f32
    %div3A = arith.divf %reduce_sum3A_19, %max3A_22 : f32
    %select_n3A_23 = arith.select %gt3A_20, %div3A, %reduce_sum3A_19 : f32
    %swap3A = arith.constant 0 : index
    %swap3A_24 = arith.constant 0 : index
    %swap3A_25 = memref.load %arg1[%swap3A, %swap3A_24] : memref<1x1xf32, #tpu.memory_space<smem>>
    memref.store %select_n3A_23, %arg1[%swap3A, %swap3A_24] : memref<1x1xf32, #tpu.memory_space<smem>>
    return
  }
}

</mosaic_0001>

<sc_bundles>
// kernel: kernel.4.cloned.1.call-start
scs
__scs_entry_jumppad:
0x0: {  	(pc) =	sbr.rel $0x88, $3  }
0x1: {  	(tag) =	ssettag $0x0;
	lr =	simm.s32 $0x1  }
0x2: {  	[smem:$0x3F9F] =	sst lr;
	_ =	strace $0xD0000000  }
0x3: {  	_ = 	snop  }
0x4: {  	_ = 	snop  }
0x5: {  	_ = 	snop  }
0x6: {  	_ = 	snop  }
0x7: {  	_ = 	snop  }
__scs_overlays_trampoline_lowered:
0x8: {  	[smem:$0x3FAE] =	sst s0  }
0x9: {  	[smem:$0x3FAF] =	sst s1  }
0xa: {  	[smem:$0x3FB0] =	sst s2  }
0xb: {  	[smem:$0x3FB1] =	sst s3  }
0xc: {  	[smem:$0x3FB2] =	sst s4  }
0xd: {  	[smem:$0x3FB3] =	sst s5  }
0xe: {  	[smem:$0x3FB4] =	sst s6  }
0xf: {  	[smem:$0x3FB5] =	sst s7  }
0x10: {  	[smem:$0x3FB6] =	sst s8  }
0x11: {  	[smem:$0x3FB7] =	sst s9;
	s0 =	simm.s32 @!p0 $0x0  }
0x12: {  	s1 =	sld [smem:$0x3F9D];
	s0 =	simm.s32 @p0 $0x1  }
0x13: {  	[smem:$0x3FB8] =	sst s0;
	s0 =	simm.s32 @!p1 $0x0  }
0x14: {  	s2 =	sld [smem:$0x3F9C];
	s0 =	simm.s32 @p1 $0x1  }
0x15: {  	[smem:$0x3FB9] =	sst s0;
	s0 =	simm.s32 @!p2 $0x0  }
0x16: {  	s3 =	sld [smem:$0x3FDB];
	s0 =	simm.s32 @p2 $0x1  }
0x17: {  	s4 =	simm.s32 $0x1BF5;
	[smem:$0x3FBB] =	sst s0  }
0x18: {  	s0 =	sld [smem:$0x3F9E];
	_ =	swait.ge [sflag:s4], $0x0  }
0x19: {  	s7 =	sld [smem:$0x3F9F]  }
0x1a: {  	s8 =	sadd.s32 $0xFFFFE003, lr  }
0x1b: {  	s9 =	sadd.s32 $0xFFFFFEF7, lr;
	s5 =	simm.s32 $0xFFFFFFFF;
	p2 =	slt.u32 s8, $0xFFFFF086  }
0x1c: {  	p1 =	slt.u32 s9, $0xF7A;
	s5 =	simm.s32 @!p2 $0x0  }
0x1d: {  	s5 =	simm.s32 @p1 $0x1;
	p0 =	seq.s32 s7, s2  }
0x1e: {  	s7 =	smul.u32 @!p0 $0xF7A, s2;
	p2 =	seq.s32 @!p0 s5, $0x0  }
0x1f: {  	s9 =	smul.u32 $0xF7A, s1;
	s8 =	simm.s32 @!p0 $0x1BF5;
	p2 =	por !p2, p0  }
0x20: {  	[sflag:s8] =	ssyncset.s32 @!p0 $0xFFFFF086;
	s6 =	sadd.s32 @!p0 s3, s7;
	s7 =	simm.s32 @!p0 $0x108  }
0x21: {  	s3 =	sadd.s32 s3, s9;
	s6 =	sadd.s32 @!p0 $0x88, s6;
	s7 =	simm.s32 @p2 $0x1082  }
0x22: {  	[simem:s7], [sflag:s8] =	dma.local @!p0 [hbm:s6], $0xF7A  }
0x23: {  	s9 =	sor.u32 $0xD0000000, s2;
	s6 =	simm.s32 $0x108;
	_ =	swait.ge @!p0 [sflag:s8], $0x0  }
0x24: {  	s3 =	sadd.s32 $0x88, s3;
	s6 =	simm.s32 @!p1 $0x1082;
	[sflag:s4] =	ssyncset.s32 $0xFFFFF086  }
0x25: {  	[simem:s6], [sflag:s4] =	dma.local [hbm:s3], $0xF7A  }
0x26: {  	[smem:$0x3F9F] =	sst s1;
	(tag) =	ssettag s2;
	_ =	strace s9  }
0x27: {  	s1 =	sld [smem:$0x3FAF]  }
0x28: {  	s2 =	sld [smem:$0x3FB0]  }
0x29: {  	s4 =	sld [smem:$0x3FB2]  }
0x2a: {  	p0 =	seq.s32 s5, $0x0;
	s5 =	sld [smem:$0x3FB3]  }
0x2b: {  	s6 =	sld [smem:$0x3FB4]  }
0x2c: {  	s7 =	sld [smem:$0x3FB5]  }
0x2d: {  	s3 =	simm.s32 $0x108;
	s8 =	sld [smem:$0x3FB6]  }
0x2e: {  	s3 =	simm.s32 @!p0 $0x1082;
	s9 =	sld [smem:$0x3FB7]  }
0x2f: {  	lr =	sadd.s32 s0, s3;
	s0 =	sld [smem:$0x3FAE]  }
0x30: {  	s3 =	sld [smem:$0x3FB1]  }
0x31: {  	[smem:$0x3FBA] =	sst s10  }
0x32: {  	s10 =	sld [smem:$0x3FB8];
	_ =	sdelay $0x3  }
0x33: {  	p0 =	seq.s32 s10, $0x1;
	s10 =	sld [smem:$0x3FBA];
	_ =	sdelay $0x3  }
0x34: {  	[smem:$0x3FBA] =	sst s10  }
0x35: {  	s10 =	sld [smem:$0x3FB9];
	_ =	sdelay $0x3  }
0x36: {  	p1 =	seq.s32 s10, $0x1;
	s10 =	sld [smem:$0x3FBA];
	_ =	sdelay $0x3  }
0x37: {  	[smem:$0x3FBA] =	sst s10  }
0x38: {  	s10 =	sld [smem:$0x3FBB]  }
0x39: {  	_ = 	snop;
	(pc) =	sbr.ind lr, $3  }
0x3a: {  	_ = 	snop  }
0x3b: {  	_ = 	snop  }
0x3c: {  	p2 =	seq.s32 s10, $0x1;
	s10 =	sld [smem:$0x3FBA]  }
0x3d: {  	_ =	shalt  }
0x3e: {  	_ =	shalt  }
0x3f: {  	_ =	shalt  }
0x40: {  	_ =	shalt  }
0x41: {  	_ =	shalt  }
0x42: {  	_ =	shalt  }
0x43: {  	_ =	shalt  }
0x44: {  	_ =	shalt  }
0x45: {  	_ =	shalt  }
0x46: {  	_ =	shalt  }
0x47: {  	_ =	shalt  }
0x48: {  	_ =	shalt  }
0x49: {  	_ =	shalt  }
0x4a: {  	_ =	shalt  }
0x4b: {  	_ =	shalt  }
0x4c: {  	_ =	shalt  }
0x4d: {  	_ =	shalt  }
0x4e: {  	_ =	shalt  }
0x4f: {  	_ =	shalt  }
0x50: {  	_ =	shalt  }
0x51: {  	_ =	shalt  }
0x52: {  	_ =	shalt  }
0x53: {  	_ =	shalt  }
0x54: {  	_ =	shalt  }
0x55: {  	_ =	shalt  }
0x56: {  	_ =	shalt  }
0x57: {  	_ =	shalt  }
0x58: {  	_ =	shalt  }
0x59: {  	_ =	shalt  }
0x5a: {  	_ =	shalt  }
0x5b: {  	_ =	shalt  }
0x5c: {  	_ =	shalt  }
0x5d: {  	_ =	shalt  }
0x5e: {  	_ =	shalt  }
0x5f: {  	_ =	shalt  }
0x60: {  	_ =	shalt  }
0x61: {  	_ =	shalt  }
0x62: {  	_ =	shalt  }
0x63: {  	_ =	shalt  }
0x64: {  	_ =	shalt  }
0x65: {  	_ =	shalt  }
0x66: {  	_ =	shalt  }
0x67: {  	_ =	shalt  }
0x68: {  	_ =	shalt  }
0x69: {  	_ =	shalt  }
0x6a: {  	_ =	shalt  }
0x6b: {  	_ =	shalt  }
0x6c: {  	_ =	shalt  }
0x6d: {  	_ =	shalt  }
0x6e: {  	_ =	shalt  }
0x6f: {  	_ =	shalt  }
0x70: {  	_ =	shalt  }
0x71: {  	_ =	shalt  }
0x72: {  	_ =	shalt  }
0x73: {  	_ =	shalt  }
0x74: {  	_ =	shalt  }
0x75: {  	_ =	shalt  }
0x76: {  	_ =	shalt  }
0x77: {  	_ =	shalt  }
0x78: {  	_ =	shalt  }
0x79: {  	_ =	shalt  }
0x7a: {  	_ =	shalt  }
0x7b: {  	_ =	shalt  }
0x7c: {  	_ =	shalt  }
0x7d: {  	_ =	shalt  }
0x7e: {  	_ =	shalt  }
0x7f: {  	_ =	shalt  }
0x80: {  	_ =	shalt  }
0x81: {  	_ =	shalt  }
0x82: {  	_ =	shalt  }
0x83: {  	_ =	shalt  }
0x84: {  	_ =	shalt  }
0x85: {  	_ =	shalt  }
0x86: {  	_ =	shalt  }
0x87: {  	_ =	shalt  }
.Lfunc_end0:
.L_simem_size_0:
called_computation_lowered:
.L_overlay_start_0:
0x88: {  	s2 =	sld [smem:$0x3FD9]  }
0x89: {  	s3 =	sld [smem:$0x3FFE];
	_ =	sdelay $0x1  }
0x8a: {  	s1 =	srdreg.scid  }
0x8b: {  	s0 =	sand.u32 $0x1, s1  }
0x8c: {  	s16 =	sshll.u32 s0, $0xA;
	s2 =	sadd.s32 s3, s2  }
0x8d: {  	s2 =	sadd.s32 s2, s16  }
0x8e: {  	[smem:$0x3FC6] =	sst s2  }
0x8f: {  	_ = 	snop  }
0x90: {  	(tm) =	ssettm $0x1  }
0x91: {  	s17 =	sld [smem:$0x3FFB];
	_ =	sdelay $0x3  }
0x92: {  	_ =	strace s17  }
0x93: {  	s2 =	sld [smem:$0x3FFC];
	_ =	sdelay $0x3  }
0x94: {  	_ =	strace s2  }
0x95: {  	s2 =	sld [smem:$0x3FFD];
	_ =	sdelay $0x3  }
0x96: {  	_ =	strace s2  }
0x97: {  	_ =	strace $0x8FFFFFFF  }
0x98: {  	s18 =	sld [smem:$0x3FDB];
	_ =	sdelay $0x1  }
0x99: {  	s19 =	simm.s32 $_scs_section_size  }
0x9a: {  	s4 =	simm.s32 $_size__tile_overlayer_lowered;
	s5 =	simm.s32 $_tile_overlayer_lowered  }
0x9b: {  	s22 =	simm.s32 $0x1BFF;
	s21 =	sshll.u32 s5, $0x1;
	s2 =	sadd.s32 s19, s18  }
0x9c: {  	s6 =	simm.s32 $0x0;
	s20 =	sshll.u32 s4, $0x1;
	s4 =	sadd.s32 s21, s2  }
0x9d: {  	[timem:s6], [sflag:s22] =	dma.local [hbm:s4], s20  }
0x9e: {  	_ =	swait.ge [sflag:s22], s20  }
0x9f: {  	s3 =	ssub.s32 $0x0, s20;
	[sflag:s22] =	ssyncset.done $0x0  }
0xa0: {  	[sflag:s22] =	ssyncadd.s32 s3;
	_ =	sdelay $0x1  }
0xa1: {  	s23 =	simm.s32 $0x1B8B  }
0xa2: {  	_ =	swait.ge [sflag:s23], $0x1  }
0xa3: {  	[sflag:s23] =	ssyncset.done $0x0  }
0xa4: {  	s25 =	simm.s32 $0x1B8E;
	s24 =	sld [smem:$0x3FFE];
	[sflag:s23] =	ssyncadd.s32 $0xFFFFFFFF  }
0xa5: {  	s26 =	simm.s32 $execute0_lowered;
	[smem:$0x3FD2] =	sst s25  }
0xa6: {  	s4 =	sshll.u32 s26, $0x1;
	_ =	strace $0x80000046;
	[dreg:$0x1] =	wrdreg $0xFFFFFFFF  }
0xa7: {  	s28 =	simm.s32 $_size_execute0_lowered;
	s2 =	sadd.s32 s2, s4;
	[dreg:$0x0] =	wrdreg $0x0  }
0xa8: {  	s4 =	sshll.u32 s28, $0x1;
	[dreg:$0x2] =	wrdreg s2  }
0xa9: {  	[dreg:$0x3] =	wrdreg s4  }
0xaa: {  	[dreg:$0x4] =	wrdreg $0xC0  }
0xab: {  	_ =	task [dreg:s6], $0x5FFFF  }
0xac: {  	[dreg:$0x1] =	wrdreg $0xFFFFFFFF  }
0xad: {  	[dreg:$0x0] =	wrdreg $0x60  }
0xae: {  	[dreg:$0x2] =	wrdreg s24  }
0xaf: {  	[dreg:$0x3] =	wrdreg $0x9  }
0xb0: {  	_ =	task.clear_ibuf [dreg:s6], $0x4FFFF;
	_ =	strace $0x90000046  }
0xb1: {  	s29 =	simm.s32 $0x9;
	_ =	strace $0x80000048  }
0xb2: {  	_ =	swait.ge [sflag:s29], $0x1  }
0xb3: {  	[sflag:s29] =	ssyncadd.s32 $0xFFFFFFFF  }
0xb4: {  	_ =	strace $0x90000048  }
0xb5: {  	_ =	sfence  }
0xb6: {  	s30 =	sld [smem:$0x0];
	_ =	sdelay $0x2  }
0xb7: {  	s31 =	sshll.u32 s1, $0xD;
	s1 =	sshrl.u32 s1, $0x2  }
0xb8: {  	s3 =	sand.u32 $0x4000, s31;
	s1 =	sadd.s32 s1, s30  }
0xb9: {  	s0 =	sor.u32 s3, s0;
	s1 =	sshll.u32 s1, $0x11  }
0xba: {  	s0 =	sor.u32 s1, s0  }
0xbb: {  	s0 =	sadd.s32 $0x8F2B, s0  }
0xbc: {  	[sflag:s0] =	ssyncadd.remote.s32 $0x1  }
0xbd: {  	_ =	sfence.sel $0xFFFF  }
0xbe: {  	[dreg:$0x0] =	wrdreg $0xFFFFFFFF;
	(pc) =	sbr.abs _section_cstart, $3  }
0xbf: {  	[dreg:$0x1] =	wrdreg $0xFFFFFFFF  }
0xc0: {  	_ =	task.clear_ibuf [dreg:s6], $0x2FFFF;
	_ =	strace $0x9FFFFFFF  }
0xc1: {  	(tm) =	ssettm $0x7FFFFFFF  }
tec
execute0_lowered:
.L_overlay_start_1:
0x0: {  	(tag) =	ssettag $0x1  }
0x1: {  	s0 =	rddreg [dreg:$0x0]  }
0x2: {  	s1 =	simm.s32 $0x0;
	s17 =	srdreg.scid;
	s7 =	stileid.u32  }
0x3: {  	[smem:$0x7FF] =	sst s1;
	s1 =	sand.u32 $0x1, s17;
	s2 =	sshll.u32 s7, $0x1  }
0x4: {  	s8 =	sadd.s32 $0x2600, s0;
	s4 =	sadd.s32 $0x600, s0;
	s20 =	sshll.u32 s7, $0x9  }
0x5: {  	_ =	strace $0x80000047;
	s2 =	sor.u32 s1, s2;
	s3 =	ssub.s32 $0x2, s1  }
0x6: {  	s7 =	sand.u32 $0x1C00, s20;
	s1 =	sshll.u32 s1, $0x8;
	[dreg:$0x3] =	wrdreg s8  }
0x7: {  	s5 =	sshll.u32 s2, $0x4;
	s6 =	sshrl.u32 s3, $0x1;
	s2 =	sshll.u32 s2, $0x8  }
0x8: {  	s1 =	sor.u32 s1, s20;
	s20 =	simm.s32 $0x2000;
	s0 =	sadd.s32 s5, s0  }
0x9: {  	s3 =	ssub.s32 s3, s6;
	s18 =	sor.u32 $0x80, s2;
	s19 =	sadd.s32 s4, s2  }
0xa: {  	s2 =	sand.u32 $0x300, s2;
	s22 =	sor.u32 $0x80, s1;
	s1 =	sand.u32 $0x300, s1  }
0xb: {  	s5 =	simm.s32 $0x3000;
	[dreg:$0x4] =	wrdreg s19;
	s4 =	sadd.s32 s4, s18  }
0xc: {  	s2 =	sor.u32 s7, s2;
	s21 =	sand.u32 $0x380, s18;
	s24 =	sand.u32 $0x380, s22  }
0xd: {  	s1 =	sor.u32 s1, s7;
	s0 =	sadd.s32 $0x3E2A00, s0;
	s3 =	smax.u32 s3, $0x1  }
0xe: {  	s19 =	simm.s32 $0x80;
	[dreg:$0x5] =	wrdreg s4;
	s2 =	sshrl.u32 s2, $0x3  }
0xf: {  	s23 =	sor.u32 s7, s21;
	s4 =	sor.u32 s24, s7;
	[dreg:$0x8] =	wrdreg s0  }
0x10: {  	s28 =	sor.u32 $0x7E000, s1;
	[dreg:$0x9] =	wrdreg s3;
	s30 =	sor.u32 $0xFC000, s1  }
0x11: {  	s3 =	simm.s32 $0x5;
	s24 =	simm.s32 $0x2;
	s1 =	simm.s32 $0x0  }
0x12: {  	s2 =	sadd.s32 s8, s2;
	s25 =	sor.u32 $0x7E000, s4;
	[dreg:$0xc] =	wrdreg s30  }
0x13: {  	v0 =	vlaneseq.u32;
	s31 =	sor.u32 $0xFC000, s4;
	[dreg:$0x6] =	wrdreg s2;
	s2 =	sshrl.u32 s23, $0x3  }
0x14: {  	v1 =	vimm.f32 $0.0e+00;
	v0 =	vand.u32 $0x7, v0;
	s26 =	sshrl.u32 s25, $0x3;
	[dreg:$0xd] =	wrdreg s31;
	s2 =	sadd.s32 s8, s2  }
0x15: {  	vm0 =	vmmov $0xff;
	v3 =	vimm.f32 $1.000000000e+03;
	v0 =	vmul.u32 $0x80, v0;
	s29 =	sshrl.u32 s28, $0x3;
	s0 =	sadd.s32 s26, s8;
	[dreg:$0x7] =	wrdreg s2  }
0x16: {  	v4 =	vimm.s32 $0xFC0;
	vm1 =	vmmov $0x1;
	vm2 =	vcmask $0x310;
	s4 =	simm.s32 $0x1000;
	[dreg:$0xa] =	wrdreg s0;
	s0 =	sadd.s32 s29, s8  }
0x17: {  	vm3 =	vcmask $0x710;
	vm4 =	vcmask $0xB10;
	v2 =	vor.u32 $0x1, v0;
	s25 =	simm.s32 $0x3;
	s26 =	simm.s32 $0x4;
	[dreg:$0xb] =	wrdreg s0  }
.LBB2_1:
0x18: {  	[dreg:$0xe] =	wrdreg s1;
	s1 =	simm.s32 $0x40;
	s0 =	simm.s32 $0x0  }
.LBB2_2:
0x19: {  	p0 =	sne.s32 s1, $0x3FC0;
	[tilespmem:s0+$0x3000] =	vst v1;
	s2 =	smov.u32 s1;
	s1 =	sadd.s32 $0x40, s1  }
.Ltmp0:
0x1a: {  	[tilespmem:s0+$0x2000] =	vst v1;
	(pc) =	sbr.rel @p0 .LBB2_2-.Ltmp0, $3  }
0x1b: {  	[tilespmem:s0+$0x0] =	vst v1  }
0x1c: {  	[tilespmem:s0+$0x1000] =	vst v1;
	_ =	sdelay $0x1  }
0x1d: {  	s0 =	sshra.s32 s2, $0x2  }
0x1e: {  	[tilespmem:s0+$0x3000] =	vst v1  }
0x1f: {  	[tilespmem:s0+$0x2000] =	vst v1  }
0x20: {  	[tilespmem:s0+$0x0] =	vst v1  }
0x21: {  	[tilespmem:s0+$0x1000] =	vst v1;
	s7 =	simm.s32 $0x0;
	s14 =	rddreg [dreg:$0x4];
	s1 =	simm.s32 $0xC000  }
0x22: {  	[tilespmem:s1], [sflag:$0x5] =	stream.linear.gather [hbm4b:s14+s7], $0x400, $0x38;
	[tilespmem:$0xC880] =	vst v63  }
0x23: {  	s6 =	simm.s32 $0x0;
	_ =	swait.ge [sflag:s3], $0x400  }
0x24: {  	[dreg:$0xf] =	wrdreg s6;
	[sflag:s3] =	ssyncset.done $0x0  }
0x25: {  	s2 =	simm.s32 $0xC400;
	s15 =	rddreg [dreg:$0x5];
	[sflag:s3] =	ssyncadd.s32 $0xFFFFFC00  }
0x26: {  	[tilespmem:s2], [sflag:$0x5] =	stream.linear.gather [hbm4b:s15+s7], $0x400, $0x38;
	[tilespmem:$0xC880] =	vst v63  }
0x27: {  	_ =	swait.ge [sflag:s3], $0x400  }
0x28: {  	[sflag:s3] =	ssyncset.done $0x0  }
0x29: {  	[sflag:s3] =	ssyncadd.s32 $0xFFFFFC00  }
0x2a: {  	v5 =	vld.idx.msk [tilespmem:v2+s1+$0x0], $0xffff;
	_ =	sdelay $0x1  }
0x2b: {  	v6 =	vld.idx.msk [tilespmem:v0+s1+$0x0], $0xffff;
	_ =	sdelay $0x2  }
0x2c: {  	v5 =	vadd.s32 $0xFFFFFFFF, v5  }
0x2d: {  	vm5 =	vgt.s32 v5, $0x0;
	v5 =	vshll.u32 v5, $0x6  }
0x2e: {  	vm5 =	vmand vm5, vm0;
	v5 =	vadd.s32 v6, v5  }
0x2f: {  	v5 =	vnsel vm5, $0x0, v5;
	_ =	sdelay $0x4  }
0x30: {  	[tilespmem:v5+s4+$0x0] =	vst.idx.msk vm5, v3  }
0x31: {  	v5 =	vld.idx.msk [tilespmem:v2+s2+$0x0], $0xffff  }
0x32: {  	s22 =	simm.s32 $0x2F44  }
0x33: {  	s23 =	simm.s32 $0x1F44;
	[dreg:$0x15] =	wrdreg s22;
	v6 =	vld.idx.msk [tilespmem:v0+s2+$0x0], $0xffff  }
0x34: {  	s28 =	simm.s32 $0xFFFFFF44;
	[dreg:$0x16] =	wrdreg s23  }
0x35: {  	s29 =	simm.s32 $0xF44;
	[dreg:$0x17] =	wrdreg s28  }
0x36: {  	[dreg:$0x18] =	wrdreg s29;
	v5 =	vadd.s32 $0xFFFFFFFF, v5  }
0x37: {  	s16 =	rddreg [dreg:$0x6];
	vm6 =	vgt.s32 v5, $0x0;
	v5 =	vshll.u32 v5, $0x6  }
0x38: {  	s18 =	rddreg [dreg:$0x7];
	vm6 =	vmand vm6, vm0;
	v5 =	vadd.s32 v6, v5  }
0x39: {  	s8 =	rddreg [dreg:$0xd];
	v5 =	vnsel vm6, $0x0, v5  }
0x3a: {  	s30 =	rddreg [dreg:$0xb]  }
0x3b: {  	s17 =	simm.s32 $0x4000;
	s31 =	rddreg [dreg:$0xa]  }
0x3c: {  	s21 =	simm.s32 $0x6000;
	s9 =	simm.s32 $0x0;
	s3 =	rddreg [dreg:$0xc]  }
.Ltmp1:
0x3d: {  	s10 =	simm.s32 $0x0;
	[dreg:$0x1c] =	wrdreg s30;
	(pc) =	sbr.rel .LBB2_4-.Ltmp1, $4  }
0x3e: {  	s7 =	simm.s32 $0x2;
	[dreg:$0x1d] =	wrdreg s31;
	s1 =	simm.s32 $0xA;
	[tilespmem:v5+s5+$0x0] =	vst.idx.msk vm6, v3  }
0x3f: {  	[tilespmem:s17], [sflag:$0x1] =	stream.strided.gather [hbm4b:s16+s19], $0x400, s20, s19, $0x38;
	[tilespmem:$0xC880] =	vst v63  }
0x40: {  	s4 =	simm.s32 $0x8;
	s2 =	simm.s32 $0x4C;
	s5 =	simm.s32 $0x4E  }
0x41: {  	v6 =	vmpcnt.ones.xlane vm5;
	v5 =	vmpcnt.ones.xlane vm6;
	[tilespmem:s21], [sflag:$0x2] =	stream.strided.gather [hbm4b:s18+s19], $0x400, s20, s19, $0x38;
	[tilespmem:$0xC880] =	vst v63  }
.LBB2_34:
0x42: {  	s10 =	rddreg [dreg:$0x1e]  }
0x43: {  	s4 =	rddreg [dreg:$0x10]  }
0x44: {  	s5 =	rddreg [dreg:$0x11]  }
0x45: {  	s1 =	rddreg [dreg:$0x12]  }
0x46: {  	s7 =	rddreg [dreg:$0x13]  }
0x47: {  	s2 =	rddreg [dreg:$0x14]  }
0x48: {  	s0 =	rddreg [dreg:$0x1d]  }
0x49: {  	s22 =	rddreg [dreg:$0x1c]  }
0x4a: {  	s23 =	rddreg [dreg:$0x15]  }
0x4b: {  	s28 =	rddreg [dreg:$0x16]  }
0x4c: {  	s29 =	rddreg [dreg:$0x17]  }
0x4d: {  	s30 =	rddreg [dreg:$0x18]  }
0x4e: {  	s9 =	rddreg [dreg:$0x1b]  }
0x4f: {  	s3 =	rddreg [dreg:$0x1a]  }
0x50: {  	s8 =	rddreg [dreg:$0x19]  }
0x51: {  	s31 =	rddreg [dreg:$0xf];
	s10 =	sadd.s32 $0x1, s10  }
0x52: {  	s4 =	sadd.s32 $0x2, s4;
	s5 =	sadd.s32 $0xFFFFFFFE, s5;
	s0 =	sadd.s32 $0x1F800, s0  }
0x53: {  	s1 =	sadd.s32 $0x2, s1;
	[dreg:$0x1d] =	wrdreg s0;
	s0 =	sadd.s32 $0x1F800, s22  }
0x54: {  	p0 =	sne.s32 s10, $0x1F;
	[dreg:$0x1c] =	wrdreg s0;
	s0 =	sadd.s32 $0x80, s23  }
.Ltmp2:
0x55: {  	[dreg:$0x15] =	wrdreg s0;
	s0 =	sadd.s32 $0x80, s28;
	(pc) =	sbr.rel @!p0 .LBB2_35-.Ltmp2, $4  }
0x56: {  	s7 =	sadd.s32 $0x2, s7;
	[dreg:$0x16] =	wrdreg s0;
	s0 =	sadd.s32 $0x80, s29  }
0x57: {  	s2 =	sadd.s32 $0xFFFFFFFE, s2;
	[dreg:$0x17] =	wrdreg s0;
	s0 =	sadd.s32 $0x80, s30  }
0x58: {  	s9 =	sadd.s32 $0x2, s9;
	[dreg:$0x18] =	wrdreg s0;
	s0 =	sadd.s32 $0x200, s31  }
0x59: {  	s3 =	sadd.s32 $0xFC000, s3;
	s8 =	sadd.s32 $0xFC000, s8;
	[dreg:$0xf] =	wrdreg s0  }
.LBB2_4:
0x5a: {  	[dreg:$0x1a] =	wrdreg s3  }
0x5b: {  	[dreg:$0x1e] =	wrdreg s10  }
0x5c: {  	s16 =	rddreg [dreg:$0x3]  }
0x5d: {  	[dreg:$0x19] =	wrdreg s8  }
0x5e: {  	[dreg:$0x1b] =	wrdreg s9  }
0x5f: {  	s6 =	smov.u32 s1;
	[dreg:$0x13] =	wrdreg s7  }
0x60: {  	s18 =	smov.u32 s2;
	[dreg:$0x12] =	wrdreg s6  }
0x61: {  	s11 =	sshrl.u32 s7, $0x2;
	[dreg:$0x14] =	wrdreg s18  }
0x62: {  	s29 =	sand.u32 $0x7FFFFFFC, s7;
	[dreg:$0x1f] =	wrdreg s11  }
0x63: {  	s15 =	sshrl.u32 s3, $0x3;
	s30 =	sshrl.u32 s5, $0x4;
	[smem:$0x7FB] =	sst s29  }
0x64: {  	s1 =	sadd.s32 s15, s16;
	[smem:$0x7FC] =	sst s30  }
0x65: {  	s22 =	sshrl.u32 s6, $0x3;
	[smem:$0x7F7] =	sst s1  }
0x66: {  	s0 =	sshrl.u32 s10, $0x1;
	s28 =	sshrl.u32 s18, $0x4;
	[smem:$0x7F8] =	sst s22  }
0x67: {  	s23 =	sand.u32 $0xFFFFFFFC, s9;
	s31 =	sshll.u32 s0, $0x2;
	[smem:$0x7FA] =	sst s28  }
0x68: {  	s21 =	smul.u32 $0x3F0, s0;
	s1 =	sadd.s32 $0xFFFFFFFF, s23;
	[smem:$0x7FD] =	sst s31  }
0x69: {  	s9 =	sshrl.u32 s4, $0x3;
	[smem:$0x7F9] =	sst s1  }
0x6a: {  	s2 =	simm.s32 $0x1;
	p0 =	seq.s32 s9, $0x1;
	[dreg:$0x2] =	wrdreg s21  }
.Ltmp3:
0x6b: {  	_ =	swait.ge [sflag:s2], $0x400;
	(pc) =	sbr.rel @p0 .LBB2_6-.Ltmp3, $4  }
0x6c: {  	[sflag:s2] =	ssyncset.done $0x0  }
0x6d: {  	s17 =	sshrl.u32 s8, $0x3;
	[sflag:s2] =	ssyncadd.s32 $0xFFFFFC00  }
0x6e: {  	s14 =	sadd.s32 s17, s16;
	s3 =	sshll.u32 s11, $0x8;
	_ =	swait.ge [sflag:s24], $0x400  }
0x6f: {  	s12 =	sshll.u32 s0, $0x8;
	s1 =	sadd.s32 $0xFFFFFFFF, s9;
	[sflag:s24] =	ssyncset.done $0x0  }
.LBB2_5:
0x70: {  	p0 =	seq.s32 s1, $0x1;
	s1 =	sadd.s32 $0xFFFFFFFF, s1;
	[sflag:s24] =	ssyncadd.s32 $0xFFFFFC00  }
.Ltmp4:
0x71: {  	_ =	swait.ge [sflag:s2], $0x400;
	(pc) =	sbr.rel @!p0 .LBB2_5-.Ltmp4, $4  }
0x72: {  	[sflag:s2] =	ssyncset.done $0x0  }
0x73: {  	[sflag:s2] =	ssyncadd.s32 $0xFFFFFC00  }
0x74: {  	_ =	swait.ge [sflag:s24], $0x400  }
0x75: {  	[sflag:s24] =	ssyncset.done $0x0  }
.LBB2_6:
0x76: {  	[dreg:$0x10] =	wrdreg s4  }
0x77: {  	[dreg:$0x11] =	wrdreg s5  }
0x78: {  	s1 =	rddreg [dreg:$0x1e]  }
0x79: {  	[smem:$0x7F4] =	sst s3  }
0x7a: {  	[sflag:s24] =	ssyncadd.s32 $0xFFFFFC00;
	s31 =	rddreg [dreg:$0x1c]  }
0x7b: {  	s2 =	simm.s32 $0x8000;
	s6 =	rddreg [dreg:$0x1d];
	p0 =	sne.s32 s9, $0x1  }
.Ltmp5:
0x7c: {  	[smem:$0x7F5] =	sst s9;
	s5 =	simm.s32 $0x8400;
	(pc) =	sbr.rel @!p0 .LBB2_8-.Ltmp5, $4  }
0x7d: {  	[tilespmem:s2], [sflag:$0x3] =	stream.strided.gather [hbm4b:s31+s19], $0x400, s20, s19, $0x38;
	[tilespmem:$0xC880] =	vst v63  }
0x7e: {  	s4 =	sshll.u32 s1, $0x1;
	s1 =	sshllo.u32 s1, $0x1;
	s2 =	sadd.s32 $0xFFFFFFFF, s9  }
0x7f: {  	s3 =	sadd.s32 $0x2000, s31;
	[smem:$0x7F6] =	sst s1;
	s1 =	simm.s32 $0xA000  }
0x80: {  	[tilespmem:s1], [sflag:$0x4] =	stream.strided.gather [hbm4b:s6+s19], $0x400, s20, s19, $0x38;
	[tilespmem:$0xC880] =	vst v63  }
.LBB2_7:
0x81: {  	[tilespmem:s5], [sflag:$0x3] =	stream.strided.gather [hbm4b:s3+s19], $0x400, s20, s19, $0x38;
	[tilespmem:$0xC880] =	vst v63  }
0x82: {  	p1 =	sne.s32 s2, $0x1  }
.Ltmp6:
0x83: {  	s2 =	sadd.s32 $0xFFFFFFFF, s2;
	(pc) =	sbr.rel @p1 .LBB2_7-.Ltmp6, $4  }
0x84: {  	s6 =	sadd.s32 $0x2000, s6;
	s1 =	sadd.s32 $0x400, s1  }
0x85: {  	[tilespmem:s1], [sflag:$0x4] =	stream.strided.gather [hbm4b:s6+s19], $0x400, s20, s19, $0x38;
	[tilespmem:$0xC880] =	vst v63  }
0x86: {  	_ = 	snop  }
0x87: {  	s3 =	sadd.s32 $0x2000, s3;
	s5 =	sadd.s32 $0x400, s5  }
.LBB2_8:
0x88: {  	s1 =	rddreg [dreg:$0x1e]  }
0x89: {  	p1 =	sgt.u32 s1, $0x1F  }
.Ltmp7:
0x8a: {  	_ = 	snop;
	(pc) =	sbr.rel @p1 .LBB2_18-.Ltmp7, $1  }
0x8b: {  	_ =	sdelay $0x3  }
0x8c: {  	s1 =	rddreg [dreg:$0x1e]  }
0x8d: {  	s30 =	sld [smem:$0x7F6]  }
0x8e: {  	s31 =	simm.s32 $0x0;
	s17 =	rddreg [dreg:$0x18]  }
0x8f: {  	s5 =	simm.s32 $0x4000;
	s18 =	rddreg [dreg:$0x17];
	s1 =	sshll.u32 s1, $0x7  }
0x90: {  	s13 =	simm.s32 $0x6000;
	s21 =	rddreg [dreg:$0x16];
	s1 =	sor.u32 $0x1, s1  }
0x91: {  	p1 =	seq.s32 s0, $0x0;
	[smem:$0x7F3] =	sst s1;
	s1 =	sshll.u32 s30, $0x6  }
0x92: {  	s22 =	rddreg [dreg:$0x15];
	s23 =	simm.s32 $0x0;
	s28 =	simm.s32 $0x0;
	v7 =	vmov s1  }
.LBB2_10:
.Ltmp8:
0x93: {  	(pc) =	sbr.rel @p1 .LBB2_11-.Ltmp8, $3  }
0x94: {  	s0 =	sld [smem:$0x7F3];
	_ =	sdelay $0x1  }
0x95: {  	s29 =	sshll.u32 s28, $0x4  }
0x96: {  	v8 =	vimm.f32 $-3.000000010e+38;
	s6 =	sadd.s32 s29, s0  }
0x97: {  	[smem:$0x7E9] =	sst s29  }
0x98: {  	[smem:$0x7EA] =	sst s28  }
0x99: {  	[smem:$0x7EB] =	sst s13  }
0x9a: {  	[smem:$0x7EC] =	sst s5  }
0x9b: {  	[smem:$0x7ED] =	sst s12  }
0x9c: {  	[smem:$0x7EE] =	sst s23  }
0x9d: {  	[smem:$0x7EF] =	sst s18  }
0x9e: {  	s0 =	sand.u32 $0x3FFFFF80, s23;
	[smem:$0x7F0] =	sst s17  }
0x9f: {  	s30 =	simm.s32 $0x30C0;
	s16 =	simm.s32 $0x20C0;
	[smem:$0x7F1] =	sst s21  }
0xa0: {  	s28 =	simm.s32 $0x10C0;
	v13 =	vmov s17;
	[smem:$0x7F2] =	sst s22;
	s17 =	simm.s32 $0x0  }
0xa1: {  	s29 =	simm.s32 $0x6000;
	s3 =	simm.s32 $0x4000;
	s7 =	sadd.s32 $0x6000, s0  }
0xa2: {  	v12 =	vmov s18;
	v14 =	vmov s21;
	v15 =	vmov s22;
	s8 =	sadd.s32 $0x4000, s0;
	s9 =	sadd.s32 $0x3080, s0;
	s10 =	sadd.s32 $0x2080, s0  }
0xa3: {  	v10 =	vimm.f32 $-3.000000010e+38;
	v9 =	vimm.f32 $-3.000000010e+38;
	v11 =	vimm.f32 $-3.000000010e+38;
	s11 =	sadd.s32 $0x1080, s0;
	s15 =	sadd.s32 $0x80, s0;
	s0 =	simm.s32 $0xC0  }
.LBB2_13:
0xa4: {  	s13 =	sshra.s32 s31, $0x2  }
0xa5: {  	s1 =	sadd.s32 s13, s3  }
0xa6: {  	s22 =	sadd.s32 s13, s29;
	v16 =	vld [tilespmem:s1+$0x0]  }
0xa7: {  	s18 =	sadd.s32 s13, s28;
	v17 =	vld [tilespmem:s22+$0x0]  }
0xa8: {  	s5 =	sadd.s32 s13, s16;
	v20 =	vld [tilespmem:s18+$0xFFFFFF40]  }
0xa9: {  	s2 =	sadd.s32 s13, s30;
	v22 =	vld [tilespmem:s5+$0xFFFFFF40]  }
0xaa: {  	s12 =	sadd.s32 s13, s8;
	v24 =	vld [tilespmem:s2+$0xFFFFFF40]  }
0xab: {  	s21 =	sadd.s32 s13, s7;
	v26 =	vld [tilespmem:s12+$0x80]  }
0xac: {  	v27 =	vld [tilespmem:s21+$0x80]  }
0xad: {  	v30 =	vld [tilespmem:s18+$0xFFFFFF80]  }
0xae: {  	v32 =	vld [tilespmem:s5+$0xFFFFFF80]  }
0xaf: {  	v34 =	vld [tilespmem:s2+$0xFFFFFF80]  }
0xb0: {  	v36 =	vld [tilespmem:s12+$0x100]  }
0xb1: {  	s23 =	sadd.s32 s13, s15;
	v37 =	vld [tilespmem:s21+$0x100]  }
0xb2: {  	v38 =	vld [tilespmem:s23+$0x0]  }
0xb3: {  	v47 =	vld [tilespmem:s18+$0x0]  }
0xb4: {  	v51 =	vld [tilespmem:s5+$0x0]  }
0xb5: {  	s22 =	sadd.s32 s13, s0;
	v54 =	vld [tilespmem:s2+$0x0]  }
0xb6: {  	s1 =	sshra.s32 s17, $0x2;
	v18 =	vld [tilespmem:s22+$0xFFFFFF40]  }
0xb7: {  	v19 =	vld.idx.msk [tilespmem:v12+s1+$0xBD ss:$0x1], $0xffff  }
0xb8: {  	v21 =	vld.idx.msk [tilespmem:v13+s1+$0xBD ss:$0x1], $0xffff  }
0xb9: {  	v23 =	vld.idx.msk [tilespmem:v14+s1+$0xBD ss:$0x1], $0xffff  }
0xba: {  	v25 =	vld.idx.msk [tilespmem:v15+s1+$0xBD ss:$0x1], $0xffff  }
0xbb: {  	v28 =	vld [tilespmem:s22+$0xFFFFFF80]  }
0xbc: {  	v29 =	vld.idx.msk [tilespmem:v12+s1+$0x7E ss:$0x1], $0xffff  }
0xbd: {  	v31 =	vld.idx.msk [tilespmem:v13+s1+$0x7E ss:$0x1], $0xffff  }
0xbe: {  	v33 =	vld.idx.msk [tilespmem:v14+s1+$0x7E ss:$0x1], $0xffff  }
0xbf: {  	v35 =	vld.idx.msk [tilespmem:v15+s1+$0x7E ss:$0x1], $0xffff  }
0xc0: {  	s23 =	sadd.s32 s13, s11;
	v39 =	vld.idx.msk [tilespmem:v12+s1+$0x3F ss:$0x1], $0xffff  }
0xc1: {  	v40 =	vld [tilespmem:s23+$0x0]  }
0xc2: {  	v41 =	vld.idx.msk [tilespmem:v13+s1+$0x3F ss:$0x1], $0xffff;
	v22 =	vadd.f32 v22, v17;
	v17 =	vadd.f32 v24, v17  }
0xc3: {  	s23 =	sadd.s32 s13, s10;
	v43 =	vld.idx.msk [tilespmem:v14+s1+$0x3F ss:$0x1], $0xffff;
	s13 =	sadd.s32 s13, s9;
	v63 =	vadd.f32 v30, v26;
	v46 =	vadd.f32 v32, v27  }
0xc4: {  	v44 =	vld [tilespmem:s13+$0x0];
	v27 =	vadd.f32 v34, v27;
	v52 =	vadd.f32 v38, v36  }
0xc5: {  	v61 =	vld [tilespmem:s22+$0x0];
	v18 =	vadd.f32 v18, v16;
	v16 =	vadd.f32 v20, v16  }
0xc6: {  	v45 =	vld.idx.msk [tilespmem:v12+s1+$0x0 ss:$0x1], $0xffff;
	v62 =	vadd.f32 v28, v26;
	v53 =	vadd.f32 v40, v36  }
0xc7: {  	v42 =	vld [tilespmem:s23+$0x0];
	v60 =	vadd.f32 v23, v22;
	v17 =	vadd.f32 v25, v17  }
0xc8: {  	v24 =	vld [tilespmem:s12+$0x180];
	v49 =	vadd.f32 v31, v63;
	v27 =	vadd.f32 v35, v27  }
0xc9: {  	v50 =	vld.idx.msk [tilespmem:v13+s1+$0x0 ss:$0x1], $0xffff;
	v55 =	vadd.f32 v44, v37;
	v57 =	vadd.f32 v39, v52  }
0xca: {  	v20 =	vld.idx.msk [tilespmem:v15+s1+$0x3F ss:$0x1], $0xffff;
	v18 =	vadd.f32 v19, v18;
	v16 =	vadd.f32 v21, v16  }
0xcb: {  	v19 =	vld [tilespmem:s21+$0x180];
	v48 =	vadd.f32 v29, v62;
	v58 =	vadd.f32 v41, v53;
	v10 =	vmax.f32 v10, v60  }
0xcc: {  	v56 =	vld.idx.msk [tilespmem:v14+s1+$0x0 ss:$0x1], $0xffff;
	v8 =	vmax.f32 v8, v17;
	v17 =	vadd.f32 v42, v37;
	v11 =	vmax.f32 v11, v18  }
0xcd: {  	s17 =	sadd.s32 $0xFFFFFC10, s17;
	v59 =	vld.idx.msk [tilespmem:v15+s1+$0x0 ss:$0x1], $0xffff;
	s23 =	rddreg [dreg:$0x2];
	v9 =	vmax.f32 v9, v16;
	v16 =	vadd.f32 v33, v46;
	v60 =	vadd.f32 v47, v24  }
0xce: {  	s1 =	sadd.s32 s17, s23;
	v8 =	vmax.f32 v8, v27;
	v11 =	vmax.f32 v11, v48;
	v17 =	vadd.f32 v43, v17  }
0xcf: {  	p2 =	sne.s32 s1, $0x0;
	v20 =	vadd.f32 v20, v55;
	v10 =	vmax.f32 v10, v16;
	v16 =	vadd.f32 v61, v24  }
.Ltmp9:
0xd0: {  	s6 =	sadd.s32 $0xFFFFFF04, s6;
	v9 =	vmax.f32 v9, v49;
	v61 =	vadd.f32 v51, v19;
	v19 =	vadd.f32 v54, v19;
	(pc) =	sbr.rel @p2 .LBB2_13-.Ltmp9, $4  }
0xd1: {  	s3 =	sadd.s32 $0x200, s3;
	s29 =	sadd.s32 $0x200, s29;
	s7 =	sadd.s32 $0x200, s7;
	v11 =	vmax.f32 v11, v57;
	v62 =	vadd.f32 v50, v60;
	v16 =	vadd.f32 v45, v16  }
0xd2: {  	s8 =	sadd.s32 $0x200, s8;
	s15 =	sadd.s32 $0x100, s15;
	s30 =	sadd.s32 $0x100, s30;
	v9 =	vmax.f32 v9, v58;
	v63 =	vadd.f32 v56, v61;
	v19 =	vadd.f32 v59, v19  }
0xd3: {  	s16 =	sadd.s32 $0x100, s16;
	s28 =	sadd.s32 $0x100, s28;
	s11 =	sadd.s32 $0x100, s11;
	v10 =	vmax.f32 v10, v17;
	v8 =	vmax.f32 v8, v20;
	v9 =	vmax.f32 v9, v62  }
0xd4: {  	s0 =	sadd.s32 $0x100, s0;
	s9 =	sadd.s32 $0x100, s9;
	s10 =	sadd.s32 $0x100, s10;
	v11 =	vmax.f32 v11, v16;
	v10 =	vmax.f32 v10, v63;
	v8 =	vmax.f32 v8, v19  }
0xd5: {  	s1 =	sld [smem:$0x7FD]  }
0xd6: {  	s12 =	sld [smem:$0x7ED]  }
0xd7: {  	s5 =	sld [smem:$0x7EC]  }
0xd8: {  	s13 =	sld [smem:$0x7EB]  }
0xd9: {  	s17 =	sld [smem:$0x7F0]  }
0xda: {  	s18 =	sld [smem:$0x7EF]  }
.Ltmp10:
0xdb: {  	s21 =	sld [smem:$0x7F1];
	(pc) =	sbr.rel .LBB2_15-.Ltmp10, $4  }
0xdc: {  	s22 =	sld [smem:$0x7F2]  }
0xdd: {  	s23 =	sld [smem:$0x7EE]  }
0xde: {  	s28 =	sld [smem:$0x7EA]  }
0xdf: {  	s29 =	sld [smem:$0x7E9];
	s0 =	smov.u32 s12  }
.LBB2_11:
0xe0: {  	s1 =	simm.s32 $0x0;
	s0 =	smov.u32 s29;
	v10 =	vimm.f32 $-3.000000010e+38;
	v9 =	vimm.f32 $-3.000000010e+38;
	v11 =	vimm.f32 $-3.000000010e+38  }
.LBB2_15:
0xe1: {  	s2 =	sshll.u32 s6, $0x2;
	s0 =	sshll.u32 s0, $0x2  }
0xe2: {  	s3 =	sshll.u32 s1, $0x7;
	s2 =	sshra.s32 s2, $0x2;
	s0 =	sshra.s32 s0, $0x2  }
0xe3: {  	s30 =	sld [smem:$0x7F9];
	s16 =	sand.u32 $0x3FFFFF80, s3;
	v13 =	vmov s2;
	s1 =	sadd.s32 $0x2000, s0;
	v19 =	vld [tilespmem:s0+$0x0]  }
0xe4: {  	s6 =	sadd.s32 s16, s13;
	v20 =	vld [tilespmem:s1+$0x0]  }
0xe5: {  	s7 =	sadd.s32 $0x3000, s0;
	v12 =	vld [tilespmem:s6+$0x0]  }
0xe6: {  	s9 =	sadd.s32 s16, s5;
	v15 =	vld [tilespmem:s7+$0x0];
	s11 =	sadd.s32 $0x1, s30  }
0xe7: {  	s15 =	simm.s32 $0x2000;
	v18 =	vld [tilespmem:s9+$0x0];
	p2 =	slt.u32 s11, s4  }
.Ltmp11:
0xe8: {  	s10 =	sadd.s32 $0x1000, s0;
	v14 =	vld.idx.msk [tilespmem:v13+s15+$0x0 ss:$0x1], $0xffff;
	(pc) =	sbr.rel @!p2 .LBB2_17-.Ltmp11, $4  }
0xe9: {  	s3 =	simm.s32 $0x3000;
	v21 =	vld [tilespmem:s10+$0x0]  }
0xea: {  	s8 =	simm.s32 $0x0;
	v16 =	vld.idx.msk [tilespmem:v13+s3+$0x0 ss:$0x1], $0xffff  }
0xeb: {  	v17 =	vld.idx.msk [tilespmem:v13+s8+$0x0 ss:$0x1], $0xffff;
	s15 =	simm.s32 $0x1000;
	v22 =	vadd.f32 v20, v12  }
0xec: {  	s16 =	simm.s32 $0x1FC1;
	v20 =	vld.idx.msk [tilespmem:v13+s15+$0x0 ss:$0x1], $0xffff  }
.LBB2_16:
0xed: {  	v22 =	vadd.f32 v14, v22;
	v14 =	vld.idx.msk [tilespmem:v13+s16+$0x0 ss:$0x1], $0xffff;
	s1 =	sadd.s32 $0x40, s1  }
0xee: {  	s3 =	sadd.s32 $0xFFFFFFC1, s3;
	v23 =	vld [tilespmem:s1+$0x0]  }
0xef: {  	s6 =	sadd.s32 $0x80, s6;
	v24 =	vld.idx.msk [tilespmem:v13+s3+$0x0 ss:$0x1], $0xffff;
	v19 =	vadd.f32 v19, v18;
	v10 =	vmax.f32 v10, v22  }
0xf0: {  	s7 =	sadd.s32 $0x40, s7;
	s11 =	sadd.s32 $0x1, s11;
	v18 =	vadd.f32 v21, v18;
	v21 =	vadd.f32 v15, v12;
	v12 =	vld [tilespmem:s6+$0x0]  }
0xf1: {  	s8 =	sadd.s32 $0xFFFFFFC1, s8;
	p2 =	slt.u32 s11, s4;
	v15 =	vld [tilespmem:s7+$0x0];
	v22 =	vadd.f32 v17, v19  }
.Ltmp12:
0xf2: {  	s0 =	sadd.s32 $0x40, s0;
	v17 =	vld.idx.msk [tilespmem:v13+s8+$0x0 ss:$0x1], $0xffff;
	v20 =	vadd.f32 v20, v18;
	v25 =	vadd.f32 v16, v21;
	(pc) =	sbr.rel @p2 .LBB2_16-.Ltmp12, $4  }
0xf3: {  	s9 =	sadd.s32 $0x80, s9;
	v19 =	vld [tilespmem:s0+$0x0];
	v11 =	vmax.f32 v11, v22  }
0xf4: {  	s10 =	sadd.s32 $0x40, s10;
	v18 =	vld [tilespmem:s9+$0x0];
	v9 =	vmax.f32 v9, v20;
	v8 =	vmax.f32 v8, v25  }
0xf5: {  	s15 =	sadd.s32 $0xFFFFFFC1, s15;
	v16 =	vmov v24;
	v21 =	vld [tilespmem:s10+$0x0];
	v22 =	vadd.f32 v23, v12  }
0xf6: {  	s16 =	sadd.s32 $0xFFFFFFC1, s16;
	v20 =	vld.idx.msk [tilespmem:v13+s15+$0x0 ss:$0x1], $0xffff  }
.LBB2_17:
0xf7: {  	_ =	sdelay $0x1  }
0xf8: {  	v13 =	vadd.f32 v19, v18;
	_ =	sdelay $0x1  }
0xf9: {  	v13 =	vadd.f32 v17, v13  }
0xfa: {  	v14 =	vadd.f32 v14, v22  }
0xfb: {  	v11 =	vmax.f32 v11, v13  }
0xfc: {  	v10 =	vmax.f32 v10, v14;
	[tilespmem:v7+s29+$0x0 ss:$0x1] =	vst.idx.msk $0xffff, v11  }
0xfd: {  	[tilespmem:v7+s29+$0x2000 ss:$0x1] =	vst.idx.msk $0xffff, v10  }
0xfe: {  	v61 =	vadd.f32 v21, v18;
	v11 =	vld.idx.msk [tilespmem:v7+s29+$0x1000 ss:$0x1], $0xffff;
	_ =	sdelay $0x1  }
0xff: {  	v10 =	vadd.f32 v20, v61;
	_ =	sdelay $0x1  }
0x100: {  	v9 =	vmax.f32 v9, v10  }
0x101: {  	v9 =	vadd.f32 v11, v9;
	_ =	sdelay $0x1  }
0x102: {  	s0 =	sld [smem:$0x7FC];
	[tilespmem:v7+s29+$0x1000 ss:$0x1] =	vst.idx.msk $0xffff, v9  }
0x103: {  	v62 =	vadd.f32 v15, v12;
	v63 =	vld.idx.msk [tilespmem:v7+s29+$0x3000 ss:$0x1], $0xffff  }
0x104: {  	s28 =	sadd.s32 $0x1, s28  }
0x105: {  	p2 =	sne.s32 s28, s0;
	v9 =	vadd.f32 v16, v62  }
.Ltmp13:
0x106: {  	_ = 	snop;
	(pc) =	sbr.rel @p2 .LBB2_10-.Ltmp13, $4  }
0x107: {  	v8 =	vmax.f32 v8, v9  }
0x108: {  	s23 =	sadd.s32 $0x10, s23;
	s12 =	sadd.s32 $0x10, s12;
	s31 =	sadd.s32 $0x40, s31;
	v8 =	vadd.f32 v63, v8  }
0x109: {  	s22 =	sadd.s32 $0x10, s22;
	s21 =	sadd.s32 $0x10, s21;
	s18 =	sadd.s32 $0x10, s18  }
0x10a: {  	s17 =	sadd.s32 $0x10, s17;
	s5 =	sadd.s32 $0x10, s5;
	s13 =	sadd.s32 $0x10, s13;
	[tilespmem:v7+s29+$0x3000 ss:$0x1] =	vst.idx.msk $0xffff, v8  }
.LBB2_18:
0x10b: {  	_ =	swait.ge [sflag:s25], $0x400  }
0x10c: {  	[sflag:s25] =	ssyncset.done $0x0  }
0x10d: {  	[sflag:s25] =	ssyncadd.s32 $0xFFFFFC00  }
.Ltmp14:
0x10e: {  	_ =	swait.ge [sflag:s26], $0x400;
	(pc) =	sbr.rel @!p0 .LBB2_20-.Ltmp14, $2  }
0x10f: {  	s0 =	sld [smem:$0x7F5];
	_ =	sdelay $0x2  }
0x110: {  	[sflag:s26] =	ssyncset.done $0x0;
	s0 =	sadd.s32 $0xFFFFFFFF, s0  }
.LBB2_19:
0x111: {  	p0 =	sne.s32 s0, $0x1;
	s0 =	sadd.s32 $0xFFFFFFFF, s0;
	[sflag:s26] =	ssyncadd.s32 $0xFFFFFC00  }
.Ltmp15:
0x112: {  	_ =	swait.ge [sflag:s25], $0x400;
	(pc) =	sbr.rel @p0 .LBB2_19-.Ltmp15, $4  }
0x113: {  	[sflag:s25] =	ssyncset.done $0x0  }
0x114: {  	[sflag:s25] =	ssyncadd.s32 $0xFFFFFC00  }
0x115: {  	_ =	swait.ge [sflag:s26], $0x400  }
0x116: {  	[sflag:s26] =	ssyncset.done $0x0  }
.LBB2_20:
0x117: {  	s1 =	sld [smem:$0x7F8];
	_ =	sdelay $0x2  }
0x118: {  	s2 =	sld [smem:$0x7F7];
	p0 =	sne.s32 s1, $0x1  }
.Ltmp16:
0x119: {  	[sflag:s26] =	ssyncadd.s32 $0xFFFFFC00;
	(pc) =	sbr.rel @!p0 .LBB2_22-.Ltmp16, $4  }
0x11a: {  	s0 =	simm.s32 $0x4000;
	s3 =	simm.s32 $0x4400;
	s16 =	sld [smem:$0x7F4]  }
0x11b: {  	[tilespmem:s0], [sflag:$0x1] =	stream.strided.gather [hbm4b:s2+s19], $0x400, s20, s19, $0x38;
	[tilespmem:$0xC880] =	vst v63  }
0x11c: {  	s0 =	simm.s32 $0x6000;
	s1 =	sadd.s32 $0xFFFFFFFF, s1;
	s2 =	sadd.s32 $0x2000, s2  }
0x11d: {  	[tilespmem:s0], [sflag:$0x2] =	stream.strided.gather [hbm4b:s14+s19], $0x400, s20, s19, $0x38;
	[tilespmem:$0xC880] =	vst v63  }
.LBB2_21:
0x11e: {  	[tilespmem:s3], [sflag:$0x1] =	stream.strided.gather [hbm4b:s2+s19], $0x400, s20, s19, $0x38;
	[tilespmem:$0xC880] =	vst v63  }
0x11f: {  	p0 =	sne.s32 s1, $0x1  }
.Ltmp17:
0x120: {  	s1 =	sadd.s32 $0xFFFFFFFF, s1;
	(pc) =	sbr.rel @p0 .LBB2_21-.Ltmp17, $4  }
0x121: {  	s14 =	sadd.s32 $0x2000, s14;
	s0 =	sadd.s32 $0x400, s0  }
0x122: {  	[tilespmem:s0], [sflag:$0x2] =	stream.strided.gather [hbm4b:s14+s19], $0x400, s20, s19, $0x38;
	[tilespmem:$0xC880] =	vst v63  }
0x123: {  	_ = 	snop  }
0x124: {  	s2 =	sadd.s32 $0x2000, s2;
	s3 =	sadd.s32 $0x400, s3  }
.LBB2_22:
0x125: {  	s0 =	rddreg [dreg:$0x1e]  }
0x126: {  	p0 =	sgt.u32 s0, $0x1E  }
.Ltmp18:
0x127: {  	_ = 	snop;
	(pc) =	sbr.rel @p0 .LBB2_34-.Ltmp18, $1  }
0x128: {  	_ =	sdelay $0x3  }
0x129: {  	s0 =	sld [smem:$0x7F6]  }
0x12a: {  	s14 =	sadd.s32 $0x2, s4;
	s3 =	simm.s32 $0x0;
	s18 =	simm.s32 $0x8000  }
.Ltmp19:
0x12b: {  	s21 =	simm.s32 $0xA000;
	s31 =	rddreg [dreg:$0x1e];
	(pc) =	sbr.rel .LBB2_24-.Ltmp19, $4  }
0x12c: {  	s9 =	rddreg [dreg:$0xf];
	s5 =	simm.s32 $0x0;
	s30 =	sshll.u32 s14, $0x6  }
0x12d: {  	s1 =	sand.u32 $0x7C, s14;
	[smem:$0x7E7] =	sst s30;
	s0 =	sshll.u32 s0, $0x6  }
0x12e: {  	p0 =	seq.s32 s31, $0x0;
	[smem:$0x7E8] =	sst s1;
	s0 =	sor.u32 $0x1, s0  }
0x12f: {  	p1 =	sgt.u32 s1, s4;
	s4 =	simm.s32 $0x0;
	[smem:$0x7E6] =	sst s0  }
.LBB2_32:
0x130: {  	v11 =	vadd.f32 v17, v18  }
0x131: {  	v62 =	vadd.f32 v20, v18;
	v13 =	vadd.f32 v15, v13  }
0x132: {  	v12 =	vadd.f32 v12, v21;
	v11 =	vadd.f32 v14, v11  }
0x133: {  	v63 =	vadd.f32 v19, v62;
	v13 =	vadd.f32 v16, v13  }
0x134: {  	v9 =	vmax.f32 v9, v12  }
0x135: {  	v7 =	vmax.f32 v7, v11;
	v8 =	vmax.f32 v8, v63;
	v10 =	vmax.f32 v10, v13  }
.LBB2_33:
0x136: {  	s0 =	sld [smem:$0x7E7];
	_ =	sdelay $0x2  }
0x137: {  	s0 =	sadd.s32 s0, s31  }
0x138: {  	s0 =	sand.u32 $0xFFFFFF80, s0  }
0x139: {  	s0 =	sor.u32 s31, s0  }
0x13a: {  	s1 =	sld [smem:$0x7FA];
	v11 =	vld [tilespmem:s0+$0x1000]  }
0x13b: {  	v12 =	vld [tilespmem:s0+$0x3000]  }
0x13c: {  	s5 =	sadd.s32 $0x1, s5  }
0x13d: {  	p2 =	sne.s32 s5, s1  }
.Ltmp20:
0x13e: {  	_ = 	snop;
	(pc) =	sbr.rel @!p2 .LBB2_34-.Ltmp20, $4  }
0x13f: {  	[tilespmem:s0+$0x0] =	vst v7;
	v7 =	vadd.f32 v11, v8  }
0x140: {  	[tilespmem:s0+$0x2000] =	vst v9;
	v8 =	vadd.f32 v12, v10  }
0x141: {  	s4 =	sadd.s32 $0x10, s4;
	s16 =	sadd.s32 $0x10, s16;
	s3 =	sadd.s32 $0x40, s3;
	[tilespmem:s0+$0x1000] =	vst v7  }
0x142: {  	s9 =	sadd.s32 $0x40, s9;
	s18 =	sadd.s32 $0x10, s18;
	s21 =	sadd.s32 $0x10, s21;
	[tilespmem:s0+$0x3000] =	vst v8  }
.LBB2_24:
.Ltmp21:
0x143: {  	(pc) =	sbr.rel @p0 .LBB2_25-.Ltmp21, $3  }
0x144: {  	s0 =	sld [smem:$0x7E6];
	_ =	sdelay $0x1  }
0x145: {  	s31 =	sshll.u32 s5, $0x4  }
0x146: {  	v7 =	vimm.f32 $-3.000000010e+38;
	s0 =	sadd.s32 s31, s0  }
0x147: {  	s1 =	sshra.s32 s9, $0x2  }
0x148: {  	v11 =	vld [tilespmem:s1+$0xFFFFFF84]  }
0x149: {  	v12 =	vld [tilespmem:s1+$0xF84]  }
0x14a: {  	v13 =	vld [tilespmem:s1+$0x1F84]  }
0x14b: {  	v14 =	vld [tilespmem:s1+$0x2F84]  }
0x14c: {  	v10 =	vld [tilespmem:s1+$0xFFFFFFC3]  }
0x14d: {  	v8 =	vld [tilespmem:s1+$0xFC3]  }
0x14e: {  	s13 =	sshra.s32 s3, $0x2;
	v9 =	vld [tilespmem:s1+$0x1FC3]  }
0x14f: {  	v16 =	vld [tilespmem:s1+$0x2];
	s8 =	sadd.s32 $0xC0, s13  }
0x150: {  	s10 =	sadd.s32 $0x10C0, s13;
	v19 =	vld [tilespmem:s8+$0x0]  }
0x151: {  	s11 =	sadd.s32 $0x20C0, s13;
	v23 =	vld [tilespmem:s10+$0x0]  }
0x152: {  	s15 =	sadd.s32 $0x30C0, s13;
	v24 =	vld [tilespmem:s11+$0x0]  }
0x153: {  	v25 =	vld [tilespmem:s15+$0x0]  }
0x154: {  	v27 =	vld [tilespmem:s8+$0xFFFFFF80]  }
0x155: {  	v34 =	vld [tilespmem:s10+$0xFFFFFF80]  }
0x156: {  	v35 =	vld [tilespmem:s11+$0xFFFFFF80]  }
0x157: {  	s28 =	sadd.s32 $0x8000, s13;
	v36 =	vld [tilespmem:s15+$0xFFFFFF80]  }
0x158: {  	s29 =	sadd.s32 $0xA000, s13;
	v40 =	vld [tilespmem:s28+$0x0]  }
0x159: {  	v41 =	vld [tilespmem:s29+$0x0]  }
0x15a: {  	v38 =	vld [tilespmem:s8+$0xFFFFFF40]  }
0x15b: {  	s2 =	sand.u32 $0x3FFFFF80, s4;
	v42 =	vld [tilespmem:s10+$0xFFFFFF40]  }
0x15c: {  	s12 =	sadd.s32 $0x8000, s2;
	v43 =	vld [tilespmem:s11+$0xFFFFFF40]  }
0x15d: {  	[smem:$0x7E4] =	sst s18;
	s18 =	sadd.s32 $0xA000, s2;
	s23 =	sadd.s32 s13, s12;
	v44 =	vld [tilespmem:s15+$0xFFFFFF40]  }
0x15e: {  	s6 =	sadd.s32 s13, s18;
	v17 =	vld [tilespmem:s23+$0x180]  }
0x15f: {  	v15 =	vmov s4;
	v18 =	vld [tilespmem:s6+$0x180]  }
0x160: {  	v20 =	vld [tilespmem:s23+$0x100]  }
0x161: {  	v26 =	vld [tilespmem:s23+$0x80]  }
0x162: {  	v29 =	vld [tilespmem:s6+$0x80]  }
0x163: {  	s17 =	sand.u32 $0xFFFFFF80, s31;
	v39 =	vld [tilespmem:s6+$0x100]  }
0x164: {  	s30 =	rddreg [dreg:$0x1f];
	v21 =	vld.idx.msk [tilespmem:v15+s17+$0x80 ss:$0x1], $0xffff;
	v38 =	vadd.f32 v38, v40;
	v30 =	vadd.f32 v19, v17  }
0x165: {  	p2 =	sne.s32 s30, $0x1;
	v22 =	vld.idx.msk [tilespmem:v15+s17+$0x1080 ss:$0x1], $0xffff;
	v31 =	vadd.f32 v23, v17;
	v32 =	vadd.f32 v24, v18  }
.Ltmp22:
0x166: {  	[smem:$0x7E3] =	sst s21;
	v37 =	vld.idx.msk [tilespmem:v15+s17+$0x3080 ss:$0x1], $0xffff;
	v33 =	vadd.f32 v25, v18;
	v28 =	vadd.f32 v27, v26;
	(pc) =	sbr.rel @!p2 .LBB2_28-.Ltmp22, $4  }
0x167: {  	[smem:$0x7F4] =	sst s16;
	v23 =	vld.idx.msk [tilespmem:v15+s17+$0x2080 ss:$0x1], $0xffff;
	v24 =	vadd.f32 v34, v26;
	v27 =	vadd.f32 v35, v29  }
0x168: {  	s21 =	simm.s32 $0x30C0;
	s22 =	simm.s32 $0x20C0;
	[smem:$0x7E5] =	sst s31;
	v25 =	vadd.f32 v36, v29;
	v34 =	vld [tilespmem:s1+$0x1002];
	v26 =	vadd.f32 v42, v40  }
0x169: {  	s2 =	smov.u32 s9;
	s11 =	simm.s32 $0x10C0;
	s10 =	simm.s32 $0xC0;
	v36 =	vld [tilespmem:s1+$0x2002];
	v35 =	vadd.f32 v43, v41;
	v29 =	vadd.f32 v44, v41  }
0x16a: {  	s15 =	simm.s32 $0x8000;
	s8 =	simm.s32 $0xA000;
	s6 =	sadd.s32 $0xFFFFFFFF, s30;
	v40 =	vld [tilespmem:s1+$0x41];
	v17 =	vimm.f32 $-3.000000010e+38;
	v18 =	vimm.f32 $-3.000000010e+38;
	v19 =	vimm.f32 $-3.000000010e+38  }
.LBB2_27:
0x16b: {  	p2 =	sne.s32 s6, $0x1;
	v41 =	vld [tilespmem:s1+$0x3002];
	v21 =	vadd.f32 v21, v20;
	v20 =	vadd.f32 v22, v20  }
0x16c: {  	v22 =	vld [tilespmem:s1+$0x1041];
	v23 =	vadd.f32 v23, v39;
	v37 =	vadd.f32 v37, v39  }
0x16d: {  	v30 =	vadd.f32 v11, v30;
	v31 =	vadd.f32 v12, v31;
	v39 =	vld [tilespmem:s1+$0x2041]  }
0x16e: {  	v32 =	vadd.f32 v13, v32;
	v33 =	vadd.f32 v14, v33;
	s2 =	sadd.s32 $0xFFFFFC10, s2;
	v42 =	vld [tilespmem:s1+$0x3041]  }
0x16f: {  	v14 =	vadd.f32 v16, v28;
	v13 =	vadd.f32 v40, v38;
	v16 =	vld [tilespmem:s1+$0x2FC3];
	s1 =	sshra.s32 s2, $0x2  }
0x170: {  	v24 =	vadd.f32 v34, v24;
	v27 =	vadd.f32 v36, v27;
	v11 =	vld [tilespmem:s1+$0xFFFFFF84]  }
0x171: {  	v10 =	vadd.f32 v10, v21;
	v25 =	vadd.f32 v41, v25;
	v12 =	vld [tilespmem:s1+$0xF84];
	v7 =	vmax.f32 v7, v13  }
0x172: {  	v21 =	vadd.f32 v22, v26;
	v13 =	vld [tilespmem:s1+$0x1F84];
	v22 =	vadd.f32 v39, v35;
	v7 =	vmax.f32 v7, v14  }
0x173: {  	v20 =	vadd.f32 v8, v20;
	v14 =	vld [tilespmem:s1+$0x2F84];
	v26 =	vadd.f32 v42, v29;
	v7 =	vmax.f32 v7, v10  }
0x174: {  	v23 =	vadd.f32 v9, v23;
	v10 =	vld [tilespmem:s1+$0xFFFFFFC3];
	v28 =	vadd.f32 v16, v37;
	v7 =	vmax.f32 v7, v30  }
0x175: {  	v16 =	vmax.f32 v17, v21;
	v17 =	vmax.f32 v18, v22;
	v8 =	vld [tilespmem:s1+$0xFC3];
	v18 =	vmax.f32 v19, v26  }
0x176: {  	s12 =	sadd.s32 $0x200, s12;
	v19 =	vmax.f32 v16, v24;
	v17 =	vmax.f32 v17, v27;
	v9 =	vld [tilespmem:s1+$0x1FC3];
	v18 =	vmax.f32 v18, v25  }
0x177: {  	s18 =	sadd.s32 $0x200, s18;
	s23 =	sadd.s32 s13, s12;
	v19 =	vmax.f32 v19, v20;
	v20 =	vmax.f32 v17, v23;
	v16 =	vld [tilespmem:s1+$0x2];
	v21 =	vmax.f32 v18, v28  }
0x178: {  	s0 =	sadd.s32 $0xFFFFFF04, s0;
	s10 =	sadd.s32 $0x100, s10;
	s17 =	sadd.s32 s13, s18;
	v17 =	vmax.f32 v19, v31;
	v18 =	vmax.f32 v20, v32;
	v24 =	vld [tilespmem:s23+$0x180];
	v19 =	vmax.f32 v21, v33  }
0x179: {  	s11 =	sadd.s32 $0x100, s11;
	s16 =	sadd.s32 s13, s10;
	v25 =	vld [tilespmem:s17+$0x180]  }
0x17a: {  	s22 =	sadd.s32 $0x100, s22;
	s29 =	sadd.s32 s13, s11;
	v26 =	vld [tilespmem:s16+$0x0]  }
0x17b: {  	s21 =	sadd.s32 $0x100, s21;
	s7 =	sadd.s32 s13, s22;
	v27 =	vld [tilespmem:s29+$0x0]  }
0x17c: {  	s30 =	sadd.s32 s13, s21;
	v28 =	vld [tilespmem:s7+$0x0]  }
0x17d: {  	s31 =	sadd.s32 $0x100, s31;
	v29 =	vld [tilespmem:s30+$0x0]  }
0x17e: {  	s28 =	sand.u32 $0xFFFFFF80, s31;
	v20 =	vld [tilespmem:s23+$0x100]  }
0x17f: {  	v21 =	vld.idx.msk [tilespmem:v15+s28+$0x80 ss:$0x1], $0xffff  }
0x180: {  	v22 =	vld.idx.msk [tilespmem:v15+s28+$0x1080 ss:$0x1], $0xffff  }
0x181: {  	v23 =	vld.idx.msk [tilespmem:v15+s28+$0x2080 ss:$0x1], $0xffff  }
0x182: {  	v34 =	vld [tilespmem:s23+$0x80]  }
0x183: {  	v35 =	vld [tilespmem:s17+$0x80]  }
0x184: {  	v36 =	vld [tilespmem:s16+$0xFFFFFF80]  }
0x185: {  	v38 =	vld [tilespmem:s29+$0xFFFFFF80]  }
0x186: {  	s15 =	sadd.s32 $0x200, s15;
	v40 =	vld [tilespmem:s7+$0xFFFFFF80]  }
0x187: {  	s8 =	sadd.s32 $0x200, s8;
	s23 =	sadd.s32 s13, s15;
	v41 =	vld [tilespmem:s30+$0xFFFFFF80]  }
0x188: {  	v42 =	vld [tilespmem:s23+$0x0];
	s23 =	sadd.s32 s13, s8  }
0x189: {  	v43 =	vld [tilespmem:s23+$0x0]  }
0x18a: {  	v44 =	vld [tilespmem:s16+$0xFFFFFF40]  }
0x18b: {  	v45 =	vld [tilespmem:s29+$0xFFFFFF40]  }
0x18c: {  	v46 =	vld [tilespmem:s7+$0xFFFFFF40]  }
0x18d: {  	v30 =	vadd.f32 v26, v24;
	v31 =	vadd.f32 v27, v24;
	v47 =	vld [tilespmem:s30+$0xFFFFFF40]  }
.Ltmp23:
0x18e: {  	v32 =	vadd.f32 v28, v25;
	v33 =	vadd.f32 v29, v25;
	v37 =	vld.idx.msk [tilespmem:v15+s28+$0x3080 ss:$0x1], $0xffff;
	(pc) =	sbr.rel @p2 .LBB2_27-.Ltmp23, $4  }
0x18f: {  	v28 =	vadd.f32 v36, v34;
	v24 =	vadd.f32 v38, v34;
	v39 =	vld [tilespmem:s17+$0x100]  }
0x190: {  	v27 =	vadd.f32 v40, v35;
	v25 =	vadd.f32 v41, v35;
	v34 =	vld [tilespmem:s1+$0x1002]  }
0x191: {  	v38 =	vadd.f32 v44, v42;
	v26 =	vadd.f32 v45, v42;
	v36 =	vld [tilespmem:s1+$0x2002]  }
0x192: {  	s6 =	sadd.s32 $0xFFFFFFFF, s6;
	v35 =	vadd.f32 v46, v43;
	v40 =	vld [tilespmem:s1+$0x41];
	v29 =	vadd.f32 v47, v43  }
.LBB2_28:
0x193: {  	v21 =	vadd.f32 v21, v20  }
0x194: {  	v15 =	vld [tilespmem:s1+$0x3002];
	v54 =	vadd.f32 v22, v20;
	v11 =	vadd.f32 v11, v30  }
0x195: {  	v56 =	vld [tilespmem:s1+$0x2041];
	v12 =	vadd.f32 v12, v31;
	v13 =	vadd.f32 v13, v32  }
0x196: {  	v57 =	vld [tilespmem:s1+$0x3041];
	v14 =	vadd.f32 v14, v33;
	v16 =	vadd.f32 v16, v28  }
0x197: {  	v55 =	vld [tilespmem:s1+$0x1041];
	v23 =	vadd.f32 v23, v39;
	v37 =	vadd.f32 v37, v39  }
0x198: {  	v24 =	vadd.f32 v34, v24;
	v10 =	vadd.f32 v10, v21  }
0x199: {  	v59 =	vld [tilespmem:s1+$0x2FC3];
	v8 =	vadd.f32 v8, v54;
	v58 =	vadd.f32 v40, v38  }
0x19a: {  	v27 =	vadd.f32 v36, v27;
	v9 =	vadd.f32 v9, v23  }
0x19b: {  	v61 =	vadd.f32 v56, v35;
	v62 =	vadd.f32 v57, v29;
	v7 =	vmax.f32 v7, v58  }
0x19c: {  	v15 =	vadd.f32 v15, v25;
	v60 =	vadd.f32 v55, v26;
	v7 =	vmax.f32 v7, v16  }
.Ltmp24:
0x19d: {  	s16 =	sld [smem:$0x7F4];
	v63 =	vmax.f32 v18, v61;
	v16 =	vmax.f32 v19, v62;
	v7 =	vmax.f32 v7, v10;
	(pc) =	sbr.rel .LBB2_29-.Ltmp24, $4  }
0x19e: {  	s1 =	sld [smem:$0x7FB];
	v10 =	vadd.f32 v59, v37;
	v7 =	vmax.f32 v7, v11;
	v11 =	vmax.f32 v17, v60  }
0x19f: {  	s18 =	sld [smem:$0x7E4];
	v15 =	vmax.f32 v16, v15;
	v17 =	vmax.f32 v63, v27;
	v11 =	vmax.f32 v11, v24  }
0x1a0: {  	s21 =	sld [smem:$0x7E3];
	v9 =	vmax.f32 v17, v9;
	v10 =	vmax.f32 v15, v10;
	v8 =	vmax.f32 v11, v8  }
0x1a1: {  	s0 =	sadd.s32 $0xFFFFFF04, s0;
	s31 =	sld [smem:$0x7E5];
	s2 =	smov.u32 s16;
	v9 =	vmax.f32 v9, v13;
	v10 =	vmax.f32 v10, v14;
	v8 =	vmax.f32 v8, v12  }
.LBB2_25:
0x1a2: {  	v8 =	vimm.f32 $-3.000000010e+38;
	v9 =	vimm.f32 $-3.000000010e+38;
	v10 =	vimm.f32 $-3.000000010e+38;
	s2 =	smov.u32 s31;
	s1 =	simm.s32 $0x0  }
.LBB2_29:
.Ltmp25:
0x1a3: {  	(pc) =	sbr.rel @p1 .LBB2_33-.Ltmp25, $1  }
0x1a4: {  	_ =	sdelay $0x3  }
0x1a5: {  	s6 =	sshll.u32 s1, $0x7  }
0x1a6: {  	s0 =	sshll.u32 s0, $0x2;
	s7 =	sand.u32 $0x3FFFFF80, s6  }
0x1a7: {  	s28 =	sshll.u32 s2, $0x2;
	s0 =	sshra.s32 s0, $0x2;
	s6 =	sadd.s32 s7, s21  }
0x1a8: {  	v11 =	vmov s0;
	s0 =	sshra.s32 s28, $0x2;
	v13 =	vld [tilespmem:s6+$0x0]  }
0x1a9: {  	s30 =	sld [smem:$0x7E8];
	s11 =	sadd.s32 s7, s18;
	v17 =	vld [tilespmem:s0+$0x0]  }
0x1aa: {  	s1 =	sadd.s32 $0x2000, s0;
	v18 =	vld [tilespmem:s11+$0x0]  }
0x1ab: {  	s8 =	sadd.s32 $0x3000, s0;
	v19 =	vld [tilespmem:s1+$0x0]  }
0x1ac: {  	s12 =	sadd.s32 $0x1000, s0;
	s13 =	sadd.s32 $0x1, s30;
	v15 =	vld [tilespmem:s8+$0x0]  }
0x1ad: {  	s29 =	simm.s32 $0x2000;
	v20 =	vld [tilespmem:s12+$0x0];
	p2 =	slt.u32 s13, s14  }
.Ltmp26:
0x1ae: {  	s2 =	simm.s32 $0x3000;
	v12 =	vld.idx.msk [tilespmem:v11+s29+$0x0 ss:$0x1], $0xffff;
	(pc) =	sbr.rel @!p2 .LBB2_32-.Ltmp26, $4  }
0x1af: {  	s10 =	simm.s32 $0x0;
	v16 =	vld.idx.msk [tilespmem:v11+s2+$0x0 ss:$0x1], $0xffff  }
0x1b0: {  	s15 =	simm.s32 $0x1000;
	v14 =	vld.idx.msk [tilespmem:v11+s10+$0x0 ss:$0x1], $0xffff  }
0x1b1: {  	v21 =	vadd.f32 v19, v13;
	v19 =	vld.idx.msk [tilespmem:v11+s15+$0x0 ss:$0x1], $0xffff  }
0x1b2: {  	s17 =	simm.s32 $0x1FC1  }
.LBB2_31:
0x1b3: {  	v21 =	vadd.f32 v12, v21;
	v12 =	vld.idx.msk [tilespmem:v11+s17+$0x0 ss:$0x1], $0xffff;
	s1 =	sadd.s32 $0x40, s1  }
0x1b4: {  	s2 =	sadd.s32 $0xFFFFFFC1, s2;
	v22 =	vld [tilespmem:s1+$0x0]  }
0x1b5: {  	v17 =	vadd.f32 v17, v18;
	s6 =	sadd.s32 $0x80, s6;
	v23 =	vld.idx.msk [tilespmem:v11+s2+$0x0 ss:$0x1], $0xffff;
	v9 =	vmax.f32 v9, v21  }
0x1b6: {  	v18 =	vadd.f32 v20, v18;
	v20 =	vadd.f32 v15, v13;
	s8 =	sadd.s32 $0x40, s8;
	s13 =	sadd.s32 $0x1, s13;
	v13 =	vld [tilespmem:s6+$0x0]  }
0x1b7: {  	s10 =	sadd.s32 $0xFFFFFFC1, s10;
	p2 =	slt.u32 s13, s14;
	v21 =	vadd.f32 v14, v17;
	v15 =	vld [tilespmem:s8+$0x0]  }
.Ltmp27:
0x1b8: {  	s0 =	sadd.s32 $0x40, s0;
	v19 =	vadd.f32 v19, v18;
	v24 =	vadd.f32 v16, v20;
	v14 =	vld.idx.msk [tilespmem:v11+s10+$0x0 ss:$0x1], $0xffff;
	(pc) =	sbr.rel @p2 .LBB2_31-.Ltmp27, $4  }
0x1b9: {  	s11 =	sadd.s32 $0x80, s11;
	v7 =	vmax.f32 v7, v21;
	v17 =	vld [tilespmem:s0+$0x0]  }
0x1ba: {  	s12 =	sadd.s32 $0x40, s12;
	v8 =	vmax.f32 v8, v19;
	v10 =	vmax.f32 v10, v24;
	v18 =	vld [tilespmem:s11+$0x0]  }
0x1bb: {  	s15 =	sadd.s32 $0xFFFFFFC1, s15;
	v16 =	vmov v23;
	v20 =	vld [tilespmem:s12+$0x0];
	v21 =	vadd.f32 v22, v13  }
0x1bc: {  	s17 =	sadd.s32 $0xFFFFFFC1, s17;
	v19 =	vld.idx.msk [tilespmem:v11+s15+$0x0 ss:$0x1], $0xffff  }
.Ltmp28:
0x1bd: {  	_ = 	snop;
	(pc) =	sbr.rel .LBB2_32-.Ltmp28, $1  }
0x1be: {  	_ =	sdelay $0x3  }
.LBB2_35:
0x1bf: {  	s0 =	simm.s32 $0x1  }
0x1c0: {  	_ =	swait.ge [sflag:s0], $0x400  }
0x1c1: {  	[sflag:s0] =	ssyncset.done $0x0  }
0x1c2: {  	[sflag:s0] =	ssyncadd.s32 $0xFFFFFC00  }
0x1c3: {  	_ =	swait.ge [sflag:s24], $0x400  }
0x1c4: {  	[sflag:s24] =	ssyncset.done $0x0  }
0x1c5: {  	[sflag:s24] =	ssyncadd.s32 $0xFFFFFC00  }
0x1c6: {  	_ =	swait.ge [sflag:s0], $0x400  }
0x1c7: {  	[sflag:s0] =	ssyncset.done $0x0  }
0x1c8: {  	[sflag:s0] =	ssyncadd.s32 $0xFFFFFC00  }
0x1c9: {  	_ =	swait.ge [sflag:s24], $0x400  }
0x1ca: {  	[sflag:s24] =	ssyncset.done $0x0  }
0x1cb: {  	[sflag:s24] =	ssyncadd.s32 $0xFFFFFC00  }
0x1cc: {  	_ =	swait.ge [sflag:s0], $0x400  }
0x1cd: {  	[sflag:s0] =	ssyncset.done $0x0  }
0x1ce: {  	[sflag:s0] =	ssyncadd.s32 $0xFFFFFC00  }
0x1cf: {  	_ =	swait.ge [sflag:s24], $0x400  }
0x1d0: {  	[sflag:s24] =	ssyncset.done $0x0  }
0x1d1: {  	[sflag:s24] =	ssyncadd.s32 $0xFFFFFC00  }
0x1d2: {  	_ =	swait.ge [sflag:s0], $0x400  }
0x1d3: {  	[sflag:s0] =	ssyncset.done $0x0  }
0x1d4: {  	[sflag:s0] =	ssyncadd.s32 $0xFFFFFC00  }
0x1d5: {  	_ =	swait.ge [sflag:s24], $0x400  }
0x1d6: {  	[sflag:s24] =	ssyncset.done $0x0  }
0x1d7: {  	[sflag:s24] =	ssyncadd.s32 $0xFFFFFC00  }
0x1d8: {  	_ =	swait.ge [sflag:s0], $0x400  }
0x1d9: {  	[sflag:s0] =	ssyncset.done $0x0  }
0x1da: {  	[sflag:s0] =	ssyncadd.s32 $0xFFFFFC00  }
0x1db: {  	_ =	swait.ge [sflag:s24], $0x400  }
0x1dc: {  	[sflag:s24] =	ssyncset.done $0x0  }
0x1dd: {  	[sflag:s24] =	ssyncadd.s32 $0xFFFFFC00  }
0x1de: {  	_ =	swait.ge [sflag:s0], $0x400  }
0x1df: {  	[sflag:s0] =	ssyncset.done $0x0  }
0x1e0: {  	[sflag:s0] =	ssyncadd.s32 $0xFFFFFC00  }
0x1e1: {  	_ =	swait.ge [sflag:s24], $0x400  }
0x1e2: {  	[sflag:s24] =	ssyncset.done $0x0  }
0x1e3: {  	[sflag:s24] =	ssyncadd.s32 $0xFFFFFC00  }
0x1e4: {  	_ =	swait.ge [sflag:s0], $0x400  }
0x1e5: {  	[sflag:s0] =	ssyncset.done $0x0  }
0x1e6: {  	[sflag:s0] =	ssyncadd.s32 $0xFFFFFC00  }
0x1e7: {  	_ =	swait.ge [sflag:s24], $0x400  }
0x1e8: {  	[sflag:s24] =	ssyncset.done $0x0  }
0x1e9: {  	[sflag:s24] =	ssyncadd.s32 $0xFFFFFC00  }
0x1ea: {  	_ =	swait.ge [sflag:s0], $0x400  }
0x1eb: {  	[sflag:s0] =	ssyncset.done $0x0  }
0x1ec: {  	[sflag:s0] =	ssyncadd.s32 $0xFFFFFC00  }
0x1ed: {  	_ =	swait.ge [sflag:s24], $0x400  }
0x1ee: {  	[sflag:s24] =	ssyncset.done $0x0  }
0x1ef: {  	s0 =	simm.s32 $0xF81;
	[sflag:s24] =	ssyncadd.s32 $0xFFFFFC00  }
0x1f0: {  	v7 =	vld [tilespmem:s0+$0xFFFFFF43]  }
0x1f1: {  	v8 =	vld [tilespmem:s0+$0xF43]  }
0x1f2: {  	v9 =	vld [tilespmem:s0+$0x1F43]  }
0x1f3: {  	v13 =	vld [tilespmem:s0+$0x2F43]  }
0x1f4: {  	v11 =	vld [tilespmem:s0+$0xFFFFFF82]  }
0x1f5: {  	v10 =	vld [tilespmem:s0+$0xF82]  }
0x1f6: {  	v12 =	vld [tilespmem:s0+$0x1F82]  }
0x1f7: {  	s1 =	simm.s32 $0x4100;
	v14 =	vld [tilespmem:s0+$0x2F82]  }
0x1f8: {  	s2 =	simm.s32 $0x6100;
	v15 =	vld [tilespmem:s1+$0x80]  }
0x1f9: {  	v16 =	vld [tilespmem:s2+$0x80]  }
0x1fa: {  	v17 =	vld [tilespmem:s1+$0x0]  }
0x1fb: {  	v18 =	vld [tilespmem:s2+$0x0]  }
0x1fc: {  	v20 =	vld [tilespmem:s1+$0xFFFFFF80]  }
0x1fd: {  	v27 =	vld [tilespmem:s2+$0xFFFFFF80]  }
0x1fe: {  	v35 =	vld [tilespmem:s1+$0xFFFFFF00]  }
0x1ff: {  	s3 =	simm.s32 $0x0;
	v19 =	vld [tilespmem:s2+$0xFFFFFF00]  }
0x200: {  	v21 =	vld [tilespmem:s3+$0xC0]  }
0x201: {  	v22 =	vld [tilespmem:s3+$0x10C0]  }
0x202: {  	v23 =	vld [tilespmem:s3+$0x20C0]  }
0x203: {  	v24 =	vld [tilespmem:s3+$0x30C0]  }
0x204: {  	v25 =	vld [tilespmem:s3+$0x80]  }
0x205: {  	v26 =	vld [tilespmem:s3+$0x1080]  }
0x206: {  	v33 =	vld [tilespmem:s3+$0x2080]  }
0x207: {  	v34 =	vld [tilespmem:s3+$0x3080]  }
0x208: {  	v38 =	vld [tilespmem:s3+$0x40]  }
0x209: {  	v39 =	vld [tilespmem:s3+$0x1040]  }
0x20a: {  	v40 =	vld [tilespmem:s3+$0x2040]  }
0x20b: {  	v41 =	vld [tilespmem:s3+$0x3040]  }
0x20c: {  	v42 =	vld [tilespmem:s3+$0x0];
	v31 =	vadd.f32 v21, v15;
	v29 =	vadd.f32 v22, v15  }
0x20d: {  	v36 =	vld [tilespmem:s3+$0x2000];
	v32 =	vadd.f32 v23, v16;
	v30 =	vadd.f32 v24, v16  }
0x20e: {  	v15 =	vld [tilespmem:s3+$0x1000];
	v28 =	vadd.f32 v25, v17;
	v25 =	vadd.f32 v26, v17  }
0x20f: {  	v37 =	vld [tilespmem:s3+$0x3000];
	v26 =	vadd.f32 v33, v18;
	v24 =	vadd.f32 v34, v18  }
0x210: {  	v33 =	vld [tilespmem:s0+$0xFFFFFFC1];
	v34 =	vadd.f32 v38, v20;
	v22 =	vadd.f32 v39, v20  }
0x211: {  	v23 =	vld [tilespmem:s0+$0xFC1];
	v21 =	vadd.f32 v40, v27;
	v20 =	vadd.f32 v41, v27  }
0x212: {  	v18 =	vimm.f32 $-3.000000010e+38;
	v38 =	vld [tilespmem:s0+$0x0];
	v39 =	vadd.f32 v42, v35;
	v17 =	vimm.f32 $-3.000000010e+38  }
0x213: {  	s4 =	simm.s32 $0x3A14;
	s3 =	simm.s32 $0x0;
	v27 =	vld [tilespmem:s0+$0x1FC1];
	v16 =	vimm.f32 $-3.000000010e+38;
	v35 =	vadd.f32 v15, v35;
	v15 =	vimm.f32 $-3.000000010e+38  }
.LBB2_36:
0x214: {  	p0 =	sne.s32 s4, $0x6E4;
	v40 =	vld [tilespmem:s0+$0x1000];
	v36 =	vadd.f32 v36, v19;
	v19 =	vadd.f32 v37, v19  }
0x215: {  	v31 =	vadd.f32 v7, v31;
	v29 =	vadd.f32 v8, v29;
	v37 =	vld [tilespmem:s0+$0x2000]  }
0x216: {  	v32 =	vadd.f32 v9, v32;
	v30 =	vadd.f32 v13, v30;
	v41 =	vld [tilespmem:s0+$0x3000]  }
0x217: {  	v11 =	vadd.f32 v11, v28;
	v9 =	vadd.f32 v38, v39;
	v38 =	vld [tilespmem:s0+$0x2FC1];
	s0 =	sshra.s32 s4, $0x2  }
0x218: {  	v25 =	vadd.f32 v10, v25;
	v13 =	vadd.f32 v33, v34;
	v7 =	vld [tilespmem:s0+$0xFFFFFF43]  }
0x219: {  	v26 =	vadd.f32 v12, v26;
	v24 =	vadd.f32 v14, v24;
	v8 =	vld [tilespmem:s0+$0xF43];
	v10 =	vmax.f32 v18, v9  }
0x21a: {  	v14 =	vadd.f32 v23, v22;
	v12 =	vadd.f32 v40, v35;
	v9 =	vld [tilespmem:s0+$0x1F43];
	v10 =	vmax.f32 v10, v13  }
0x21b: {  	v22 =	vadd.f32 v37, v36;
	v13 =	vld [tilespmem:s0+$0x2F43];
	v19 =	vadd.f32 v41, v19;
	v10 =	vmax.f32 v10, v11  }
0x21c: {  	v21 =	vadd.f32 v27, v21;
	v11 =	vld [tilespmem:s0+$0xFFFFFF82];
	v20 =	vadd.f32 v38, v20;
	v18 =	vmax.f32 v10, v31  }
0x21d: {  	v17 =	vmax.f32 v17, v12;
	v15 =	vmax.f32 v15, v22;
	v10 =	vld [tilespmem:s0+$0xF82];
	v16 =	vmax.f32 v16, v19  }
0x21e: {  	v17 =	vmax.f32 v17, v14;
	v15 =	vmax.f32 v15, v21;
	v12 =	vld [tilespmem:s0+$0x1F82];
	v16 =	vmax.f32 v16, v20  }
0x21f: {  	s1 =	sadd.s32 $0x200, s1;
	v17 =	vmax.f32 v17, v25;
	v15 =	vmax.f32 v15, v26;
	v14 =	vld [tilespmem:s0+$0x2F82];
	v16 =	vmax.f32 v16, v24  }
0x220: {  	s2 =	sadd.s32 $0x200, s2;
	v17 =	vmax.f32 v17, v29;
	v15 =	vmax.f32 v15, v32;
	v20 =	vld [tilespmem:s1+$0x80];
	v16 =	vmax.f32 v16, v30  }
0x221: {  	v21 =	vld [tilespmem:s2+$0x80]  }
0x222: {  	v22 =	vld [tilespmem:s1+$0x0]  }
0x223: {  	v23 =	vld [tilespmem:s2+$0x0]  }
0x224: {  	v27 =	vld [tilespmem:s1+$0xFFFFFF80]  }
0x225: {  	v35 =	vld [tilespmem:s2+$0xFFFFFF80]  }
0x226: {  	s3 =	sadd.s32 $0x400, s3;
	v40 =	vld [tilespmem:s1+$0xFFFFFF00]  }
0x227: {  	s5 =	sshra.s32 s3, $0x2;
	v19 =	vld [tilespmem:s2+$0xFFFFFF00]  }
0x228: {  	v24 =	vld [tilespmem:s5+$0xC0]  }
0x229: {  	v25 =	vld [tilespmem:s5+$0x10C0]  }
0x22a: {  	v26 =	vld [tilespmem:s5+$0x20C0]  }
0x22b: {  	v28 =	vld [tilespmem:s5+$0x30C0]  }
0x22c: {  	v33 =	vld [tilespmem:s5+$0x80]  }
0x22d: {  	v34 =	vld [tilespmem:s5+$0x1080]  }
0x22e: {  	v38 =	vld [tilespmem:s5+$0x2080]  }
0x22f: {  	v39 =	vld [tilespmem:s5+$0x3080]  }
0x230: {  	v41 =	vld [tilespmem:s5+$0x40]  }
0x231: {  	v42 =	vld [tilespmem:s5+$0x1040]  }
0x232: {  	v43 =	vld [tilespmem:s5+$0x2040]  }
0x233: {  	v44 =	vld [tilespmem:s5+$0x3040]  }
0x234: {  	v45 =	vld [tilespmem:s5+$0x0]  }
0x235: {  	v31 =	vadd.f32 v24, v20;
	v29 =	vadd.f32 v25, v20;
	v46 =	vld [tilespmem:s5+$0x1000]  }
0x236: {  	v32 =	vadd.f32 v26, v21;
	v30 =	vadd.f32 v28, v21;
	v36 =	vld [tilespmem:s5+$0x2000]  }
.Ltmp29:
0x237: {  	v28 =	vadd.f32 v33, v22;
	v25 =	vadd.f32 v34, v22;
	v37 =	vld [tilespmem:s5+$0x3000];
	(pc) =	sbr.rel @p0 .LBB2_36-.Ltmp29, $4  }
0x238: {  	v26 =	vadd.f32 v38, v23;
	v24 =	vadd.f32 v39, v23;
	v33 =	vld [tilespmem:s0+$0xFFFFFFC1]  }
0x239: {  	v34 =	vadd.f32 v41, v27;
	v22 =	vadd.f32 v42, v27;
	v23 =	vld [tilespmem:s0+$0xFC1]  }
0x23a: {  	v21 =	vadd.f32 v43, v35;
	v20 =	vadd.f32 v44, v35;
	v38 =	vld [tilespmem:s0+$0x0]  }
0x23b: {  	s4 =	sadd.s32 $0xFFFFFC10, s4;
	v39 =	vadd.f32 v45, v40;
	v35 =	vadd.f32 v46, v40;
	v27 =	vld [tilespmem:s0+$0x1FC1]  }
0x23c: {  	v40 =	vld [tilespmem:s0+$0x1000]  }
0x23d: {  	v41 =	vld [tilespmem:s0+$0x2000]  }
0x23e: {  	v42 =	vld [tilespmem:s0+$0x3000]  }
0x23f: {  	v43 =	vld [tilespmem:s0+$0x2FC1]  }
0x240: {  	v44 =	vld [tilespmem:$0x5E00]  }
0x241: {  	v45 =	vld [tilespmem:$0x7E00]  }
0x242: {  	v46 =	vld [tilespmem:$0xF00]  }
0x243: {  	v47 =	vld [tilespmem:$0xBD]  }
0x244: {  	v48 =	vld [tilespmem:$0x1F00]  }
0x245: {  	v49 =	vld [tilespmem:$0x10BD]  }
0x246: {  	v50 =	vld [tilespmem:$0x2F00]  }
0x247: {  	v51 =	vld [tilespmem:$0x20BD]  }
0x248: {  	v52 =	vld [tilespmem:$0x3F00]  }
0x249: {  	v53 =	vld [tilespmem:$0x30BD]  }
0x24a: {  	v54 =	vld [tilespmem:$0x5E80];
	v36 =	vadd.f32 v36, v19;
	v37 =	vadd.f32 v37, v19  }
0x24b: {  	v55 =	vld [tilespmem:$0x7E80];
	v7 =	vadd.f32 v7, v31;
	v8 =	vadd.f32 v8, v29  }
0x24c: {  	v31 =	vld [tilespmem:$0xF40];
	v9 =	vadd.f32 v9, v32;
	v13 =	vadd.f32 v13, v30  }
0x24d: {  	v29 =	vld [tilespmem:$0x7E];
	v11 =	vadd.f32 v11, v28;
	v10 =	vadd.f32 v10, v25  }
0x24e: {  	v32 =	vld [tilespmem:$0x1F40];
	v12 =	vadd.f32 v12, v26;
	v14 =	vadd.f32 v14, v24  }
0x24f: {  	v25 =	vld [tilespmem:$0x2F40];
	v22 =	vadd.f32 v23, v22;
	v38 =	vadd.f32 v38, v39  }
0x250: {  	v26 =	vld [tilespmem:$0x207E];
	v39 =	vadd.f32 v33, v34;
	v58 =	vadd.f32 v27, v21  }
0x251: {  	v57 =	vld [tilespmem:$0x3F40];
	v40 =	vadd.f32 v40, v35;
	v56 =	vadd.f32 v41, v36  }
0x252: {  	v59 =	vld [tilespmem:$0x307E];
	v19 =	vadd.f32 v42, v37;
	v20 =	vadd.f32 v43, v20  }
0x253: {  	v61 =	vld [tilespmem:$0x5F00];
	v30 =	vadd.f32 v46, v44;
	v34 =	vadd.f32 v48, v44  }
0x254: {  	v62 =	vld [tilespmem:$0x7F00];
	v18 =	vmax.f32 v18, v38;
	v36 =	vadd.f32 v50, v45;
	v37 =	vadd.f32 v52, v45  }
0x255: {  	v33 =	vld [tilespmem:$0x107E];
	v45 =	vadd.f32 v31, v54;
	v46 =	vadd.f32 v32, v54;
	v18 =	vmax.f32 v18, v39  }
0x256: {  	v63 =	vld [tilespmem:$0xF80];
	v48 =	vadd.f32 v25, v55;
	v11 =	vmax.f32 v18, v11;
	v60 =	vmax.f32 v17, v40  }
0x257: {  	v35 =	vld [tilespmem:$0x3F];
	v15 =	vmax.f32 v15, v56;
	v39 =	vadd.f32 v47, v30;
	v40 =	vadd.f32 v49, v34  }
0x258: {  	v38 =	vld [tilespmem:$0x1F80];
	v16 =	vmax.f32 v16, v19;
	v42 =	vadd.f32 v51, v36;
	v43 =	vadd.f32 v53, v37  }
0x259: {  	v41 =	vld [tilespmem:$0x103F];
	v49 =	vadd.f32 v57, v55;
	v7 =	vmax.f32 v11, v7;
	v11 =	vmax.f32 v60, v22  }
0x25a: {  	v44 =	vld [tilespmem:$0x2F80];
	v15 =	vmax.f32 v15, v58;
	v16 =	vmax.f32 v16, v20;
	v51 =	vadd.f32 v33, v46  }
0x25b: {  	v47 =	vld [tilespmem:$0x3F80];
	v10 =	vmax.f32 v11, v10;
	v12 =	vmax.f32 v15, v12;
	v14 =	vmax.f32 v16, v14  }
0x25c: {  	v50 =	vld [tilespmem:$0x203F];
	v7 =	vmax.f32 v7, v39;
	v53 =	vadd.f32 v59, v49;
	v11 =	vadd.f32 v63, v61  }
0x25d: {  	v52 =	vld [tilespmem:$0x303F];
	v8 =	vmax.f32 v10, v8;
	v13 =	vmax.f32 v14, v13;
	v14 =	vadd.f32 v29, v45  }
0x25e: {  	v9 =	vmax.f32 v12, v9;
	v10 =	vadd.f32 v26, v48;
	v54 =	vadd.f32 v38, v61  }
0x25f: {  	v55 =	vld [tilespmem:$0x1FC0];
	v56 =	vadd.f32 v44, v62;
	v8 =	vmax.f32 v8, v40;
	v9 =	vmax.f32 v9, v42  }
0x260: {  	v57 =	vld [tilespmem:$0x3FC0];
	v13 =	vmax.f32 v13, v43;
	v11 =	vadd.f32 v35, v11;
	v19 =	vadd.f32 v47, v62  }
0x261: {  	v7 =	vmax.f32 v7, v14;
	v8 =	vmax.f32 v8, v51;
	v58 =	vadd.f32 v41, v54  }
0x262: {  	v9 =	vmax.f32 v9, v10;
	v59 =	vadd.f32 v50, v56;
	v60 =	vadd.f32 v52, v19  }
0x263: {  	v12 =	vmax.f32 v13, v53;
	v7 =	vmax.f32 v7, v11;
	v8 =	vmax.f32 v8, v58  }
0x264: {  	v9 =	vmax.f32 v9, v59;
	[tilespmem:$0xFC0] =	vst v7;
	v7 =	vadd.f32 v55, v8;
	v61 =	vmax.f32 v12, v60  }
0x265: {  	[tilespmem:$0x2FC0] =	vst v9;
	v62 =	vadd.f32 v57, v61  }
0x266: {  	[tilespmem:$0x1FC0] =	vst v7  }
0x267: {  	s29 =	simm.s32 $0x0;
	[tilespmem:$0x3FC0] =	vst v62  }
0x268: {  	v7 =	vld.idx.msk [tilespmem:v4+s29+$0x0], $0xffff  }
0x269: {  	s4 =	simm.s32 $0x1000;
	v8 =	vld.idx.msk [tilespmem:v4+s20+$0x0], $0xffff  }
0x26a: {  	s5 =	simm.s32 $0x3000;
	v9 =	vld.idx.msk [tilespmem:v4+s4+$0x0], $0xffff  }
0x26b: {  	v6 =	vcvt.s32.f32 v6;
	v63 =	vld.idx.msk [tilespmem:v4+s5+$0x0], $0xffff  }
0x26c: {  	v5 =	vcvt.s32.f32 v5  }
0x26d: {  	v6 =	vmul.f32 $-1.000000000e+03, v6  }
0x26e: {  	v5 =	vmul.f32 $-1.000000000e+03, v5  }
0x26f: {  	v6 =	vadd.f32 v6, v9;
	v7 =	vnsel vm1, $0x0, v7  }
0x270: {  	v5 =	vadd.f32 v5, v63;
	v7 =	vsel vm2, v7, v8  }
0x271: {  	v6 =	vsel vm3, v7, v6  }
0x272: {  	v5 =	vsel vm4, v6, v5  }
0x273: {  	s1 =	rddreg [dreg:$0x8];
	s2 =	simm.s32 $0xC800;
	s3 =	simm.s32 $0x5;
	[tilespmem:$0xC800] =	vst v5  }
0x274: {  	[hbm4b:s1+s29] =	stream.linear.scatter [tilespmem:s2], [sflag:$0x5], $0x80, $0x38;
	[tilespmem:$0xC880] =	vst v63  }
0x275: {  	_ =	swait.ge [sflag:s3], $0x80  }
0x276: {  	s30 =	rddreg [dreg:$0xe]  }
0x277: {  	s31 =	rddreg [dreg:$0x9];
	s1 =	sadd.s32 $0x1, s30  }
0x278: {  	p0 =	sne.s32 s1, s31  }
.Ltmp30:
0x279: {  	_ = 	snop;
	(pc) =	sbr.rel @p0 .LBB2_1-.Ltmp30, $3  }
0x27a: {  	_ =	sdelay $0x1  }
0x27b: {  	[sflag:s3] =	ssyncset.done $0x0  }
0x27c: {  	[sflag:s3] =	ssyncadd.s32 $0xFFFFFF80  }
0x27d: {  	_ =	sfence.sel $0x180000  }
0x27e: {  	[bflag:$0x0] =	sbarrier.arrive $0xFFFF  }
0x27f: {  	_ =	strace $0x90000047  }
0x280: {  	s0 =	stileid.u32;
	[bflag:$0x2] =	sbarrier.arrive $0xFFFF  }
0x281: {  	p0 =	sne.s32 s0, $0x0;
	s0 =	rddreg [dreg:$0x1]  }
0x282: {  	s0 =	sadd.s32 @!p0 $0x100000, s0  }
0x283: {  	[sflag:s0] =	ssyncadd.tile.s32 @!p0 $0x1;
	_ =	shalt  }
.Lfunc_end2:
_tile_overlayer_lowered:
.L_overlay_start_2:
0x284: {  	(tag) =	ssettag $0x2  }
0x285: {  	s0 =	rddreg [dreg:$0x0];
	s2 =	stileid.u32  }
0x286: {  	s1 =	rddreg [dreg:$0x1];
	p0 =	sne.s32 s2, $0x0  }
0x287: {  	s3 =	rddreg [dreg:$0x2];
	[bflag:$0x3] =	sbarrier.arrive $0xFFFF;
	s2 =	simm.s32 @!p0 $0x1C05  }
0x288: {  	[timem:s3], [sflag:s2] =	dma.local @!p0 [hbm:s0], s1  }
0x289: {  	s0 =	simm.s32 @!p0 $0x5  }
0x28a: {  	_ =	swait.ge @!p0 [sflag:s0], s1  }
0x28b: {  	s1 =	ssub.s32 @!p0 $0x0, s1;
	[sflag:s0] =	ssyncset.done @!p0 $0x0  }
0x28c: {  	[sflag:s0] =	ssyncadd.s32 @!p0 s1  }
0x28d: {  	[bflag:$0x3] =	sbarrier.arrive $0xFFFF  }
0x28e: {  	_ =	shalt  }

</sc_bundles>
